<compile_context>
chip_gen: v7x
topology: tpu7x:2x2x1
jax: 0.10.2.dev20260603
libtpu: 0.0.44.dev20260713+nightly
codegen_flags: <defaults>
</compile_context>

<pallas_src>
import functools

import jax
import jax.numpy as jnp
import numpy as np
from jax import lax
from jax.experimental import pallas as pl
from jax.experimental.pallas import tpu as pltpu
from jax.experimental.pallas import tpu_sc as plsc

D_MODEL = 64
SCALE = float(np.sqrt(np.float32(D_MODEL)))
NC, NS = 2, 16
NW = NC * NS
CHUNK = 128
LANES = 16
NSUB = D_MODEL // 8
NBUF = 4


@functools.lru_cache(maxsize=None)
def _build_emb(n_chunks_total: int, seq: int, vpb: int):
    n_chunks = n_chunks_total // NW
    mesh = plsc.VectorSubcoreMesh(
        core_axis_name="c", subcore_axis_name="s",
        num_cores=NC, num_subcores=NS)

    def body(idx_hbm, table_hbm, out_hbm, idx_v, gbuf, obuf, gsem, ssem):
        wid = lax.axis_index("s") * NC + lax.axis_index("c")
        k0 = wid * n_chunks
        pltpu.sync_copy(idx_hbm.at[pl.ds(k0, n_chunks)], idx_v)

        def gather(b, t):
            return pltpu.make_async_copy(
                table_hbm.at[idx_v.at[t]], gbuf.at[b], gsem.at[b])

        def scatter_copies(b, t):
            k = k0 + t
            s = k // vpb
            v = lax.rem(k, vpb)
            return [
                pltpu.make_async_copy(
                    obuf.at[b, pl.ds(c8 * 8, 8), pl.ds(0, CHUNK)],
                    out_hbm.at[s, c8, v],
                    ssem.at[b])
                for c8 in range(NSUB)
            ]

        for b in range(NBUF):
            gather(b, b).start()

        cvecs = [lax.iota(jnp.int32, LANES) + ci * LANES
                 for ci in range(D_MODEL // LANES)]
        lvec0 = jnp.zeros((LANES,), jnp.int32)

        def chunk_step(t, b):
            gather(b, t).wait()

            @pl.when(t >= NBUF)
            def _():
                for c in scatter_copies(b, t - NBUF):
                    c.wait()

            ob = obuf.at[b]

            plsc.subcore_barrier()

            @plsc.parallel_loop(0, CHUNK, step=1, unroll=8, carry=lvec0)
            def _(l, lvec):
                for ci in range(D_MODEL // LANES):
                    vals = gbuf[b, l, pl.ds(ci * LANES, LANES)] * SCALE
                    plsc.store_scatter(ob, [cvecs[ci], lvec], vals)
                return lvec + 1

            plsc.subcore_barrier()

            for c in scatter_copies(b, t):
                c.start()

            @pl.when(t + NBUF < n_chunks)
            def _():
                gather(b, t + NBUF).start()

        def loop_body(i, carry):
            for b in range(NBUF):
                chunk_step(NBUF * i + b, b)
            return carry

        lax.fori_loop(0, n_chunks // NBUF, loop_body, 0)
        for b in range(NBUF):
            for c in scatter_copies(b, n_chunks - NBUF + b):
                c.wait()

    return pl.kernel(
        body,
        out_type=jax.ShapeDtypeStruct(
            (seq, NSUB, vpb, 8, CHUNK), jnp.float32),
        mesh=mesh,
        scratch_types=[
            pltpu.VMEM((n_chunks, CHUNK), jnp.int32),
            pltpu.VMEM((NBUF, CHUNK, D_MODEL), jnp.float32),
            pltpu.VMEM((NBUF, D_MODEL, CHUNK + 1), jnp.float32),
            pltpu.SemaphoreType.DMA((NBUF,)),
            pltpu.SemaphoreType.DMA((NBUF,)),
        ],
        compiler_params=pltpu.CompilerParams(
            use_tc_tiling_on_sc=False, needs_layout_passes=False),
    )


@jax.jit
def kernel(x, table):
    batch, seq = x.shape
    if batch % CHUNK or (batch // CHUNK * seq) % (NBUF * NW):
        raise NotImplementedError("shape not supported by this kernel")
    vpb = batch // CHUNK
    n_chunks_total = vpb * seq
    idx = x.T.astype(jnp.int32).reshape(n_chunks_total, CHUNK)
    out5d = _build_emb(n_chunks_total, seq, vpb)(idx, table)
    return out5d.transpose(2, 4, 0, 1, 3).reshape(batch, seq, D_MODEL)

# --- scband reference (transcript-rebuilt; emitter-appended) ---
"""Pipeline reference for scband-vocabulary-embedder-10986526343775 (READ-ONLY COPY).

The authoritative reference and input builder live on the scoring server;
editing this copy changes nothing except your own understanding.
"""

import jax, jax.numpy as jnp
import numpy as np

VOCAB_SIZE = 1000000
D_MODEL = 64

def setup_inputs(seed: int = 0) -> dict:
    key = jax.random.key(seed)
    k1, k2 = jax.random.split(key)
    x = jax.random.randint(k1, (4096, 200), 0, VOCAB_SIZE, dtype=jnp.int64 if jax.config.jax_enable_x64 else jnp.int32)
    # Embedding table (learned parameter), default nn.Embedding init ~ N(0, 1)
    table = jax.random.normal(k2, (VOCAB_SIZE, D_MODEL), dtype=jnp.float32)
    return {"x": x, "table": table}

def reference(x, table):
    # x = self.embedder(x); x = x * np.sqrt(self.d_model)
    emb = jnp.take(table, x, axis=0)
    return emb * np.sqrt(D_MODEL).astype(np.float32)

if __name__ == "__main__":
    import jax
    _d = setup_inputs()
    print(jax.jit(kernel)(*tuple(_d.values())))

</pallas_src>

<mosaic_0001>
#map = affine_map<(d0, d1) -> (0, 0)>
#map1 = affine_map<(d0, d1) -> (0, 0, 0, 0, 0)>
module attributes {stable_mosaic.version = 14 : i64} {
  func.func @body(%arg0: i32, %arg1: i32, %arg2: memref<6400x128xi32, #tpu.memory_space<hbm>>, %arg3: memref<1000000x64xf32, #tpu.memory_space<hbm>>, %arg4: memref<200x8x32x8x128xf32, #tpu.memory_space<hbm>>, %arg5: memref<200x128xi32, #tpu.memory_space<vmem>>, %arg6: memref<4x128x64xf32, #tpu.memory_space<vmem>>, %arg7: memref<4x64x129xf32, #tpu.memory_space<vmem>>, %arg8: memref<4x!tpu.dma_semaphore, #tpu.memory_space<semaphore_mem>>, %arg9: memref<4x!tpu.dma_semaphore, #tpu.memory_space<semaphore_mem>>) attributes {dimension_semantics = [#tpu.dimension_semantics<core_parallel>, #tpu.dimension_semantics<subcore_parallel>], iteration_bounds = array<i64: 2, 16>, scalar_prefetch = 0 : i64, scratch_operands = 5 : i64, tpu.core_type = #tpu.core_type<sc_vector_subcore>, window_params = [{transform_indices = #map}, {transform_indices = #map}, {transform_indices = #map1}]} {
    %mul3A = arith.constant 2 : i32
    %mul3A_0 = arith.muli %arg1, %mul3A : i32
    %add3A = arith.addi %mul3A_0, %arg0 : i32
    %mul3A_1 = arith.constant 200 : i32
    %mul3A_2 = arith.muli %add3A, %mul3A_1 : i32
    "tpu.region"() ({
      %run_scoped3A = tpu.sem_alloc : memref<!tpu.dma_semaphore, #tpu.memory_space<semaphore_mem>>
      %dma_start3A_858 = arith.constant 0 : i32
      %dma_start3A_859 = tpu.memref_slice %arg2[%mul3A_2, %dma_start3A_858] : memref<6400x128xi32, #tpu.memory_space<hbm>> -> memref<200x128xi32, #tpu.memory_space<hbm>>
      %dma_start3A_860 = arith.constant 0 : i32
      %dma_start3A_861 = tpu.memref_slice %arg2[%mul3A_2, %dma_start3A_860] : memref<6400x128xi32, #tpu.memory_space<hbm>> -> memref<200x128xi32, #tpu.memory_space<hbm>>
      tpu.enqueue_dma source(%dma_start3A_861 : memref<200x128xi32, #tpu.memory_space<hbm>>) target(%arg5 : memref<200x128xi32, #tpu.memory_space<vmem>>) target_semaphore(%run_scoped3A : memref<!tpu.dma_semaphore, #tpu.memory_space<semaphore_mem>>)
      %dma_wait3A_862 = arith.constant 0 : i32
      %dma_wait3A_863 = tpu.memref_slice %arg2[%mul3A_2, %dma_wait3A_862] : memref<6400x128xi32, #tpu.memory_space<hbm>> -> memref<200x128xi32, #tpu.memory_space<hbm>>
      %dma_wait3A_864 = arith.constant 0 : i32
      %dma_wait3A_865 = tpu.memref_slice %arg2[%mul3A_2, %dma_wait3A_864] : memref<6400x128xi32, #tpu.memory_space<hbm>> -> memref<200x128xi32, #tpu.memory_space<hbm>>
      tpu.wait_dma2 semaphore(%run_scoped3A : memref<!tpu.dma_semaphore, #tpu.memory_space<semaphore_mem>>) src(%dma_wait3A_865 : memref<200x128xi32, #tpu.memory_space<hbm>>) dst(%arg5 : memref<200x128xi32, #tpu.memory_space<vmem>>)
      tpu.yield
    }) : () -> ()
    %dma_start3A = arith.constant 0 : i32
    %dma_start3A_3 = arith.constant 0 : i32
    %dma_start3A_4 = arith.constant 0 : i32
    %dma_start3A_5 = arith.constant 0 : i32
    %dma_start3A_6 = arith.constant 0 : i32
    %dma_start3A_7 = tpu.memref_slice %arg6[%dma_start3A_3, %dma_start3A_5, %dma_start3A_6] : memref<4x128x64xf32, #tpu.memory_space<vmem>> -> memref<1x128x64xf32, #tpu.memory_space<vmem>>
    %dma_start3A_8 = tpu.memref_squeeze %dma_start3A_7 : memref<1x128x64xf32, #tpu.memory_space<vmem>> -> memref<128x64xf32, #tpu.memory_space<vmem>>
    %dma_start3A_9 = arith.constant 0 : i32
    %dma_start3A_10 = tpu.memref_slice %arg5[%dma_start3A, %dma_start3A_9] : memref<200x128xi32, #tpu.memory_space<vmem>> -> memref<1x128xi32, #tpu.memory_space<vmem>>
    %dma_start3A_11 = tpu.memref_squeeze %dma_start3A_10 : memref<1x128xi32, #tpu.memory_space<vmem>> -> memref<128xi32, #tpu.memory_space<vmem>>
    %dma_start3A_12 = arith.constant 0 : i32
    %dma_start3A_13 = arith.constant 0 : i32
    %dma_start3A_14 = tpu.memref_slice %arg3[%dma_start3A_12, %dma_start3A_13] : memref<1000000x64xf32, #tpu.memory_space<hbm>> -> memref<1000000x64xf32, #tpu.memory_space<hbm>>
    %dma_start3A_15 = tpu.memref_slice %arg8[%dma_start3A_4] : memref<4x!tpu.dma_semaphore, #tpu.memory_space<semaphore_mem>> -> memref<1x!tpu.dma_semaphore, #tpu.memory_space<semaphore_mem>>
    %dma_start3A_16 = tpu.memref_squeeze %dma_start3A_15 : memref<1x!tpu.dma_semaphore, #tpu.memory_space<semaphore_mem>> -> memref<!tpu.dma_semaphore, #tpu.memory_space<semaphore_mem>>
    tpu.enqueue_indirect_dma source(%dma_start3A_14 : memref<1000000x64xf32, #tpu.memory_space<hbm>>) target(%dma_start3A_8 : memref<128x64xf32, #tpu.memory_space<vmem>>) offsets(%dma_start3A_11 : memref<128xi32, #tpu.memory_space<vmem>>) semaphore(%dma_start3A_16 : memref<!tpu.dma_semaphore, #tpu.memory_space<semaphore_mem>>)
    %dma_start3A_17 = arith.constant 1 : i32
    %dma_start3A_18 = arith.constant 1 : i32
    %dma_start3A_19 = arith.constant 1 : i32
    %dma_start3A_20 = arith.constant 0 : i32
    %dma_start3A_21 = arith.constant 0 : i32
    %dma_start3A_22 = tpu.memref_slice %arg6[%dma_start3A_18, %dma_start3A_20, %dma_start3A_21] : memref<4x128x64xf32, #tpu.memory_space<vmem>> -> memref<1x128x64xf32, #tpu.memory_space<vmem>>
    %dma_start3A_23 = tpu.memref_squeeze %dma_start3A_22 : memref<1x128x64xf32, #tpu.memory_space<vmem>> -> memref<128x64xf32, #tpu.memory_space<vmem>>
    %dma_start3A_24 = arith.constant 0 : i32
    %dma_start3A_25 = tpu.memref_slice %arg5[%dma_start3A_17, %dma_start3A_24] : memref<200x128xi32, #tpu.memory_space<vmem>> -> memref<1x128xi32, #tpu.memory_space<vmem>>
    %dma_start3A_26 = tpu.memref_squeeze %dma_start3A_25 : memref<1x128xi32, #tpu.memory_space<vmem>> -> memref<128xi32, #tpu.memory_space<vmem>>
    %dma_start3A_27 = arith.constant 0 : i32
    %dma_start3A_28 = arith.constant 0 : i32
    %dma_start3A_29 = tpu.memref_slice %arg3[%dma_start3A_27, %dma_start3A_28] : memref<1000000x64xf32, #tpu.memory_space<hbm>> -> memref<1000000x64xf32, #tpu.memory_space<hbm>>
    %dma_start3A_30 = tpu.memref_slice %arg8[%dma_start3A_19] : memref<4x!tpu.dma_semaphore, #tpu.memory_space<semaphore_mem>> -> memref<1x!tpu.dma_semaphore, #tpu.memory_space<semaphore_mem>>
    %dma_start3A_31 = tpu.memref_squeeze %dma_start3A_30 : memref<1x!tpu.dma_semaphore, #tpu.memory_space<semaphore_mem>> -> memref<!tpu.dma_semaphore, #tpu.memory_space<semaphore_mem>>
    tpu.enqueue_indirect_dma source(%dma_start3A_29 : memref<1000000x64xf32, #tpu.memory_space<hbm>>) target(%dma_start3A_23 : memref<128x64xf32, #tpu.memory_space<vmem>>) offsets(%dma_start3A_26 : memref<128xi32, #tpu.memory_space<vmem>>) semaphore(%dma_start3A_31 : memref<!tpu.dma_semaphore, #tpu.memory_space<semaphore_mem>>)
    %dma_start3A_32 = arith.constant 2 : i32
    %dma_start3A_33 = arith.constant 2 : i32
    %dma_start3A_34 = arith.constant 2 : i32
    %dma_start3A_35 = arith.constant 0 : i32
    %dma_start3A_36 = arith.constant 0 : i32
    %dma_start3A_37 = tpu.memref_slice %arg6[%dma_start3A_33, %dma_start3A_35, %dma_start3A_36] : memref<4x128x64xf32, #tpu.memory_space<vmem>> -> memref<1x128x64xf32, #tpu.memory_space<vmem>>
    %dma_start3A_38 = tpu.memref_squeeze %dma_start3A_37 : memref<1x128x64xf32, #tpu.memory_space<vmem>> -> memref<128x64xf32, #tpu.memory_space<vmem>>
    %dma_start3A_39 = arith.constant 0 : i32
    %dma_start3A_40 = tpu.memref_slice %arg5[%dma_start3A_32, %dma_start3A_39] : memref<200x128xi32, #tpu.memory_space<vmem>> -> memref<1x128xi32, #tpu.memory_space<vmem>>
    %dma_start3A_41 = tpu.memref_squeeze %dma_start3A_40 : memref<1x128xi32, #tpu.memory_space<vmem>> -> memref<128xi32, #tpu.memory_space<vmem>>
    %dma_start3A_42 = arith.constant 0 : i32
    %dma_start3A_43 = arith.constant 0 : i32
    %dma_start3A_44 = tpu.memref_slice %arg3[%dma_start3A_42, %dma_start3A_43] : memref<1000000x64xf32, #tpu.memory_space<hbm>> -> memref<1000000x64xf32, #tpu.memory_space<hbm>>
    %dma_start3A_45 = tpu.memref_slice %arg8[%dma_start3A_34] : memref<4x!tpu.dma_semaphore, #tpu.memory_space<semaphore_mem>> -> memref<1x!tpu.dma_semaphore, #tpu.memory_space<semaphore_mem>>
    %dma_start3A_46 = tpu.memref_squeeze %dma_start3A_45 : memref<1x!tpu.dma_semaphore, #tpu.memory_space<semaphore_mem>> -> memref<!tpu.dma_semaphore, #tpu.memory_space<semaphore_mem>>
    tpu.enqueue_indirect_dma source(%dma_start3A_44 : memref<1000000x64xf32, #tpu.memory_space<hbm>>) target(%dma_start3A_38 : memref<128x64xf32, #tpu.memory_space<vmem>>) offsets(%dma_start3A_41 : memref<128xi32, #tpu.memory_space<vmem>>) semaphore(%dma_start3A_46 : memref<!tpu.dma_semaphore, #tpu.memory_space<semaphore_mem>>)
    %dma_start3A_47 = arith.constant 3 : i32
    %dma_start3A_48 = arith.constant 3 : i32
    %dma_start3A_49 = arith.constant 3 : i32
    %dma_start3A_50 = arith.constant 0 : i32
    %dma_start3A_51 = arith.constant 0 : i32
    %dma_start3A_52 = tpu.memref_slice %arg6[%dma_start3A_48, %dma_start3A_50, %dma_start3A_51] : memref<4x128x64xf32, #tpu.memory_space<vmem>> -> memref<1x128x64xf32, #tpu.memory_space<vmem>>
    %dma_start3A_53 = tpu.memref_squeeze %dma_start3A_52 : memref<1x128x64xf32, #tpu.memory_space<vmem>> -> memref<128x64xf32, #tpu.memory_space<vmem>>
    %dma_start3A_54 = arith.constant 0 : i32
    %dma_start3A_55 = tpu.memref_slice %arg5[%dma_start3A_47, %dma_start3A_54] : memref<200x128xi32, #tpu.memory_space<vmem>> -> memref<1x128xi32, #tpu.memory_space<vmem>>
    %dma_start3A_56 = tpu.memref_squeeze %dma_start3A_55 : memref<1x128xi32, #tpu.memory_space<vmem>> -> memref<128xi32, #tpu.memory_space<vmem>>
    %dma_start3A_57 = arith.constant 0 : i32
    %dma_start3A_58 = arith.constant 0 : i32
    %dma_start3A_59 = tpu.memref_slice %arg3[%dma_start3A_57, %dma_start3A_58] : memref<1000000x64xf32, #tpu.memory_space<hbm>> -> memref<1000000x64xf32, #tpu.memory_space<hbm>>
    %dma_start3A_60 = tpu.memref_slice %arg8[%dma_start3A_49] : memref<4x!tpu.dma_semaphore, #tpu.memory_space<semaphore_mem>> -> memref<1x!tpu.dma_semaphore, #tpu.memory_space<semaphore_mem>>
    %dma_start3A_61 = tpu.memref_squeeze %dma_start3A_60 : memref<1x!tpu.dma_semaphore, #tpu.memory_space<semaphore_mem>> -> memref<!tpu.dma_semaphore, #tpu.memory_space<semaphore_mem>>
    tpu.enqueue_indirect_dma source(%dma_start3A_59 : memref<1000000x64xf32, #tpu.memory_space<hbm>>) target(%dma_start3A_53 : memref<128x64xf32, #tpu.memory_space<vmem>>) offsets(%dma_start3A_56 : memref<128xi32, #tpu.memory_space<vmem>>) semaphore(%dma_start3A_61 : memref<!tpu.dma_semaphore, #tpu.memory_space<semaphore_mem>>)
    %iota3A = tpu.iota {dimensions = array<i32: 0>} : vector<16xi32>
    %add3A_62 = arith.constant 0 : i32
    %add3A_63 = vector.broadcast %add3A_62 : i32 to vector<16xi32>
    %add3A_64 = arith.addi %iota3A, %add3A_63 : vector<16xi32>
    %iota3A_65 = tpu.iota {dimensions = array<i32: 0>} : vector<16xi32>
    %add3A_66 = arith.constant 16 : i32
    %add3A_67 = vector.broadcast %add3A_66 : i32 to vector<16xi32>
    %add3A_68 = arith.addi %iota3A_65, %add3A_67 : vector<16xi32>
    %iota3A_69 = tpu.iota {dimensions = array<i32: 0>} : vector<16xi32>
    %add3A_70 = arith.constant 32 : i32
    %add3A_71 = vector.broadcast %add3A_70 : i32 to vector<16xi32>
    %add3A_72 = arith.addi %iota3A_69, %add3A_71 : vector<16xi32>
    %iota3A_73 = tpu.iota {dimensions = array<i32: 0>} : vector<16xi32>
    %add3A_74 = arith.constant 48 : i32
    %add3A_75 = vector.broadcast %add3A_74 : i32 to vector<16xi32>
    %add3A_76 = arith.addi %iota3A_73, %add3A_75 : vector<16xi32>
    %broadcast_in_dim3A = arith.constant 0 : i32
    %broadcast_in_dim3A_77 = vector.broadcast %broadcast_in_dim3A : i32 to vector<16xi32>
    %scan3A = arith.constant 0 : i32
    %scan3A_78 = arith.constant 0 : i32
    %scan3A_79 = arith.constant 50 : i32
    %scan3A_80 = arith.addi %scan3A_78, %scan3A_79 : i32
    %scan3A_81 = arith.constant 1 : i32
    scf.for %scan3A_858 = %scan3A_78 to %scan3A_80 step %scan3A_81  : i32 {
      %mul3A_859 = arith.constant 4 : i32
      %mul3A_860 = arith.muli %mul3A_859, %scan3A_858 : i32
      %add3A_861 = arith.constant 0 : i32
      %add3A_862 = arith.addi %mul3A_860, %add3A_861 : i32
      %dma_wait3A_863 = arith.constant 0 : i32
      %dma_wait3A_864 = arith.constant 0 : i32
      %dma_wait3A_865 = arith.constant 0 : i32
      %dma_wait3A_866 = arith.constant 0 : i32
      %dma_wait3A_867 = tpu.memref_slice %arg6[%dma_wait3A_863, %dma_wait3A_865, %dma_wait3A_866] : memref<4x128x64xf32, #tpu.memory_space<vmem>> -> memref<1x128x64xf32, #tpu.memory_space<vmem>>
      %dma_wait3A_868 = tpu.memref_squeeze %dma_wait3A_867 : memref<1x128x64xf32, #tpu.memory_space<vmem>> -> memref<128x64xf32, #tpu.memory_space<vmem>>
      %dma_wait3A_869 = arith.constant 0 : i32
      %dma_wait3A_870 = tpu.memref_slice %arg5[%add3A_862, %dma_wait3A_869] : memref<200x128xi32, #tpu.memory_space<vmem>> -> memref<1x128xi32, #tpu.memory_space<vmem>>
      %dma_wait3A_871 = tpu.memref_squeeze %dma_wait3A_870 : memref<1x128xi32, #tpu.memory_space<vmem>> -> memref<128xi32, #tpu.memory_space<vmem>>
      %dma_wait3A_872 = arith.constant 0 : i32
      %dma_wait3A_873 = arith.constant 0 : i32
      %dma_wait3A_874 = tpu.memref_slice %arg3[%dma_wait3A_872, %dma_wait3A_873] : memref<1000000x64xf32, #tpu.memory_space<hbm>> -> memref<1000000x64xf32, #tpu.memory_space<hbm>>
      %dma_wait3A_875 = tpu.memref_slice %arg8[%dma_wait3A_864] : memref<4x!tpu.dma_semaphore, #tpu.memory_space<semaphore_mem>> -> memref<1x!tpu.dma_semaphore, #tpu.memory_space<semaphore_mem>>
      %dma_wait3A_876 = tpu.memref_squeeze %dma_wait3A_875 : memref<1x!tpu.dma_semaphore, #tpu.memory_space<semaphore_mem>> -> memref<!tpu.dma_semaphore, #tpu.memory_space<semaphore_mem>>
      tpu.wait_indirect_dma semaphore(%dma_wait3A_876 : memref<!tpu.dma_semaphore, #tpu.memory_space<semaphore_mem>>) src(%dma_wait3A_874 : memref<1000000x64xf32, #tpu.memory_space<hbm>>) dst(%dma_wait3A_868 : memref<128x64xf32, #tpu.memory_space<vmem>>)
      %ge3A = arith.constant 4 : i32
      %ge3A_877 = arith.cmpi sge, %add3A_862, %ge3A : i32
      %convert_element_type3A = arith.extui %ge3A_877 : i1 to i32
      %cond3A = arith.constant 0 : i32
      %cond3A_878 = arith.cmpi ne, %convert_element_type3A, %cond3A : i32
      scf.if %cond3A_878 {
        %sub3A_1781 = arith.constant 4 : i32
        %sub3A_1782 = arith.subi %add3A_862, %sub3A_1781 : i32
        %add3A_1783 = arith.addi %mul3A_2, %sub3A_1782 : i32
        %jit3A_1784 = arith.constant 32 : i32
        %div3A_1785 = arith.divsi %add3A_1783, %jit3A_1784 : i32
        %sign3A_1786 = arith.constant 0 : i32
        %sign3A_1787 = arith.cmpi sgt, %add3A_1783, %sign3A_1786 : i32
        %sign3A_1788 = arith.extui %sign3A_1787 : i1 to i32
        %sign3A_1789 = arith.constant 0 : i32
        %sign3A_1790 = arith.cmpi slt, %add3A_1783, %sign3A_1789 : i32
        %sign3A_1791 = arith.extui %sign3A_1790 : i1 to i32
        %sign3A_1792 = arith.subi %sign3A_1788, %sign3A_1791 : i32
        %sign3A_1793 = arith.constant 0 : i32
        %sign3A_1794 = arith.cmpi sgt, %jit3A_1784, %sign3A_1793 : i32
        %sign3A_1795 = arith.extui %sign3A_1794 : i1 to i32
        %sign3A_1796 = arith.constant 0 : i32
        %sign3A_1797 = arith.cmpi slt, %jit3A_1784, %sign3A_1796 : i32
        %sign3A_1798 = arith.extui %sign3A_1797 : i1 to i32
        %sign3A_1799 = arith.subi %sign3A_1795, %sign3A_1798 : i32
        %ne3A_1800 = arith.cmpi ne, %sign3A_1792, %sign3A_1799 : i32
        %rem3A_1801 = arith.remsi %add3A_1783, %jit3A_1784 : i32
        %ne3A_1802 = arith.constant 0 : i32
        %ne3A_1803 = arith.cmpi ne, %rem3A_1801, %ne3A_1802 : i32
        %and3A_1804 = arith.andi %ne3A_1800, %ne3A_1803 : i1
        %sub3A_1805 = arith.constant 1 : i32
        %sub3A_1806 = arith.subi %div3A_1785, %sub3A_1805 : i32
        %select_n3A_1807 = arith.select %and3A_1804, %sub3A_1806, %div3A_1785 : i32
        %rem3A_1808 = arith.constant 32 : i32
        %rem3A_1809 = arith.remsi %add3A_1783, %rem3A_1808 : i32
        %dma_wait3A_1810 = arith.constant 0 : i32
        %dma_wait3A_1811 = arith.constant 0 : i32
        %dma_wait3A_1812 = arith.constant 0 : i32
        %dma_wait3A_1813 = arith.constant 0 : i32
        %dma_wait3A_1814 = arith.constant 0 : i32
        %dma_wait3A_1815 = tpu.memref_slice %arg7[%dma_wait3A_1810, %dma_wait3A_1813, %dma_wait3A_1814] : memref<4x64x129xf32, #tpu.memory_space<vmem>> -> memref<1x8x128xf32, #tpu.memory_space<vmem>>
        %dma_wait3A_1816 = tpu.memref_squeeze %dma_wait3A_1815 : memref<1x8x128xf32, #tpu.memory_space<vmem>> -> memref<8x128xf32, #tpu.memory_space<vmem>>
        %dma_wait3A_1817 = arith.constant 0 : i32
        %dma_wait3A_1818 = arith.constant 0 : i32
        %dma_wait3A_1819 = tpu.memref_slice %arg4[%select_n3A_1807, %dma_wait3A_1811, %rem3A_1809, %dma_wait3A_1817, %dma_wait3A_1818] : memref<200x8x32x8x128xf32, #tpu.memory_space<hbm>> -> memref<1x1x1x8x128xf32, #tpu.memory_space<hbm>>
        %dma_wait3A_1820 = tpu.memref_squeeze %dma_wait3A_1819 : memref<1x1x1x8x128xf32, #tpu.memory_space<hbm>> -> memref<8x128xf32, #tpu.memory_space<hbm>>
        %dma_wait3A_1821 = tpu.memref_slice %arg9[%dma_wait3A_1812] : memref<4x!tpu.dma_semaphore, #tpu.memory_space<semaphore_mem>> -> memref<1x!tpu.dma_semaphore, #tpu.memory_space<semaphore_mem>>
        %dma_wait3A_1822 = tpu.memref_squeeze %dma_wait3A_1821 : memref<1x!tpu.dma_semaphore, #tpu.memory_space<semaphore_mem>> -> memref<!tpu.dma_semaphore, #tpu.memory_space<semaphore_mem>>
        %dma_wait3A_1823 = arith.constant 0 : i32
        %dma_wait3A_1824 = arith.constant 0 : i32
        %dma_wait3A_1825 = tpu.memref_slice %arg4[%select_n3A_1807, %dma_wait3A_1811, %rem3A_1809, %dma_wait3A_1823, %dma_wait3A_1824] : memref<200x8x32x8x128xf32, #tpu.memory_space<hbm>> -> memref<1x1x1x8x128xf32, #tpu.memory_space<hbm>>
        %dma_wait3A_1826 = tpu.memref_squeeze %dma_wait3A_1825 : memref<1x1x1x8x128xf32, #tpu.memory_space<hbm>> -> memref<8x128xf32, #tpu.memory_space<hbm>>
        %dma_wait3A_1827 = arith.constant 0 : i32
        %dma_wait3A_1828 = arith.constant 0 : i32
        %dma_wait3A_1829 = tpu.memref_slice %arg7[%dma_wait3A_1810, %dma_wait3A_1827, %dma_wait3A_1828] : memref<4x64x129xf32, #tpu.memory_space<vmem>> -> memref<1x8x128xf32, #tpu.memory_space<vmem>>
        %dma_wait3A_1830 = tpu.memref_squeeze %dma_wait3A_1829 : memref<1x8x128xf32, #tpu.memory_space<vmem>> -> memref<8x128xf32, #tpu.memory_space<vmem>>
        tpu.wait_dma2 semaphore(%dma_wait3A_1822 : memref<!tpu.dma_semaphore, #tpu.memory_space<semaphore_mem>>) src(%dma_wait3A_1830 : memref<8x128xf32, #tpu.memory_space<vmem>>) dst(%dma_wait3A_1826 : memref<8x128xf32, #tpu.memory_space<hbm>>)
        %dma_wait3A_1831 = arith.constant 0 : i32
        %dma_wait3A_1832 = arith.constant 1 : i32
        %dma_wait3A_1833 = arith.constant 0 : i32
        %dma_wait3A_1834 = arith.constant 8 : i32
        %dma_wait3A_1835 = arith.constant 0 : i32
        %dma_wait3A_1836 = tpu.memref_slice %arg7[%dma_wait3A_1831, %dma_wait3A_1834, %dma_wait3A_1835] : memref<4x64x129xf32, #tpu.memory_space<vmem>> -> memref<1x8x128xf32, #tpu.memory_space<vmem>>
        %dma_wait3A_1837 = tpu.memref_squeeze %dma_wait3A_1836 : memref<1x8x128xf32, #tpu.memory_space<vmem>> -> memref<8x128xf32, #tpu.memory_space<vmem>>
        %dma_wait3A_1838 = arith.constant 0 : i32
        %dma_wait3A_1839 = arith.constant 0 : i32
        %dma_wait3A_1840 = tpu.memref_slice %arg4[%select_n3A_1807, %dma_wait3A_1832, %rem3A_1809, %dma_wait3A_1838, %dma_wait3A_1839] : memref<200x8x32x8x128xf32, #tpu.memory_space<hbm>> -> memref<1x1x1x8x128xf32, #tpu.memory_space<hbm>>
        %dma_wait3A_1841 = tpu.memref_squeeze %dma_wait3A_1840 : memref<1x1x1x8x128xf32, #tpu.memory_space<hbm>> -> memref<8x128xf32, #tpu.memory_space<hbm>>
        %dma_wait3A_1842 = tpu.memref_slice %arg9[%dma_wait3A_1833] : memref<4x!tpu.dma_semaphore, #tpu.memory_space<semaphore_mem>> -> memref<1x!tpu.dma_semaphore, #tpu.memory_space<semaphore_mem>>
        %dma_wait3A_1843 = tpu.memref_squeeze %dma_wait3A_1842 : memref<1x!tpu.dma_semaphore, #tpu.memory_space<semaphore_mem>> -> memref<!tpu.dma_semaphore, #tpu.memory_space<semaphore_mem>>
        %dma_wait3A_1844 = arith.constant 0 : i32
        %dma_wait3A_1845 = arith.constant 0 : i32
        %dma_wait3A_1846 = tpu.memref_slice %arg4[%select_n3A_1807, %dma_wait3A_1832, %rem3A_1809, %dma_wait3A_1844, %dma_wait3A_1845] : memref<200x8x32x8x128xf32, #tpu.memory_space<hbm>> -> memref<1x1x1x8x128xf32, #tpu.memory_space<hbm>>
        %dma_wait3A_1847 = tpu.memref_squeeze %dma_wait3A_1846 : memref<1x1x1x8x128xf32, #tpu.memory_space<hbm>> -> memref<8x128xf32, #tpu.memory_space<hbm>>
        %dma_wait3A_1848 = arith.constant 8 : i32
        %dma_wait3A_1849 = arith.constant 0 : i32
        %dma_wait3A_1850 = tpu.memref_slice %arg7[%dma_wait3A_1831, %dma_wait3A_1848, %dma_wait3A_1849] : memref<4x64x129xf32, #tpu.memory_space<vmem>> -> memref<1x8x128xf32, #tpu.memory_space<vmem>>
        %dma_wait3A_1851 = tpu.memref_squeeze %dma_wait3A_1850 : memref<1x8x128xf32, #tpu.memory_space<vmem>> -> memref<8x128xf32, #tpu.memory_space<vmem>>
        tpu.wait_dma2 semaphore(%dma_wait3A_1843 : memref<!tpu.dma_semaphore, #tpu.memory_space<semaphore_mem>>) src(%dma_wait3A_1851 : memref<8x128xf32, #tpu.memory_space<vmem>>) dst(%dma_wait3A_1847 : memref<8x128xf32, #tpu.memory_space<hbm>>)
        %dma_wait3A_1852 = arith.constant 0 : i32
        %dma_wait3A_1853 = arith.constant 2 : i32
        %dma_wait3A_1854 = arith.constant 0 : i32
        %dma_wait3A_1855 = arith.constant 16 : i32
        %dma_wait3A_1856 = arith.constant 0 : i32
        %dma_wait3A_1857 = tpu.memref_slice %arg7[%dma_wait3A_1852, %dma_wait3A_1855, %dma_wait3A_1856] : memref<4x64x129xf32, #tpu.memory_space<vmem>> -> memref<1x8x128xf32, #tpu.memory_space<vmem>>
        %dma_wait3A_1858 = tpu.memref_squeeze %dma_wait3A_1857 : memref<1x8x128xf32, #tpu.memory_space<vmem>> -> memref<8x128xf32, #tpu.memory_space<vmem>>
        %dma_wait3A_1859 = arith.constant 0 : i32
        %dma_wait3A_1860 = arith.constant 0 : i32
        %dma_wait3A_1861 = tpu.memref_slice %arg4[%select_n3A_1807, %dma_wait3A_1853, %rem3A_1809, %dma_wait3A_1859, %dma_wait3A_1860] : memref<200x8x32x8x128xf32, #tpu.memory_space<hbm>> -> memref<1x1x1x8x128xf32, #tpu.memory_space<hbm>>
        %dma_wait3A_1862 = tpu.memref_squeeze %dma_wait3A_1861 : memref<1x1x1x8x128xf32, #tpu.memory_space<hbm>> -> memref<8x128xf32, #tpu.memory_space<hbm>>
        %dma_wait3A_1863 = tpu.memref_slice %arg9[%dma_wait3A_1854] : memref<4x!tpu.dma_semaphore, #tpu.memory_space<semaphore_mem>> -> memref<1x!tpu.dma_semaphore, #tpu.memory_space<semaphore_mem>>
        %dma_wait3A_1864 = tpu.memref_squeeze %dma_wait3A_1863 : memref<1x!tpu.dma_semaphore, #tpu.memory_space<semaphore_mem>> -> memref<!tpu.dma_semaphore, #tpu.memory_space<semaphore_mem>>
        %dma_wait3A_1865 = arith.constant 0 : i32
        %dma_wait3A_1866 = arith.constant 0 : i32
        %dma_wait3A_1867 = tpu.memref_slice %arg4[%select_n3A_1807, %dma_wait3A_1853, %rem3A_1809, %dma_wait3A_1865, %dma_wait3A_1866] : memref<200x8x32x8x128xf32, #tpu.memory_space<hbm>> -> memref<1x1x1x8x128xf32, #tpu.memory_space<hbm>>
        %dma_wait3A_1868 = tpu.memref_squeeze %dma_wait3A_1867 : memref<1x1x1x8x128xf32, #tpu.memory_space<hbm>> -> memref<8x128xf32, #tpu.memory_space<hbm>>
        %dma_wait3A_1869 = arith.constant 16 : i32
        %dma_wait3A_1870 = arith.constant 0 : i32
        %dma_wait3A_1871 = tpu.memref_slice %arg7[%dma_wait3A_1852, %dma_wait3A_1869, %dma_wait3A_1870] : memref<4x64x129xf32, #tpu.memory_space<vmem>> -> memref<1x8x128xf32, #tpu.memory_space<vmem>>
        %dma_wait3A_1872 = tpu.memref_squeeze %dma_wait3A_1871 : memref<1x8x128xf32, #tpu.memory_space<vmem>> -> memref<8x128xf32, #tpu.memory_space<vmem>>
        tpu.wait_dma2 semaphore(%dma_wait3A_1864 : memref<!tpu.dma_semaphore, #tpu.memory_space<semaphore_mem>>) src(%dma_wait3A_1872 : memref<8x128xf32, #tpu.memory_space<vmem>>) dst(%dma_wait3A_1868 : memref<8x128xf32, #tpu.memory_space<hbm>>)
        %dma_wait3A_1873 = arith.constant 0 : i32
        %dma_wait3A_1874 = arith.constant 3 : i32
        %dma_wait3A_1875 = arith.constant 0 : i32
        %dma_wait3A_1876 = arith.constant 24 : i32
        %dma_wait3A_1877 = arith.constant 0 : i32
        %dma_wait3A_1878 = tpu.memref_slice %arg7[%dma_wait3A_1873, %dma_wait3A_1876, %dma_wait3A_1877] : memref<4x64x129xf32, #tpu.memory_space<vmem>> -> memref<1x8x128xf32, #tpu.memory_space<vmem>>
        %dma_wait3A_1879 = tpu.memref_squeeze %dma_wait3A_1878 : memref<1x8x128xf32, #tpu.memory_space<vmem>> -> memref<8x128xf32, #tpu.memory_space<vmem>>
        %dma_wait3A_1880 = arith.constant 0 : i32
        %dma_wait3A_1881 = arith.constant 0 : i32
        %dma_wait3A_1882 = tpu.memref_slice %arg4[%select_n3A_1807, %dma_wait3A_1874, %rem3A_1809, %dma_wait3A_1880, %dma_wait3A_1881] : memref<200x8x32x8x128xf32, #tpu.memory_space<hbm>> -> memref<1x1x1x8x128xf32, #tpu.memory_space<hbm>>
        %dma_wait3A_1883 = tpu.memref_squeeze %dma_wait3A_1882 : memref<1x1x1x8x128xf32, #tpu.memory_space<hbm>> -> memref<8x128xf32, #tpu.memory_space<hbm>>
        %dma_wait3A_1884 = tpu.memref_slice %arg9[%dma_wait3A_1875] : memref<4x!tpu.dma_semaphore, #tpu.memory_space<semaphore_mem>> -> memref<1x!tpu.dma_semaphore, #tpu.memory_space<semaphore_mem>>
        %dma_wait3A_1885 = tpu.memref_squeeze %dma_wait3A_1884 : memref<1x!tpu.dma_semaphore, #tpu.memory_space<semaphore_mem>> -> memref<!tpu.dma_semaphore, #tpu.memory_space<semaphore_mem>>
        %dma_wait3A_1886 = arith.constant 0 : i32
        %dma_wait3A_1887 = arith.constant 0 : i32
        %dma_wait3A_1888 = tpu.memref_slice %arg4[%select_n3A_1807, %dma_wait3A_1874, %rem3A_1809, %dma_wait3A_1886, %dma_wait3A_1887] : memref<200x8x32x8x128xf32, #tpu.memory_space<hbm>> -> memref<1x1x1x8x128xf32, #tpu.memory_space<hbm>>
        %dma_wait3A_1889 = tpu.memref_squeeze %dma_wait3A_1888 : memref<1x1x1x8x128xf32, #tpu.memory_space<hbm>> -> memref<8x128xf32, #tpu.memory_space<hbm>>
        %dma_wait3A_1890 = arith.constant 24 : i32
        %dma_wait3A_1891 = arith.constant 0 : i32
        %dma_wait3A_1892 = tpu.memref_slice %arg7[%dma_wait3A_1873, %dma_wait3A_1890, %dma_wait3A_1891] : memref<4x64x129xf32, #tpu.memory_space<vmem>> -> memref<1x8x128xf32, #tpu.memory_space<vmem>>
        %dma_wait3A_1893 = tpu.memref_squeeze %dma_wait3A_1892 : memref<1x8x128xf32, #tpu.memory_space<vmem>> -> memref<8x128xf32, #tpu.memory_space<vmem>>
        tpu.wait_dma2 semaphore(%dma_wait3A_1885 : memref<!tpu.dma_semaphore, #tpu.memory_space<semaphore_mem>>) src(%dma_wait3A_1893 : memref<8x128xf32, #tpu.memory_space<vmem>>) dst(%dma_wait3A_1889 : memref<8x128xf32, #tpu.memory_space<hbm>>)
        %dma_wait3A_1894 = arith.constant 0 : i32
        %dma_wait3A_1895 = arith.constant 4 : i32
        %dma_wait3A_1896 = arith.constant 0 : i32
        %dma_wait3A_1897 = arith.constant 32 : i32
        %dma_wait3A_1898 = arith.constant 0 : i32
        %dma_wait3A_1899 = tpu.memref_slice %arg7[%dma_wait3A_1894, %dma_wait3A_1897, %dma_wait3A_1898] : memref<4x64x129xf32, #tpu.memory_space<vmem>> -> memref<1x8x128xf32, #tpu.memory_space<vmem>>
        %dma_wait3A_1900 = tpu.memref_squeeze %dma_wait3A_1899 : memref<1x8x128xf32, #tpu.memory_space<vmem>> -> memref<8x128xf32, #tpu.memory_space<vmem>>
        %dma_wait3A_1901 = arith.constant 0 : i32
        %dma_wait3A_1902 = arith.constant 0 : i32
        %dma_wait3A_1903 = tpu.memref_slice %arg4[%select_n3A_1807, %dma_wait3A_1895, %rem3A_1809, %dma_wait3A_1901, %dma_wait3A_1902] : memref<200x8x32x8x128xf32, #tpu.memory_space<hbm>> -> memref<1x1x1x8x128xf32, #tpu.memory_space<hbm>>
        %dma_wait3A_1904 = tpu.memref_squeeze %dma_wait3A_1903 : memref<1x1x1x8x128xf32, #tpu.memory_space<hbm>> -> memref<8x128xf32, #tpu.memory_space<hbm>>
        %dma_wait3A_1905 = tpu.memref_slice %arg9[%dma_wait3A_1896] : memref<4x!tpu.dma_semaphore, #tpu.memory_space<semaphore_mem>> -> memref<1x!tpu.dma_semaphore, #tpu.memory_space<semaphore_mem>>
        %dma_wait3A_1906 = tpu.memref_squeeze %dma_wait3A_1905 : memref<1x!tpu.dma_semaphore, #tpu.memory_space<semaphore_mem>> -> memref<!tpu.dma_semaphore, #tpu.memory_space<semaphore_mem>>
        %dma_wait3A_1907 = arith.constant 0 : i32
        %dma_wait3A_1908 = arith.constant 0 : i32
        %dma_wait3A_1909 = tpu.memref_slice %arg4[%select_n3A_1807, %dma_wait3A_1895, %rem3A_1809, %dma_wait3A_1907, %dma_wait3A_1908] : memref<200x8x32x8x128xf32, #tpu.memory_space<hbm>> -> memref<1x1x1x8x128xf32, #tpu.memory_space<hbm>>
        %dma_wait3A_1910 = tpu.memref_squeeze %dma_wait3A_1909 : memref<1x1x1x8x128xf32, #tpu.memory_space<hbm>> -> memref<8x128xf32, #tpu.memory_space<hbm>>
        %dma_wait3A_1911 = arith.constant 32 : i32
        %dma_wait3A_1912 = arith.constant 0 : i32
        %dma_wait3A_1913 = tpu.memref_slice %arg7[%dma_wait3A_1894, %dma_wait3A_1911, %dma_wait3A_1912] : memref<4x64x129xf32, #tpu.memory_space<vmem>> -> memref<1x8x128xf32, #tpu.memory_space<vmem>>
        %dma_wait3A_1914 = tpu.memref_squeeze %dma_wait3A_1913 : memref<1x8x128xf32, #tpu.memory_space<vmem>> -> memref<8x128xf32, #tpu.memory_space<vmem>>
        tpu.wait_dma2 semaphore(%dma_wait3A_1906 : memref<!tpu.dma_semaphore, #tpu.memory_space<semaphore_mem>>) src(%dma_wait3A_1914 : memref<8x128xf32, #tpu.memory_space<vmem>>) dst(%dma_wait3A_1910 : memref<8x128xf32, #tpu.memory_space<hbm>>)
        %dma_wait3A_1915 = arith.constant 0 : i32
        %dma_wait3A_1916 = arith.constant 5 : i32
        %dma_wait3A_1917 = arith.constant 0 : i32
        %dma_wait3A_1918 = arith.constant 40 : i32
        %dma_wait3A_1919 = arith.constant 0 : i32
        %dma_wait3A_1920 = tpu.memref_slice %arg7[%dma_wait3A_1915, %dma_wait3A_1918, %dma_wait3A_1919] : memref<4x64x129xf32, #tpu.memory_space<vmem>> -> memref<1x8x128xf32, #tpu.memory_space<vmem>>
        %dma_wait3A_1921 = tpu.memref_squeeze %dma_wait3A_1920 : memref<1x8x128xf32, #tpu.memory_space<vmem>> -> memref<8x128xf32, #tpu.memory_space<vmem>>
        %dma_wait3A_1922 = arith.constant 0 : i32
        %dma_wait3A_1923 = arith.constant 0 : i32
        %dma_wait3A_1924 = tpu.memref_slice %arg4[%select_n3A_1807, %dma_wait3A_1916, %rem3A_1809, %dma_wait3A_1922, %dma_wait3A_1923] : memref<200x8x32x8x128xf32, #tpu.memory_space<hbm>> -> memref<1x1x1x8x128xf32, #tpu.memory_space<hbm>>
        %dma_wait3A_1925 = tpu.memref_squeeze %dma_wait3A_1924 : memref<1x1x1x8x128xf32, #tpu.memory_space<hbm>> -> memref<8x128xf32, #tpu.memory_space<hbm>>
        %dma_wait3A_1926 = tpu.memref_slice %arg9[%dma_wait3A_1917] : memref<4x!tpu.dma_semaphore, #tpu.memory_space<semaphore_mem>> -> memref<1x!tpu.dma_semaphore, #tpu.memory_space<semaphore_mem>>
        %dma_wait3A_1927 = tpu.memref_squeeze %dma_wait3A_1926 : memref<1x!tpu.dma_semaphore, #tpu.memory_space<semaphore_mem>> -> memref<!tpu.dma_semaphore, #tpu.memory_space<semaphore_mem>>
        %dma_wait3A_1928 = arith.constant 0 : i32
        %dma_wait3A_1929 = arith.constant 0 : i32
        %dma_wait3A_1930 = tpu.memref_slice %arg4[%select_n3A_1807, %dma_wait3A_1916, %rem3A_1809, %dma_wait3A_1928, %dma_wait3A_1929] : memref<200x8x32x8x128xf32, #tpu.memory_space<hbm>> -> memref<1x1x1x8x128xf32, #tpu.memory_space<hbm>>
        %dma_wait3A_1931 = tpu.memref_squeeze %dma_wait3A_1930 : memref<1x1x1x8x128xf32, #tpu.memory_space<hbm>> -> memref<8x128xf32, #tpu.memory_space<hbm>>
        %dma_wait3A_1932 = arith.constant 40 : i32
        %dma_wait3A_1933 = arith.constant 0 : i32
        %dma_wait3A_1934 = tpu.memref_slice %arg7[%dma_wait3A_1915, %dma_wait3A_1932, %dma_wait3A_1933] : memref<4x64x129xf32, #tpu.memory_space<vmem>> -> memref<1x8x128xf32, #tpu.memory_space<vmem>>
        %dma_wait3A_1935 = tpu.memref_squeeze %dma_wait3A_1934 : memref<1x8x128xf32, #tpu.memory_space<vmem>> -> memref<8x128xf32, #tpu.memory_space<vmem>>
        tpu.wait_dma2 semaphore(%dma_wait3A_1927 : memref<!tpu.dma_semaphore, #tpu.memory_space<semaphore_mem>>) src(%dma_wait3A_1935 : memref<8x128xf32, #tpu.memory_space<vmem>>) dst(%dma_wait3A_1931 : memref<8x128xf32, #tpu.memory_space<hbm>>)
        %dma_wait3A_1936 = arith.constant 0 : i32
        %dma_wait3A_1937 = arith.constant 6 : i32
        %dma_wait3A_1938 = arith.constant 0 : i32
        %dma_wait3A_1939 = arith.constant 48 : i32
        %dma_wait3A_1940 = arith.constant 0 : i32
        %dma_wait3A_1941 = tpu.memref_slice %arg7[%dma_wait3A_1936, %dma_wait3A_1939, %dma_wait3A_1940] : memref<4x64x129xf32, #tpu.memory_space<vmem>> -> memref<1x8x128xf32, #tpu.memory_space<vmem>>
        %dma_wait3A_1942 = tpu.memref_squeeze %dma_wait3A_1941 : memref<1x8x128xf32, #tpu.memory_space<vmem>> -> memref<8x128xf32, #tpu.memory_space<vmem>>
        %dma_wait3A_1943 = arith.constant 0 : i32
        %dma_wait3A_1944 = arith.constant 0 : i32
        %dma_wait3A_1945 = tpu.memref_slice %arg4[%select_n3A_1807, %dma_wait3A_1937, %rem3A_1809, %dma_wait3A_1943, %dma_wait3A_1944] : memref<200x8x32x8x128xf32, #tpu.memory_space<hbm>> -> memref<1x1x1x8x128xf32, #tpu.memory_space<hbm>>
        %dma_wait3A_1946 = tpu.memref_squeeze %dma_wait3A_1945 : memref<1x1x1x8x128xf32, #tpu.memory_space<hbm>> -> memref<8x128xf32, #tpu.memory_space<hbm>>
        %dma_wait3A_1947 = tpu.memref_slice %arg9[%dma_wait3A_1938] : memref<4x!tpu.dma_semaphore, #tpu.memory_space<semaphore_mem>> -> memref<1x!tpu.dma_semaphore, #tpu.memory_space<semaphore_mem>>
        %dma_wait3A_1948 = tpu.memref_squeeze %dma_wait3A_1947 : memref<1x!tpu.dma_semaphore, #tpu.memory_space<semaphore_mem>> -> memref<!tpu.dma_semaphore, #tpu.memory_space<semaphore_mem>>
        %dma_wait3A_1949 = arith.constant 0 : i32
        %dma_wait3A_1950 = arith.constant 0 : i32
        %dma_wait3A_1951 = tpu.memref_slice %arg4[%select_n3A_1807, %dma_wait3A_1937, %rem3A_1809, %dma_wait3A_1949, %dma_wait3A_1950] : memref<200x8x32x8x128xf32, #tpu.memory_space<hbm>> -> memref<1x1x1x8x128xf32, #tpu.memory_space<hbm>>
        %dma_wait3A_1952 = tpu.memref_squeeze %dma_wait3A_1951 : memref<1x1x1x8x128xf32, #tpu.memory_space<hbm>> -> memref<8x128xf32, #tpu.memory_space<hbm>>
        %dma_wait3A_1953 = arith.constant 48 : i32
        %dma_wait3A_1954 = arith.constant 0 : i32
        %dma_wait3A_1955 = tpu.memref_slice %arg7[%dma_wait3A_1936, %dma_wait3A_1953, %dma_wait3A_1954] : memref<4x64x129xf32, #tpu.memory_space<vmem>> -> memref<1x8x128xf32, #tpu.memory_space<vmem>>
        %dma_wait3A_1956 = tpu.memref_squeeze %dma_wait3A_1955 : memref<1x8x128xf32, #tpu.memory_space<vmem>> -> memref<8x128xf32, #tpu.memory_space<vmem>>
        tpu.wait_dma2 semaphore(%dma_wait3A_1948 : memref<!tpu.dma_semaphore, #tpu.memory_space<semaphore_mem>>) src(%dma_wait3A_1956 : memref<8x128xf32, #tpu.memory_space<vmem>>) dst(%dma_wait3A_1952 : memref<8x128xf32, #tpu.memory_space<hbm>>)
        %dma_wait3A_1957 = arith.constant 0 : i32
        %dma_wait3A_1958 = arith.constant 7 : i32
        %dma_wait3A_1959 = arith.constant 0 : i32
        %dma_wait3A_1960 = arith.constant 56 : i32
        %dma_wait3A_1961 = arith.constant 0 : i32
        %dma_wait3A_1962 = tpu.memref_slice %arg7[%dma_wait3A_1957, %dma_wait3A_1960, %dma_wait3A_1961] : memref<4x64x129xf32, #tpu.memory_space<vmem>> -> memref<1x8x128xf32, #tpu.memory_space<vmem>>
        %dma_wait3A_1963 = tpu.memref_squeeze %dma_wait3A_1962 : memref<1x8x128xf32, #tpu.memory_space<vmem>> -> memref<8x128xf32, #tpu.memory_space<vmem>>
        %dma_wait3A_1964 = arith.constant 0 : i32
        %dma_wait3A_1965 = arith.constant 0 : i32
        %dma_wait3A_1966 = tpu.memref_slice %arg4[%select_n3A_1807, %dma_wait3A_1958, %rem3A_1809, %dma_wait3A_1964, %dma_wait3A_1965] : memref<200x8x32x8x128xf32, #tpu.memory_space<hbm>> -> memref<1x1x1x8x128xf32, #tpu.memory_space<hbm>>
        %dma_wait3A_1967 = tpu.memref_squeeze %dma_wait3A_1966 : memref<1x1x1x8x128xf32, #tpu.memory_space<hbm>> -> memref<8x128xf32, #tpu.memory_space<hbm>>
        %dma_wait3A_1968 = tpu.memref_slice %arg9[%dma_wait3A_1959] : memref<4x!tpu.dma_semaphore, #tpu.memory_space<semaphore_mem>> -> memref<1x!tpu.dma_semaphore, #tpu.memory_space<semaphore_mem>>
        %dma_wait3A_1969 = tpu.memref_squeeze %dma_wait3A_1968 : memref<1x!tpu.dma_semaphore, #tpu.memory_space<semaphore_mem>> -> memref<!tpu.dma_semaphore, #tpu.memory_space<semaphore_mem>>
        %dma_wait3A_1970 = arith.constant 0 : i32
        %dma_wait3A_1971 = arith.constant 0 : i32
        %dma_wait3A_1972 = tpu.memref_slice %arg4[%select_n3A_1807, %dma_wait3A_1958, %rem3A_1809, %dma_wait3A_1970, %dma_wait3A_1971] : memref<200x8x32x8x128xf32, #tpu.memory_space<hbm>> -> memref<1x1x1x8x128xf32, #tpu.memory_space<hbm>>
        %dma_wait3A_1973 = tpu.memref_squeeze %dma_wait3A_1972 : memref<1x1x1x8x128xf32, #tpu.memory_space<hbm>> -> memref<8x128xf32, #tpu.memory_space<hbm>>
        %dma_wait3A_1974 = arith.constant 56 : i32
        %dma_wait3A_1975 = arith.constant 0 : i32
        %dma_wait3A_1976 = tpu.memref_slice %arg7[%dma_wait3A_1957, %dma_wait3A_1974, %dma_wait3A_1975] : memref<4x64x129xf32, #tpu.memory_space<vmem>> -> memref<1x8x128xf32, #tpu.memory_space<vmem>>
        %dma_wait3A_1977 = tpu.memref_squeeze %dma_wait3A_1976 : memref<1x8x128xf32, #tpu.memory_space<vmem>> -> memref<8x128xf32, #tpu.memory_space<vmem>>
        tpu.wait_dma2 semaphore(%dma_wait3A_1969 : memref<!tpu.dma_semaphore, #tpu.memory_space<semaphore_mem>>) src(%dma_wait3A_1977 : memref<8x128xf32, #tpu.memory_space<vmem>>) dst(%dma_wait3A_1973 : memref<8x128xf32, #tpu.memory_space<hbm>>)
      } else {
      }
      %barrier3A = arith.constant 0 : index
      tpu.barrier barrier_id(%barrier3A)
      %parallel_loop3A = arith.constant 0 : i32
      %parallel_loop3A_879 = arith.constant 128 : i32
      %parallel_loop3A_880 = arith.constant 1 : i32
      %parallel_loop3A_881 = arith.constant 0 : i32
      %parallel_loop3A_882 = scf.for %parallel_loop3A_1781 = %parallel_loop3A to %parallel_loop3A_879 step %parallel_loop3A_880 iter_args(%parallel_loop3A_1782 = %broadcast_in_dim3A_77) -> (vector<16xi32>)  : i32 {
        %parallel_loop3A_1783 = arith.constant 0 : i32
        %parallel_loop3A_1784 = arith.index_cast %parallel_loop3A_1783 : i32 to index
        %parallel_loop3A_1785 = arith.index_cast %parallel_loop3A_1781 : i32 to index
        %parallel_loop3A_1786 = arith.constant 0 : index
        %parallel_loop3A_1787 = tpu.vector_load %arg6[%parallel_loop3A_1784, %parallel_loop3A_1785, %parallel_loop3A_1786] {strides = array<i32>} : memref<4x128x64xf32, #tpu.memory_space<vmem>>, vector<16xf32>,
        %parallel_loop3A_1788 = arith.constant 8.000000e+00 : f32
        %parallel_loop3A_1789 = vector.broadcast %parallel_loop3A_1788 : f32 to vector<16xf32>
        %parallel_loop3A_1790 = arith.mulf %parallel_loop3A_1787, %parallel_loop3A_1789 : vector<16xf32>
        %parallel_loop3A_1791 = arith.constant 0 : i32
        %parallel_loop3A_1792 = arith.constant 0 : i32
        %parallel_loop3A_1793 = tpu.memref_slice %arg7[%parallel_loop3A_881, %parallel_loop3A_1791, %parallel_loop3A_1792] : memref<4x64x129xf32, #tpu.memory_space<vmem>> -> memref<1x64x129xf32, #tpu.memory_space<vmem>>
        %parallel_loop3A_1794 = tpu.memref_squeeze %parallel_loop3A_1793 : memref<1x64x129xf32, #tpu.memory_space<vmem>> -> memref<64x129xf32, #tpu.memory_space<vmem>>
        tpu.vector_store_idx %parallel_loop3A_1794[%add3A_64, %parallel_loop3A_1782], %parallel_loop3A_1790 : memref<64x129xf32, #tpu.memory_space<vmem>>[vector<16xi32>, vector<16xi32>], vector<16xf32>,
        %parallel_loop3A_1795 = arith.constant 0 : i32
        %parallel_loop3A_1796 = arith.index_cast %parallel_loop3A_1795 : i32 to index
        %parallel_loop3A_1797 = arith.index_cast %parallel_loop3A_1781 : i32 to index
        %parallel_loop3A_1798 = arith.constant 16 : index
        %parallel_loop3A_1799 = tpu.vector_load %arg6[%parallel_loop3A_1796, %parallel_loop3A_1797, %parallel_loop3A_1798] {strides = array<i32>} : memref<4x128x64xf32, #tpu.memory_space<vmem>>, vector<16xf32>,
        %parallel_loop3A_1800 = arith.constant 8.000000e+00 : f32
        %parallel_loop3A_1801 = vector.broadcast %parallel_loop3A_1800 : f32 to vector<16xf32>
        %parallel_loop3A_1802 = arith.mulf %parallel_loop3A_1799, %parallel_loop3A_1801 : vector<16xf32>
        %parallel_loop3A_1803 = arith.constant 0 : i32
        %parallel_loop3A_1804 = arith.constant 0 : i32
        %parallel_loop3A_1805 = tpu.memref_slice %arg7[%parallel_loop3A_881, %parallel_loop3A_1803, %parallel_loop3A_1804] : memref<4x64x129xf32, #tpu.memory_space<vmem>> -> memref<1x64x129xf32, #tpu.memory_space<vmem>>
        %parallel_loop3A_1806 = tpu.memref_squeeze %parallel_loop3A_1805 : memref<1x64x129xf32, #tpu.memory_space<vmem>> -> memref<64x129xf32, #tpu.memory_space<vmem>>
        tpu.vector_store_idx %parallel_loop3A_1806[%add3A_68, %parallel_loop3A_1782], %parallel_loop3A_1802 : memref<64x129xf32, #tpu.memory_space<vmem>>[vector<16xi32>, vector<16xi32>], vector<16xf32>,
        %parallel_loop3A_1807 = arith.constant 0 : i32
        %parallel_loop3A_1808 = arith.index_cast %parallel_loop3A_1807 : i32 to index
        %parallel_loop3A_1809 = arith.index_cast %parallel_loop3A_1781 : i32 to index
        %parallel_loop3A_1810 = arith.constant 32 : index
        %parallel_loop3A_1811 = tpu.vector_load %arg6[%parallel_loop3A_1808, %parallel_loop3A_1809, %parallel_loop3A_1810] {strides = array<i32>} : memref<4x128x64xf32, #tpu.memory_space<vmem>>, vector<16xf32>,
        %parallel_loop3A_1812 = arith.constant 8.000000e+00 : f32
        %parallel_loop3A_1813 = vector.broadcast %parallel_loop3A_1812 : f32 to vector<16xf32>
        %parallel_loop3A_1814 = arith.mulf %parallel_loop3A_1811, %parallel_loop3A_1813 : vector<16xf32>
        %parallel_loop3A_1815 = arith.constant 0 : i32
        %parallel_loop3A_1816 = arith.constant 0 : i32
        %parallel_loop3A_1817 = tpu.memref_slice %arg7[%parallel_loop3A_881, %parallel_loop3A_1815, %parallel_loop3A_1816] : memref<4x64x129xf32, #tpu.memory_space<vmem>> -> memref<1x64x129xf32, #tpu.memory_space<vmem>>
        %parallel_loop3A_1818 = tpu.memref_squeeze %parallel_loop3A_1817 : memref<1x64x129xf32, #tpu.memory_space<vmem>> -> memref<64x129xf32, #tpu.memory_space<vmem>>
        tpu.vector_store_idx %parallel_loop3A_1818[%add3A_72, %parallel_loop3A_1782], %parallel_loop3A_1814 : memref<64x129xf32, #tpu.memory_space<vmem>>[vector<16xi32>, vector<16xi32>], vector<16xf32>,
        %parallel_loop3A_1819 = arith.constant 0 : i32
        %parallel_loop3A_1820 = arith.index_cast %parallel_loop3A_1819 : i32 to index
        %parallel_loop3A_1821 = arith.index_cast %parallel_loop3A_1781 : i32 to index
        %parallel_loop3A_1822 = arith.constant 48 : index
        %parallel_loop3A_1823 = tpu.vector_load %arg6[%parallel_loop3A_1820, %parallel_loop3A_1821, %parallel_loop3A_1822] {strides = array<i32>} : memref<4x128x64xf32, #tpu.memory_space<vmem>>, vector<16xf32>,
        %parallel_loop3A_1824 = arith.constant 8.000000e+00 : f32
        %parallel_loop3A_1825 = vector.broadcast %parallel_loop3A_1824 : f32 to vector<16xf32>
        %parallel_loop3A_1826 = arith.mulf %parallel_loop3A_1823, %parallel_loop3A_1825 : vector<16xf32>
        %parallel_loop3A_1827 = arith.constant 0 : i32
        %parallel_loop3A_1828 = arith.constant 0 : i32
        %parallel_loop3A_1829 = tpu.memref_slice %arg7[%parallel_loop3A_881, %parallel_loop3A_1827, %parallel_loop3A_1828] : memref<4x64x129xf32, #tpu.memory_space<vmem>> -> memref<1x64x129xf32, #tpu.memory_space<vmem>>
        %parallel_loop3A_1830 = tpu.memref_squeeze %parallel_loop3A_1829 : memref<1x64x129xf32, #tpu.memory_space<vmem>> -> memref<64x129xf32, #tpu.memory_space<vmem>>
        tpu.vector_store_idx %parallel_loop3A_1830[%add3A_76, %parallel_loop3A_1782], %parallel_loop3A_1826 : memref<64x129xf32, #tpu.memory_space<vmem>>[vector<16xi32>, vector<16xi32>], vector<16xf32>,
        %parallel_loop3A_1831 = arith.constant 1 : i32
        %parallel_loop3A_1832 = vector.broadcast %parallel_loop3A_1831 : i32 to vector<16xi32>
        %parallel_loop3A_1833 = arith.addi %parallel_loop3A_1782, %parallel_loop3A_1832 : vector<16xi32>
        scf.yield %parallel_loop3A_1833 : vector<16xi32>
      } {sc.loop_unroll_factor = 8 : i64, sc.parallel_access}
      %barrier3A_883 = arith.constant 0 : index
      tpu.barrier barrier_id(%barrier3A_883)
      %add3A_884 = arith.addi %mul3A_2, %add3A_862 : i32
      %jit3A_885 = arith.constant 32 : i32
      %div3A_886 = arith.divsi %add3A_884, %jit3A_885 : i32
      %sign3A_887 = arith.constant 0 : i32
      %sign3A_888 = arith.cmpi sgt, %add3A_884, %sign3A_887 : i32
      %sign3A_889 = arith.extui %sign3A_888 : i1 to i32
      %sign3A_890 = arith.constant 0 : i32
      %sign3A_891 = arith.cmpi slt, %add3A_884, %sign3A_890 : i32
      %sign3A_892 = arith.extui %sign3A_891 : i1 to i32
      %sign3A_893 = arith.subi %sign3A_889, %sign3A_892 : i32
      %sign3A_894 = arith.constant 0 : i32
      %sign3A_895 = arith.cmpi sgt, %jit3A_885, %sign3A_894 : i32
      %sign3A_896 = arith.extui %sign3A_895 : i1 to i32
      %sign3A_897 = arith.constant 0 : i32
      %sign3A_898 = arith.cmpi slt, %jit3A_885, %sign3A_897 : i32
      %sign3A_899 = arith.extui %sign3A_898 : i1 to i32
      %sign3A_900 = arith.subi %sign3A_896, %sign3A_899 : i32
      %ne3A_901 = arith.cmpi ne, %sign3A_893, %sign3A_900 : i32
      %rem3A_902 = arith.remsi %add3A_884, %jit3A_885 : i32
      %ne3A_903 = arith.constant 0 : i32
      %ne3A_904 = arith.cmpi ne, %rem3A_902, %ne3A_903 : i32
      %and3A_905 = arith.andi %ne3A_901, %ne3A_904 : i1
      %sub3A_906 = arith.constant 1 : i32
      %sub3A_907 = arith.subi %div3A_886, %sub3A_906 : i32
      %select_n3A_908 = arith.select %and3A_905, %sub3A_907, %div3A_886 : i32
      %rem3A_909 = arith.constant 32 : i32
      %rem3A_910 = arith.remsi %add3A_884, %rem3A_909 : i32
      %dma_start3A_911 = arith.constant 0 : i32
      %dma_start3A_912 = arith.constant 0 : i32
      %dma_start3A_913 = arith.constant 0 : i32
      %dma_start3A_914 = arith.constant 0 : i32
      %dma_start3A_915 = arith.constant 0 : i32
      %dma_start3A_916 = tpu.memref_slice %arg7[%dma_start3A_911, %dma_start3A_914, %dma_start3A_915] : memref<4x64x129xf32, #tpu.memory_space<vmem>> -> memref<1x8x128xf32, #tpu.memory_space<vmem>>
      %dma_start3A_917 = tpu.memref_squeeze %dma_start3A_916 : memref<1x8x128xf32, #tpu.memory_space<vmem>> -> memref<8x128xf32, #tpu.memory_space<vmem>>
      %dma_start3A_918 = arith.constant 0 : i32
      %dma_start3A_919 = arith.constant 0 : i32
      %dma_start3A_920 = tpu.memref_slice %arg4[%select_n3A_908, %dma_start3A_912, %rem3A_910, %dma_start3A_918, %dma_start3A_919] : memref<200x8x32x8x128xf32, #tpu.memory_space<hbm>> -> memref<1x1x1x8x128xf32, #tpu.memory_space<hbm>>
      %dma_start3A_921 = tpu.memref_squeeze %dma_start3A_920 : memref<1x1x1x8x128xf32, #tpu.memory_space<hbm>> -> memref<8x128xf32, #tpu.memory_space<hbm>>
      %dma_start3A_922 = tpu.memref_slice %arg9[%dma_start3A_913] : memref<4x!tpu.dma_semaphore, #tpu.memory_space<semaphore_mem>> -> memref<1x!tpu.dma_semaphore, #tpu.memory_space<semaphore_mem>>
      %dma_start3A_923 = tpu.memref_squeeze %dma_start3A_922 : memref<1x!tpu.dma_semaphore, #tpu.memory_space<semaphore_mem>> -> memref<!tpu.dma_semaphore, #tpu.memory_space<semaphore_mem>>
      %dma_start3A_924 = arith.constant 0 : i32
      %dma_start3A_925 = arith.constant 0 : i32
      %dma_start3A_926 = tpu.memref_slice %arg4[%select_n3A_908, %dma_start3A_912, %rem3A_910, %dma_start3A_924, %dma_start3A_925] : memref<200x8x32x8x128xf32, #tpu.memory_space<hbm>> -> memref<1x1x1x8x128xf32, #tpu.memory_space<hbm>>
      %dma_start3A_927 = tpu.memref_squeeze %dma_start3A_926 : memref<1x1x1x8x128xf32, #tpu.memory_space<hbm>> -> memref<8x128xf32, #tpu.memory_space<hbm>>
      %dma_start3A_928 = arith.constant 0 : i32
      %dma_start3A_929 = arith.constant 0 : i32
      %dma_start3A_930 = tpu.memref_slice %arg7[%dma_start3A_911, %dma_start3A_928, %dma_start3A_929] : memref<4x64x129xf32, #tpu.memory_space<vmem>> -> memref<1x8x128xf32, #tpu.memory_space<vmem>>
      %dma_start3A_931 = tpu.memref_squeeze %dma_start3A_930 : memref<1x8x128xf32, #tpu.memory_space<vmem>> -> memref<8x128xf32, #tpu.memory_space<vmem>>
      tpu.enqueue_dma source(%dma_start3A_931 : memref<8x128xf32, #tpu.memory_space<vmem>>) target(%dma_start3A_927 : memref<8x128xf32, #tpu.memory_space<hbm>>) target_semaphore(%dma_start3A_923 : memref<!tpu.dma_semaphore, #tpu.memory_space<semaphore_mem>>)
      %dma_start3A_932 = arith.constant 0 : i32
      %dma_start3A_933 = arith.constant 1 : i32
      %dma_start3A_934 = arith.constant 0 : i32
      %dma_start3A_935 = arith.constant 8 : i32
      %dma_start3A_936 = arith.constant 0 : i32
      %dma_start3A_937 = tpu.memref_slice %arg7[%dma_start3A_932, %dma_start3A_935, %dma_start3A_936] : memref<4x64x129xf32, #tpu.memory_space<vmem>> -> memref<1x8x128xf32, #tpu.memory_space<vmem>>
      %dma_start3A_938 = tpu.memref_squeeze %dma_start3A_937 : memref<1x8x128xf32, #tpu.memory_space<vmem>> -> memref<8x128xf32, #tpu.memory_space<vmem>>
      %dma_start3A_939 = arith.constant 0 : i32
      %dma_start3A_940 = arith.constant 0 : i32
      %dma_start3A_941 = tpu.memref_slice %arg4[%select_n3A_908, %dma_start3A_933, %rem3A_910, %dma_start3A_939, %dma_start3A_940] : memref<200x8x32x8x128xf32, #tpu.memory_space<hbm>> -> memref<1x1x1x8x128xf32, #tpu.memory_space<hbm>>
      %dma_start3A_942 = tpu.memref_squeeze %dma_start3A_941 : memref<1x1x1x8x128xf32, #tpu.memory_space<hbm>> -> memref<8x128xf32, #tpu.memory_space<hbm>>
      %dma_start3A_943 = tpu.memref_slice %arg9[%dma_start3A_934] : memref<4x!tpu.dma_semaphore, #tpu.memory_space<semaphore_mem>> -> memref<1x!tpu.dma_semaphore, #tpu.memory_space<semaphore_mem>>
      %dma_start3A_944 = tpu.memref_squeeze %dma_start3A_943 : memref<1x!tpu.dma_semaphore, #tpu.memory_space<semaphore_mem>> -> memref<!tpu.dma_semaphore, #tpu.memory_space<semaphore_mem>>
      %dma_start3A_945 = arith.constant 0 : i32
      %dma_start3A_946 = arith.constant 0 : i32
      %dma_start3A_947 = tpu.memref_slice %arg4[%select_n3A_908, %dma_start3A_933, %rem3A_910, %dma_start3A_945, %dma_start3A_946] : memref<200x8x32x8x128xf32, #tpu.memory_space<hbm>> -> memref<1x1x1x8x128xf32, #tpu.memory_space<hbm>>
      %dma_start3A_948 = tpu.memref_squeeze %dma_start3A_947 : memref<1x1x1x8x128xf32, #tpu.memory_space<hbm>> -> memref<8x128xf32, #tpu.memory_space<hbm>>
      %dma_start3A_949 = arith.constant 8 : i32
      %dma_start3A_950 = arith.constant 0 : i32
      %dma_start3A_951 = tpu.memref_slice %arg7[%dma_start3A_932, %dma_start3A_949, %dma_start3A_950] : memref<4x64x129xf32, #tpu.memory_space<vmem>> -> memref<1x8x128xf32, #tpu.memory_space<vmem>>
      %dma_start3A_952 = tpu.memref_squeeze %dma_start3A_951 : memref<1x8x128xf32, #tpu.memory_space<vmem>> -> memref<8x128xf32, #tpu.memory_space<vmem>>
      tpu.enqueue_dma source(%dma_start3A_952 : memref<8x128xf32, #tpu.memory_space<vmem>>) target(%dma_start3A_948 : memref<8x128xf32, #tpu.memory_space<hbm>>) target_semaphore(%dma_start3A_944 : memref<!tpu.dma_semaphore, #tpu.memory_space<semaphore_mem>>)
      %dma_start3A_953 = arith.constant 0 : i32
      %dma_start3A_954 = arith.constant 2 : i32
      %dma_start3A_955 = arith.constant 0 : i32
      %dma_start3A_956 = arith.constant 16 : i32
      %dma_start3A_957 = arith.constant 0 : i32
      %dma_start3A_958 = tpu.memref_slice %arg7[%dma_start3A_953, %dma_start3A_956, %dma_start3A_957] : memref<4x64x129xf32, #tpu.memory_space<vmem>> -> memref<1x8x128xf32, #tpu.memory_space<vmem>>
      %dma_start3A_959 = tpu.memref_squeeze %dma_start3A_958 : memref<1x8x128xf32, #tpu.memory_space<vmem>> -> memref<8x128xf32, #tpu.memory_space<vmem>>
      %dma_start3A_960 = arith.constant 0 : i32
      %dma_start3A_961 = arith.constant 0 : i32
      %dma_start3A_962 = tpu.memref_slice %arg4[%select_n3A_908, %dma_start3A_954, %rem3A_910, %dma_start3A_960, %dma_start3A_961] : memref<200x8x32x8x128xf32, #tpu.memory_space<hbm>> -> memref<1x1x1x8x128xf32, #tpu.memory_space<hbm>>
      %dma_start3A_963 = tpu.memref_squeeze %dma_start3A_962 : memref<1x1x1x8x128xf32, #tpu.memory_space<hbm>> -> memref<8x128xf32, #tpu.memory_space<hbm>>
      %dma_start3A_964 = tpu.memref_slice %arg9[%dma_start3A_955] : memref<4x!tpu.dma_semaphore, #tpu.memory_space<semaphore_mem>> -> memref<1x!tpu.dma_semaphore, #tpu.memory_space<semaphore_mem>>
      %dma_start3A_965 = tpu.memref_squeeze %dma_start3A_964 : memref<1x!tpu.dma_semaphore, #tpu.memory_space<semaphore_mem>> -> memref<!tpu.dma_semaphore, #tpu.memory_space<semaphore_mem>>
      %dma_start3A_966 = arith.constant 0 : i32
      %dma_start3A_967 = arith.constant 0 : i32
      %dma_start3A_968 = tpu.memref_slice %arg4[%select_n3A_908, %dma_start3A_954, %rem3A_910, %dma_start3A_966, %dma_start3A_967] : memref<200x8x32x8x128xf32, #tpu.memory_space<hbm>> -> memref<1x1x1x8x128xf32, #tpu.memory_space<hbm>>
      %dma_start3A_969 = tpu.memref_squeeze %dma_start3A_968 : memref<1x1x1x8x128xf32, #tpu.memory_space<hbm>> -> memref<8x128xf32, #tpu.memory_space<hbm>>
      %dma_start3A_970 = arith.constant 16 : i32
      %dma_start3A_971 = arith.constant 0 : i32
      %dma_start3A_972 = tpu.memref_slice %arg7[%dma_start3A_953, %dma_start3A_970, %dma_start3A_971] : memref<4x64x129xf32, #tpu.memory_space<vmem>> -> memref<1x8x128xf32, #tpu.memory_space<vmem>>
      %dma_start3A_973 = tpu.memref_squeeze %dma_start3A_972 : memref<1x8x128xf32, #tpu.memory_space<vmem>> -> memref<8x128xf32, #tpu.memory_space<vmem>>
      tpu.enqueue_dma source(%dma_start3A_973 : memref<8x128xf32, #tpu.memory_space<vmem>>) target(%dma_start3A_969 : memref<8x128xf32, #tpu.memory_space<hbm>>) target_semaphore(%dma_start3A_965 : memref<!tpu.dma_semaphore, #tpu.memory_space<semaphore_mem>>)
      %dma_start3A_974 = arith.constant 0 : i32
      %dma_start3A_975 = arith.constant 3 : i32
      %dma_start3A_976 = arith.constant 0 : i32
      %dma_start3A_977 = arith.constant 24 : i32
      %dma_start3A_978 = arith.constant 0 : i32
      %dma_start3A_979 = tpu.memref_slice %arg7[%dma_start3A_974, %dma_start3A_977, %dma_start3A_978] : memref<4x64x129xf32, #tpu.memory_space<vmem>> -> memref<1x8x128xf32, #tpu.memory_space<vmem>>
      %dma_start3A_980 = tpu.memref_squeeze %dma_start3A_979 : memref<1x8x128xf32, #tpu.memory_space<vmem>> -> memref<8x128xf32, #tpu.memory_space<vmem>>
      %dma_start3A_981 = arith.constant 0 : i32
      %dma_start3A_982 = arith.constant 0 : i32
      %dma_start3A_983 = tpu.memref_slice %arg4[%select_n3A_908, %dma_start3A_975, %rem3A_910, %dma_start3A_981, %dma_start3A_982] : memref<200x8x32x8x128xf32, #tpu.memory_space<hbm>> -> memref<1x1x1x8x128xf32, #tpu.memory_space<hbm>>
      %dma_start3A_984 = tpu.memref_squeeze %dma_start3A_983 : memref<1x1x1x8x128xf32, #tpu.memory_space<hbm>> -> memref<8x128xf32, #tpu.memory_space<hbm>>
      %dma_start3A_985 = tpu.memref_slice %arg9[%dma_start3A_976] : memref<4x!tpu.dma_semaphore, #tpu.memory_space<semaphore_mem>> -> memref<1x!tpu.dma_semaphore, #tpu.memory_space<semaphore_mem>>
      %dma_start3A_986 = tpu.memref_squeeze %dma_start3A_985 : memref<1x!tpu.dma_semaphore, #tpu.memory_space<semaphore_mem>> -> memref<!tpu.dma_semaphore, #tpu.memory_space<semaphore_mem>>
      %dma_start3A_987 = arith.constant 0 : i32
      %dma_start3A_988 = arith.constant 0 : i32
      %dma_start3A_989 = tpu.memref_slice %arg4[%select_n3A_908, %dma_start3A_975, %rem3A_910, %dma_start3A_987, %dma_start3A_988] : memref<200x8x32x8x128xf32, #tpu.memory_space<hbm>> -> memref<1x1x1x8x128xf32, #tpu.memory_space<hbm>>
      %dma_start3A_990 = tpu.memref_squeeze %dma_start3A_989 : memref<1x1x1x8x128xf32, #tpu.memory_space<hbm>> -> memref<8x128xf32, #tpu.memory_space<hbm>>
      %dma_start3A_991 = arith.constant 24 : i32
      %dma_start3A_992 = arith.constant 0 : i32
      %dma_start3A_993 = tpu.memref_slice %arg7[%dma_start3A_974, %dma_start3A_991, %dma_start3A_992] : memref<4x64x129xf32, #tpu.memory_space<vmem>> -> memref<1x8x128xf32, #tpu.memory_space<vmem>>
      %dma_start3A_994 = tpu.memref_squeeze %dma_start3A_993 : memref<1x8x128xf32, #tpu.memory_space<vmem>> -> memref<8x128xf32, #tpu.memory_space<vmem>>
      tpu.enqueue_dma source(%dma_start3A_994 : memref<8x128xf32, #tpu.memory_space<vmem>>) target(%dma_start3A_990 : memref<8x128xf32, #tpu.memory_space<hbm>>) target_semaphore(%dma_start3A_986 : memref<!tpu.dma_semaphore, #tpu.memory_space<semaphore_mem>>)
      %dma_start3A_995 = arith.constant 0 : i32
      %dma_start3A_996 = arith.constant 4 : i32
      %dma_start3A_997 = arith.constant 0 : i32
      %dma_start3A_998 = arith.constant 32 : i32
      %dma_start3A_999 = arith.constant 0 : i32
      %dma_start3A_1000 = tpu.memref_slice %arg7[%dma_start3A_995, %dma_start3A_998, %dma_start3A_999] : memref<4x64x129xf32, #tpu.memory_space<vmem>> -> memref<1x8x128xf32, #tpu.memory_space<vmem>>
      %dma_start3A_1001 = tpu.memref_squeeze %dma_start3A_1000 : memref<1x8x128xf32, #tpu.memory_space<vmem>> -> memref<8x128xf32, #tpu.memory_space<vmem>>
      %dma_start3A_1002 = arith.constant 0 : i32
      %dma_start3A_1003 = arith.constant 0 : i32
      %dma_start3A_1004 = tpu.memref_slice %arg4[%select_n3A_908, %dma_start3A_996, %rem3A_910, %dma_start3A_1002, %dma_start3A_1003] : memref<200x8x32x8x128xf32, #tpu.memory_space<hbm>> -> memref<1x1x1x8x128xf32, #tpu.memory_space<hbm>>
      %dma_start3A_1005 = tpu.memref_squeeze %dma_start3A_1004 : memref<1x1x1x8x128xf32, #tpu.memory_space<hbm>> -> memref<8x128xf32, #tpu.memory_space<hbm>>
      %dma_start3A_1006 = tpu.memref_slice %arg9[%dma_start3A_997] : memref<4x!tpu.dma_semaphore, #tpu.memory_space<semaphore_mem>> -> memref<1x!tpu.dma_semaphore, #tpu.memory_space<semaphore_mem>>
      %dma_start3A_1007 = tpu.memref_squeeze %dma_start3A_1006 : memref<1x!tpu.dma_semaphore, #tpu.memory_space<semaphore_mem>> -> memref<!tpu.dma_semaphore, #tpu.memory_space<semaphore_mem>>
      %dma_start3A_1008 = arith.constant 0 : i32
      %dma_start3A_1009 = arith.constant 0 : i32
      %dma_start3A_1010 = tpu.memref_slice %arg4[%select_n3A_908, %dma_start3A_996, %rem3A_910, %dma_start3A_1008, %dma_start3A_1009] : memref<200x8x32x8x128xf32, #tpu.memory_space<hbm>> -> memref<1x1x1x8x128xf32, #tpu.memory_space<hbm>>
      %dma_start3A_1011 = tpu.memref_squeeze %dma_start3A_1010 : memref<1x1x1x8x128xf32, #tpu.memory_space<hbm>> -> memref<8x128xf32, #tpu.memory_space<hbm>>
      %dma_start3A_1012 = arith.constant 32 : i32
      %dma_start3A_1013 = arith.constant 0 : i32
      %dma_start3A_1014 = tpu.memref_slice %arg7[%dma_start3A_995, %dma_start3A_1012, %dma_start3A_1013] : memref<4x64x129xf32, #tpu.memory_space<vmem>> -> memref<1x8x128xf32, #tpu.memory_space<vmem>>
      %dma_start3A_1015 = tpu.memref_squeeze %dma_start3A_1014 : memref<1x8x128xf32, #tpu.memory_space<vmem>> -> memref<8x128xf32, #tpu.memory_space<vmem>>
      tpu.enqueue_dma source(%dma_start3A_1015 : memref<8x128xf32, #tpu.memory_space<vmem>>) target(%dma_start3A_1011 : memref<8x128xf32, #tpu.memory_space<hbm>>) target_semaphore(%dma_start3A_1007 : memref<!tpu.dma_semaphore, #tpu.memory_space<semaphore_mem>>)
      %dma_start3A_1016 = arith.constant 0 : i32
      %dma_start3A_1017 = arith.constant 5 : i32
      %dma_start3A_1018 = arith.constant 0 : i32
      %dma_start3A_1019 = arith.constant 40 : i32
      %dma_start3A_1020 = arith.constant 0 : i32
      %dma_start3A_1021 = tpu.memref_slice %arg7[%dma_start3A_1016, %dma_start3A_1019, %dma_start3A_1020] : memref<4x64x129xf32, #tpu.memory_space<vmem>> -> memref<1x8x128xf32, #tpu.memory_space<vmem>>
      %dma_start3A_1022 = tpu.memref_squeeze %dma_start3A_1021 : memref<1x8x128xf32, #tpu.memory_space<vmem>> -> memref<8x128xf32, #tpu.memory_space<vmem>>
      %dma_start3A_1023 = arith.constant 0 : i32
      %dma_start3A_1024 = arith.constant 0 : i32
      %dma_start3A_1025 = tpu.memref_slice %arg4[%select_n3A_908, %dma_start3A_1017, %rem3A_910, %dma_start3A_1023, %dma_start3A_1024] : memref<200x8x32x8x128xf32, #tpu.memory_space<hbm>> -> memref<1x1x1x8x128xf32, #tpu.memory_space<hbm>>
      %dma_start3A_1026 = tpu.memref_squeeze %dma_start3A_1025 : memref<1x1x1x8x128xf32, #tpu.memory_space<hbm>> -> memref<8x128xf32, #tpu.memory_space<hbm>>
      %dma_start3A_1027 = tpu.memref_slice %arg9[%dma_start3A_1018] : memref<4x!tpu.dma_semaphore, #tpu.memory_space<semaphore_mem>> -> memref<1x!tpu.dma_semaphore, #tpu.memory_space<semaphore_mem>>
      %dma_start3A_1028 = tpu.memref_squeeze %dma_start3A_1027 : memref<1x!tpu.dma_semaphore, #tpu.memory_space<semaphore_mem>> -> memref<!tpu.dma_semaphore, #tpu.memory_space<semaphore_mem>>
      %dma_start3A_1029 = arith.constant 0 : i32
      %dma_start3A_1030 = arith.constant 0 : i32
      %dma_start3A_1031 = tpu.memref_slice %arg4[%select_n3A_908, %dma_start3A_1017, %rem3A_910, %dma_start3A_1029, %dma_start3A_1030] : memref<200x8x32x8x128xf32, #tpu.memory_space<hbm>> -> memref<1x1x1x8x128xf32, #tpu.memory_space<hbm>>
      %dma_start3A_1032 = tpu.memref_squeeze %dma_start3A_1031 : memref<1x1x1x8x128xf32, #tpu.memory_space<hbm>> -> memref<8x128xf32, #tpu.memory_space<hbm>>
      %dma_start3A_1033 = arith.constant 40 : i32
      %dma_start3A_1034 = arith.constant 0 : i32
      %dma_start3A_1035 = tpu.memref_slice %arg7[%dma_start3A_1016, %dma_start3A_1033, %dma_start3A_1034] : memref<4x64x129xf32, #tpu.memory_space<vmem>> -> memref<1x8x128xf32, #tpu.memory_space<vmem>>
      %dma_start3A_1036 = tpu.memref_squeeze %dma_start3A_1035 : memref<1x8x128xf32, #tpu.memory_space<vmem>> -> memref<8x128xf32, #tpu.memory_space<vmem>>
      tpu.enqueue_dma source(%dma_start3A_1036 : memref<8x128xf32, #tpu.memory_space<vmem>>) target(%dma_start3A_1032 : memref<8x128xf32, #tpu.memory_space<hbm>>) target_semaphore(%dma_start3A_1028 : memref<!tpu.dma_semaphore, #tpu.memory_space<semaphore_mem>>)
      %dma_start3A_1037 = arith.constant 0 : i32
      %dma_start3A_1038 = arith.constant 6 : i32
      %dma_start3A_1039 = arith.constant 0 : i32
      %dma_start3A_1040 = arith.constant 48 : i32
      %dma_start3A_1041 = arith.constant 0 : i32
      %dma_start3A_1042 = tpu.memref_slice %arg7[%dma_start3A_1037, %dma_start3A_1040, %dma_start3A_1041] : memref<4x64x129xf32, #tpu.memory_space<vmem>> -> memref<1x8x128xf32, #tpu.memory_space<vmem>>
      %dma_start3A_1043 = tpu.memref_squeeze %dma_start3A_1042 : memref<1x8x128xf32, #tpu.memory_space<vmem>> -> memref<8x128xf32, #tpu.memory_space<vmem>>
      %dma_start3A_1044 = arith.constant 0 : i32
      %dma_start3A_1045 = arith.constant 0 : i32
      %dma_start3A_1046 = tpu.memref_slice %arg4[%select_n3A_908, %dma_start3A_1038, %rem3A_910, %dma_start3A_1044, %dma_start3A_1045] : memref<200x8x32x8x128xf32, #tpu.memory_space<hbm>> -> memref<1x1x1x8x128xf32, #tpu.memory_space<hbm>>
      %dma_start3A_1047 = tpu.memref_squeeze %dma_start3A_1046 : memref<1x1x1x8x128xf32, #tpu.memory_space<hbm>> -> memref<8x128xf32, #tpu.memory_space<hbm>>
      %dma_start3A_1048 = tpu.memref_slice %arg9[%dma_start3A_1039] : memref<4x!tpu.dma_semaphore, #tpu.memory_space<semaphore_mem>> -> memref<1x!tpu.dma_semaphore, #tpu.memory_space<semaphore_mem>>
      %dma_start3A_1049 = tpu.memref_squeeze %dma_start3A_1048 : memref<1x!tpu.dma_semaphore, #tpu.memory_space<semaphore_mem>> -> memref<!tpu.dma_semaphore, #tpu.memory_space<semaphore_mem>>
      %dma_start3A_1050 = arith.constant 0 : i32
      %dma_start3A_1051 = arith.constant 0 : i32
      %dma_start3A_1052 = tpu.memref_slice %arg4[%select_n3A_908, %dma_start3A_1038, %rem3A_910, %dma_start3A_1050, %dma_start3A_1051] : memref<200x8x32x8x128xf32, #tpu.memory_space<hbm>> -> memref<1x1x1x8x128xf32, #tpu.memory_space<hbm>>
      %dma_start3A_1053 = tpu.memref_squeeze %dma_start3A_1052 : memref<1x1x1x8x128xf32, #tpu.memory_space<hbm>> -> memref<8x128xf32, #tpu.memory_space<hbm>>
      %dma_start3A_1054 = arith.constant 48 : i32
      %dma_start3A_1055 = arith.constant 0 : i32
      %dma_start3A_1056 = tpu.memref_slice %arg7[%dma_start3A_1037, %dma_start3A_1054, %dma_start3A_1055] : memref<4x64x129xf32, #tpu.memory_space<vmem>> -> memref<1x8x128xf32, #tpu.memory_space<vmem>>
      %dma_start3A_1057 = tpu.memref_squeeze %dma_start3A_1056 : memref<1x8x128xf32, #tpu.memory_space<vmem>> -> memref<8x128xf32, #tpu.memory_space<vmem>>
      tpu.enqueue_dma source(%dma_start3A_1057 : memref<8x128xf32, #tpu.memory_space<vmem>>) target(%dma_start3A_1053 : memref<8x128xf32, #tpu.memory_space<hbm>>) target_semaphore(%dma_start3A_1049 : memref<!tpu.dma_semaphore, #tpu.memory_space<semaphore_mem>>)
      %dma_start3A_1058 = arith.constant 0 : i32
      %dma_start3A_1059 = arith.constant 7 : i32
      %dma_start3A_1060 = arith.constant 0 : i32
      %dma_start3A_1061 = arith.constant 56 : i32
      %dma_start3A_1062 = arith.constant 0 : i32
      %dma_start3A_1063 = tpu.memref_slice %arg7[%dma_start3A_1058, %dma_start3A_1061, %dma_start3A_1062] : memref<4x64x129xf32, #tpu.memory_space<vmem>> -> memref<1x8x128xf32, #tpu.memory_space<vmem>>
      %dma_start3A_1064 = tpu.memref_squeeze %dma_start3A_1063 : memref<1x8x128xf32, #tpu.memory_space<vmem>> -> memref<8x128xf32, #tpu.memory_space<vmem>>
      %dma_start3A_1065 = arith.constant 0 : i32
      %dma_start3A_1066 = arith.constant 0 : i32
      %dma_start3A_1067 = tpu.memref_slice %arg4[%select_n3A_908, %dma_start3A_1059, %rem3A_910, %dma_start3A_1065, %dma_start3A_1066] : memref<200x8x32x8x128xf32, #tpu.memory_space<hbm>> -> memref<1x1x1x8x128xf32, #tpu.memory_space<hbm>>
      %dma_start3A_1068 = tpu.memref_squeeze %dma_start3A_1067 : memref<1x1x1x8x128xf32, #tpu.memory_space<hbm>> -> memref<8x128xf32, #tpu.memory_space<hbm>>
      %dma_start3A_1069 = tpu.memref_slice %arg9[%dma_start3A_1060] : memref<4x!tpu.dma_semaphore, #tpu.memory_space<semaphore_mem>> -> memref<1x!tpu.dma_semaphore, #tpu.memory_space<semaphore_mem>>
      %dma_start3A_1070 = tpu.memref_squeeze %dma_start3A_1069 : memref<1x!tpu.dma_semaphore, #tpu.memory_space<semaphore_mem>> -> memref<!tpu.dma_semaphore, #tpu.memory_space<semaphore_mem>>
      %dma_start3A_1071 = arith.constant 0 : i32
      %dma_start3A_1072 = arith.constant 0 : i32
      %dma_start3A_1073 = tpu.memref_slice %arg4[%select_n3A_908, %dma_start3A_1059, %rem3A_910, %dma_start3A_1071, %dma_start3A_1072] : memref<200x8x32x8x128xf32, #tpu.memory_space<hbm>> -> memref<1x1x1x8x128xf32, #tpu.memory_space<hbm>>
      %dma_start3A_1074 = tpu.memref_squeeze %dma_start3A_1073 : memref<1x1x1x8x128xf32, #tpu.memory_space<hbm>> -> memref<8x128xf32, #tpu.memory_space<hbm>>
      %dma_start3A_1075 = arith.constant 56 : i32
      %dma_start3A_1076 = arith.constant 0 : i32
      %dma_start3A_1077 = tpu.memref_slice %arg7[%dma_start3A_1058, %dma_start3A_1075, %dma_start3A_1076] : memref<4x64x129xf32, #tpu.memory_space<vmem>> -> memref<1x8x128xf32, #tpu.memory_space<vmem>>
      %dma_start3A_1078 = tpu.memref_squeeze %dma_start3A_1077 : memref<1x8x128xf32, #tpu.memory_space<vmem>> -> memref<8x128xf32, #tpu.memory_space<vmem>>
      tpu.enqueue_dma source(%dma_start3A_1078 : memref<8x128xf32, #tpu.memory_space<vmem>>) target(%dma_start3A_1074 : memref<8x128xf32, #tpu.memory_space<hbm>>) target_semaphore(%dma_start3A_1070 : memref<!tpu.dma_semaphore, #tpu.memory_space<semaphore_mem>>)
      %add3A_1079 = arith.constant 4 : i32
      %add3A_1080 = arith.addi %add3A_862, %add3A_1079 : i32
      %lt3A = arith.constant 200 : i32
      %lt3A_1081 = arith.cmpi slt, %add3A_1080, %lt3A : i32
      %convert_element_type3A_1082 = arith.extui %lt3A_1081 : i1 to i32
      %cond3A_1083 = arith.constant 0 : i32
      %cond3A_1084 = arith.cmpi ne, %convert_element_type3A_1082, %cond3A_1083 : i32
      scf.if %cond3A_1084 {
        %add3A_1781 = arith.constant 4 : i32
        %add3A_1782 = arith.addi %add3A_862, %add3A_1781 : i32
        %dma_start3A_1783 = arith.constant 0 : i32
        %dma_start3A_1784 = arith.constant 0 : i32
        %dma_start3A_1785 = arith.constant 0 : i32
        %dma_start3A_1786 = arith.constant 0 : i32
        %dma_start3A_1787 = tpu.memref_slice %arg6[%dma_start3A_1783, %dma_start3A_1785, %dma_start3A_1786] : memref<4x128x64xf32, #tpu.memory_space<vmem>> -> memref<1x128x64xf32, #tpu.memory_space<vmem>>
        %dma_start3A_1788 = tpu.memref_squeeze %dma_start3A_1787 : memref<1x128x64xf32, #tpu.memory_space<vmem>> -> memref<128x64xf32, #tpu.memory_space<vmem>>
        %dma_start3A_1789 = arith.constant 0 : i32
        %dma_start3A_1790 = tpu.memref_slice %arg5[%add3A_1782, %dma_start3A_1789] : memref<200x128xi32, #tpu.memory_space<vmem>> -> memref<1x128xi32, #tpu.memory_space<vmem>>
        %dma_start3A_1791 = tpu.memref_squeeze %dma_start3A_1790 : memref<1x128xi32, #tpu.memory_space<vmem>> -> memref<128xi32, #tpu.memory_space<vmem>>
        %dma_start3A_1792 = arith.constant 0 : i32
        %dma_start3A_1793 = arith.constant 0 : i32
        %dma_start3A_1794 = tpu.memref_slice %arg3[%dma_start3A_1792, %dma_start3A_1793] : memref<1000000x64xf32, #tpu.memory_space<hbm>> -> memref<1000000x64xf32, #tpu.memory_space<hbm>>
        %dma_start3A_1795 = tpu.memref_slice %arg8[%dma_start3A_1784] : memref<4x!tpu.dma_semaphore, #tpu.memory_space<semaphore_mem>> -> memref<1x!tpu.dma_semaphore, #tpu.memory_space<semaphore_mem>>
        %dma_start3A_1796 = tpu.memref_squeeze %dma_start3A_1795 : memref<1x!tpu.dma_semaphore, #tpu.memory_space<semaphore_mem>> -> memref<!tpu.dma_semaphore, #tpu.memory_space<semaphore_mem>>
        tpu.enqueue_indirect_dma source(%dma_start3A_1794 : memref<1000000x64xf32, #tpu.memory_space<hbm>>) target(%dma_start3A_1788 : memref<128x64xf32, #tpu.memory_space<vmem>>) offsets(%dma_start3A_1791 : memref<128xi32, #tpu.memory_space<vmem>>) semaphore(%dma_start3A_1796 : memref<!tpu.dma_semaphore, #tpu.memory_space<semaphore_mem>>)
      } else {
      }
      %mul3A_1085 = arith.constant 4 : i32
      %mul3A_1086 = arith.muli %mul3A_1085, %scan3A_858 : i32
      %add3A_1087 = arith.constant 1 : i32
      %add3A_1088 = arith.addi %mul3A_1086, %add3A_1087 : i32
      %dma_wait3A_1089 = arith.constant 1 : i32
      %dma_wait3A_1090 = arith.constant 1 : i32
      %dma_wait3A_1091 = arith.constant 0 : i32
      %dma_wait3A_1092 = arith.constant 0 : i32
      %dma_wait3A_1093 = tpu.memref_slice %arg6[%dma_wait3A_1089, %dma_wait3A_1091, %dma_wait3A_1092] : memref<4x128x64xf32, #tpu.memory_space<vmem>> -> memref<1x128x64xf32, #tpu.memory_space<vmem>>
      %dma_wait3A_1094 = tpu.memref_squeeze %dma_wait3A_1093 : memref<1x128x64xf32, #tpu.memory_space<vmem>> -> memref<128x64xf32, #tpu.memory_space<vmem>>
      %dma_wait3A_1095 = arith.constant 0 : i32
      %dma_wait3A_1096 = tpu.memref_slice %arg5[%add3A_1088, %dma_wait3A_1095] : memref<200x128xi32, #tpu.memory_space<vmem>> -> memref<1x128xi32, #tpu.memory_space<vmem>>
      %dma_wait3A_1097 = tpu.memref_squeeze %dma_wait3A_1096 : memref<1x128xi32, #tpu.memory_space<vmem>> -> memref<128xi32, #tpu.memory_space<vmem>>
      %dma_wait3A_1098 = arith.constant 0 : i32
      %dma_wait3A_1099 = arith.constant 0 : i32
      %dma_wait3A_1100 = tpu.memref_slice %arg3[%dma_wait3A_1098, %dma_wait3A_1099] : memref<1000000x64xf32, #tpu.memory_space<hbm>> -> memref<1000000x64xf32, #tpu.memory_space<hbm>>
      %dma_wait3A_1101 = tpu.memref_slice %arg8[%dma_wait3A_1090] : memref<4x!tpu.dma_semaphore, #tpu.memory_space<semaphore_mem>> -> memref<1x!tpu.dma_semaphore, #tpu.memory_space<semaphore_mem>>
      %dma_wait3A_1102 = tpu.memref_squeeze %dma_wait3A_1101 : memref<1x!tpu.dma_semaphore, #tpu.memory_space<semaphore_mem>> -> memref<!tpu.dma_semaphore, #tpu.memory_space<semaphore_mem>>
      tpu.wait_indirect_dma semaphore(%dma_wait3A_1102 : memref<!tpu.dma_semaphore, #tpu.memory_space<semaphore_mem>>) src(%dma_wait3A_1100 : memref<1000000x64xf32, #tpu.memory_space<hbm>>) dst(%dma_wait3A_1094 : memref<128x64xf32, #tpu.memory_space<vmem>>)
      %ge3A_1103 = arith.constant 4 : i32
      %ge3A_1104 = arith.cmpi sge, %add3A_1088, %ge3A_1103 : i32
      %convert_element_type3A_1105 = arith.extui %ge3A_1104 : i1 to i32
      %cond3A_1106 = arith.constant 0 : i32
      %cond3A_1107 = arith.cmpi ne, %convert_element_type3A_1105, %cond3A_1106 : i32
      scf.if %cond3A_1107 {
        %sub3A_1781 = arith.constant 4 : i32
        %sub3A_1782 = arith.subi %add3A_1088, %sub3A_1781 : i32
        %add3A_1783 = arith.addi %mul3A_2, %sub3A_1782 : i32
        %jit3A_1784 = arith.constant 32 : i32
        %div3A_1785 = arith.divsi %add3A_1783, %jit3A_1784 : i32
        %sign3A_1786 = arith.constant 0 : i32
        %sign3A_1787 = arith.cmpi sgt, %add3A_1783, %sign3A_1786 : i32
        %sign3A_1788 = arith.extui %sign3A_1787 : i1 to i32
        %sign3A_1789 = arith.constant 0 : i32
        %sign3A_1790 = arith.cmpi slt, %add3A_1783, %sign3A_1789 : i32
        %sign3A_1791 = arith.extui %sign3A_1790 : i1 to i32
        %sign3A_1792 = arith.subi %sign3A_1788, %sign3A_1791 : i32
        %sign3A_1793 = arith.constant 0 : i32
        %sign3A_1794 = arith.cmpi sgt, %jit3A_1784, %sign3A_1793 : i32
        %sign3A_1795 = arith.extui %sign3A_1794 : i1 to i32
        %sign3A_1796 = arith.constant 0 : i32
        %sign3A_1797 = arith.cmpi slt, %jit3A_1784, %sign3A_1796 : i32
        %sign3A_1798 = arith.extui %sign3A_1797 : i1 to i32
        %sign3A_1799 = arith.subi %sign3A_1795, %sign3A_1798 : i32
        %ne3A_1800 = arith.cmpi ne, %sign3A_1792, %sign3A_1799 : i32
        %rem3A_1801 = arith.remsi %add3A_1783, %jit3A_1784 : i32
        %ne3A_1802 = arith.constant 0 : i32
        %ne3A_1803 = arith.cmpi ne, %rem3A_1801, %ne3A_1802 : i32
        %and3A_1804 = arith.andi %ne3A_1800, %ne3A_1803 : i1
        %sub3A_1805 = arith.constant 1 : i32
        %sub3A_1806 = arith.subi %div3A_1785, %sub3A_1805 : i32
        %select_n3A_1807 = arith.select %and3A_1804, %sub3A_1806, %div3A_1785 : i32
        %rem3A_1808 = arith.constant 32 : i32
        %rem3A_1809 = arith.remsi %add3A_1783, %rem3A_1808 : i32
        %dma_wait3A_1810 = arith.constant 1 : i32
        %dma_wait3A_1811 = arith.constant 0 : i32
        %dma_wait3A_1812 = arith.constant 1 : i32
        %dma_wait3A_1813 = arith.constant 0 : i32
        %dma_wait3A_1814 = arith.constant 0 : i32
        %dma_wait3A_1815 = tpu.memref_slice %arg7[%dma_wait3A_1810, %dma_wait3A_1813, %dma_wait3A_1814] : memref<4x64x129xf32, #tpu.memory_space<vmem>> -> memref<1x8x128xf32, #tpu.memory_space<vmem>>
        %dma_wait3A_1816 = tpu.memref_squeeze %dma_wait3A_1815 : memref<1x8x128xf32, #tpu.memory_space<vmem>> -> memref<8x128xf32, #tpu.memory_space<vmem>>
        %dma_wait3A_1817 = arith.constant 0 : i32
        %dma_wait3A_1818 = arith.constant 0 : i32
        %dma_wait3A_1819 = tpu.memref_slice %arg4[%select_n3A_1807, %dma_wait3A_1811, %rem3A_1809, %dma_wait3A_1817, %dma_wait3A_1818] : memref<200x8x32x8x128xf32, #tpu.memory_space<hbm>> -> memref<1x1x1x8x128xf32, #tpu.memory_space<hbm>>
        %dma_wait3A_1820 = tpu.memref_squeeze %dma_wait3A_1819 : memref<1x1x1x8x128xf32, #tpu.memory_space<hbm>> -> memref<8x128xf32, #tpu.memory_space<hbm>>
        %dma_wait3A_1821 = tpu.memref_slice %arg9[%dma_wait3A_1812] : memref<4x!tpu.dma_semaphore, #tpu.memory_space<semaphore_mem>> -> memref<1x!tpu.dma_semaphore, #tpu.memory_space<semaphore_mem>>
        %dma_wait3A_1822 = tpu.memref_squeeze %dma_wait3A_1821 : memref<1x!tpu.dma_semaphore, #tpu.memory_space<semaphore_mem>> -> memref<!tpu.dma_semaphore, #tpu.memory_space<semaphore_mem>>
        %dma_wait3A_1823 = arith.constant 0 : i32
        %dma_wait3A_1824 = arith.constant 0 : i32
        %dma_wait3A_1825 = tpu.memref_slice %arg4[%select_n3A_1807, %dma_wait3A_1811, %rem3A_1809, %dma_wait3A_1823, %dma_wait3A_1824] : memref<200x8x32x8x128xf32, #tpu.memory_space<hbm>> -> memref<1x1x1x8x128xf32, #tpu.memory_space<hbm>>
        %dma_wait3A_1826 = tpu.memref_squeeze %dma_wait3A_1825 : memref<1x1x1x8x128xf32, #tpu.memory_space<hbm>> -> memref<8x128xf32, #tpu.memory_space<hbm>>
        %dma_wait3A_1827 = arith.constant 0 : i32
        %dma_wait3A_1828 = arith.constant 0 : i32
        %dma_wait3A_1829 = tpu.memref_slice %arg7[%dma_wait3A_1810, %dma_wait3A_1827, %dma_wait3A_1828] : memref<4x64x129xf32, #tpu.memory_space<vmem>> -> memref<1x8x128xf32, #tpu.memory_space<vmem>>
        %dma_wait3A_1830 = tpu.memref_squeeze %dma_wait3A_1829 : memref<1x8x128xf32, #tpu.memory_space<vmem>> -> memref<8x128xf32, #tpu.memory_space<vmem>>
        tpu.wait_dma2 semaphore(%dma_wait3A_1822 : memref<!tpu.dma_semaphore, #tpu.memory_space<semaphore_mem>>) src(%dma_wait3A_1830 : memref<8x128xf32, #tpu.memory_space<vmem>>) dst(%dma_wait3A_1826 : memref<8x128xf32, #tpu.memory_space<hbm>>)
        %dma_wait3A_1831 = arith.constant 1 : i32
        %dma_wait3A_1832 = arith.constant 1 : i32
        %dma_wait3A_1833 = arith.constant 1 : i32
        %dma_wait3A_1834 = arith.constant 8 : i32
        %dma_wait3A_1835 = arith.constant 0 : i32
        %dma_wait3A_1836 = tpu.memref_slice %arg7[%dma_wait3A_1831, %dma_wait3A_1834, %dma_wait3A_1835] : memref<4x64x129xf32, #tpu.memory_space<vmem>> -> memref<1x8x128xf32, #tpu.memory_space<vmem>>
        %dma_wait3A_1837 = tpu.memref_squeeze %dma_wait3A_1836 : memref<1x8x128xf32, #tpu.memory_space<vmem>> -> memref<8x128xf32, #tpu.memory_space<vmem>>
        %dma_wait3A_1838 = arith.constant 0 : i32
        %dma_wait3A_1839 = arith.constant 0 : i32
        %dma_wait3A_1840 = tpu.memref_slice %arg4[%select_n3A_1807, %dma_wait3A_1832, %rem3A_1809, %dma_wait3A_1838, %dma_wait3A_1839] : memref<200x8x32x8x128xf32, #tpu.memory_space<hbm>> -> memref<1x1x1x8x128xf32, #tpu.memory_space<hbm>>
        %dma_wait3A_1841 = tpu.memref_squeeze %dma_wait3A_1840 : memref<1x1x1x8x128xf32, #tpu.memory_space<hbm>> -> memref<8x128xf32, #tpu.memory_space<hbm>>
        %dma_wait3A_1842 = tpu.memref_slice %arg9[%dma_wait3A_1833] : memref<4x!tpu.dma_semaphore, #tpu.memory_space<semaphore_mem>> -> memref<1x!tpu.dma_semaphore, #tpu.memory_space<semaphore_mem>>
        %dma_wait3A_1843 = tpu.memref_squeeze %dma_wait3A_1842 : memref<1x!tpu.dma_semaphore, #tpu.memory_space<semaphore_mem>> -> memref<!tpu.dma_semaphore, #tpu.memory_space<semaphore_mem>>
        %dma_wait3A_1844 = arith.constant 0 : i32
        %dma_wait3A_1845 = arith.constant 0 : i32
        %dma_wait3A_1846 = tpu.memref_slice %arg4[%select_n3A_1807, %dma_wait3A_1832, %rem3A_1809, %dma_wait3A_1844, %dma_wait3A_1845] : memref<200x8x32x8x128xf32, #tpu.memory_space<hbm>> -> memref<1x1x1x8x128xf32, #tpu.memory_space<hbm>>
        %dma_wait3A_1847 = tpu.memref_squeeze %dma_wait3A_1846 : memref<1x1x1x8x128xf32, #tpu.memory_space<hbm>> -> memref<8x128xf32, #tpu.memory_space<hbm>>
        %dma_wait3A_1848 = arith.constant 8 : i32
        %dma_wait3A_1849 = arith.constant 0 : i32
        %dma_wait3A_1850 = tpu.memref_slice %arg7[%dma_wait3A_1831, %dma_wait3A_1848, %dma_wait3A_1849] : memref<4x64x129xf32, #tpu.memory_space<vmem>> -> memref<1x8x128xf32, #tpu.memory_space<vmem>>
        %dma_wait3A_1851 = tpu.memref_squeeze %dma_wait3A_1850 : memref<1x8x128xf32, #tpu.memory_space<vmem>> -> memref<8x128xf32, #tpu.memory_space<vmem>>
        tpu.wait_dma2 semaphore(%dma_wait3A_1843 : memref<!tpu.dma_semaphore, #tpu.memory_space<semaphore_mem>>) src(%dma_wait3A_1851 : memref<8x128xf32, #tpu.memory_space<vmem>>) dst(%dma_wait3A_1847 : memref<8x128xf32, #tpu.memory_space<hbm>>)
        %dma_wait3A_1852 = arith.constant 1 : i32
        %dma_wait3A_1853 = arith.constant 2 : i32
        %dma_wait3A_1854 = arith.constant 1 : i32
        %dma_wait3A_1855 = arith.constant 16 : i32
        %dma_wait3A_1856 = arith.constant 0 : i32
        %dma_wait3A_1857 = tpu.memref_slice %arg7[%dma_wait3A_1852, %dma_wait3A_1855, %dma_wait3A_1856] : memref<4x64x129xf32, #tpu.memory_space<vmem>> -> memref<1x8x128xf32, #tpu.memory_space<vmem>>
        %dma_wait3A_1858 = tpu.memref_squeeze %dma_wait3A_1857 : memref<1x8x128xf32, #tpu.memory_space<vmem>> -> memref<8x128xf32, #tpu.memory_space<vmem>>
        %dma_wait3A_1859 = arith.constant 0 : i32
        %dma_wait3A_1860 = arith.constant 0 : i32
        %dma_wait3A_1861 = tpu.memref_slice %arg4[%select_n3A_1807, %dma_wait3A_1853, %rem3A_1809, %dma_wait3A_1859, %dma_wait3A_1860] : memref<200x8x32x8x128xf32, #tpu.memory_space<hbm>> -> memref<1x1x1x8x128xf32, #tpu.memory_space<hbm>>
        %dma_wait3A_1862 = tpu.memref_squeeze %dma_wait3A_1861 : memref<1x1x1x8x128xf32, #tpu.memory_space<hbm>> -> memref<8x128xf32, #tpu.memory_space<hbm>>
        %dma_wait3A_1863 = tpu.memref_slice %arg9[%dma_wait3A_1854] : memref<4x!tpu.dma_semaphore, #tpu.memory_space<semaphore_mem>> -> memref<1x!tpu.dma_semaphore, #tpu.memory_space<semaphore_mem>>
        %dma_wait3A_1864 = tpu.memref_squeeze %dma_wait3A_1863 : memref<1x!tpu.dma_semaphore, #tpu.memory_space<semaphore_mem>> -> memref<!tpu.dma_semaphore, #tpu.memory_space<semaphore_mem>>
        %dma_wait3A_1865 = arith.constant 0 : i32
        %dma_wait3A_1866 = arith.constant 0 : i32
        %dma_wait3A_1867 = tpu.memref_slice %arg4[%select_n3A_1807, %dma_wait3A_1853, %rem3A_1809, %dma_wait3A_1865, %dma_wait3A_1866] : memref<200x8x32x8x128xf32, #tpu.memory_space<hbm>> -> memref<1x1x1x8x128xf32, #tpu.memory_space<hbm>>
        %dma_wait3A_1868 = tpu.memref_squeeze %dma_wait3A_1867 : memref<1x1x1x8x128xf32, #tpu.memory_space<hbm>> -> memref<8x128xf32, #tpu.memory_space<hbm>>
        %dma_wait3A_1869 = arith.constant 16 : i32
        %dma_wait3A_1870 = arith.constant 0 : i32
        %dma_wait3A_1871 = tpu.memref_slice %arg7[%dma_wait3A_1852, %dma_wait3A_1869, %dma_wait3A_1870] : memref<4x64x129xf32, #tpu.memory_space<vmem>> -> memref<1x8x128xf32, #tpu.memory_space<vmem>>
        %dma_wait3A_1872 = tpu.memref_squeeze %dma_wait3A_1871 : memref<1x8x128xf32, #tpu.memory_space<vmem>> -> memref<8x128xf32, #tpu.memory_space<vmem>>
        tpu.wait_dma2 semaphore(%dma_wait3A_1864 : memref<!tpu.dma_semaphore, #tpu.memory_space<semaphore_mem>>) src(%dma_wait3A_1872 : memref<8x128xf32, #tpu.memory_space<vmem>>) dst(%dma_wait3A_1868 : memref<8x128xf32, #tpu.memory_space<hbm>>)
        %dma_wait3A_1873 = arith.constant 1 : i32
        %dma_wait3A_1874 = arith.constant 3 : i32
        %dma_wait3A_1875 = arith.constant 1 : i32
        %dma_wait3A_1876 = arith.constant 24 : i32
        %dma_wait3A_1877 = arith.constant 0 : i32
        %dma_wait3A_1878 = tpu.memref_slice %arg7[%dma_wait3A_1873, %dma_wait3A_1876, %dma_wait3A_1877] : memref<4x64x129xf32, #tpu.memory_space<vmem>> -> memref<1x8x128xf32, #tpu.memory_space<vmem>>
        %dma_wait3A_1879 = tpu.memref_squeeze %dma_wait3A_1878 : memref<1x8x128xf32, #tpu.memory_space<vmem>> -> memref<8x128xf32, #tpu.memory_space<vmem>>
        %dma_wait3A_1880 = arith.constant 0 : i32
        %dma_wait3A_1881 = arith.constant 0 : i32
        %dma_wait3A_1882 = tpu.memref_slice %arg4[%select_n3A_1807, %dma_wait3A_1874, %rem3A_1809, %dma_wait3A_1880, %dma_wait3A_1881] : memref<200x8x32x8x128xf32, #tpu.memory_space<hbm>> -> memref<1x1x1x8x128xf32, #tpu.memory_space<hbm>>
        %dma_wait3A_1883 = tpu.memref_squeeze %dma_wait3A_1882 : memref<1x1x1x8x128xf32, #tpu.memory_space<hbm>> -> memref<8x128xf32, #tpu.memory_space<hbm>>
        %dma_wait3A_1884 = tpu.memref_slice %arg9[%dma_wait3A_1875] : memref<4x!tpu.dma_semaphore, #tpu.memory_space<semaphore_mem>> -> memref<1x!tpu.dma_semaphore, #tpu.memory_space<semaphore_mem>>
        %dma_wait3A_1885 = tpu.memref_squeeze %dma_wait3A_1884 : memref<1x!tpu.dma_semaphore, #tpu.memory_space<semaphore_mem>> -> memref<!tpu.dma_semaphore, #tpu.memory_space<semaphore_mem>>
        %dma_wait3A_1886 = arith.constant 0 : i32
        %dma_wait3A_1887 = arith.constant 0 : i32
        %dma_wait3A_1888 = tpu.memref_slice %arg4[%select_n3A_1807, %dma_wait3A_1874, %rem3A_1809, %dma_wait3A_1886, %dma_wait3A_1887] : memref<200x8x32x8x128xf32, #tpu.memory_space<hbm>> -> memref<1x1x1x8x128xf32, #tpu.memory_space<hbm>>
        %dma_wait3A_1889 = tpu.memref_squeeze %dma_wait3A_1888 : memref<1x1x1x8x128xf32, #tpu.memory_space<hbm>> -> memref<8x128xf32, #tpu.memory_space<hbm>>
        %dma_wait3A_1890 = arith.constant 24 : i32
        %dma_wait3A_1891 = arith.constant 0 : i32
        %dma_wait3A_1892 = tpu.memref_slice %arg7[%dma_wait3A_1873, %dma_wait3A_1890, %dma_wait3A_1891] : memref<4x64x129xf32, #tpu.memory_space<vmem>> -> memref<1x8x128xf32, #tpu.memory_space<vmem>>
        %dma_wait3A_1893 = tpu.memref_squeeze %dma_wait3A_1892 : memref<1x8x128xf32, #tpu.memory_space<vmem>> -> memref<8x128xf32, #tpu.memory_space<vmem>>
        tpu.wait_dma2 semaphore(%dma_wait3A_1885 : memref<!tpu.dma_semaphore, #tpu.memory_space<semaphore_mem>>) src(%dma_wait3A_1893 : memref<8x128xf32, #tpu.memory_space<vmem>>) dst(%dma_wait3A_1889 : memref<8x128xf32, #tpu.memory_space<hbm>>)
        %dma_wait3A_1894 = arith.constant 1 : i32
        %dma_wait3A_1895 = arith.constant 4 : i32
        %dma_wait3A_1896 = arith.constant 1 : i32
        %dma_wait3A_1897 = arith.constant 32 : i32
        %dma_wait3A_1898 = arith.constant 0 : i32
        %dma_wait3A_1899 = tpu.memref_slice %arg7[%dma_wait3A_1894, %dma_wait3A_1897, %dma_wait3A_1898] : memref<4x64x129xf32, #tpu.memory_space<vmem>> -> memref<1x8x128xf32, #tpu.memory_space<vmem>>
        %dma_wait3A_1900 = tpu.memref_squeeze %dma_wait3A_1899 : memref<1x8x128xf32, #tpu.memory_space<vmem>> -> memref<8x128xf32, #tpu.memory_space<vmem>>
        %dma_wait3A_1901 = arith.constant 0 : i32
        %dma_wait3A_1902 = arith.constant 0 : i32
        %dma_wait3A_1903 = tpu.memref_slice %arg4[%select_n3A_1807, %dma_wait3A_1895, %rem3A_1809, %dma_wait3A_1901, %dma_wait3A_1902] : memref<200x8x32x8x128xf32, #tpu.memory_space<hbm>> -> memref<1x1x1x8x128xf32, #tpu.memory_space<hbm>>
        %dma_wait3A_1904 = tpu.memref_squeeze %dma_wait3A_1903 : memref<1x1x1x8x128xf32, #tpu.memory_space<hbm>> -> memref<8x128xf32, #tpu.memory_space<hbm>>
        %dma_wait3A_1905 = tpu.memref_slice %arg9[%dma_wait3A_1896] : memref<4x!tpu.dma_semaphore, #tpu.memory_space<semaphore_mem>> -> memref<1x!tpu.dma_semaphore, #tpu.memory_space<semaphore_mem>>
        %dma_wait3A_1906 = tpu.memref_squeeze %dma_wait3A_1905 : memref<1x!tpu.dma_semaphore, #tpu.memory_space<semaphore_mem>> -> memref<!tpu.dma_semaphore, #tpu.memory_space<semaphore_mem>>
        %dma_wait3A_1907 = arith.constant 0 : i32
        %dma_wait3A_1908 = arith.constant 0 : i32
        %dma_wait3A_1909 = tpu.memref_slice %arg4[%select_n3A_1807, %dma_wait3A_1895, %rem3A_1809, %dma_wait3A_1907, %dma_wait3A_1908] : memref<200x8x32x8x128xf32, #tpu.memory_space<hbm>> -> memref<1x1x1x8x128xf32, #tpu.memory_space<hbm>>
        %dma_wait3A_1910 = tpu.memref_squeeze %dma_wait3A_1909 : memref<1x1x1x8x128xf32, #tpu.memory_space<hbm>> -> memref<8x128xf32, #tpu.memory_space<hbm>>
        %dma_wait3A_1911 = arith.constant 32 : i32
        %dma_wait3A_1912 = arith.constant 0 : i32
        %dma_wait3A_1913 = tpu.memref_slice %arg7[%dma_wait3A_1894, %dma_wait3A_1911, %dma_wait3A_1912] : memref<4x64x129xf32, #tpu.memory_space<vmem>> -> memref<1x8x128xf32, #tpu.memory_space<vmem>>
        %dma_wait3A_1914 = tpu.memref_squeeze %dma_wait3A_1913 : memref<1x8x128xf32, #tpu.memory_space<vmem>> -> memref<8x128xf32, #tpu.memory_space<vmem>>
        tpu.wait_dma2 semaphore(%dma_wait3A_1906 : memref<!tpu.dma_semaphore, #tpu.memory_space<semaphore_mem>>) src(%dma_wait3A_1914 : memref<8x128xf32, #tpu.memory_space<vmem>>) dst(%dma_wait3A_1910 : memref<8x128xf32, #tpu.memory_space<hbm>>)
        %dma_wait3A_1915 = arith.constant 1 : i32
        %dma_wait3A_1916 = arith.constant 5 : i32
        %dma_wait3A_1917 = arith.constant 1 : i32
        %dma_wait3A_1918 = arith.constant 40 : i32
        %dma_wait3A_1919 = arith.constant 0 : i32
        %dma_wait3A_1920 = tpu.memref_slice %arg7[%dma_wait3A_1915, %dma_wait3A_1918, %dma_wait3A_1919] : memref<4x64x129xf32, #tpu.memory_space<vmem>> -> memref<1x8x128xf32, #tpu.memory_space<vmem>>
        %dma_wait3A_1921 = tpu.memref_squeeze %dma_wait3A_1920 : memref<1x8x128xf32, #tpu.memory_space<vmem>> -> memref<8x128xf32, #tpu.memory_space<vmem>>
        %dma_wait3A_1922 = arith.constant 0 : i32
        %dma_wait3A_1923 = arith.constant 0 : i32
        %dma_wait3A_1924 = tpu.memref_slice %arg4[%select_n3A_1807, %dma_wait3A_1916, %rem3A_1809, %dma_wait3A_1922, %dma_wait3A_1923] : memref<200x8x32x8x128xf32, #tpu.memory_space<hbm>> -> memref<1x1x1x8x128xf32, #tpu.memory_space<hbm>>
        %dma_wait3A_1925 = tpu.memref_squeeze %dma_wait3A_1924 : memref<1x1x1x8x128xf32, #tpu.memory_space<hbm>> -> memref<8x128xf32, #tpu.memory_space<hbm>>
        %dma_wait3A_1926 = tpu.memref_slice %arg9[%dma_wait3A_1917] : memref<4x!tpu.dma_semaphore, #tpu.memory_space<semaphore_mem>> -> memref<1x!tpu.dma_semaphore, #tpu.memory_space<semaphore_mem>>
        %dma_wait3A_1927 = tpu.memref_squeeze %dma_wait3A_1926 : memref<1x!tpu.dma_semaphore, #tpu.memory_space<semaphore_mem>> -> memref<!tpu.dma_semaphore, #tpu.memory_space<semaphore_mem>>
        %dma_wait3A_1928 = arith.constant 0 : i32
        %dma_wait3A_1929 = arith.constant 0 : i32
        %dma_wait3A_1930 = tpu.memref_slice %arg4[%select_n3A_1807, %dma_wait3A_1916, %rem3A_1809, %dma_wait3A_1928, %dma_wait3A_1929] : memref<200x8x32x8x128xf32, #tpu.memory_space<hbm>> -> memref<1x1x1x8x128xf32, #tpu.memory_space<hbm>>
        %dma_wait3A_1931 = tpu.memref_squeeze %dma_wait3A_1930 : memref<1x1x1x8x128xf32, #tpu.memory_space<hbm>> -> memref<8x128xf32, #tpu.memory_space<hbm>>
        %dma_wait3A_1932 = arith.constant 40 : i32
        %dma_wait3A_1933 = arith.constant 0 : i32
        %dma_wait3A_1934 = tpu.memref_slice %arg7[%dma_wait3A_1915, %dma_wait3A_1932, %dma_wait3A_1933] : memref<4x64x129xf32, #tpu.memory_space<vmem>> -> memref<1x8x128xf32, #tpu.memory_space<vmem>>
        %dma_wait3A_1935 = tpu.memref_squeeze %dma_wait3A_1934 : memref<1x8x128xf32, #tpu.memory_space<vmem>> -> memref<8x128xf32, #tpu.memory_space<vmem>>
        tpu.wait_dma2 semaphore(%dma_wait3A_1927 : memref<!tpu.dma_semaphore, #tpu.memory_space<semaphore_mem>>) src(%dma_wait3A_1935 : memref<8x128xf32, #tpu.memory_space<vmem>>) dst(%dma_wait3A_1931 : memref<8x128xf32, #tpu.memory_space<hbm>>)
        %dma_wait3A_1936 = arith.constant 1 : i32
        %dma_wait3A_1937 = arith.constant 6 : i32
        %dma_wait3A_1938 = arith.constant 1 : i32
        %dma_wait3A_1939 = arith.constant 48 : i32
        %dma_wait3A_1940 = arith.constant 0 : i32
        %dma_wait3A_1941 = tpu.memref_slice %arg7[%dma_wait3A_1936, %dma_wait3A_1939, %dma_wait3A_1940] : memref<4x64x129xf32, #tpu.memory_space<vmem>> -> memref<1x8x128xf32, #tpu.memory_space<vmem>>
        %dma_wait3A_1942 = tpu.memref_squeeze %dma_wait3A_1941 : memref<1x8x128xf32, #tpu.memory_space<vmem>> -> memref<8x128xf32, #tpu.memory_space<vmem>>
        %dma_wait3A_1943 = arith.constant 0 : i32
        %dma_wait3A_1944 = arith.constant 0 : i32
        %dma_wait3A_1945 = tpu.memref_slice %arg4[%select_n3A_1807, %dma_wait3A_1937, %rem3A_1809, %dma_wait3A_1943, %dma_wait3A_1944] : memref<200x8x32x8x128xf32, #tpu.memory_space<hbm>> -> memref<1x1x1x8x128xf32, #tpu.memory_space<hbm>>
        %dma_wait3A_1946 = tpu.memref_squeeze %dma_wait3A_1945 : memref<1x1x1x8x128xf32, #tpu.memory_space<hbm>> -> memref<8x128xf32, #tpu.memory_space<hbm>>
        %dma_wait3A_1947 = tpu.memref_slice %arg9[%dma_wait3A_1938] : memref<4x!tpu.dma_semaphore, #tpu.memory_space<semaphore_mem>> -> memref<1x!tpu.dma_semaphore, #tpu.memory_space<semaphore_mem>>
        %dma_wait3A_1948 = tpu.memref_squeeze %dma_wait3A_1947 : memref<1x!tpu.dma_semaphore, #tpu.memory_space<semaphore_mem>> -> memref<!tpu.dma_semaphore, #tpu.memory_space<semaphore_mem>>
        %dma_wait3A_1949 = arith.constant 0 : i32
        %dma_wait3A_1950 = arith.constant 0 : i32
        %dma_wait3A_1951 = tpu.memref_slice %arg4[%select_n3A_1807, %dma_wait3A_1937, %rem3A_1809, %dma_wait3A_1949, %dma_wait3A_1950] : memref<200x8x32x8x128xf32, #tpu.memory_space<hbm>> -> memref<1x1x1x8x128xf32, #tpu.memory_space<hbm>>
        %dma_wait3A_1952 = tpu.memref_squeeze %dma_wait3A_1951 : memref<1x1x1x8x128xf32, #tpu.memory_space<hbm>> -> memref<8x128xf32, #tpu.memory_space<hbm>>
        %dma_wait3A_1953 = arith.constant 48 : i32
        %dma_wait3A_1954 = arith.constant 0 : i32
        %dma_wait3A_1955 = tpu.memref_slice %arg7[%dma_wait3A_1936, %dma_wait3A_1953, %dma_wait3A_1954] : memref<4x64x129xf32, #tpu.memory_space<vmem>> -> memref<1x8x128xf32, #tpu.memory_space<vmem>>
        %dma_wait3A_1956 = tpu.memref_squeeze %dma_wait3A_1955 : memref<1x8x128xf32, #tpu.memory_space<vmem>> -> memref<8x128xf32, #tpu.memory_space<vmem>>
        tpu.wait_dma2 semaphore(%dma_wait3A_1948 : memref<!tpu.dma_semaphore, #tpu.memory_space<semaphore_mem>>) src(%dma_wait3A_1956 : memref<8x128xf32, #tpu.memory_space<vmem>>) dst(%dma_wait3A_1952 : memref<8x128xf32, #tpu.memory_space<hbm>>)
        %dma_wait3A_1957 = arith.constant 1 : i32
        %dma_wait3A_1958 = arith.constant 7 : i32
        %dma_wait3A_1959 = arith.constant 1 : i32
        %dma_wait3A_1960 = arith.constant 56 : i32
        %dma_wait3A_1961 = arith.constant 0 : i32
        %dma_wait3A_1962 = tpu.memref_slice %arg7[%dma_wait3A_1957, %dma_wait3A_1960, %dma_wait3A_1961] : memref<4x64x129xf32, #tpu.memory_space<vmem>> -> memref<1x8x128xf32, #tpu.memory_space<vmem>>
        %dma_wait3A_1963 = tpu.memref_squeeze %dma_wait3A_1962 : memref<1x8x128xf32, #tpu.memory_space<vmem>> -> memref<8x128xf32, #tpu.memory_space<vmem>>
        %dma_wait3A_1964 = arith.constant 0 : i32
        %dma_wait3A_1965 = arith.constant 0 : i32
        %dma_wait3A_1966 = tpu.memref_slice %arg4[%select_n3A_1807, %dma_wait3A_1958, %rem3A_1809, %dma_wait3A_1964, %dma_wait3A_1965] : memref<200x8x32x8x128xf32, #tpu.memory_space<hbm>> -> memref<1x1x1x8x128xf32, #tpu.memory_space<hbm>>
        %dma_wait3A_1967 = tpu.memref_squeeze %dma_wait3A_1966 : memref<1x1x1x8x128xf32, #tpu.memory_space<hbm>> -> memref<8x128xf32, #tpu.memory_space<hbm>>
        %dma_wait3A_1968 = tpu.memref_slice %arg9[%dma_wait3A_1959] : memref<4x!tpu.dma_semaphore, #tpu.memory_space<semaphore_mem>> -> memref<1x!tpu.dma_semaphore, #tpu.memory_space<semaphore_mem>>
        %dma_wait3A_1969 = tpu.memref_squeeze %dma_wait3A_1968 : memref<1x!tpu.dma_semaphore, #tpu.memory_space<semaphore_mem>> -> memref<!tpu.dma_semaphore, #tpu.memory_space<semaphore_mem>>
        %dma_wait3A_1970 = arith.constant 0 : i32
        %dma_wait3A_1971 = arith.constant 0 : i32
        %dma_wait3A_1972 = tpu.memref_slice %arg4[%select_n3A_1807, %dma_wait3A_1958, %rem3A_1809, %dma_wait3A_1970, %dma_wait3A_1971] : memref<200x8x32x8x128xf32, #tpu.memory_space<hbm>> -> memref<1x1x1x8x128xf32, #tpu.memory_space<hbm>>
        %dma_wait3A_1973 = tpu.memref_squeeze %dma_wait3A_1972 : memref<1x1x1x8x128xf32, #tpu.memory_space<hbm>> -> memref<8x128xf32, #tpu.memory_space<hbm>>
        %dma_wait3A_1974 = arith.constant 56 : i32
        %dma_wait3A_1975 = arith.constant 0 : i32
        %dma_wait3A_1976 = tpu.memref_slice %arg7[%dma_wait3A_1957, %dma_wait3A_1974, %dma_wait3A_1975] : memref<4x64x129xf32, #tpu.memory_space<vmem>> -> memref<1x8x128xf32, #tpu.memory_space<vmem>>
        %dma_wait3A_1977 = tpu.memref_squeeze %dma_wait3A_1976 : memref<1x8x128xf32, #tpu.memory_space<vmem>> -> memref<8x128xf32, #tpu.memory_space<vmem>>
        tpu.wait_dma2 semaphore(%dma_wait3A_1969 : memref<!tpu.dma_semaphore, #tpu.memory_space<semaphore_mem>>) src(%dma_wait3A_1977 : memref<8x128xf32, #tpu.memory_space<vmem>>) dst(%dma_wait3A_1973 : memref<8x128xf32, #tpu.memory_space<hbm>>)
      } else {
      }
      %barrier3A_1108 = arith.constant 0 : index
      tpu.barrier barrier_id(%barrier3A_1108)
      %parallel_loop3A_1109 = arith.constant 0 : i32
      %parallel_loop3A_1110 = arith.constant 128 : i32
      %parallel_loop3A_1111 = arith.constant 1 : i32
      %parallel_loop3A_1112 = arith.constant 1 : i32
      %parallel_loop3A_1113 = scf.for %parallel_loop3A_1781 = %parallel_loop3A_1109 to %parallel_loop3A_1110 step %parallel_loop3A_1111 iter_args(%parallel_loop3A_1782 = %broadcast_in_dim3A_77) -> (vector<16xi32>)  : i32 {
        %parallel_loop3A_1783 = arith.constant 1 : i32
        %parallel_loop3A_1784 = arith.index_cast %parallel_loop3A_1783 : i32 to index
        %parallel_loop3A_1785 = arith.index_cast %parallel_loop3A_1781 : i32 to index
        %parallel_loop3A_1786 = arith.constant 0 : index
        %parallel_loop3A_1787 = tpu.vector_load %arg6[%parallel_loop3A_1784, %parallel_loop3A_1785, %parallel_loop3A_1786] {strides = array<i32>} : memref<4x128x64xf32, #tpu.memory_space<vmem>>, vector<16xf32>,
        %parallel_loop3A_1788 = arith.constant 8.000000e+00 : f32
        %parallel_loop3A_1789 = vector.broadcast %parallel_loop3A_1788 : f32 to vector<16xf32>
        %parallel_loop3A_1790 = arith.mulf %parallel_loop3A_1787, %parallel_loop3A_1789 : vector<16xf32>
        %parallel_loop3A_1791 = arith.constant 0 : i32
        %parallel_loop3A_1792 = arith.constant 0 : i32
        %parallel_loop3A_1793 = tpu.memref_slice %arg7[%parallel_loop3A_1112, %parallel_loop3A_1791, %parallel_loop3A_1792] : memref<4x64x129xf32, #tpu.memory_space<vmem>> -> memref<1x64x129xf32, #tpu.memory_space<vmem>>
        %parallel_loop3A_1794 = tpu.memref_squeeze %parallel_loop3A_1793 : memref<1x64x129xf32, #tpu.memory_space<vmem>> -> memref<64x129xf32, #tpu.memory_space<vmem>>
        tpu.vector_store_idx %parallel_loop3A_1794[%add3A_64, %parallel_loop3A_1782], %parallel_loop3A_1790 : memref<64x129xf32, #tpu.memory_space<vmem>>[vector<16xi32>, vector<16xi32>], vector<16xf32>,
        %parallel_loop3A_1795 = arith.constant 1 : i32
        %parallel_loop3A_1796 = arith.index_cast %parallel_loop3A_1795 : i32 to index
        %parallel_loop3A_1797 = arith.index_cast %parallel_loop3A_1781 : i32 to index
        %parallel_loop3A_1798 = arith.constant 16 : index
        %parallel_loop3A_1799 = tpu.vector_load %arg6[%parallel_loop3A_1796, %parallel_loop3A_1797, %parallel_loop3A_1798] {strides = array<i32>} : memref<4x128x64xf32, #tpu.memory_space<vmem>>, vector<16xf32>,
        %parallel_loop3A_1800 = arith.constant 8.000000e+00 : f32
        %parallel_loop3A_1801 = vector.broadcast %parallel_loop3A_1800 : f32 to vector<16xf32>
        %parallel_loop3A_1802 = arith.mulf %parallel_loop3A_1799, %parallel_loop3A_1801 : vector<16xf32>
        %parallel_loop3A_1803 = arith.constant 0 : i32
        %parallel_loop3A_1804 = arith.constant 0 : i32
        %parallel_loop3A_1805 = tpu.memref_slice %arg7[%parallel_loop3A_1112, %parallel_loop3A_1803, %parallel_loop3A_1804] : memref<4x64x129xf32, #tpu.memory_space<vmem>> -> memref<1x64x129xf32, #tpu.memory_space<vmem>>
        %parallel_loop3A_1806 = tpu.memref_squeeze %parallel_loop3A_1805 : memref<1x64x129xf32, #tpu.memory_space<vmem>> -> memref<64x129xf32, #tpu.memory_space<vmem>>
        tpu.vector_store_idx %parallel_loop3A_1806[%add3A_68, %parallel_loop3A_1782], %parallel_loop3A_1802 : memref<64x129xf32, #tpu.memory_space<vmem>>[vector<16xi32>, vector<16xi32>], vector<16xf32>,
        %parallel_loop3A_1807 = arith.constant 1 : i32
        %parallel_loop3A_1808 = arith.index_cast %parallel_loop3A_1807 : i32 to index
        %parallel_loop3A_1809 = arith.index_cast %parallel_loop3A_1781 : i32 to index
        %parallel_loop3A_1810 = arith.constant 32 : index
        %parallel_loop3A_1811 = tpu.vector_load %arg6[%parallel_loop3A_1808, %parallel_loop3A_1809, %parallel_loop3A_1810] {strides = array<i32>} : memref<4x128x64xf32, #tpu.memory_space<vmem>>, vector<16xf32>,
        %parallel_loop3A_1812 = arith.constant 8.000000e+00 : f32
        %parallel_loop3A_1813 = vector.broadcast %parallel_loop3A_1812 : f32 to vector<16xf32>
        %parallel_loop3A_1814 = arith.mulf %parallel_loop3A_1811, %parallel_loop3A_1813 : vector<16xf32>
        %parallel_loop3A_1815 = arith.constant 0 : i32
        %parallel_loop3A_1816 = arith.constant 0 : i32
        %parallel_loop3A_1817 = tpu.memref_slice %arg7[%parallel_loop3A_1112, %parallel_loop3A_1815, %parallel_loop3A_1816] : memref<4x64x129xf32, #tpu.memory_space<vmem>> -> memref<1x64x129xf32, #tpu.memory_space<vmem>>
        %parallel_loop3A_1818 = tpu.memref_squeeze %parallel_loop3A_1817 : memref<1x64x129xf32, #tpu.memory_space<vmem>> -> memref<64x129xf32, #tpu.memory_space<vmem>>
        tpu.vector_store_idx %parallel_loop3A_1818[%add3A_72, %parallel_loop3A_1782], %parallel_loop3A_1814 : memref<64x129xf32, #tpu.memory_space<vmem>>[vector<16xi32>, vector<16xi32>], vector<16xf32>,
        %parallel_loop3A_1819 = arith.constant 1 : i32
        %parallel_loop3A_1820 = arith.index_cast %parallel_loop3A_1819 : i32 to index
        %parallel_loop3A_1821 = arith.index_cast %parallel_loop3A_1781 : i32 to index
        %parallel_loop3A_1822 = arith.constant 48 : index
        %parallel_loop3A_1823 = tpu.vector_load %arg6[%parallel_loop3A_1820, %parallel_loop3A_1821, %parallel_loop3A_1822] {strides = array<i32>} : memref<4x128x64xf32, #tpu.memory_space<vmem>>, vector<16xf32>,
        %parallel_loop3A_1824 = arith.constant 8.000000e+00 : f32
        %parallel_loop3A_1825 = vector.broadcast %parallel_loop3A_1824 : f32 to vector<16xf32>
        %parallel_loop3A_1826 = arith.mulf %parallel_loop3A_1823, %parallel_loop3A_1825 : vector<16xf32>
        %parallel_loop3A_1827 = arith.constant 0 : i32
        %parallel_loop3A_1828 = arith.constant 0 : i32
        %parallel_loop3A_1829 = tpu.memref_slice %arg7[%parallel_loop3A_1112, %parallel_loop3A_1827, %parallel_loop3A_1828] : memref<4x64x129xf32, #tpu.memory_space<vmem>> -> memref<1x64x129xf32, #tpu.memory_space<vmem>>
        %parallel_loop3A_1830 = tpu.memref_squeeze %parallel_loop3A_1829 : memref<1x64x129xf32, #tpu.memory_space<vmem>> -> memref<64x129xf32, #tpu.memory_space<vmem>>
        tpu.vector_store_idx %parallel_loop3A_1830[%add3A_76, %parallel_loop3A_1782], %parallel_loop3A_1826 : memref<64x129xf32, #tpu.memory_space<vmem>>[vector<16xi32>, vector<16xi32>], vector<16xf32>,
        %parallel_loop3A_1831 = arith.constant 1 : i32
        %parallel_loop3A_1832 = vector.broadcast %parallel_loop3A_1831 : i32 to vector<16xi32>
        %parallel_loop3A_1833 = arith.addi %parallel_loop3A_1782, %parallel_loop3A_1832 : vector<16xi32>
        scf.yield %parallel_loop3A_1833 : vector<16xi32>
      } {sc.loop_unroll_factor = 8 : i64, sc.parallel_access}
      %barrier3A_1114 = arith.constant 0 : index
      tpu.barrier barrier_id(%barrier3A_1114)
      %add3A_1115 = arith.addi %mul3A_2, %add3A_1088 : i32
      %jit3A_1116 = arith.constant 32 : i32
      %div3A_1117 = arith.divsi %add3A_1115, %jit3A_1116 : i32
      %sign3A_1118 = arith.constant 0 : i32
      %sign3A_1119 = arith.cmpi sgt, %add3A_1115, %sign3A_1118 : i32
      %sign3A_1120 = arith.extui %sign3A_1119 : i1 to i32
      %sign3A_1121 = arith.constant 0 : i32
      %sign3A_1122 = arith.cmpi slt, %add3A_1115, %sign3A_1121 : i32
      %sign3A_1123 = arith.extui %sign3A_1122 : i1 to i32
      %sign3A_1124 = arith.subi %sign3A_1120, %sign3A_1123 : i32
      %sign3A_1125 = arith.constant 0 : i32
      %sign3A_1126 = arith.cmpi sgt, %jit3A_1116, %sign3A_1125 : i32
      %sign3A_1127 = arith.extui %sign3A_1126 : i1 to i32
      %sign3A_1128 = arith.constant 0 : i32
      %sign3A_1129 = arith.cmpi slt, %jit3A_1116, %sign3A_1128 : i32
      %sign3A_1130 = arith.extui %sign3A_1129 : i1 to i32
      %sign3A_1131 = arith.subi %sign3A_1127, %sign3A_1130 : i32
      %ne3A_1132 = arith.cmpi ne, %sign3A_1124, %sign3A_1131 : i32
      %rem3A_1133 = arith.remsi %add3A_1115, %jit3A_1116 : i32
      %ne3A_1134 = arith.constant 0 : i32
      %ne3A_1135 = arith.cmpi ne, %rem3A_1133, %ne3A_1134 : i32
      %and3A_1136 = arith.andi %ne3A_1132, %ne3A_1135 : i1
      %sub3A_1137 = arith.constant 1 : i32
      %sub3A_1138 = arith.subi %div3A_1117, %sub3A_1137 : i32
      %select_n3A_1139 = arith.select %and3A_1136, %sub3A_1138, %div3A_1117 : i32
      %rem3A_1140 = arith.constant 32 : i32
      %rem3A_1141 = arith.remsi %add3A_1115, %rem3A_1140 : i32
      %dma_start3A_1142 = arith.constant 1 : i32
      %dma_start3A_1143 = arith.constant 0 : i32
      %dma_start3A_1144 = arith.constant 1 : i32
      %dma_start3A_1145 = arith.constant 0 : i32
      %dma_start3A_1146 = arith.constant 0 : i32
      %dma_start3A_1147 = tpu.memref_slice %arg7[%dma_start3A_1142, %dma_start3A_1145, %dma_start3A_1146] : memref<4x64x129xf32, #tpu.memory_space<vmem>> -> memref<1x8x128xf32, #tpu.memory_space<vmem>>
      %dma_start3A_1148 = tpu.memref_squeeze %dma_start3A_1147 : memref<1x8x128xf32, #tpu.memory_space<vmem>> -> memref<8x128xf32, #tpu.memory_space<vmem>>
      %dma_start3A_1149 = arith.constant 0 : i32
      %dma_start3A_1150 = arith.constant 0 : i32
      %dma_start3A_1151 = tpu.memref_slice %arg4[%select_n3A_1139, %dma_start3A_1143, %rem3A_1141, %dma_start3A_1149, %dma_start3A_1150] : memref<200x8x32x8x128xf32, #tpu.memory_space<hbm>> -> memref<1x1x1x8x128xf32, #tpu.memory_space<hbm>>
      %dma_start3A_1152 = tpu.memref_squeeze %dma_start3A_1151 : memref<1x1x1x8x128xf32, #tpu.memory_space<hbm>> -> memref<8x128xf32, #tpu.memory_space<hbm>>
      %dma_start3A_1153 = tpu.memref_slice %arg9[%dma_start3A_1144] : memref<4x!tpu.dma_semaphore, #tpu.memory_space<semaphore_mem>> -> memref<1x!tpu.dma_semaphore, #tpu.memory_space<semaphore_mem>>
      %dma_start3A_1154 = tpu.memref_squeeze %dma_start3A_1153 : memref<1x!tpu.dma_semaphore, #tpu.memory_space<semaphore_mem>> -> memref<!tpu.dma_semaphore, #tpu.memory_space<semaphore_mem>>
      %dma_start3A_1155 = arith.constant 0 : i32
      %dma_start3A_1156 = arith.constant 0 : i32
      %dma_start3A_1157 = tpu.memref_slice %arg4[%select_n3A_1139, %dma_start3A_1143, %rem3A_1141, %dma_start3A_1155, %dma_start3A_1156] : memref<200x8x32x8x128xf32, #tpu.memory_space<hbm>> -> memref<1x1x1x8x128xf32, #tpu.memory_space<hbm>>
      %dma_start3A_1158 = tpu.memref_squeeze %dma_start3A_1157 : memref<1x1x1x8x128xf32, #tpu.memory_space<hbm>> -> memref<8x128xf32, #tpu.memory_space<hbm>>
      %dma_start3A_1159 = arith.constant 0 : i32
      %dma_start3A_1160 = arith.constant 0 : i32
      %dma_start3A_1161 = tpu.memref_slice %arg7[%dma_start3A_1142, %dma_start3A_1159, %dma_start3A_1160] : memref<4x64x129xf32, #tpu.memory_space<vmem>> -> memref<1x8x128xf32, #tpu.memory_space<vmem>>
      %dma_start3A_1162 = tpu.memref_squeeze %dma_start3A_1161 : memref<1x8x128xf32, #tpu.memory_space<vmem>> -> memref<8x128xf32, #tpu.memory_space<vmem>>
      tpu.enqueue_dma source(%dma_start3A_1162 : memref<8x128xf32, #tpu.memory_space<vmem>>) target(%dma_start3A_1158 : memref<8x128xf32, #tpu.memory_space<hbm>>) target_semaphore(%dma_start3A_1154 : memref<!tpu.dma_semaphore, #tpu.memory_space<semaphore_mem>>)
      %dma_start3A_1163 = arith.constant 1 : i32
      %dma_start3A_1164 = arith.constant 1 : i32
      %dma_start3A_1165 = arith.constant 1 : i32
      %dma_start3A_1166 = arith.constant 8 : i32
      %dma_start3A_1167 = arith.constant 0 : i32
      %dma_start3A_1168 = tpu.memref_slice %arg7[%dma_start3A_1163, %dma_start3A_1166, %dma_start3A_1167] : memref<4x64x129xf32, #tpu.memory_space<vmem>> -> memref<1x8x128xf32, #tpu.memory_space<vmem>>
      %dma_start3A_1169 = tpu.memref_squeeze %dma_start3A_1168 : memref<1x8x128xf32, #tpu.memory_space<vmem>> -> memref<8x128xf32, #tpu.memory_space<vmem>>
      %dma_start3A_1170 = arith.constant 0 : i32
      %dma_start3A_1171 = arith.constant 0 : i32
      %dma_start3A_1172 = tpu.memref_slice %arg4[%select_n3A_1139, %dma_start3A_1164, %rem3A_1141, %dma_start3A_1170, %dma_start3A_1171] : memref<200x8x32x8x128xf32, #tpu.memory_space<hbm>> -> memref<1x1x1x8x128xf32, #tpu.memory_space<hbm>>
      %dma_start3A_1173 = tpu.memref_squeeze %dma_start3A_1172 : memref<1x1x1x8x128xf32, #tpu.memory_space<hbm>> -> memref<8x128xf32, #tpu.memory_space<hbm>>
      %dma_start3A_1174 = tpu.memref_slice %arg9[%dma_start3A_1165] : memref<4x!tpu.dma_semaphore, #tpu.memory_space<semaphore_mem>> -> memref<1x!tpu.dma_semaphore, #tpu.memory_space<semaphore_mem>>
      %dma_start3A_1175 = tpu.memref_squeeze %dma_start3A_1174 : memref<1x!tpu.dma_semaphore, #tpu.memory_space<semaphore_mem>> -> memref<!tpu.dma_semaphore, #tpu.memory_space<semaphore_mem>>
      %dma_start3A_1176 = arith.constant 0 : i32
      %dma_start3A_1177 = arith.constant 0 : i32
      %dma_start3A_1178 = tpu.memref_slice %arg4[%select_n3A_1139, %dma_start3A_1164, %rem3A_1141, %dma_start3A_1176, %dma_start3A_1177] : memref<200x8x32x8x128xf32, #tpu.memory_space<hbm>> -> memref<1x1x1x8x128xf32, #tpu.memory_space<hbm>>
      %dma_start3A_1179 = tpu.memref_squeeze %dma_start3A_1178 : memref<1x1x1x8x128xf32, #tpu.memory_space<hbm>> -> memref<8x128xf32, #tpu.memory_space<hbm>>
      %dma_start3A_1180 = arith.constant 8 : i32
      %dma_start3A_1181 = arith.constant 0 : i32
      %dma_start3A_1182 = tpu.memref_slice %arg7[%dma_start3A_1163, %dma_start3A_1180, %dma_start3A_1181] : memref<4x64x129xf32, #tpu.memory_space<vmem>> -> memref<1x8x128xf32, #tpu.memory_space<vmem>>
      %dma_start3A_1183 = tpu.memref_squeeze %dma_start3A_1182 : memref<1x8x128xf32, #tpu.memory_space<vmem>> -> memref<8x128xf32, #tpu.memory_space<vmem>>
      tpu.enqueue_dma source(%dma_start3A_1183 : memref<8x128xf32, #tpu.memory_space<vmem>>) target(%dma_start3A_1179 : memref<8x128xf32, #tpu.memory_space<hbm>>) target_semaphore(%dma_start3A_1175 : memref<!tpu.dma_semaphore, #tpu.memory_space<semaphore_mem>>)
      %dma_start3A_1184 = arith.constant 1 : i32
      %dma_start3A_1185 = arith.constant 2 : i32
      %dma_start3A_1186 = arith.constant 1 : i32
      %dma_start3A_1187 = arith.constant 16 : i32
      %dma_start3A_1188 = arith.constant 0 : i32
      %dma_start3A_1189 = tpu.memref_slice %arg7[%dma_start3A_1184, %dma_start3A_1187, %dma_start3A_1188] : memref<4x64x129xf32, #tpu.memory_space<vmem>> -> memref<1x8x128xf32, #tpu.memory_space<vmem>>
      %dma_start3A_1190 = tpu.memref_squeeze %dma_start3A_1189 : memref<1x8x128xf32, #tpu.memory_space<vmem>> -> memref<8x128xf32, #tpu.memory_space<vmem>>
      %dma_start3A_1191 = arith.constant 0 : i32
      %dma_start3A_1192 = arith.constant 0 : i32
      %dma_start3A_1193 = tpu.memref_slice %arg4[%select_n3A_1139, %dma_start3A_1185, %rem3A_1141, %dma_start3A_1191, %dma_start3A_1192] : memref<200x8x32x8x128xf32, #tpu.memory_space<hbm>> -> memref<1x1x1x8x128xf32, #tpu.memory_space<hbm>>
      %dma_start3A_1194 = tpu.memref_squeeze %dma_start3A_1193 : memref<1x1x1x8x128xf32, #tpu.memory_space<hbm>> -> memref<8x128xf32, #tpu.memory_space<hbm>>
      %dma_start3A_1195 = tpu.memref_slice %arg9[%dma_start3A_1186] : memref<4x!tpu.dma_semaphore, #tpu.memory_space<semaphore_mem>> -> memref<1x!tpu.dma_semaphore, #tpu.memory_space<semaphore_mem>>
      %dma_start3A_1196 = tpu.memref_squeeze %dma_start3A_1195 : memref<1x!tpu.dma_semaphore, #tpu.memory_space<semaphore_mem>> -> memref<!tpu.dma_semaphore, #tpu.memory_space<semaphore_mem>>
      %dma_start3A_1197 = arith.constant 0 : i32
      %dma_start3A_1198 = arith.constant 0 : i32
      %dma_start3A_1199 = tpu.memref_slice %arg4[%select_n3A_1139, %dma_start3A_1185, %rem3A_1141, %dma_start3A_1197, %dma_start3A_1198] : memref<200x8x32x8x128xf32, #tpu.memory_space<hbm>> -> memref<1x1x1x8x128xf32, #tpu.memory_space<hbm>>
      %dma_start3A_1200 = tpu.memref_squeeze %dma_start3A_1199 : memref<1x1x1x8x128xf32, #tpu.memory_space<hbm>> -> memref<8x128xf32, #tpu.memory_space<hbm>>
      %dma_start3A_1201 = arith.constant 16 : i32
      %dma_start3A_1202 = arith.constant 0 : i32
      %dma_start3A_1203 = tpu.memref_slice %arg7[%dma_start3A_1184, %dma_start3A_1201, %dma_start3A_1202] : memref<4x64x129xf32, #tpu.memory_space<vmem>> -> memref<1x8x128xf32, #tpu.memory_space<vmem>>
      %dma_start3A_1204 = tpu.memref_squeeze %dma_start3A_1203 : memref<1x8x128xf32, #tpu.memory_space<vmem>> -> memref<8x128xf32, #tpu.memory_space<vmem>>
      tpu.enqueue_dma source(%dma_start3A_1204 : memref<8x128xf32, #tpu.memory_space<vmem>>) target(%dma_start3A_1200 : memref<8x128xf32, #tpu.memory_space<hbm>>) target_semaphore(%dma_start3A_1196 : memref<!tpu.dma_semaphore, #tpu.memory_space<semaphore_mem>>)
      %dma_start3A_1205 = arith.constant 1 : i32
      %dma_start3A_1206 = arith.constant 3 : i32
      %dma_start3A_1207 = arith.constant 1 : i32
      %dma_start3A_1208 = arith.constant 24 : i32
      %dma_start3A_1209 = arith.constant 0 : i32
      %dma_start3A_1210 = tpu.memref_slice %arg7[%dma_start3A_1205, %dma_start3A_1208, %dma_start3A_1209] : memref<4x64x129xf32, #tpu.memory_space<vmem>> -> memref<1x8x128xf32, #tpu.memory_space<vmem>>
      %dma_start3A_1211 = tpu.memref_squeeze %dma_start3A_1210 : memref<1x8x128xf32, #tpu.memory_space<vmem>> -> memref<8x128xf32, #tpu.memory_space<vmem>>
      %dma_start3A_1212 = arith.constant 0 : i32
      %dma_start3A_1213 = arith.constant 0 : i32
      %dma_start3A_1214 = tpu.memref_slice %arg4[%select_n3A_1139, %dma_start3A_1206, %rem3A_1141, %dma_start3A_1212, %dma_start3A_1213] : memref<200x8x32x8x128xf32, #tpu.memory_space<hbm>> -> memref<1x1x1x8x128xf32, #tpu.memory_space<hbm>>
      %dma_start3A_1215 = tpu.memref_squeeze %dma_start3A_1214 : memref<1x1x1x8x128xf32, #tpu.memory_space<hbm>> -> memref<8x128xf32, #tpu.memory_space<hbm>>
      %dma_start3A_1216 = tpu.memref_slice %arg9[%dma_start3A_1207] : memref<4x!tpu.dma_semaphore, #tpu.memory_space<semaphore_mem>> -> memref<1x!tpu.dma_semaphore, #tpu.memory_space<semaphore_mem>>
      %dma_start3A_1217 = tpu.memref_squeeze %dma_start3A_1216 : memref<1x!tpu.dma_semaphore, #tpu.memory_space<semaphore_mem>> -> memref<!tpu.dma_semaphore, #tpu.memory_space<semaphore_mem>>
      %dma_start3A_1218 = arith.constant 0 : i32
      %dma_start3A_1219 = arith.constant 0 : i32
      %dma_start3A_1220 = tpu.memref_slice %arg4[%select_n3A_1139, %dma_start3A_1206, %rem3A_1141, %dma_start3A_1218, %dma_start3A_1219] : memref<200x8x32x8x128xf32, #tpu.memory_space<hbm>> -> memref<1x1x1x8x128xf32, #tpu.memory_space<hbm>>
      %dma_start3A_1221 = tpu.memref_squeeze %dma_start3A_1220 : memref<1x1x1x8x128xf32, #tpu.memory_space<hbm>> -> memref<8x128xf32, #tpu.memory_space<hbm>>
      %dma_start3A_1222 = arith.constant 24 : i32
      %dma_start3A_1223 = arith.constant 0 : i32
      %dma_start3A_1224 = tpu.memref_slice %arg7[%dma_start3A_1205, %dma_start3A_1222, %dma_start3A_1223] : memref<4x64x129xf32, #tpu.memory_space<vmem>> -> memref<1x8x128xf32, #tpu.memory_space<vmem>>
      %dma_start3A_1225 = tpu.memref_squeeze %dma_start3A_1224 : memref<1x8x128xf32, #tpu.memory_space<vmem>> -> memref<8x128xf32, #tpu.memory_space<vmem>>
      tpu.enqueue_dma source(%dma_start3A_1225 : memref<8x128xf32, #tpu.memory_space<vmem>>) target(%dma_start3A_1221 : memref<8x128xf32, #tpu.memory_space<hbm>>) target_semaphore(%dma_start3A_1217 : memref<!tpu.dma_semaphore, #tpu.memory_space<semaphore_mem>>)
      %dma_start3A_1226 = arith.constant 1 : i32
      %dma_start3A_1227 = arith.constant 4 : i32
      %dma_start3A_1228 = arith.constant 1 : i32
      %dma_start3A_1229 = arith.constant 32 : i32
      %dma_start3A_1230 = arith.constant 0 : i32
      %dma_start3A_1231 = tpu.memref_slice %arg7[%dma_start3A_1226, %dma_start3A_1229, %dma_start3A_1230] : memref<4x64x129xf32, #tpu.memory_space<vmem>> -> memref<1x8x128xf32, #tpu.memory_space<vmem>>
      %dma_start3A_1232 = tpu.memref_squeeze %dma_start3A_1231 : memref<1x8x128xf32, #tpu.memory_space<vmem>> -> memref<8x128xf32, #tpu.memory_space<vmem>>
      %dma_start3A_1233 = arith.constant 0 : i32
      %dma_start3A_1234 = arith.constant 0 : i32
      %dma_start3A_1235 = tpu.memref_slice %arg4[%select_n3A_1139, %dma_start3A_1227, %rem3A_1141, %dma_start3A_1233, %dma_start3A_1234] : memref<200x8x32x8x128xf32, #tpu.memory_space<hbm>> -> memref<1x1x1x8x128xf32, #tpu.memory_space<hbm>>
      %dma_start3A_1236 = tpu.memref_squeeze %dma_start3A_1235 : memref<1x1x1x8x128xf32, #tpu.memory_space<hbm>> -> memref<8x128xf32, #tpu.memory_space<hbm>>
      %dma_start3A_1237 = tpu.memref_slice %arg9[%dma_start3A_1228] : memref<4x!tpu.dma_semaphore, #tpu.memory_space<semaphore_mem>> -> memref<1x!tpu.dma_semaphore, #tpu.memory_space<semaphore_mem>>
      %dma_start3A_1238 = tpu.memref_squeeze %dma_start3A_1237 : memref<1x!tpu.dma_semaphore, #tpu.memory_space<semaphore_mem>> -> memref<!tpu.dma_semaphore, #tpu.memory_space<semaphore_mem>>
      %dma_start3A_1239 = arith.constant 0 : i32
      %dma_start3A_1240 = arith.constant 0 : i32
      %dma_start3A_1241 = tpu.memref_slice %arg4[%select_n3A_1139, %dma_start3A_1227, %rem3A_1141, %dma_start3A_1239, %dma_start3A_1240] : memref<200x8x32x8x128xf32, #tpu.memory_space<hbm>> -> memref<1x1x1x8x128xf32, #tpu.memory_space<hbm>>
      %dma_start3A_1242 = tpu.memref_squeeze %dma_start3A_1241 : memref<1x1x1x8x128xf32, #tpu.memory_space<hbm>> -> memref<8x128xf32, #tpu.memory_space<hbm>>
      %dma_start3A_1243 = arith.constant 32 : i32
      %dma_start3A_1244 = arith.constant 0 : i32
      %dma_start3A_1245 = tpu.memref_slice %arg7[%dma_start3A_1226, %dma_start3A_1243, %dma_start3A_1244] : memref<4x64x129xf32, #tpu.memory_space<vmem>> -> memref<1x8x128xf32, #tpu.memory_space<vmem>>
      %dma_start3A_1246 = tpu.memref_squeeze %dma_start3A_1245 : memref<1x8x128xf32, #tpu.memory_space<vmem>> -> memref<8x128xf32, #tpu.memory_space<vmem>>
      tpu.enqueue_dma source(%dma_start3A_1246 : memref<8x128xf32, #tpu.memory_space<vmem>>) target(%dma_start3A_1242 : memref<8x128xf32, #tpu.memory_space<hbm>>) target_semaphore(%dma_start3A_1238 : memref<!tpu.dma_semaphore, #tpu.memory_space<semaphore_mem>>)
      %dma_start3A_1247 = arith.constant 1 : i32
      %dma_start3A_1248 = arith.constant 5 : i32
      %dma_start3A_1249 = arith.constant 1 : i32
      %dma_start3A_1250 = arith.constant 40 : i32
      %dma_start3A_1251 = arith.constant 0 : i32
      %dma_start3A_1252 = tpu.memref_slice %arg7[%dma_start3A_1247, %dma_start3A_1250, %dma_start3A_1251] : memref<4x64x129xf32, #tpu.memory_space<vmem>> -> memref<1x8x128xf32, #tpu.memory_space<vmem>>
      %dma_start3A_1253 = tpu.memref_squeeze %dma_start3A_1252 : memref<1x8x128xf32, #tpu.memory_space<vmem>> -> memref<8x128xf32, #tpu.memory_space<vmem>>
      %dma_start3A_1254 = arith.constant 0 : i32
      %dma_start3A_1255 = arith.constant 0 : i32
      %dma_start3A_1256 = tpu.memref_slice %arg4[%select_n3A_1139, %dma_start3A_1248, %rem3A_1141, %dma_start3A_1254, %dma_start3A_1255] : memref<200x8x32x8x128xf32, #tpu.memory_space<hbm>> -> memref<1x1x1x8x128xf32, #tpu.memory_space<hbm>>
      %dma_start3A_1257 = tpu.memref_squeeze %dma_start3A_1256 : memref<1x1x1x8x128xf32, #tpu.memory_space<hbm>> -> memref<8x128xf32, #tpu.memory_space<hbm>>
      %dma_start3A_1258 = tpu.memref_slice %arg9[%dma_start3A_1249] : memref<4x!tpu.dma_semaphore, #tpu.memory_space<semaphore_mem>> -> memref<1x!tpu.dma_semaphore, #tpu.memory_space<semaphore_mem>>
      %dma_start3A_1259 = tpu.memref_squeeze %dma_start3A_1258 : memref<1x!tpu.dma_semaphore, #tpu.memory_space<semaphore_mem>> -> memref<!tpu.dma_semaphore, #tpu.memory_space<semaphore_mem>>
      %dma_start3A_1260 = arith.constant 0 : i32
      %dma_start3A_1261 = arith.constant 0 : i32
      %dma_start3A_1262 = tpu.memref_slice %arg4[%select_n3A_1139, %dma_start3A_1248, %rem3A_1141, %dma_start3A_1260, %dma_start3A_1261] : memref<200x8x32x8x128xf32, #tpu.memory_space<hbm>> -> memref<1x1x1x8x128xf32, #tpu.memory_space<hbm>>
      %dma_start3A_1263 = tpu.memref_squeeze %dma_start3A_1262 : memref<1x1x1x8x128xf32, #tpu.memory_space<hbm>> -> memref<8x128xf32, #tpu.memory_space<hbm>>
      %dma_start3A_1264 = arith.constant 40 : i32
      %dma_start3A_1265 = arith.constant 0 : i32
      %dma_start3A_1266 = tpu.memref_slice %arg7[%dma_start3A_1247, %dma_start3A_1264, %dma_start3A_1265] : memref<4x64x129xf32, #tpu.memory_space<vmem>> -> memref<1x8x128xf32, #tpu.memory_space<vmem>>
      %dma_start3A_1267 = tpu.memref_squeeze %dma_start3A_1266 : memref<1x8x128xf32, #tpu.memory_space<vmem>> -> memref<8x128xf32, #tpu.memory_space<vmem>>
      tpu.enqueue_dma source(%dma_start3A_1267 : memref<8x128xf32, #tpu.memory_space<vmem>>) target(%dma_start3A_1263 : memref<8x128xf32, #tpu.memory_space<hbm>>) target_semaphore(%dma_start3A_1259 : memref<!tpu.dma_semaphore, #tpu.memory_space<semaphore_mem>>)
      %dma_start3A_1268 = arith.constant 1 : i32
      %dma_start3A_1269 = arith.constant 6 : i32
      %dma_start3A_1270 = arith.constant 1 : i32
      %dma_start3A_1271 = arith.constant 48 : i32
      %dma_start3A_1272 = arith.constant 0 : i32
      %dma_start3A_1273 = tpu.memref_slice %arg7[%dma_start3A_1268, %dma_start3A_1271, %dma_start3A_1272] : memref<4x64x129xf32, #tpu.memory_space<vmem>> -> memref<1x8x128xf32, #tpu.memory_space<vmem>>
      %dma_start3A_1274 = tpu.memref_squeeze %dma_start3A_1273 : memref<1x8x128xf32, #tpu.memory_space<vmem>> -> memref<8x128xf32, #tpu.memory_space<vmem>>
      %dma_start3A_1275 = arith.constant 0 : i32
      %dma_start3A_1276 = arith.constant 0 : i32
      %dma_start3A_1277 = tpu.memref_slice %arg4[%select_n3A_1139, %dma_start3A_1269, %rem3A_1141, %dma_start3A_1275, %dma_start3A_1276] : memref<200x8x32x8x128xf32, #tpu.memory_space<hbm>> -> memref<1x1x1x8x128xf32, #tpu.memory_space<hbm>>
      %dma_start3A_1278 = tpu.memref_squeeze %dma_start3A_1277 : memref<1x1x1x8x128xf32, #tpu.memory_space<hbm>> -> memref<8x128xf32, #tpu.memory_space<hbm>>
      %dma_start3A_1279 = tpu.memref_slice %arg9[%dma_start3A_1270] : memref<4x!tpu.dma_semaphore, #tpu.memory_space<semaphore_mem>> -> memref<1x!tpu.dma_semaphore, #tpu.memory_space<semaphore_mem>>
      %dma_start3A_1280 = tpu.memref_squeeze %dma_start3A_1279 : memref<1x!tpu.dma_semaphore, #tpu.memory_space<semaphore_mem>> -> memref<!tpu.dma_semaphore, #tpu.memory_space<semaphore_mem>>
      %dma_start3A_1281 = arith.constant 0 : i32
      %dma_start3A_1282 = arith.constant 0 : i32
      %dma_start3A_1283 = tpu.memref_slice %arg4[%select_n3A_1139, %dma_start3A_1269, %rem3A_1141, %dma_start3A_1281, %dma_start3A_1282] : memref<200x8x32x8x128xf32, #tpu.memory_space<hbm>> -> memref<1x1x1x8x128xf32, #tpu.memory_space<hbm>>
      %dma_start3A_1284 = tpu.memref_squeeze %dma_start3A_1283 : memref<1x1x1x8x128xf32, #tpu.memory_space<hbm>> -> memref<8x128xf32, #tpu.memory_space<hbm>>
      %dma_start3A_1285 = arith.constant 48 : i32
      %dma_start3A_1286 = arith.constant 0 : i32
      %dma_start3A_1287 = tpu.memref_slice %arg7[%dma_start3A_1268, %dma_start3A_1285, %dma_start3A_1286] : memref<4x64x129xf32, #tpu.memory_space<vmem>> -> memref<1x8x128xf32, #tpu.memory_space<vmem>>
      %dma_start3A_1288 = tpu.memref_squeeze %dma_start3A_1287 : memref<1x8x128xf32, #tpu.memory_space<vmem>> -> memref<8x128xf32, #tpu.memory_space<vmem>>
      tpu.enqueue_dma source(%dma_start3A_1288 : memref<8x128xf32, #tpu.memory_space<vmem>>) target(%dma_start3A_1284 : memref<8x128xf32, #tpu.memory_space<hbm>>) target_semaphore(%dma_start3A_1280 : memref<!tpu.dma_semaphore, #tpu.memory_space<semaphore_mem>>)
      %dma_start3A_1289 = arith.constant 1 : i32
      %dma_start3A_1290 = arith.constant 7 : i32
      %dma_start3A_1291 = arith.constant 1 : i32
      %dma_start3A_1292 = arith.constant 56 : i32
      %dma_start3A_1293 = arith.constant 0 : i32
      %dma_start3A_1294 = tpu.memref_slice %arg7[%dma_start3A_1289, %dma_start3A_1292, %dma_start3A_1293] : memref<4x64x129xf32, #tpu.memory_space<vmem>> -> memref<1x8x128xf32, #tpu.memory_space<vmem>>
      %dma_start3A_1295 = tpu.memref_squeeze %dma_start3A_1294 : memref<1x8x128xf32, #tpu.memory_space<vmem>> -> memref<8x128xf32, #tpu.memory_space<vmem>>
      %dma_start3A_1296 = arith.constant 0 : i32
      %dma_start3A_1297 = arith.constant 0 : i32
      %dma_start3A_1298 = tpu.memref_slice %arg4[%select_n3A_1139, %dma_start3A_1290, %rem3A_1141, %dma_start3A_1296, %dma_start3A_1297] : memref<200x8x32x8x128xf32, #tpu.memory_space<hbm>> -> memref<1x1x1x8x128xf32, #tpu.memory_space<hbm>>
      %dma_start3A_1299 = tpu.memref_squeeze %dma_start3A_1298 : memref<1x1x1x8x128xf32, #tpu.memory_space<hbm>> -> memref<8x128xf32, #tpu.memory_space<hbm>>
      %dma_start3A_1300 = tpu.memref_slice %arg9[%dma_start3A_1291] : memref<4x!tpu.dma_semaphore, #tpu.memory_space<semaphore_mem>> -> memref<1x!tpu.dma_semaphore, #tpu.memory_space<semaphore_mem>>
      %dma_start3A_1301 = tpu.memref_squeeze %dma_start3A_1300 : memref<1x!tpu.dma_semaphore, #tpu.memory_space<semaphore_mem>> -> memref<!tpu.dma_semaphore, #tpu.memory_space<semaphore_mem>>
      %dma_start3A_1302 = arith.constant 0 : i32
      %dma_start3A_1303 = arith.constant 0 : i32
      %dma_start3A_1304 = tpu.memref_slice %arg4[%select_n3A_1139, %dma_start3A_1290, %rem3A_1141, %dma_start3A_1302, %dma_start3A_1303] : memref<200x8x32x8x128xf32, #tpu.memory_space<hbm>> -> memref<1x1x1x8x128xf32, #tpu.memory_space<hbm>>
      %dma_start3A_1305 = tpu.memref_squeeze %dma_start3A_1304 : memref<1x1x1x8x128xf32, #tpu.memory_space<hbm>> -> memref<8x128xf32, #tpu.memory_space<hbm>>
      %dma_start3A_1306 = arith.constant 56 : i32
      %dma_start3A_1307 = arith.constant 0 : i32
      %dma_start3A_1308 = tpu.memref_slice %arg7[%dma_start3A_1289, %dma_start3A_1306, %dma_start3A_1307] : memref<4x64x129xf32, #tpu.memory_space<vmem>> -> memref<1x8x128xf32, #tpu.memory_space<vmem>>
      %dma_start3A_1309 = tpu.memref_squeeze %dma_start3A_1308 : memref<1x8x128xf32, #tpu.memory_space<vmem>> -> memref<8x128xf32, #tpu.memory_space<vmem>>
      tpu.enqueue_dma source(%dma_start3A_1309 : memref<8x128xf32, #tpu.memory_space<vmem>>) target(%dma_start3A_1305 : memref<8x128xf32, #tpu.memory_space<hbm>>) target_semaphore(%dma_start3A_1301 : memref<!tpu.dma_semaphore, #tpu.memory_space<semaphore_mem>>)
      %add3A_1310 = arith.constant 4 : i32
      %add3A_1311 = arith.addi %add3A_1088, %add3A_1310 : i32
      %lt3A_1312 = arith.constant 200 : i32
      %lt3A_1313 = arith.cmpi slt, %add3A_1311, %lt3A_1312 : i32
      %convert_element_type3A_1314 = arith.extui %lt3A_1313 : i1 to i32
      %cond3A_1315 = arith.constant 0 : i32
      %cond3A_1316 = arith.cmpi ne, %convert_element_type3A_1314, %cond3A_1315 : i32
      scf.if %cond3A_1316 {
        %add3A_1781 = arith.constant 4 : i32
        %add3A_1782 = arith.addi %add3A_1088, %add3A_1781 : i32
        %dma_start3A_1783 = arith.constant 1 : i32
        %dma_start3A_1784 = arith.constant 1 : i32
        %dma_start3A_1785 = arith.constant 0 : i32
        %dma_start3A_1786 = arith.constant 0 : i32
        %dma_start3A_1787 = tpu.memref_slice %arg6[%dma_start3A_1783, %dma_start3A_1785, %dma_start3A_1786] : memref<4x128x64xf32, #tpu.memory_space<vmem>> -> memref<1x128x64xf32, #tpu.memory_space<vmem>>
        %dma_start3A_1788 = tpu.memref_squeeze %dma_start3A_1787 : memref<1x128x64xf32, #tpu.memory_space<vmem>> -> memref<128x64xf32, #tpu.memory_space<vmem>>
        %dma_start3A_1789 = arith.constant 0 : i32
        %dma_start3A_1790 = tpu.memref_slice %arg5[%add3A_1782, %dma_start3A_1789] : memref<200x128xi32, #tpu.memory_space<vmem>> -> memref<1x128xi32, #tpu.memory_space<vmem>>
        %dma_start3A_1791 = tpu.memref_squeeze %dma_start3A_1790 : memref<1x128xi32, #tpu.memory_space<vmem>> -> memref<128xi32, #tpu.memory_space<vmem>>
        %dma_start3A_1792 = arith.constant 0 : i32
        %dma_start3A_1793 = arith.constant 0 : i32
        %dma_start3A_1794 = tpu.memref_slice %arg3[%dma_start3A_1792, %dma_start3A_1793] : memref<1000000x64xf32, #tpu.memory_space<hbm>> -> memref<1000000x64xf32, #tpu.memory_space<hbm>>
        %dma_start3A_1795 = tpu.memref_slice %arg8[%dma_start3A_1784] : memref<4x!tpu.dma_semaphore, #tpu.memory_space<semaphore_mem>> -> memref<1x!tpu.dma_semaphore, #tpu.memory_space<semaphore_mem>>
        %dma_start3A_1796 = tpu.memref_squeeze %dma_start3A_1795 : memref<1x!tpu.dma_semaphore, #tpu.memory_space<semaphore_mem>> -> memref<!tpu.dma_semaphore, #tpu.memory_space<semaphore_mem>>
        tpu.enqueue_indirect_dma source(%dma_start3A_1794 : memref<1000000x64xf32, #tpu.memory_space<hbm>>) target(%dma_start3A_1788 : memref<128x64xf32, #tpu.memory_space<vmem>>) offsets(%dma_start3A_1791 : memref<128xi32, #tpu.memory_space<vmem>>) semaphore(%dma_start3A_1796 : memref<!tpu.dma_semaphore, #tpu.memory_space<semaphore_mem>>)
      } else {
      }
      %mul3A_1317 = arith.constant 4 : i32
      %mul3A_1318 = arith.muli %mul3A_1317, %scan3A_858 : i32
      %add3A_1319 = arith.constant 2 : i32
      %add3A_1320 = arith.addi %mul3A_1318, %add3A_1319 : i32
      %dma_wait3A_1321 = arith.constant 2 : i32
      %dma_wait3A_1322 = arith.constant 2 : i32
      %dma_wait3A_1323 = arith.constant 0 : i32
      %dma_wait3A_1324 = arith.constant 0 : i32
      %dma_wait3A_1325 = tpu.memref_slice %arg6[%dma_wait3A_1321, %dma_wait3A_1323, %dma_wait3A_1324] : memref<4x128x64xf32, #tpu.memory_space<vmem>> -> memref<1x128x64xf32, #tpu.memory_space<vmem>>
      %dma_wait3A_1326 = tpu.memref_squeeze %dma_wait3A_1325 : memref<1x128x64xf32, #tpu.memory_space<vmem>> -> memref<128x64xf32, #tpu.memory_space<vmem>>
      %dma_wait3A_1327 = arith.constant 0 : i32
      %dma_wait3A_1328 = tpu.memref_slice %arg5[%add3A_1320, %dma_wait3A_1327] : memref<200x128xi32, #tpu.memory_space<vmem>> -> memref<1x128xi32, #tpu.memory_space<vmem>>
      %dma_wait3A_1329 = tpu.memref_squeeze %dma_wait3A_1328 : memref<1x128xi32, #tpu.memory_space<vmem>> -> memref<128xi32, #tpu.memory_space<vmem>>
      %dma_wait3A_1330 = arith.constant 0 : i32
      %dma_wait3A_1331 = arith.constant 0 : i32
      %dma_wait3A_1332 = tpu.memref_slice %arg3[%dma_wait3A_1330, %dma_wait3A_1331] : memref<1000000x64xf32, #tpu.memory_space<hbm>> -> memref<1000000x64xf32, #tpu.memory_space<hbm>>
      %dma_wait3A_1333 = tpu.memref_slice %arg8[%dma_wait3A_1322] : memref<4x!tpu.dma_semaphore, #tpu.memory_space<semaphore_mem>> -> memref<1x!tpu.dma_semaphore, #tpu.memory_space<semaphore_mem>>
      %dma_wait3A_1334 = tpu.memref_squeeze %dma_wait3A_1333 : memref<1x!tpu.dma_semaphore, #tpu.memory_space<semaphore_mem>> -> memref<!tpu.dma_semaphore, #tpu.memory_space<semaphore_mem>>
      tpu.wait_indirect_dma semaphore(%dma_wait3A_1334 : memref<!tpu.dma_semaphore, #tpu.memory_space<semaphore_mem>>) src(%dma_wait3A_1332 : memref<1000000x64xf32, #tpu.memory_space<hbm>>) dst(%dma_wait3A_1326 : memref<128x64xf32, #tpu.memory_space<vmem>>)
      %ge3A_1335 = arith.constant 4 : i32
      %ge3A_1336 = arith.cmpi sge, %add3A_1320, %ge3A_1335 : i32
      %convert_element_type3A_1337 = arith.extui %ge3A_1336 : i1 to i32
      %cond3A_1338 = arith.constant 0 : i32
      %cond3A_1339 = arith.cmpi ne, %convert_element_type3A_1337, %cond3A_1338 : i32
      scf.if %cond3A_1339 {
        %sub3A_1781 = arith.constant 4 : i32
        %sub3A_1782 = arith.subi %add3A_1320, %sub3A_1781 : i32
        %add3A_1783 = arith.addi %mul3A_2, %sub3A_1782 : i32
        %jit3A_1784 = arith.constant 32 : i32
        %div3A_1785 = arith.divsi %add3A_1783, %jit3A_1784 : i32
        %sign3A_1786 = arith.constant 0 : i32
        %sign3A_1787 = arith.cmpi sgt, %add3A_1783, %sign3A_1786 : i32
        %sign3A_1788 = arith.extui %sign3A_1787 : i1 to i32
        %sign3A_1789 = arith.constant 0 : i32
        %sign3A_1790 = arith.cmpi slt, %add3A_1783, %sign3A_1789 : i32
        %sign3A_1791 = arith.extui %sign3A_1790 : i1 to i32
        %sign3A_1792 = arith.subi %sign3A_1788, %sign3A_1791 : i32
        %sign3A_1793 = arith.constant 0 : i32
        %sign3A_1794 = arith.cmpi sgt, %jit3A_1784, %sign3A_1793 : i32
        %sign3A_1795 = arith.extui %sign3A_1794 : i1 to i32
        %sign3A_1796 = arith.constant 0 : i32
        %sign3A_1797 = arith.cmpi slt, %jit3A_1784, %sign3A_1796 : i32
        %sign3A_1798 = arith.extui %sign3A_1797 : i1 to i32
        %sign3A_1799 = arith.subi %sign3A_1795, %sign3A_1798 : i32
        %ne3A_1800 = arith.cmpi ne, %sign3A_1792, %sign3A_1799 : i32
        %rem3A_1801 = arith.remsi %add3A_1783, %jit3A_1784 : i32
        %ne3A_1802 = arith.constant 0 : i32
        %ne3A_1803 = arith.cmpi ne, %rem3A_1801, %ne3A_1802 : i32
        %and3A_1804 = arith.andi %ne3A_1800, %ne3A_1803 : i1
        %sub3A_1805 = arith.constant 1 : i32
        %sub3A_1806 = arith.subi %div3A_1785, %sub3A_1805 : i32
        %select_n3A_1807 = arith.select %and3A_1804, %sub3A_1806, %div3A_1785 : i32
        %rem3A_1808 = arith.constant 32 : i32
        %rem3A_1809 = arith.remsi %add3A_1783, %rem3A_1808 : i32
        %dma_wait3A_1810 = arith.constant 2 : i32
        %dma_wait3A_1811 = arith.constant 0 : i32
        %dma_wait3A_1812 = arith.constant 2 : i32
        %dma_wait3A_1813 = arith.constant 0 : i32
        %dma_wait3A_1814 = arith.constant 0 : i32
        %dma_wait3A_1815 = tpu.memref_slice %arg7[%dma_wait3A_1810, %dma_wait3A_1813, %dma_wait3A_1814] : memref<4x64x129xf32, #tpu.memory_space<vmem>> -> memref<1x8x128xf32, #tpu.memory_space<vmem>>
        %dma_wait3A_1816 = tpu.memref_squeeze %dma_wait3A_1815 : memref<1x8x128xf32, #tpu.memory_space<vmem>> -> memref<8x128xf32, #tpu.memory_space<vmem>>
        %dma_wait3A_1817 = arith.constant 0 : i32
        %dma_wait3A_1818 = arith.constant 0 : i32
        %dma_wait3A_1819 = tpu.memref_slice %arg4[%select_n3A_1807, %dma_wait3A_1811, %rem3A_1809, %dma_wait3A_1817, %dma_wait3A_1818] : memref<200x8x32x8x128xf32, #tpu.memory_space<hbm>> -> memref<1x1x1x8x128xf32, #tpu.memory_space<hbm>>
        %dma_wait3A_1820 = tpu.memref_squeeze %dma_wait3A_1819 : memref<1x1x1x8x128xf32, #tpu.memory_space<hbm>> -> memref<8x128xf32, #tpu.memory_space<hbm>>
        %dma_wait3A_1821 = tpu.memref_slice %arg9[%dma_wait3A_1812] : memref<4x!tpu.dma_semaphore, #tpu.memory_space<semaphore_mem>> -> memref<1x!tpu.dma_semaphore, #tpu.memory_space<semaphore_mem>>
        %dma_wait3A_1822 = tpu.memref_squeeze %dma_wait3A_1821 : memref<1x!tpu.dma_semaphore, #tpu.memory_space<semaphore_mem>> -> memref<!tpu.dma_semaphore, #tpu.memory_space<semaphore_mem>>
        %dma_wait3A_1823 = arith.constant 0 : i32
        %dma_wait3A_1824 = arith.constant 0 : i32
        %dma_wait3A_1825 = tpu.memref_slice %arg4[%select_n3A_1807, %dma_wait3A_1811, %rem3A_1809, %dma_wait3A_1823, %dma_wait3A_1824] : memref<200x8x32x8x128xf32, #tpu.memory_space<hbm>> -> memref<1x1x1x8x128xf32, #tpu.memory_space<hbm>>
        %dma_wait3A_1826 = tpu.memref_squeeze %dma_wait3A_1825 : memref<1x1x1x8x128xf32, #tpu.memory_space<hbm>> -> memref<8x128xf32, #tpu.memory_space<hbm>>
        %dma_wait3A_1827 = arith.constant 0 : i32
        %dma_wait3A_1828 = arith.constant 0 : i32
        %dma_wait3A_1829 = tpu.memref_slice %arg7[%dma_wait3A_1810, %dma_wait3A_1827, %dma_wait3A_1828] : memref<4x64x129xf32, #tpu.memory_space<vmem>> -> memref<1x8x128xf32, #tpu.memory_space<vmem>>
        %dma_wait3A_1830 = tpu.memref_squeeze %dma_wait3A_1829 : memref<1x8x128xf32, #tpu.memory_space<vmem>> -> memref<8x128xf32, #tpu.memory_space<vmem>>
        tpu.wait_dma2 semaphore(%dma_wait3A_1822 : memref<!tpu.dma_semaphore, #tpu.memory_space<semaphore_mem>>) src(%dma_wait3A_1830 : memref<8x128xf32, #tpu.memory_space<vmem>>) dst(%dma_wait3A_1826 : memref<8x128xf32, #tpu.memory_space<hbm>>)
        %dma_wait3A_1831 = arith.constant 2 : i32
        %dma_wait3A_1832 = arith.constant 1 : i32
        %dma_wait3A_1833 = arith.constant 2 : i32
        %dma_wait3A_1834 = arith.constant 8 : i32
        %dma_wait3A_1835 = arith.constant 0 : i32
        %dma_wait3A_1836 = tpu.memref_slice %arg7[%dma_wait3A_1831, %dma_wait3A_1834, %dma_wait3A_1835] : memref<4x64x129xf32, #tpu.memory_space<vmem>> -> memref<1x8x128xf32, #tpu.memory_space<vmem>>
        %dma_wait3A_1837 = tpu.memref_squeeze %dma_wait3A_1836 : memref<1x8x128xf32, #tpu.memory_space<vmem>> -> memref<8x128xf32, #tpu.memory_space<vmem>>
        %dma_wait3A_1838 = arith.constant 0 : i32
        %dma_wait3A_1839 = arith.constant 0 : i32
        %dma_wait3A_1840 = tpu.memref_slice %arg4[%select_n3A_1807, %dma_wait3A_1832, %rem3A_1809, %dma_wait3A_1838, %dma_wait3A_1839] : memref<200x8x32x8x128xf32, #tpu.memory_space<hbm>> -> memref<1x1x1x8x128xf32, #tpu.memory_space<hbm>>
        %dma_wait3A_1841 = tpu.memref_squeeze %dma_wait3A_1840 : memref<1x1x1x8x128xf32, #tpu.memory_space<hbm>> -> memref<8x128xf32, #tpu.memory_space<hbm>>
        %dma_wait3A_1842 = tpu.memref_slice %arg9[%dma_wait3A_1833] : memref<4x!tpu.dma_semaphore, #tpu.memory_space<semaphore_mem>> -> memref<1x!tpu.dma_semaphore, #tpu.memory_space<semaphore_mem>>
        %dma_wait3A_1843 = tpu.memref_squeeze %dma_wait3A_1842 : memref<1x!tpu.dma_semaphore, #tpu.memory_space<semaphore_mem>> -> memref<!tpu.dma_semaphore, #tpu.memory_space<semaphore_mem>>
        %dma_wait3A_1844 = arith.constant 0 : i32
        %dma_wait3A_1845 = arith.constant 0 : i32
        %dma_wait3A_1846 = tpu.memref_slice %arg4[%select_n3A_1807, %dma_wait3A_1832, %rem3A_1809, %dma_wait3A_1844, %dma_wait3A_1845] : memref<200x8x32x8x128xf32, #tpu.memory_space<hbm>> -> memref<1x1x1x8x128xf32, #tpu.memory_space<hbm>>
        %dma_wait3A_1847 = tpu.memref_squeeze %dma_wait3A_1846 : memref<1x1x1x8x128xf32, #tpu.memory_space<hbm>> -> memref<8x128xf32, #tpu.memory_space<hbm>>
        %dma_wait3A_1848 = arith.constant 8 : i32
        %dma_wait3A_1849 = arith.constant 0 : i32
        %dma_wait3A_1850 = tpu.memref_slice %arg7[%dma_wait3A_1831, %dma_wait3A_1848, %dma_wait3A_1849] : memref<4x64x129xf32, #tpu.memory_space<vmem>> -> memref<1x8x128xf32, #tpu.memory_space<vmem>>
        %dma_wait3A_1851 = tpu.memref_squeeze %dma_wait3A_1850 : memref<1x8x128xf32, #tpu.memory_space<vmem>> -> memref<8x128xf32, #tpu.memory_space<vmem>>
        tpu.wait_dma2 semaphore(%dma_wait3A_1843 : memref<!tpu.dma_semaphore, #tpu.memory_space<semaphore_mem>>) src(%dma_wait3A_1851 : memref<8x128xf32, #tpu.memory_space<vmem>>) dst(%dma_wait3A_1847 : memref<8x128xf32, #tpu.memory_space<hbm>>)
        %dma_wait3A_1852 = arith.constant 2 : i32
        %dma_wait3A_1853 = arith.constant 2 : i32
        %dma_wait3A_1854 = arith.constant 2 : i32
        %dma_wait3A_1855 = arith.constant 16 : i32
        %dma_wait3A_1856 = arith.constant 0 : i32
        %dma_wait3A_1857 = tpu.memref_slice %arg7[%dma_wait3A_1852, %dma_wait3A_1855, %dma_wait3A_1856] : memref<4x64x129xf32, #tpu.memory_space<vmem>> -> memref<1x8x128xf32, #tpu.memory_space<vmem>>
        %dma_wait3A_1858 = tpu.memref_squeeze %dma_wait3A_1857 : memref<1x8x128xf32, #tpu.memory_space<vmem>> -> memref<8x128xf32, #tpu.memory_space<vmem>>
        %dma_wait3A_1859 = arith.constant 0 : i32
        %dma_wait3A_1860 = arith.constant 0 : i32
        %dma_wait3A_1861 = tpu.memref_slice %arg4[%select_n3A_1807, %dma_wait3A_1853, %rem3A_1809, %dma_wait3A_1859, %dma_wait3A_1860] : memref<200x8x32x8x128xf32, #tpu.memory_space<hbm>> -> memref<1x1x1x8x128xf32, #tpu.memory_space<hbm>>
        %dma_wait3A_1862 = tpu.memref_squeeze %dma_wait3A_1861 : memref<1x1x1x8x128xf32, #tpu.memory_space<hbm>> -> memref<8x128xf32, #tpu.memory_space<hbm>>
        %dma_wait3A_1863 = tpu.memref_slice %arg9[%dma_wait3A_1854] : memref<4x!tpu.dma_semaphore, #tpu.memory_space<semaphore_mem>> -> memref<1x!tpu.dma_semaphore, #tpu.memory_space<semaphore_mem>>
        %dma_wait3A_1864 = tpu.memref_squeeze %dma_wait3A_1863 : memref<1x!tpu.dma_semaphore, #tpu.memory_space<semaphore_mem>> -> memref<!tpu.dma_semaphore, #tpu.memory_space<semaphore_mem>>
        %dma_wait3A_1865 = arith.constant 0 : i32
        %dma_wait3A_1866 = arith.constant 0 : i32
        %dma_wait3A_1867 = tpu.memref_slice %arg4[%select_n3A_1807, %dma_wait3A_1853, %rem3A_1809, %dma_wait3A_1865, %dma_wait3A_1866] : memref<200x8x32x8x128xf32, #tpu.memory_space<hbm>> -> memref<1x1x1x8x128xf32, #tpu.memory_space<hbm>>
        %dma_wait3A_1868 = tpu.memref_squeeze %dma_wait3A_1867 : memref<1x1x1x8x128xf32, #tpu.memory_space<hbm>> -> memref<8x128xf32, #tpu.memory_space<hbm>>
        %dma_wait3A_1869 = arith.constant 16 : i32
        %dma_wait3A_1870 = arith.constant 0 : i32
        %dma_wait3A_1871 = tpu.memref_slice %arg7[%dma_wait3A_1852, %dma_wait3A_1869, %dma_wait3A_1870] : memref<4x64x129xf32, #tpu.memory_space<vmem>> -> memref<1x8x128xf32, #tpu.memory_space<vmem>>
        %dma_wait3A_1872 = tpu.memref_squeeze %dma_wait3A_1871 : memref<1x8x128xf32, #tpu.memory_space<vmem>> -> memref<8x128xf32, #tpu.memory_space<vmem>>
        tpu.wait_dma2 semaphore(%dma_wait3A_1864 : memref<!tpu.dma_semaphore, #tpu.memory_space<semaphore_mem>>) src(%dma_wait3A_1872 : memref<8x128xf32, #tpu.memory_space<vmem>>) dst(%dma_wait3A_1868 : memref<8x128xf32, #tpu.memory_space<hbm>>)
        %dma_wait3A_1873 = arith.constant 2 : i32
        %dma_wait3A_1874 = arith.constant 3 : i32
        %dma_wait3A_1875 = arith.constant 2 : i32
        %dma_wait3A_1876 = arith.constant 24 : i32
        %dma_wait3A_1877 = arith.constant 0 : i32
        %dma_wait3A_1878 = tpu.memref_slice %arg7[%dma_wait3A_1873, %dma_wait3A_1876, %dma_wait3A_1877] : memref<4x64x129xf32, #tpu.memory_space<vmem>> -> memref<1x8x128xf32, #tpu.memory_space<vmem>>
        %dma_wait3A_1879 = tpu.memref_squeeze %dma_wait3A_1878 : memref<1x8x128xf32, #tpu.memory_space<vmem>> -> memref<8x128xf32, #tpu.memory_space<vmem>>
        %dma_wait3A_1880 = arith.constant 0 : i32
        %dma_wait3A_1881 = arith.constant 0 : i32
        %dma_wait3A_1882 = tpu.memref_slice %arg4[%select_n3A_1807, %dma_wait3A_1874, %rem3A_1809, %dma_wait3A_1880, %dma_wait3A_1881] : memref<200x8x32x8x128xf32, #tpu.memory_space<hbm>> -> memref<1x1x1x8x128xf32, #tpu.memory_space<hbm>>
        %dma_wait3A_1883 = tpu.memref_squeeze %dma_wait3A_1882 : memref<1x1x1x8x128xf32, #tpu.memory_space<hbm>> -> memref<8x128xf32, #tpu.memory_space<hbm>>
        %dma_wait3A_1884 = tpu.memref_slice %arg9[%dma_wait3A_1875] : memref<4x!tpu.dma_semaphore, #tpu.memory_space<semaphore_mem>> -> memref<1x!tpu.dma_semaphore, #tpu.memory_space<semaphore_mem>>
        %dma_wait3A_1885 = tpu.memref_squeeze %dma_wait3A_1884 : memref<1x!tpu.dma_semaphore, #tpu.memory_space<semaphore_mem>> -> memref<!tpu.dma_semaphore, #tpu.memory_space<semaphore_mem>>
        %dma_wait3A_1886 = arith.constant 0 : i32
        %dma_wait3A_1887 = arith.constant 0 : i32
        %dma_wait3A_1888 = tpu.memref_slice %arg4[%select_n3A_1807, %dma_wait3A_1874, %rem3A_1809, %dma_wait3A_1886, %dma_wait3A_1887] : memref<200x8x32x8x128xf32, #tpu.memory_space<hbm>> -> memref<1x1x1x8x128xf32, #tpu.memory_space<hbm>>
        %dma_wait3A_1889 = tpu.memref_squeeze %dma_wait3A_1888 : memref<1x1x1x8x128xf32, #tpu.memory_space<hbm>> -> memref<8x128xf32, #tpu.memory_space<hbm>>
        %dma_wait3A_1890 = arith.constant 24 : i32
        %dma_wait3A_1891 = arith.constant 0 : i32
        %dma_wait3A_1892 = tpu.memref_slice %arg7[%dma_wait3A_1873, %dma_wait3A_1890, %dma_wait3A_1891] : memref<4x64x129xf32, #tpu.memory_space<vmem>> -> memref<1x8x128xf32, #tpu.memory_space<vmem>>
        %dma_wait3A_1893 = tpu.memref_squeeze %dma_wait3A_1892 : memref<1x8x128xf32, #tpu.memory_space<vmem>> -> memref<8x128xf32, #tpu.memory_space<vmem>>
        tpu.wait_dma2 semaphore(%dma_wait3A_1885 : memref<!tpu.dma_semaphore, #tpu.memory_space<semaphore_mem>>) src(%dma_wait3A_1893 : memref<8x128xf32, #tpu.memory_space<vmem>>) dst(%dma_wait3A_1889 : memref<8x128xf32, #tpu.memory_space<hbm>>)
        %dma_wait3A_1894 = arith.constant 2 : i32
        %dma_wait3A_1895 = arith.constant 4 : i32
        %dma_wait3A_1896 = arith.constant 2 : i32
        %dma_wait3A_1897 = arith.constant 32 : i32
        %dma_wait3A_1898 = arith.constant 0 : i32
        %dma_wait3A_1899 = tpu.memref_slice %arg7[%dma_wait3A_1894, %dma_wait3A_1897, %dma_wait3A_1898] : memref<4x64x129xf32, #tpu.memory_space<vmem>> -> memref<1x8x128xf32, #tpu.memory_space<vmem>>
        %dma_wait3A_1900 = tpu.memref_squeeze %dma_wait3A_1899 : memref<1x8x128xf32, #tpu.memory_space<vmem>> -> memref<8x128xf32, #tpu.memory_space<vmem>>
        %dma_wait3A_1901 = arith.constant 0 : i32
        %dma_wait3A_1902 = arith.constant 0 : i32
        %dma_wait3A_1903 = tpu.memref_slice %arg4[%select_n3A_1807, %dma_wait3A_1895, %rem3A_1809, %dma_wait3A_1901, %dma_wait3A_1902] : memref<200x8x32x8x128xf32, #tpu.memory_space<hbm>> -> memref<1x1x1x8x128xf32, #tpu.memory_space<hbm>>
        %dma_wait3A_1904 = tpu.memref_squeeze %dma_wait3A_1903 : memref<1x1x1x8x128xf32, #tpu.memory_space<hbm>> -> memref<8x128xf32, #tpu.memory_space<hbm>>
        %dma_wait3A_1905 = tpu.memref_slice %arg9[%dma_wait3A_1896] : memref<4x!tpu.dma_semaphore, #tpu.memory_space<semaphore_mem>> -> memref<1x!tpu.dma_semaphore, #tpu.memory_space<semaphore_mem>>
        %dma_wait3A_1906 = tpu.memref_squeeze %dma_wait3A_1905 : memref<1x!tpu.dma_semaphore, #tpu.memory_space<semaphore_mem>> -> memref<!tpu.dma_semaphore, #tpu.memory_space<semaphore_mem>>
        %dma_wait3A_1907 = arith.constant 0 : i32
        %dma_wait3A_1908 = arith.constant 0 : i32
        %dma_wait3A_1909 = tpu.memref_slice %arg4[%select_n3A_1807, %dma_wait3A_1895, %rem3A_1809, %dma_wait3A_1907, %dma_wait3A_1908] : memref<200x8x32x8x128xf32, #tpu.memory_space<hbm>> -> memref<1x1x1x8x128xf32, #tpu.memory_space<hbm>>
        %dma_wait3A_1910 = tpu.memref_squeeze %dma_wait3A_1909 : memref<1x1x1x8x128xf32, #tpu.memory_space<hbm>> -> memref<8x128xf32, #tpu.memory_space<hbm>>
        %dma_wait3A_1911 = arith.constant 32 : i32
        %dma_wait3A_1912 = arith.constant 0 : i32
        %dma_wait3A_1913 = tpu.memref_slice %arg7[%dma_wait3A_1894, %dma_wait3A_1911, %dma_wait3A_1912] : memref<4x64x129xf32, #tpu.memory_space<vmem>> -> memref<1x8x128xf32, #tpu.memory_space<vmem>>
        %dma_wait3A_1914 = tpu.memref_squeeze %dma_wait3A_1913 : memref<1x8x128xf32, #tpu.memory_space<vmem>> -> memref<8x128xf32, #tpu.memory_space<vmem>>
        tpu.wait_dma2 semaphore(%dma_wait3A_1906 : memref<!tpu.dma_semaphore, #tpu.memory_space<semaphore_mem>>) src(%dma_wait3A_1914 : memref<8x128xf32, #tpu.memory_space<vmem>>) dst(%dma_wait3A_1910 : memref<8x128xf32, #tpu.memory_space<hbm>>)
        %dma_wait3A_1915 = arith.constant 2 : i32
        %dma_wait3A_1916 = arith.constant 5 : i32
        %dma_wait3A_1917 = arith.constant 2 : i32
        %dma_wait3A_1918 = arith.constant 40 : i32
        %dma_wait3A_1919 = arith.constant 0 : i32
        %dma_wait3A_1920 = tpu.memref_slice %arg7[%dma_wait3A_1915, %dma_wait3A_1918, %dma_wait3A_1919] : memref<4x64x129xf32, #tpu.memory_space<vmem>> -> memref<1x8x128xf32, #tpu.memory_space<vmem>>
        %dma_wait3A_1921 = tpu.memref_squeeze %dma_wait3A_1920 : memref<1x8x128xf32, #tpu.memory_space<vmem>> -> memref<8x128xf32, #tpu.memory_space<vmem>>
        %dma_wait3A_1922 = arith.constant 0 : i32
        %dma_wait3A_1923 = arith.constant 0 : i32
        %dma_wait3A_1924 = tpu.memref_slice %arg4[%select_n3A_1807, %dma_wait3A_1916, %rem3A_1809, %dma_wait3A_1922, %dma_wait3A_1923] : memref<200x8x32x8x128xf32, #tpu.memory_space<hbm>> -> memref<1x1x1x8x128xf32, #tpu.memory_space<hbm>>
        %dma_wait3A_1925 = tpu.memref_squeeze %dma_wait3A_1924 : memref<1x1x1x8x128xf32, #tpu.memory_space<hbm>> -> memref<8x128xf32, #tpu.memory_space<hbm>>
        %dma_wait3A_1926 = tpu.memref_slice %arg9[%dma_wait3A_1917] : memref<4x!tpu.dma_semaphore, #tpu.memory_space<semaphore_mem>> -> memref<1x!tpu.dma_semaphore, #tpu.memory_space<semaphore_mem>>
        %dma_wait3A_1927 = tpu.memref_squeeze %dma_wait3A_1926 : memref<1x!tpu.dma_semaphore, #tpu.memory_space<semaphore_mem>> -> memref<!tpu.dma_semaphore, #tpu.memory_space<semaphore_mem>>
        %dma_wait3A_1928 = arith.constant 0 : i32
        %dma_wait3A_1929 = arith.constant 0 : i32
        %dma_wait3A_1930 = tpu.memref_slice %arg4[%select_n3A_1807, %dma_wait3A_1916, %rem3A_1809, %dma_wait3A_1928, %dma_wait3A_1929] : memref<200x8x32x8x128xf32, #tpu.memory_space<hbm>> -> memref<1x1x1x8x128xf32, #tpu.memory_space<hbm>>
        %dma_wait3A_1931 = tpu.memref_squeeze %dma_wait3A_1930 : memref<1x1x1x8x128xf32, #tpu.memory_space<hbm>> -> memref<8x128xf32, #tpu.memory_space<hbm>>
        %dma_wait3A_1932 = arith.constant 40 : i32
        %dma_wait3A_1933 = arith.constant 0 : i32
        %dma_wait3A_1934 = tpu.memref_slice %arg7[%dma_wait3A_1915, %dma_wait3A_1932, %dma_wait3A_1933] : memref<4x64x129xf32, #tpu.memory_space<vmem>> -> memref<1x8x128xf32, #tpu.memory_space<vmem>>
        %dma_wait3A_1935 = tpu.memref_squeeze %dma_wait3A_1934 : memref<1x8x128xf32, #tpu.memory_space<vmem>> -> memref<8x128xf32, #tpu.memory_space<vmem>>
        tpu.wait_dma2 semaphore(%dma_wait3A_1927 : memref<!tpu.dma_semaphore, #tpu.memory_space<semaphore_mem>>) src(%dma_wait3A_1935 : memref<8x128xf32, #tpu.memory_space<vmem>>) dst(%dma_wait3A_1931 : memref<8x128xf32, #tpu.memory_space<hbm>>)
        %dma_wait3A_1936 = arith.constant 2 : i32
        %dma_wait3A_1937 = arith.constant 6 : i32
        %dma_wait3A_1938 = arith.constant 2 : i32
        %dma_wait3A_1939 = arith.constant 48 : i32
        %dma_wait3A_1940 = arith.constant 0 : i32
        %dma_wait3A_1941 = tpu.memref_slice %arg7[%dma_wait3A_1936, %dma_wait3A_1939, %dma_wait3A_1940] : memref<4x64x129xf32, #tpu.memory_space<vmem>> -> memref<1x8x128xf32, #tpu.memory_space<vmem>>
        %dma_wait3A_1942 = tpu.memref_squeeze %dma_wait3A_1941 : memref<1x8x128xf32, #tpu.memory_space<vmem>> -> memref<8x128xf32, #tpu.memory_space<vmem>>
        %dma_wait3A_1943 = arith.constant 0 : i32
        %dma_wait3A_1944 = arith.constant 0 : i32
        %dma_wait3A_1945 = tpu.memref_slice %arg4[%select_n3A_1807, %dma_wait3A_1937, %rem3A_1809, %dma_wait3A_1943, %dma_wait3A_1944] : memref<200x8x32x8x128xf32, #tpu.memory_space<hbm>> -> memref<1x1x1x8x128xf32, #tpu.memory_space<hbm>>
        %dma_wait3A_1946 = tpu.memref_squeeze %dma_wait3A_1945 : memref<1x1x1x8x128xf32, #tpu.memory_space<hbm>> -> memref<8x128xf32, #tpu.memory_space<hbm>>
        %dma_wait3A_1947 = tpu.memref_slice %arg9[%dma_wait3A_1938] : memref<4x!tpu.dma_semaphore, #tpu.memory_space<semaphore_mem>> -> memref<1x!tpu.dma_semaphore, #tpu.memory_space<semaphore_mem>>
        %dma_wait3A_1948 = tpu.memref_squeeze %dma_wait3A_1947 : memref<1x!tpu.dma_semaphore, #tpu.memory_space<semaphore_mem>> -> memref<!tpu.dma_semaphore, #tpu.memory_space<semaphore_mem>>
        %dma_wait3A_1949 = arith.constant 0 : i32
        %dma_wait3A_1950 = arith.constant 0 : i32
        %dma_wait3A_1951 = tpu.memref_slice %arg4[%select_n3A_1807, %dma_wait3A_1937, %rem3A_1809, %dma_wait3A_1949, %dma_wait3A_1950] : memref<200x8x32x8x128xf32, #tpu.memory_space<hbm>> -> memref<1x1x1x8x128xf32, #tpu.memory_space<hbm>>
        %dma_wait3A_1952 = tpu.memref_squeeze %dma_wait3A_1951 : memref<1x1x1x8x128xf32, #tpu.memory_space<hbm>> -> memref<8x128xf32, #tpu.memory_space<hbm>>
        %dma_wait3A_1953 = arith.constant 48 : i32
        %dma_wait3A_1954 = arith.constant 0 : i32
        %dma_wait3A_1955 = tpu.memref_slice %arg7[%dma_wait3A_1936, %dma_wait3A_1953, %dma_wait3A_1954] : memref<4x64x129xf32, #tpu.memory_space<vmem>> -> memref<1x8x128xf32, #tpu.memory_space<vmem>>
        %dma_wait3A_1956 = tpu.memref_squeeze %dma_wait3A_1955 : memref<1x8x128xf32, #tpu.memory_space<vmem>> -> memref<8x128xf32, #tpu.memory_space<vmem>>
        tpu.wait_dma2 semaphore(%dma_wait3A_1948 : memref<!tpu.dma_semaphore, #tpu.memory_space<semaphore_mem>>) src(%dma_wait3A_1956 : memref<8x128xf32, #tpu.memory_space<vmem>>) dst(%dma_wait3A_1952 : memref<8x128xf32, #tpu.memory_space<hbm>>)
        %dma_wait3A_1957 = arith.constant 2 : i32
        %dma_wait3A_1958 = arith.constant 7 : i32
        %dma_wait3A_1959 = arith.constant 2 : i32
        %dma_wait3A_1960 = arith.constant 56 : i32
        %dma_wait3A_1961 = arith.constant 0 : i32
        %dma_wait3A_1962 = tpu.memref_slice %arg7[%dma_wait3A_1957, %dma_wait3A_1960, %dma_wait3A_1961] : memref<4x64x129xf32, #tpu.memory_space<vmem>> -> memref<1x8x128xf32, #tpu.memory_space<vmem>>
        %dma_wait3A_1963 = tpu.memref_squeeze %dma_wait3A_1962 : memref<1x8x128xf32, #tpu.memory_space<vmem>> -> memref<8x128xf32, #tpu.memory_space<vmem>>
        %dma_wait3A_1964 = arith.constant 0 : i32
        %dma_wait3A_1965 = arith.constant 0 : i32
        %dma_wait3A_1966 = tpu.memref_slice %arg4[%select_n3A_1807, %dma_wait3A_1958, %rem3A_1809, %dma_wait3A_1964, %dma_wait3A_1965] : memref<200x8x32x8x128xf32, #tpu.memory_space<hbm>> -> memref<1x1x1x8x128xf32, #tpu.memory_space<hbm>>
        %dma_wait3A_1967 = tpu.memref_squeeze %dma_wait3A_1966 : memref<1x1x1x8x128xf32, #tpu.memory_space<hbm>> -> memref<8x128xf32, #tpu.memory_space<hbm>>
        %dma_wait3A_1968 = tpu.memref_slice %arg9[%dma_wait3A_1959] : memref<4x!tpu.dma_semaphore, #tpu.memory_space<semaphore_mem>> -> memref<1x!tpu.dma_semaphore, #tpu.memory_space<semaphore_mem>>
        %dma_wait3A_1969 = tpu.memref_squeeze %dma_wait3A_1968 : memref<1x!tpu.dma_semaphore, #tpu.memory_space<semaphore_mem>> -> memref<!tpu.dma_semaphore, #tpu.memory_space<semaphore_mem>>
        %dma_wait3A_1970 = arith.constant 0 : i32
        %dma_wait3A_1971 = arith.constant 0 : i32
        %dma_wait3A_1972 = tpu.memref_slice %arg4[%select_n3A_1807, %dma_wait3A_1958, %rem3A_1809, %dma_wait3A_1970, %dma_wait3A_1971] : memref<200x8x32x8x128xf32, #tpu.memory_space<hbm>> -> memref<1x1x1x8x128xf32, #tpu.memory_space<hbm>>
        %dma_wait3A_1973 = tpu.memref_squeeze %dma_wait3A_1972 : memref<1x1x1x8x128xf32, #tpu.memory_space<hbm>> -> memref<8x128xf32, #tpu.memory_space<hbm>>
        %dma_wait3A_1974 = arith.constant 56 : i32
        %dma_wait3A_1975 = arith.constant 0 : i32
        %dma_wait3A_1976 = tpu.memref_slice %arg7[%dma_wait3A_1957, %dma_wait3A_1974, %dma_wait3A_1975] : memref<4x64x129xf32, #tpu.memory_space<vmem>> -> memref<1x8x128xf32, #tpu.memory_space<vmem>>
        %dma_wait3A_1977 = tpu.memref_squeeze %dma_wait3A_1976 : memref<1x8x128xf32, #tpu.memory_space<vmem>> -> memref<8x128xf32, #tpu.memory_space<vmem>>
        tpu.wait_dma2 semaphore(%dma_wait3A_1969 : memref<!tpu.dma_semaphore, #tpu.memory_space<semaphore_mem>>) src(%dma_wait3A_1977 : memref<8x128xf32, #tpu.memory_space<vmem>>) dst(%dma_wait3A_1973 : memref<8x128xf32, #tpu.memory_space<hbm>>)
      } else {
      }
      %barrier3A_1340 = arith.constant 0 : index
      tpu.barrier barrier_id(%barrier3A_1340)
      %parallel_loop3A_1341 = arith.constant 0 : i32
      %parallel_loop3A_1342 = arith.constant 128 : i32
      %parallel_loop3A_1343 = arith.constant 1 : i32
      %parallel_loop3A_1344 = arith.constant 2 : i32
      %parallel_loop3A_1345 = scf.for %parallel_loop3A_1781 = %parallel_loop3A_1341 to %parallel_loop3A_1342 step %parallel_loop3A_1343 iter_args(%parallel_loop3A_1782 = %broadcast_in_dim3A_77) -> (vector<16xi32>)  : i32 {
        %parallel_loop3A_1783 = arith.constant 2 : i32
        %parallel_loop3A_1784 = arith.index_cast %parallel_loop3A_1783 : i32 to index
        %parallel_loop3A_1785 = arith.index_cast %parallel_loop3A_1781 : i32 to index
        %parallel_loop3A_1786 = arith.constant 0 : index
        %parallel_loop3A_1787 = tpu.vector_load %arg6[%parallel_loop3A_1784, %parallel_loop3A_1785, %parallel_loop3A_1786] {strides = array<i32>} : memref<4x128x64xf32, #tpu.memory_space<vmem>>, vector<16xf32>,
        %parallel_loop3A_1788 = arith.constant 8.000000e+00 : f32
        %parallel_loop3A_1789 = vector.broadcast %parallel_loop3A_1788 : f32 to vector<16xf32>
        %parallel_loop3A_1790 = arith.mulf %parallel_loop3A_1787, %parallel_loop3A_1789 : vector<16xf32>
        %parallel_loop3A_1791 = arith.constant 0 : i32
        %parallel_loop3A_1792 = arith.constant 0 : i32
        %parallel_loop3A_1793 = tpu.memref_slice %arg7[%parallel_loop3A_1344, %parallel_loop3A_1791, %parallel_loop3A_1792] : memref<4x64x129xf32, #tpu.memory_space<vmem>> -> memref<1x64x129xf32, #tpu.memory_space<vmem>>
        %parallel_loop3A_1794 = tpu.memref_squeeze %parallel_loop3A_1793 : memref<1x64x129xf32, #tpu.memory_space<vmem>> -> memref<64x129xf32, #tpu.memory_space<vmem>>
        tpu.vector_store_idx %parallel_loop3A_1794[%add3A_64, %parallel_loop3A_1782], %parallel_loop3A_1790 : memref<64x129xf32, #tpu.memory_space<vmem>>[vector<16xi32>, vector<16xi32>], vector<16xf32>,
        %parallel_loop3A_1795 = arith.constant 2 : i32
        %parallel_loop3A_1796 = arith.index_cast %parallel_loop3A_1795 : i32 to index
        %parallel_loop3A_1797 = arith.index_cast %parallel_loop3A_1781 : i32 to index
        %parallel_loop3A_1798 = arith.constant 16 : index
        %parallel_loop3A_1799 = tpu.vector_load %arg6[%parallel_loop3A_1796, %parallel_loop3A_1797, %parallel_loop3A_1798] {strides = array<i32>} : memref<4x128x64xf32, #tpu.memory_space<vmem>>, vector<16xf32>,
        %parallel_loop3A_1800 = arith.constant 8.000000e+00 : f32
        %parallel_loop3A_1801 = vector.broadcast %parallel_loop3A_1800 : f32 to vector<16xf32>
        %parallel_loop3A_1802 = arith.mulf %parallel_loop3A_1799, %parallel_loop3A_1801 : vector<16xf32>
        %parallel_loop3A_1803 = arith.constant 0 : i32
        %parallel_loop3A_1804 = arith.constant 0 : i32
        %parallel_loop3A_1805 = tpu.memref_slice %arg7[%parallel_loop3A_1344, %parallel_loop3A_1803, %parallel_loop3A_1804] : memref<4x64x129xf32, #tpu.memory_space<vmem>> -> memref<1x64x129xf32, #tpu.memory_space<vmem>>
        %parallel_loop3A_1806 = tpu.memref_squeeze %parallel_loop3A_1805 : memref<1x64x129xf32, #tpu.memory_space<vmem>> -> memref<64x129xf32, #tpu.memory_space<vmem>>
        tpu.vector_store_idx %parallel_loop3A_1806[%add3A_68, %parallel_loop3A_1782], %parallel_loop3A_1802 : memref<64x129xf32, #tpu.memory_space<vmem>>[vector<16xi32>, vector<16xi32>], vector<16xf32>,
        %parallel_loop3A_1807 = arith.constant 2 : i32
        %parallel_loop3A_1808 = arith.index_cast %parallel_loop3A_1807 : i32 to index
        %parallel_loop3A_1809 = arith.index_cast %parallel_loop3A_1781 : i32 to index
        %parallel_loop3A_1810 = arith.constant 32 : index
        %parallel_loop3A_1811 = tpu.vector_load %arg6[%parallel_loop3A_1808, %parallel_loop3A_1809, %parallel_loop3A_1810] {strides = array<i32>} : memref<4x128x64xf32, #tpu.memory_space<vmem>>, vector<16xf32>,
        %parallel_loop3A_1812 = arith.constant 8.000000e+00 : f32
        %parallel_loop3A_1813 = vector.broadcast %parallel_loop3A_1812 : f32 to vector<16xf32>
        %parallel_loop3A_1814 = arith.mulf %parallel_loop3A_1811, %parallel_loop3A_1813 : vector<16xf32>
        %parallel_loop3A_1815 = arith.constant 0 : i32
        %parallel_loop3A_1816 = arith.constant 0 : i32
        %parallel_loop3A_1817 = tpu.memref_slice %arg7[%parallel_loop3A_1344, %parallel_loop3A_1815, %parallel_loop3A_1816] : memref<4x64x129xf32, #tpu.memory_space<vmem>> -> memref<1x64x129xf32, #tpu.memory_space<vmem>>
        %parallel_loop3A_1818 = tpu.memref_squeeze %parallel_loop3A_1817 : memref<1x64x129xf32, #tpu.memory_space<vmem>> -> memref<64x129xf32, #tpu.memory_space<vmem>>
        tpu.vector_store_idx %parallel_loop3A_1818[%add3A_72, %parallel_loop3A_1782], %parallel_loop3A_1814 : memref<64x129xf32, #tpu.memory_space<vmem>>[vector<16xi32>, vector<16xi32>], vector<16xf32>,
        %parallel_loop3A_1819 = arith.constant 2 : i32
        %parallel_loop3A_1820 = arith.index_cast %parallel_loop3A_1819 : i32 to index
        %parallel_loop3A_1821 = arith.index_cast %parallel_loop3A_1781 : i32 to index
        %parallel_loop3A_1822 = arith.constant 48 : index
        %parallel_loop3A_1823 = tpu.vector_load %arg6[%parallel_loop3A_1820, %parallel_loop3A_1821, %parallel_loop3A_1822] {strides = array<i32>} : memref<4x128x64xf32, #tpu.memory_space<vmem>>, vector<16xf32>,
        %parallel_loop3A_1824 = arith.constant 8.000000e+00 : f32
        %parallel_loop3A_1825 = vector.broadcast %parallel_loop3A_1824 : f32 to vector<16xf32>
        %parallel_loop3A_1826 = arith.mulf %parallel_loop3A_1823, %parallel_loop3A_1825 : vector<16xf32>
        %parallel_loop3A_1827 = arith.constant 0 : i32
        %parallel_loop3A_1828 = arith.constant 0 : i32
        %parallel_loop3A_1829 = tpu.memref_slice %arg7[%parallel_loop3A_1344, %parallel_loop3A_1827, %parallel_loop3A_1828] : memref<4x64x129xf32, #tpu.memory_space<vmem>> -> memref<1x64x129xf32, #tpu.memory_space<vmem>>
        %parallel_loop3A_1830 = tpu.memref_squeeze %parallel_loop3A_1829 : memref<1x64x129xf32, #tpu.memory_space<vmem>> -> memref<64x129xf32, #tpu.memory_space<vmem>>
        tpu.vector_store_idx %parallel_loop3A_1830[%add3A_76, %parallel_loop3A_1782], %parallel_loop3A_1826 : memref<64x129xf32, #tpu.memory_space<vmem>>[vector<16xi32>, vector<16xi32>], vector<16xf32>,
        %parallel_loop3A_1831 = arith.constant 1 : i32
        %parallel_loop3A_1832 = vector.broadcast %parallel_loop3A_1831 : i32 to vector<16xi32>
        %parallel_loop3A_1833 = arith.addi %parallel_loop3A_1782, %parallel_loop3A_1832 : vector<16xi32>
        scf.yield %parallel_loop3A_1833 : vector<16xi32>
      } {sc.loop_unroll_factor = 8 : i64, sc.parallel_access}
      %barrier3A_1346 = arith.constant 0 : index
      tpu.barrier barrier_id(%barrier3A_1346)
      %add3A_1347 = arith.addi %mul3A_2, %add3A_1320 : i32
      %jit3A_1348 = arith.constant 32 : i32
      %div3A_1349 = arith.divsi %add3A_1347, %jit3A_1348 : i32
      %sign3A_1350 = arith.constant 0 : i32
      %sign3A_1351 = arith.cmpi sgt, %add3A_1347, %sign3A_1350 : i32
      %sign3A_1352 = arith.extui %sign3A_1351 : i1 to i32
      %sign3A_1353 = arith.constant 0 : i32
      %sign3A_1354 = arith.cmpi slt, %add3A_1347, %sign3A_1353 : i32
      %sign3A_1355 = arith.extui %sign3A_1354 : i1 to i32
      %sign3A_1356 = arith.subi %sign3A_1352, %sign3A_1355 : i32
      %sign3A_1357 = arith.constant 0 : i32
      %sign3A_1358 = arith.cmpi sgt, %jit3A_1348, %sign3A_1357 : i32
      %sign3A_1359 = arith.extui %sign3A_1358 : i1 to i32
      %sign3A_1360 = arith.constant 0 : i32
      %sign3A_1361 = arith.cmpi slt, %jit3A_1348, %sign3A_1360 : i32
      %sign3A_1362 = arith.extui %sign3A_1361 : i1 to i32
      %sign3A_1363 = arith.subi %sign3A_1359, %sign3A_1362 : i32
      %ne3A_1364 = arith.cmpi ne, %sign3A_1356, %sign3A_1363 : i32
      %rem3A_1365 = arith.remsi %add3A_1347, %jit3A_1348 : i32
      %ne3A_1366 = arith.constant 0 : i32
      %ne3A_1367 = arith.cmpi ne, %rem3A_1365, %ne3A_1366 : i32
      %and3A_1368 = arith.andi %ne3A_1364, %ne3A_1367 : i1
      %sub3A_1369 = arith.constant 1 : i32
      %sub3A_1370 = arith.subi %div3A_1349, %sub3A_1369 : i32
      %select_n3A_1371 = arith.select %and3A_1368, %sub3A_1370, %div3A_1349 : i32
      %rem3A_1372 = arith.constant 32 : i32
      %rem3A_1373 = arith.remsi %add3A_1347, %rem3A_1372 : i32
      %dma_start3A_1374 = arith.constant 2 : i32
      %dma_start3A_1375 = arith.constant 0 : i32
      %dma_start3A_1376 = arith.constant 2 : i32
      %dma_start3A_1377 = arith.constant 0 : i32
      %dma_start3A_1378 = arith.constant 0 : i32
      %dma_start3A_1379 = tpu.memref_slice %arg7[%dma_start3A_1374, %dma_start3A_1377, %dma_start3A_1378] : memref<4x64x129xf32, #tpu.memory_space<vmem>> -> memref<1x8x128xf32, #tpu.memory_space<vmem>>
      %dma_start3A_1380 = tpu.memref_squeeze %dma_start3A_1379 : memref<1x8x128xf32, #tpu.memory_space<vmem>> -> memref<8x128xf32, #tpu.memory_space<vmem>>
      %dma_start3A_1381 = arith.constant 0 : i32
      %dma_start3A_1382 = arith.constant 0 : i32
      %dma_start3A_1383 = tpu.memref_slice %arg4[%select_n3A_1371, %dma_start3A_1375, %rem3A_1373, %dma_start3A_1381, %dma_start3A_1382] : memref<200x8x32x8x128xf32, #tpu.memory_space<hbm>> -> memref<1x1x1x8x128xf32, #tpu.memory_space<hbm>>
      %dma_start3A_1384 = tpu.memref_squeeze %dma_start3A_1383 : memref<1x1x1x8x128xf32, #tpu.memory_space<hbm>> -> memref<8x128xf32, #tpu.memory_space<hbm>>
      %dma_start3A_1385 = tpu.memref_slice %arg9[%dma_start3A_1376] : memref<4x!tpu.dma_semaphore, #tpu.memory_space<semaphore_mem>> -> memref<1x!tpu.dma_semaphore, #tpu.memory_space<semaphore_mem>>
      %dma_start3A_1386 = tpu.memref_squeeze %dma_start3A_1385 : memref<1x!tpu.dma_semaphore, #tpu.memory_space<semaphore_mem>> -> memref<!tpu.dma_semaphore, #tpu.memory_space<semaphore_mem>>
      %dma_start3A_1387 = arith.constant 0 : i32
      %dma_start3A_1388 = arith.constant 0 : i32
      %dma_start3A_1389 = tpu.memref_slice %arg4[%select_n3A_1371, %dma_start3A_1375, %rem3A_1373, %dma_start3A_1387, %dma_start3A_1388] : memref<200x8x32x8x128xf32, #tpu.memory_space<hbm>> -> memref<1x1x1x8x128xf32, #tpu.memory_space<hbm>>
      %dma_start3A_1390 = tpu.memref_squeeze %dma_start3A_1389 : memref<1x1x1x8x128xf32, #tpu.memory_space<hbm>> -> memref<8x128xf32, #tpu.memory_space<hbm>>
      %dma_start3A_1391 = arith.constant 0 : i32
      %dma_start3A_1392 = arith.constant 0 : i32
      %dma_start3A_1393 = tpu.memref_slice %arg7[%dma_start3A_1374, %dma_start3A_1391, %dma_start3A_1392] : memref<4x64x129xf32, #tpu.memory_space<vmem>> -> memref<1x8x128xf32, #tpu.memory_space<vmem>>
      %dma_start3A_1394 = tpu.memref_squeeze %dma_start3A_1393 : memref<1x8x128xf32, #tpu.memory_space<vmem>> -> memref<8x128xf32, #tpu.memory_space<vmem>>
      tpu.enqueue_dma source(%dma_start3A_1394 : memref<8x128xf32, #tpu.memory_space<vmem>>) target(%dma_start3A_1390 : memref<8x128xf32, #tpu.memory_space<hbm>>) target_semaphore(%dma_start3A_1386 : memref<!tpu.dma_semaphore, #tpu.memory_space<semaphore_mem>>)
      %dma_start3A_1395 = arith.constant 2 : i32
      %dma_start3A_1396 = arith.constant 1 : i32
      %dma_start3A_1397 = arith.constant 2 : i32
      %dma_start3A_1398 = arith.constant 8 : i32
      %dma_start3A_1399 = arith.constant 0 : i32
      %dma_start3A_1400 = tpu.memref_slice %arg7[%dma_start3A_1395, %dma_start3A_1398, %dma_start3A_1399] : memref<4x64x129xf32, #tpu.memory_space<vmem>> -> memref<1x8x128xf32, #tpu.memory_space<vmem>>
      %dma_start3A_1401 = tpu.memref_squeeze %dma_start3A_1400 : memref<1x8x128xf32, #tpu.memory_space<vmem>> -> memref<8x128xf32, #tpu.memory_space<vmem>>
      %dma_start3A_1402 = arith.constant 0 : i32
      %dma_start3A_1403 = arith.constant 0 : i32
      %dma_start3A_1404 = tpu.memref_slice %arg4[%select_n3A_1371, %dma_start3A_1396, %rem3A_1373, %dma_start3A_1402, %dma_start3A_1403] : memref<200x8x32x8x128xf32, #tpu.memory_space<hbm>> -> memref<1x1x1x8x128xf32, #tpu.memory_space<hbm>>
      %dma_start3A_1405 = tpu.memref_squeeze %dma_start3A_1404 : memref<1x1x1x8x128xf32, #tpu.memory_space<hbm>> -> memref<8x128xf32, #tpu.memory_space<hbm>>
      %dma_start3A_1406 = tpu.memref_slice %arg9[%dma_start3A_1397] : memref<4x!tpu.dma_semaphore, #tpu.memory_space<semaphore_mem>> -> memref<1x!tpu.dma_semaphore, #tpu.memory_space<semaphore_mem>>
      %dma_start3A_1407 = tpu.memref_squeeze %dma_start3A_1406 : memref<1x!tpu.dma_semaphore, #tpu.memory_space<semaphore_mem>> -> memref<!tpu.dma_semaphore, #tpu.memory_space<semaphore_mem>>
      %dma_start3A_1408 = arith.constant 0 : i32
      %dma_start3A_1409 = arith.constant 0 : i32
      %dma_start3A_1410 = tpu.memref_slice %arg4[%select_n3A_1371, %dma_start3A_1396, %rem3A_1373, %dma_start3A_1408, %dma_start3A_1409] : memref<200x8x32x8x128xf32, #tpu.memory_space<hbm>> -> memref<1x1x1x8x128xf32, #tpu.memory_space<hbm>>
      %dma_start3A_1411 = tpu.memref_squeeze %dma_start3A_1410 : memref<1x1x1x8x128xf32, #tpu.memory_space<hbm>> -> memref<8x128xf32, #tpu.memory_space<hbm>>
      %dma_start3A_1412 = arith.constant 8 : i32
      %dma_start3A_1413 = arith.constant 0 : i32
      %dma_start3A_1414 = tpu.memref_slice %arg7[%dma_start3A_1395, %dma_start3A_1412, %dma_start3A_1413] : memref<4x64x129xf32, #tpu.memory_space<vmem>> -> memref<1x8x128xf32, #tpu.memory_space<vmem>>
      %dma_start3A_1415 = tpu.memref_squeeze %dma_start3A_1414 : memref<1x8x128xf32, #tpu.memory_space<vmem>> -> memref<8x128xf32, #tpu.memory_space<vmem>>
      tpu.enqueue_dma source(%dma_start3A_1415 : memref<8x128xf32, #tpu.memory_space<vmem>>) target(%dma_start3A_1411 : memref<8x128xf32, #tpu.memory_space<hbm>>) target_semaphore(%dma_start3A_1407 : memref<!tpu.dma_semaphore, #tpu.memory_space<semaphore_mem>>)
      %dma_start3A_1416 = arith.constant 2 : i32
      %dma_start3A_1417 = arith.constant 2 : i32
      %dma_start3A_1418 = arith.constant 2 : i32
      %dma_start3A_1419 = arith.constant 16 : i32
      %dma_start3A_1420 = arith.constant 0 : i32
      %dma_start3A_1421 = tpu.memref_slice %arg7[%dma_start3A_1416, %dma_start3A_1419, %dma_start3A_1420] : memref<4x64x129xf32, #tpu.memory_space<vmem>> -> memref<1x8x128xf32, #tpu.memory_space<vmem>>
      %dma_start3A_1422 = tpu.memref_squeeze %dma_start3A_1421 : memref<1x8x128xf32, #tpu.memory_space<vmem>> -> memref<8x128xf32, #tpu.memory_space<vmem>>
      %dma_start3A_1423 = arith.constant 0 : i32
      %dma_start3A_1424 = arith.constant 0 : i32
      %dma_start3A_1425 = tpu.memref_slice %arg4[%select_n3A_1371, %dma_start3A_1417, %rem3A_1373, %dma_start3A_1423, %dma_start3A_1424] : memref<200x8x32x8x128xf32, #tpu.memory_space<hbm>> -> memref<1x1x1x8x128xf32, #tpu.memory_space<hbm>>
      %dma_start3A_1426 = tpu.memref_squeeze %dma_start3A_1425 : memref<1x1x1x8x128xf32, #tpu.memory_space<hbm>> -> memref<8x128xf32, #tpu.memory_space<hbm>>
      %dma_start3A_1427 = tpu.memref_slice %arg9[%dma_start3A_1418] : memref<4x!tpu.dma_semaphore, #tpu.memory_space<semaphore_mem>> -> memref<1x!tpu.dma_semaphore, #tpu.memory_space<semaphore_mem>>
      %dma_start3A_1428 = tpu.memref_squeeze %dma_start3A_1427 : memref<1x!tpu.dma_semaphore, #tpu.memory_space<semaphore_mem>> -> memref<!tpu.dma_semaphore, #tpu.memory_space<semaphore_mem>>
      %dma_start3A_1429 = arith.constant 0 : i32
      %dma_start3A_1430 = arith.constant 0 : i32
      %dma_start3A_1431 = tpu.memref_slice %arg4[%select_n3A_1371, %dma_start3A_1417, %rem3A_1373, %dma_start3A_1429, %dma_start3A_1430] : memref<200x8x32x8x128xf32, #tpu.memory_space<hbm>> -> memref<1x1x1x8x128xf32, #tpu.memory_space<hbm>>
      %dma_start3A_1432 = tpu.memref_squeeze %dma_start3A_1431 : memref<1x1x1x8x128xf32, #tpu.memory_space<hbm>> -> memref<8x128xf32, #tpu.memory_space<hbm>>
      %dma_start3A_1433 = arith.constant 16 : i32
      %dma_start3A_1434 = arith.constant 0 : i32
      %dma_start3A_1435 = tpu.memref_slice %arg7[%dma_start3A_1416, %dma_start3A_1433, %dma_start3A_1434] : memref<4x64x129xf32, #tpu.memory_space<vmem>> -> memref<1x8x128xf32, #tpu.memory_space<vmem>>
      %dma_start3A_1436 = tpu.memref_squeeze %dma_start3A_1435 : memref<1x8x128xf32, #tpu.memory_space<vmem>> -> memref<8x128xf32, #tpu.memory_space<vmem>>
      tpu.enqueue_dma source(%dma_start3A_1436 : memref<8x128xf32, #tpu.memory_space<vmem>>) target(%dma_start3A_1432 : memref<8x128xf32, #tpu.memory_space<hbm>>) target_semaphore(%dma_start3A_1428 : memref<!tpu.dma_semaphore, #tpu.memory_space<semaphore_mem>>)
      %dma_start3A_1437 = arith.constant 2 : i32
      %dma_start3A_1438 = arith.constant 3 : i32
      %dma_start3A_1439 = arith.constant 2 : i32
      %dma_start3A_1440 = arith.constant 24 : i32
      %dma_start3A_1441 = arith.constant 0 : i32
      %dma_start3A_1442 = tpu.memref_slice %arg7[%dma_start3A_1437, %dma_start3A_1440, %dma_start3A_1441] : memref<4x64x129xf32, #tpu.memory_space<vmem>> -> memref<1x8x128xf32, #tpu.memory_space<vmem>>
      %dma_start3A_1443 = tpu.memref_squeeze %dma_start3A_1442 : memref<1x8x128xf32, #tpu.memory_space<vmem>> -> memref<8x128xf32, #tpu.memory_space<vmem>>
      %dma_start3A_1444 = arith.constant 0 : i32
      %dma_start3A_1445 = arith.constant 0 : i32
      %dma_start3A_1446 = tpu.memref_slice %arg4[%select_n3A_1371, %dma_start3A_1438, %rem3A_1373, %dma_start3A_1444, %dma_start3A_1445] : memref<200x8x32x8x128xf32, #tpu.memory_space<hbm>> -> memref<1x1x1x8x128xf32, #tpu.memory_space<hbm>>
      %dma_start3A_1447 = tpu.memref_squeeze %dma_start3A_1446 : memref<1x1x1x8x128xf32, #tpu.memory_space<hbm>> -> memref<8x128xf32, #tpu.memory_space<hbm>>
      %dma_start3A_1448 = tpu.memref_slice %arg9[%dma_start3A_1439] : memref<4x!tpu.dma_semaphore, #tpu.memory_space<semaphore_mem>> -> memref<1x!tpu.dma_semaphore, #tpu.memory_space<semaphore_mem>>
      %dma_start3A_1449 = tpu.memref_squeeze %dma_start3A_1448 : memref<1x!tpu.dma_semaphore, #tpu.memory_space<semaphore_mem>> -> memref<!tpu.dma_semaphore, #tpu.memory_space<semaphore_mem>>
      %dma_start3A_1450 = arith.constant 0 : i32
      %dma_start3A_1451 = arith.constant 0 : i32
      %dma_start3A_1452 = tpu.memref_slice %arg4[%select_n3A_1371, %dma_start3A_1438, %rem3A_1373, %dma_start3A_1450, %dma_start3A_1451] : memref<200x8x32x8x128xf32, #tpu.memory_space<hbm>> -> memref<1x1x1x8x128xf32, #tpu.memory_space<hbm>>
      %dma_start3A_1453 = tpu.memref_squeeze %dma_start3A_1452 : memref<1x1x1x8x128xf32, #tpu.memory_space<hbm>> -> memref<8x128xf32, #tpu.memory_space<hbm>>
      %dma_start3A_1454 = arith.constant 24 : i32
      %dma_start3A_1455 = arith.constant 0 : i32
      %dma_start3A_1456 = tpu.memref_slice %arg7[%dma_start3A_1437, %dma_start3A_1454, %dma_start3A_1455] : memref<4x64x129xf32, #tpu.memory_space<vmem>> -> memref<1x8x128xf32, #tpu.memory_space<vmem>>
      %dma_start3A_1457 = tpu.memref_squeeze %dma_start3A_1456 : memref<1x8x128xf32, #tpu.memory_space<vmem>> -> memref<8x128xf32, #tpu.memory_space<vmem>>
      tpu.enqueue_dma source(%dma_start3A_1457 : memref<8x128xf32, #tpu.memory_space<vmem>>) target(%dma_start3A_1453 : memref<8x128xf32, #tpu.memory_space<hbm>>) target_semaphore(%dma_start3A_1449 : memref<!tpu.dma_semaphore, #tpu.memory_space<semaphore_mem>>)
      %dma_start3A_1458 = arith.constant 2 : i32
      %dma_start3A_1459 = arith.constant 4 : i32
      %dma_start3A_1460 = arith.constant 2 : i32
      %dma_start3A_1461 = arith.constant 32 : i32
      %dma_start3A_1462 = arith.constant 0 : i32
      %dma_start3A_1463 = tpu.memref_slice %arg7[%dma_start3A_1458, %dma_start3A_1461, %dma_start3A_1462] : memref<4x64x129xf32, #tpu.memory_space<vmem>> -> memref<1x8x128xf32, #tpu.memory_space<vmem>>
      %dma_start3A_1464 = tpu.memref_squeeze %dma_start3A_1463 : memref<1x8x128xf32, #tpu.memory_space<vmem>> -> memref<8x128xf32, #tpu.memory_space<vmem>>
      %dma_start3A_1465 = arith.constant 0 : i32
      %dma_start3A_1466 = arith.constant 0 : i32
      %dma_start3A_1467 = tpu.memref_slice %arg4[%select_n3A_1371, %dma_start3A_1459, %rem3A_1373, %dma_start3A_1465, %dma_start3A_1466] : memref<200x8x32x8x128xf32, #tpu.memory_space<hbm>> -> memref<1x1x1x8x128xf32, #tpu.memory_space<hbm>>
      %dma_start3A_1468 = tpu.memref_squeeze %dma_start3A_1467 : memref<1x1x1x8x128xf32, #tpu.memory_space<hbm>> -> memref<8x128xf32, #tpu.memory_space<hbm>>
      %dma_start3A_1469 = tpu.memref_slice %arg9[%dma_start3A_1460] : memref<4x!tpu.dma_semaphore, #tpu.memory_space<semaphore_mem>> -> memref<1x!tpu.dma_semaphore, #tpu.memory_space<semaphore_mem>>
      %dma_start3A_1470 = tpu.memref_squeeze %dma_start3A_1469 : memref<1x!tpu.dma_semaphore, #tpu.memory_space<semaphore_mem>> -> memref<!tpu.dma_semaphore, #tpu.memory_space<semaphore_mem>>
      %dma_start3A_1471 = arith.constant 0 : i32
      %dma_start3A_1472 = arith.constant 0 : i32
      %dma_start3A_1473 = tpu.memref_slice %arg4[%select_n3A_1371, %dma_start3A_1459, %rem3A_1373, %dma_start3A_1471, %dma_start3A_1472] : memref<200x8x32x8x128xf32, #tpu.memory_space<hbm>> -> memref<1x1x1x8x128xf32, #tpu.memory_space<hbm>>
      %dma_start3A_1474 = tpu.memref_squeeze %dma_start3A_1473 : memref<1x1x1x8x128xf32, #tpu.memory_space<hbm>> -> memref<8x128xf32, #tpu.memory_space<hbm>>
      %dma_start3A_1475 = arith.constant 32 : i32
      %dma_start3A_1476 = arith.constant 0 : i32
      %dma_start3A_1477 = tpu.memref_slice %arg7[%dma_start3A_1458, %dma_start3A_1475, %dma_start3A_1476] : memref<4x64x129xf32, #tpu.memory_space<vmem>> -> memref<1x8x128xf32, #tpu.memory_space<vmem>>
      %dma_start3A_1478 = tpu.memref_squeeze %dma_start3A_1477 : memref<1x8x128xf32, #tpu.memory_space<vmem>> -> memref<8x128xf32, #tpu.memory_space<vmem>>
      tpu.enqueue_dma source(%dma_start3A_1478 : memref<8x128xf32, #tpu.memory_space<vmem>>) target(%dma_start3A_1474 : memref<8x128xf32, #tpu.memory_space<hbm>>) target_semaphore(%dma_start3A_1470 : memref<!tpu.dma_semaphore, #tpu.memory_space<semaphore_mem>>)
      %dma_start3A_1479 = arith.constant 2 : i32
      %dma_start3A_1480 = arith.constant 5 : i32
      %dma_start3A_1481 = arith.constant 2 : i32
      %dma_start3A_1482 = arith.constant 40 : i32
      %dma_start3A_1483 = arith.constant 0 : i32
      %dma_start3A_1484 = tpu.memref_slice %arg7[%dma_start3A_1479, %dma_start3A_1482, %dma_start3A_1483] : memref<4x64x129xf32, #tpu.memory_space<vmem>> -> memref<1x8x128xf32, #tpu.memory_space<vmem>>
      %dma_start3A_1485 = tpu.memref_squeeze %dma_start3A_1484 : memref<1x8x128xf32, #tpu.memory_space<vmem>> -> memref<8x128xf32, #tpu.memory_space<vmem>>
      %dma_start3A_1486 = arith.constant 0 : i32
      %dma_start3A_1487 = arith.constant 0 : i32
      %dma_start3A_1488 = tpu.memref_slice %arg4[%select_n3A_1371, %dma_start3A_1480, %rem3A_1373, %dma_start3A_1486, %dma_start3A_1487] : memref<200x8x32x8x128xf32, #tpu.memory_space<hbm>> -> memref<1x1x1x8x128xf32, #tpu.memory_space<hbm>>
      %dma_start3A_1489 = tpu.memref_squeeze %dma_start3A_1488 : memref<1x1x1x8x128xf32, #tpu.memory_space<hbm>> -> memref<8x128xf32, #tpu.memory_space<hbm>>
      %dma_start3A_1490 = tpu.memref_slice %arg9[%dma_start3A_1481] : memref<4x!tpu.dma_semaphore, #tpu.memory_space<semaphore_mem>> -> memref<1x!tpu.dma_semaphore, #tpu.memory_space<semaphore_mem>>
      %dma_start3A_1491 = tpu.memref_squeeze %dma_start3A_1490 : memref<1x!tpu.dma_semaphore, #tpu.memory_space<semaphore_mem>> -> memref<!tpu.dma_semaphore, #tpu.memory_space<semaphore_mem>>
      %dma_start3A_1492 = arith.constant 0 : i32
      %dma_start3A_1493 = arith.constant 0 : i32
      %dma_start3A_1494 = tpu.memref_slice %arg4[%select_n3A_1371, %dma_start3A_1480, %rem3A_1373, %dma_start3A_1492, %dma_start3A_1493] : memref<200x8x32x8x128xf32, #tpu.memory_space<hbm>> -> memref<1x1x1x8x128xf32, #tpu.memory_space<hbm>>
      %dma_start3A_1495 = tpu.memref_squeeze %dma_start3A_1494 : memref<1x1x1x8x128xf32, #tpu.memory_space<hbm>> -> memref<8x128xf32, #tpu.memory_space<hbm>>
      %dma_start3A_1496 = arith.constant 40 : i32
      %dma_start3A_1497 = arith.constant 0 : i32
      %dma_start3A_1498 = tpu.memref_slice %arg7[%dma_start3A_1479, %dma_start3A_1496, %dma_start3A_1497] : memref<4x64x129xf32, #tpu.memory_space<vmem>> -> memref<1x8x128xf32, #tpu.memory_space<vmem>>
      %dma_start3A_1499 = tpu.memref_squeeze %dma_start3A_1498 : memref<1x8x128xf32, #tpu.memory_space<vmem>> -> memref<8x128xf32, #tpu.memory_space<vmem>>
      tpu.enqueue_dma source(%dma_start3A_1499 : memref<8x128xf32, #tpu.memory_space<vmem>>) target(%dma_start3A_1495 : memref<8x128xf32, #tpu.memory_space<hbm>>) target_semaphore(%dma_start3A_1491 : memref<!tpu.dma_semaphore, #tpu.memory_space<semaphore_mem>>)
      %dma_start3A_1500 = arith.constant 2 : i32
      %dma_start3A_1501 = arith.constant 6 : i32
      %dma_start3A_1502 = arith.constant 2 : i32
      %dma_start3A_1503 = arith.constant 48 : i32
      %dma_start3A_1504 = arith.constant 0 : i32
      %dma_start3A_1505 = tpu.memref_slice %arg7[%dma_start3A_1500, %dma_start3A_1503, %dma_start3A_1504] : memref<4x64x129xf32, #tpu.memory_space<vmem>> -> memref<1x8x128xf32, #tpu.memory_space<vmem>>
      %dma_start3A_1506 = tpu.memref_squeeze %dma_start3A_1505 : memref<1x8x128xf32, #tpu.memory_space<vmem>> -> memref<8x128xf32, #tpu.memory_space<vmem>>
      %dma_start3A_1507 = arith.constant 0 : i32
      %dma_start3A_1508 = arith.constant 0 : i32
      %dma_start3A_1509 = tpu.memref_slice %arg4[%select_n3A_1371, %dma_start3A_1501, %rem3A_1373, %dma_start3A_1507, %dma_start3A_1508] : memref<200x8x32x8x128xf32, #tpu.memory_space<hbm>> -> memref<1x1x1x8x128xf32, #tpu.memory_space<hbm>>
      %dma_start3A_1510 = tpu.memref_squeeze %dma_start3A_1509 : memref<1x1x1x8x128xf32, #tpu.memory_space<hbm>> -> memref<8x128xf32, #tpu.memory_space<hbm>>
      %dma_start3A_1511 = tpu.memref_slice %arg9[%dma_start3A_1502] : memref<4x!tpu.dma_semaphore, #tpu.memory_space<semaphore_mem>> -> memref<1x!tpu.dma_semaphore, #tpu.memory_space<semaphore_mem>>
      %dma_start3A_1512 = tpu.memref_squeeze %dma_start3A_1511 : memref<1x!tpu.dma_semaphore, #tpu.memory_space<semaphore_mem>> -> memref<!tpu.dma_semaphore, #tpu.memory_space<semaphore_mem>>
      %dma_start3A_1513 = arith.constant 0 : i32
      %dma_start3A_1514 = arith.constant 0 : i32
      %dma_start3A_1515 = tpu.memref_slice %arg4[%select_n3A_1371, %dma_start3A_1501, %rem3A_1373, %dma_start3A_1513, %dma_start3A_1514] : memref<200x8x32x8x128xf32, #tpu.memory_space<hbm>> -> memref<1x1x1x8x128xf32, #tpu.memory_space<hbm>>
      %dma_start3A_1516 = tpu.memref_squeeze %dma_start3A_1515 : memref<1x1x1x8x128xf32, #tpu.memory_space<hbm>> -> memref<8x128xf32, #tpu.memory_space<hbm>>
      %dma_start3A_1517 = arith.constant 48 : i32
      %dma_start3A_1518 = arith.constant 0 : i32
      %dma_start3A_1519 = tpu.memref_slice %arg7[%dma_start3A_1500, %dma_start3A_1517, %dma_start3A_1518] : memref<4x64x129xf32, #tpu.memory_space<vmem>> -> memref<1x8x128xf32, #tpu.memory_space<vmem>>
      %dma_start3A_1520 = tpu.memref_squeeze %dma_start3A_1519 : memref<1x8x128xf32, #tpu.memory_space<vmem>> -> memref<8x128xf32, #tpu.memory_space<vmem>>
      tpu.enqueue_dma source(%dma_start3A_1520 : memref<8x128xf32, #tpu.memory_space<vmem>>) target(%dma_start3A_1516 : memref<8x128xf32, #tpu.memory_space<hbm>>) target_semaphore(%dma_start3A_1512 : memref<!tpu.dma_semaphore, #tpu.memory_space<semaphore_mem>>)
      %dma_start3A_1521 = arith.constant 2 : i32
      %dma_start3A_1522 = arith.constant 7 : i32
      %dma_start3A_1523 = arith.constant 2 : i32
      %dma_start3A_1524 = arith.constant 56 : i32
      %dma_start3A_1525 = arith.constant 0 : i32
      %dma_start3A_1526 = tpu.memref_slice %arg7[%dma_start3A_1521, %dma_start3A_1524, %dma_start3A_1525] : memref<4x64x129xf32, #tpu.memory_space<vmem>> -> memref<1x8x128xf32, #tpu.memory_space<vmem>>
      %dma_start3A_1527 = tpu.memref_squeeze %dma_start3A_1526 : memref<1x8x128xf32, #tpu.memory_space<vmem>> -> memref<8x128xf32, #tpu.memory_space<vmem>>
      %dma_start3A_1528 = arith.constant 0 : i32
      %dma_start3A_1529 = arith.constant 0 : i32
      %dma_start3A_1530 = tpu.memref_slice %arg4[%select_n3A_1371, %dma_start3A_1522, %rem3A_1373, %dma_start3A_1528, %dma_start3A_1529] : memref<200x8x32x8x128xf32, #tpu.memory_space<hbm>> -> memref<1x1x1x8x128xf32, #tpu.memory_space<hbm>>
      %dma_start3A_1531 = tpu.memref_squeeze %dma_start3A_1530 : memref<1x1x1x8x128xf32, #tpu.memory_space<hbm>> -> memref<8x128xf32, #tpu.memory_space<hbm>>
      %dma_start3A_1532 = tpu.memref_slice %arg9[%dma_start3A_1523] : memref<4x!tpu.dma_semaphore, #tpu.memory_space<semaphore_mem>> -> memref<1x!tpu.dma_semaphore, #tpu.memory_space<semaphore_mem>>
      %dma_start3A_1533 = tpu.memref_squeeze %dma_start3A_1532 : memref<1x!tpu.dma_semaphore, #tpu.memory_space<semaphore_mem>> -> memref<!tpu.dma_semaphore, #tpu.memory_space<semaphore_mem>>
      %dma_start3A_1534 = arith.constant 0 : i32
      %dma_start3A_1535 = arith.constant 0 : i32
      %dma_start3A_1536 = tpu.memref_slice %arg4[%select_n3A_1371, %dma_start3A_1522, %rem3A_1373, %dma_start3A_1534, %dma_start3A_1535] : memref<200x8x32x8x128xf32, #tpu.memory_space<hbm>> -> memref<1x1x1x8x128xf32, #tpu.memory_space<hbm>>
      %dma_start3A_1537 = tpu.memref_squeeze %dma_start3A_1536 : memref<1x1x1x8x128xf32, #tpu.memory_space<hbm>> -> memref<8x128xf32, #tpu.memory_space<hbm>>
      %dma_start3A_1538 = arith.constant 56 : i32
      %dma_start3A_1539 = arith.constant 0 : i32
      %dma_start3A_1540 = tpu.memref_slice %arg7[%dma_start3A_1521, %dma_start3A_1538, %dma_start3A_1539] : memref<4x64x129xf32, #tpu.memory_space<vmem>> -> memref<1x8x128xf32, #tpu.memory_space<vmem>>
      %dma_start3A_1541 = tpu.memref_squeeze %dma_start3A_1540 : memref<1x8x128xf32, #tpu.memory_space<vmem>> -> memref<8x128xf32, #tpu.memory_space<vmem>>
      tpu.enqueue_dma source(%dma_start3A_1541 : memref<8x128xf32, #tpu.memory_space<vmem>>) target(%dma_start3A_1537 : memref<8x128xf32, #tpu.memory_space<hbm>>) target_semaphore(%dma_start3A_1533 : memref<!tpu.dma_semaphore, #tpu.memory_space<semaphore_mem>>)
      %add3A_1542 = arith.constant 4 : i32
      %add3A_1543 = arith.addi %add3A_1320, %add3A_1542 : i32
      %lt3A_1544 = arith.constant 200 : i32
      %lt3A_1545 = arith.cmpi slt, %add3A_1543, %lt3A_1544 : i32
      %convert_element_type3A_1546 = arith.extui %lt3A_1545 : i1 to i32
      %cond3A_1547 = arith.constant 0 : i32
      %cond3A_1548 = arith.cmpi ne, %convert_element_type3A_1546, %cond3A_1547 : i32
      scf.if %cond3A_1548 {
        %add3A_1781 = arith.constant 4 : i32
        %add3A_1782 = arith.addi %add3A_1320, %add3A_1781 : i32
        %dma_start3A_1783 = arith.constant 2 : i32
        %dma_start3A_1784 = arith.constant 2 : i32
        %dma_start3A_1785 = arith.constant 0 : i32
        %dma_start3A_1786 = arith.constant 0 : i32
        %dma_start3A_1787 = tpu.memref_slice %arg6[%dma_start3A_1783, %dma_start3A_1785, %dma_start3A_1786] : memref<4x128x64xf32, #tpu.memory_space<vmem>> -> memref<1x128x64xf32, #tpu.memory_space<vmem>>
        %dma_start3A_1788 = tpu.memref_squeeze %dma_start3A_1787 : memref<1x128x64xf32, #tpu.memory_space<vmem>> -> memref<128x64xf32, #tpu.memory_space<vmem>>
        %dma_start3A_1789 = arith.constant 0 : i32
        %dma_start3A_1790 = tpu.memref_slice %arg5[%add3A_1782, %dma_start3A_1789] : memref<200x128xi32, #tpu.memory_space<vmem>> -> memref<1x128xi32, #tpu.memory_space<vmem>>
        %dma_start3A_1791 = tpu.memref_squeeze %dma_start3A_1790 : memref<1x128xi32, #tpu.memory_space<vmem>> -> memref<128xi32, #tpu.memory_space<vmem>>
        %dma_start3A_1792 = arith.constant 0 : i32
        %dma_start3A_1793 = arith.constant 0 : i32
        %dma_start3A_1794 = tpu.memref_slice %arg3[%dma_start3A_1792, %dma_start3A_1793] : memref<1000000x64xf32, #tpu.memory_space<hbm>> -> memref<1000000x64xf32, #tpu.memory_space<hbm>>
        %dma_start3A_1795 = tpu.memref_slice %arg8[%dma_start3A_1784] : memref<4x!tpu.dma_semaphore, #tpu.memory_space<semaphore_mem>> -> memref<1x!tpu.dma_semaphore, #tpu.memory_space<semaphore_mem>>
        %dma_start3A_1796 = tpu.memref_squeeze %dma_start3A_1795 : memref<1x!tpu.dma_semaphore, #tpu.memory_space<semaphore_mem>> -> memref<!tpu.dma_semaphore, #tpu.memory_space<semaphore_mem>>
        tpu.enqueue_indirect_dma source(%dma_start3A_1794 : memref<1000000x64xf32, #tpu.memory_space<hbm>>) target(%dma_start3A_1788 : memref<128x64xf32, #tpu.memory_space<vmem>>) offsets(%dma_start3A_1791 : memref<128xi32, #tpu.memory_space<vmem>>) semaphore(%dma_start3A_1796 : memref<!tpu.dma_semaphore, #tpu.memory_space<semaphore_mem>>)
      } else {
      }
      %mul3A_1549 = arith.constant 4 : i32
      %mul3A_1550 = arith.muli %mul3A_1549, %scan3A_858 : i32
      %add3A_1551 = arith.constant 3 : i32
      %add3A_1552 = arith.addi %mul3A_1550, %add3A_1551 : i32
      %dma_wait3A_1553 = arith.constant 3 : i32
      %dma_wait3A_1554 = arith.constant 3 : i32
      %dma_wait3A_1555 = arith.constant 0 : i32
      %dma_wait3A_1556 = arith.constant 0 : i32
      %dma_wait3A_1557 = tpu.memref_slice %arg6[%dma_wait3A_1553, %dma_wait3A_1555, %dma_wait3A_1556] : memref<4x128x64xf32, #tpu.memory_space<vmem>> -> memref<1x128x64xf32, #tpu.memory_space<vmem>>
      %dma_wait3A_1558 = tpu.memref_squeeze %dma_wait3A_1557 : memref<1x128x64xf32, #tpu.memory_space<vmem>> -> memref<128x64xf32, #tpu.memory_space<vmem>>
      %dma_wait3A_1559 = arith.constant 0 : i32
      %dma_wait3A_1560 = tpu.memref_slice %arg5[%add3A_1552, %dma_wait3A_1559] : memref<200x128xi32, #tpu.memory_space<vmem>> -> memref<1x128xi32, #tpu.memory_space<vmem>>
      %dma_wait3A_1561 = tpu.memref_squeeze %dma_wait3A_1560 : memref<1x128xi32, #tpu.memory_space<vmem>> -> memref<128xi32, #tpu.memory_space<vmem>>
      %dma_wait3A_1562 = arith.constant 0 : i32
      %dma_wait3A_1563 = arith.constant 0 : i32
      %dma_wait3A_1564 = tpu.memref_slice %arg3[%dma_wait3A_1562, %dma_wait3A_1563] : memref<1000000x64xf32, #tpu.memory_space<hbm>> -> memref<1000000x64xf32, #tpu.memory_space<hbm>>
      %dma_wait3A_1565 = tpu.memref_slice %arg8[%dma_wait3A_1554] : memref<4x!tpu.dma_semaphore, #tpu.memory_space<semaphore_mem>> -> memref<1x!tpu.dma_semaphore, #tpu.memory_space<semaphore_mem>>
      %dma_wait3A_1566 = tpu.memref_squeeze %dma_wait3A_1565 : memref<1x!tpu.dma_semaphore, #tpu.memory_space<semaphore_mem>> -> memref<!tpu.dma_semaphore, #tpu.memory_space<semaphore_mem>>
      tpu.wait_indirect_dma semaphore(%dma_wait3A_1566 : memref<!tpu.dma_semaphore, #tpu.memory_space<semaphore_mem>>) src(%dma_wait3A_1564 : memref<1000000x64xf32, #tpu.memory_space<hbm>>) dst(%dma_wait3A_1558 : memref<128x64xf32, #tpu.memory_space<vmem>>)
      %ge3A_1567 = arith.constant 4 : i32
      %ge3A_1568 = arith.cmpi sge, %add3A_1552, %ge3A_1567 : i32
      %convert_element_type3A_1569 = arith.extui %ge3A_1568 : i1 to i32
      %cond3A_1570 = arith.constant 0 : i32
      %cond3A_1571 = arith.cmpi ne, %convert_element_type3A_1569, %cond3A_1570 : i32
      scf.if %cond3A_1571 {
        %sub3A_1781 = arith.constant 4 : i32
        %sub3A_1782 = arith.subi %add3A_1552, %sub3A_1781 : i32
        %add3A_1783 = arith.addi %mul3A_2, %sub3A_1782 : i32
        %jit3A_1784 = arith.constant 32 : i32
        %div3A_1785 = arith.divsi %add3A_1783, %jit3A_1784 : i32
        %sign3A_1786 = arith.constant 0 : i32
        %sign3A_1787 = arith.cmpi sgt, %add3A_1783, %sign3A_1786 : i32
        %sign3A_1788 = arith.extui %sign3A_1787 : i1 to i32
        %sign3A_1789 = arith.constant 0 : i32
        %sign3A_1790 = arith.cmpi slt, %add3A_1783, %sign3A_1789 : i32
        %sign3A_1791 = arith.extui %sign3A_1790 : i1 to i32
        %sign3A_1792 = arith.subi %sign3A_1788, %sign3A_1791 : i32
        %sign3A_1793 = arith.constant 0 : i32
        %sign3A_1794 = arith.cmpi sgt, %jit3A_1784, %sign3A_1793 : i32
        %sign3A_1795 = arith.extui %sign3A_1794 : i1 to i32
        %sign3A_1796 = arith.constant 0 : i32
        %sign3A_1797 = arith.cmpi slt, %jit3A_1784, %sign3A_1796 : i32
        %sign3A_1798 = arith.extui %sign3A_1797 : i1 to i32
        %sign3A_1799 = arith.subi %sign3A_1795, %sign3A_1798 : i32
        %ne3A_1800 = arith.cmpi ne, %sign3A_1792, %sign3A_1799 : i32
        %rem3A_1801 = arith.remsi %add3A_1783, %jit3A_1784 : i32
        %ne3A_1802 = arith.constant 0 : i32
        %ne3A_1803 = arith.cmpi ne, %rem3A_1801, %ne3A_1802 : i32
        %and3A_1804 = arith.andi %ne3A_1800, %ne3A_1803 : i1
        %sub3A_1805 = arith.constant 1 : i32
        %sub3A_1806 = arith.subi %div3A_1785, %sub3A_1805 : i32
        %select_n3A_1807 = arith.select %and3A_1804, %sub3A_1806, %div3A_1785 : i32
        %rem3A_1808 = arith.constant 32 : i32
        %rem3A_1809 = arith.remsi %add3A_1783, %rem3A_1808 : i32
        %dma_wait3A_1810 = arith.constant 3 : i32
        %dma_wait3A_1811 = arith.constant 0 : i32
        %dma_wait3A_1812 = arith.constant 3 : i32
        %dma_wait3A_1813 = arith.constant 0 : i32
        %dma_wait3A_1814 = arith.constant 0 : i32
        %dma_wait3A_1815 = tpu.memref_slice %arg7[%dma_wait3A_1810, %dma_wait3A_1813, %dma_wait3A_1814] : memref<4x64x129xf32, #tpu.memory_space<vmem>> -> memref<1x8x128xf32, #tpu.memory_space<vmem>>
        %dma_wait3A_1816 = tpu.memref_squeeze %dma_wait3A_1815 : memref<1x8x128xf32, #tpu.memory_space<vmem>> -> memref<8x128xf32, #tpu.memory_space<vmem>>
        %dma_wait3A_1817 = arith.constant 0 : i32
        %dma_wait3A_1818 = arith.constant 0 : i32
        %dma_wait3A_1819 = tpu.memref_slice %arg4[%select_n3A_1807, %dma_wait3A_1811, %rem3A_1809, %dma_wait3A_1817, %dma_wait3A_1818] : memref<200x8x32x8x128xf32, #tpu.memory_space<hbm>> -> memref<1x1x1x8x128xf32, #tpu.memory_space<hbm>>
        %dma_wait3A_1820 = tpu.memref_squeeze %dma_wait3A_1819 : memref<1x1x1x8x128xf32, #tpu.memory_space<hbm>> -> memref<8x128xf32, #tpu.memory_space<hbm>>
        %dma_wait3A_1821 = tpu.memref_slice %arg9[%dma_wait3A_1812] : memref<4x!tpu.dma_semaphore, #tpu.memory_space<semaphore_mem>> -> memref<1x!tpu.dma_semaphore, #tpu.memory_space<semaphore_mem>>
        %dma_wait3A_1822 = tpu.memref_squeeze %dma_wait3A_1821 : memref<1x!tpu.dma_semaphore, #tpu.memory_space<semaphore_mem>> -> memref<!tpu.dma_semaphore, #tpu.memory_space<semaphore_mem>>
        %dma_wait3A_1823 = arith.constant 0 : i32
        %dma_wait3A_1824 = arith.constant 0 : i32
        %dma_wait3A_1825 = tpu.memref_slice %arg4[%select_n3A_1807, %dma_wait3A_1811, %rem3A_1809, %dma_wait3A_1823, %dma_wait3A_1824] : memref<200x8x32x8x128xf32, #tpu.memory_space<hbm>> -> memref<1x1x1x8x128xf32, #tpu.memory_space<hbm>>
        %dma_wait3A_1826 = tpu.memref_squeeze %dma_wait3A_1825 : memref<1x1x1x8x128xf32, #tpu.memory_space<hbm>> -> memref<8x128xf32, #tpu.memory_space<hbm>>
        %dma_wait3A_1827 = arith.constant 0 : i32
        %dma_wait3A_1828 = arith.constant 0 : i32
        %dma_wait3A_1829 = tpu.memref_slice %arg7[%dma_wait3A_1810, %dma_wait3A_1827, %dma_wait3A_1828] : memref<4x64x129xf32, #tpu.memory_space<vmem>> -> memref<1x8x128xf32, #tpu.memory_space<vmem>>
        %dma_wait3A_1830 = tpu.memref_squeeze %dma_wait3A_1829 : memref<1x8x128xf32, #tpu.memory_space<vmem>> -> memref<8x128xf32, #tpu.memory_space<vmem>>
        tpu.wait_dma2 semaphore(%dma_wait3A_1822 : memref<!tpu.dma_semaphore, #tpu.memory_space<semaphore_mem>>) src(%dma_wait3A_1830 : memref<8x128xf32, #tpu.memory_space<vmem>>) dst(%dma_wait3A_1826 : memref<8x128xf32, #tpu.memory_space<hbm>>)
        %dma_wait3A_1831 = arith.constant 3 : i32
        %dma_wait3A_1832 = arith.constant 1 : i32
        %dma_wait3A_1833 = arith.constant 3 : i32
        %dma_wait3A_1834 = arith.constant 8 : i32
        %dma_wait3A_1835 = arith.constant 0 : i32
        %dma_wait3A_1836 = tpu.memref_slice %arg7[%dma_wait3A_1831, %dma_wait3A_1834, %dma_wait3A_1835] : memref<4x64x129xf32, #tpu.memory_space<vmem>> -> memref<1x8x128xf32, #tpu.memory_space<vmem>>
        %dma_wait3A_1837 = tpu.memref_squeeze %dma_wait3A_1836 : memref<1x8x128xf32, #tpu.memory_space<vmem>> -> memref<8x128xf32, #tpu.memory_space<vmem>>
        %dma_wait3A_1838 = arith.constant 0 : i32
        %dma_wait3A_1839 = arith.constant 0 : i32
        %dma_wait3A_1840 = tpu.memref_slice %arg4[%select_n3A_1807, %dma_wait3A_1832, %rem3A_1809, %dma_wait3A_1838, %dma_wait3A_1839] : memref<200x8x32x8x128xf32, #tpu.memory_space<hbm>> -> memref<1x1x1x8x128xf32, #tpu.memory_space<hbm>>
        %dma_wait3A_1841 = tpu.memref_squeeze %dma_wait3A_1840 : memref<1x1x1x8x128xf32, #tpu.memory_space<hbm>> -> memref<8x128xf32, #tpu.memory_space<hbm>>
        %dma_wait3A_1842 = tpu.memref_slice %arg9[%dma_wait3A_1833] : memref<4x!tpu.dma_semaphore, #tpu.memory_space<semaphore_mem>> -> memref<1x!tpu.dma_semaphore, #tpu.memory_space<semaphore_mem>>
        %dma_wait3A_1843 = tpu.memref_squeeze %dma_wait3A_1842 : memref<1x!tpu.dma_semaphore, #tpu.memory_space<semaphore_mem>> -> memref<!tpu.dma_semaphore, #tpu.memory_space<semaphore_mem>>
        %dma_wait3A_1844 = arith.constant 0 : i32
        %dma_wait3A_1845 = arith.constant 0 : i32
        %dma_wait3A_1846 = tpu.memref_slice %arg4[%select_n3A_1807, %dma_wait3A_1832, %rem3A_1809, %dma_wait3A_1844, %dma_wait3A_1845] : memref<200x8x32x8x128xf32, #tpu.memory_space<hbm>> -> memref<1x1x1x8x128xf32, #tpu.memory_space<hbm>>
        %dma_wait3A_1847 = tpu.memref_squeeze %dma_wait3A_1846 : memref<1x1x1x8x128xf32, #tpu.memory_space<hbm>> -> memref<8x128xf32, #tpu.memory_space<hbm>>
        %dma_wait3A_1848 = arith.constant 8 : i32
        %dma_wait3A_1849 = arith.constant 0 : i32
        %dma_wait3A_1850 = tpu.memref_slice %arg7[%dma_wait3A_1831, %dma_wait3A_1848, %dma_wait3A_1849] : memref<4x64x129xf32, #tpu.memory_space<vmem>> -> memref<1x8x128xf32, #tpu.memory_space<vmem>>
        %dma_wait3A_1851 = tpu.memref_squeeze %dma_wait3A_1850 : memref<1x8x128xf32, #tpu.memory_space<vmem>> -> memref<8x128xf32, #tpu.memory_space<vmem>>
        tpu.wait_dma2 semaphore(%dma_wait3A_1843 : memref<!tpu.dma_semaphore, #tpu.memory_space<semaphore_mem>>) src(%dma_wait3A_1851 : memref<8x128xf32, #tpu.memory_space<vmem>>) dst(%dma_wait3A_1847 : memref<8x128xf32, #tpu.memory_space<hbm>>)
        %dma_wait3A_1852 = arith.constant 3 : i32
        %dma_wait3A_1853 = arith.constant 2 : i32
        %dma_wait3A_1854 = arith.constant 3 : i32
        %dma_wait3A_1855 = arith.constant 16 : i32
        %dma_wait3A_1856 = arith.constant 0 : i32
        %dma_wait3A_1857 = tpu.memref_slice %arg7[%dma_wait3A_1852, %dma_wait3A_1855, %dma_wait3A_1856] : memref<4x64x129xf32, #tpu.memory_space<vmem>> -> memref<1x8x128xf32, #tpu.memory_space<vmem>>
        %dma_wait3A_1858 = tpu.memref_squeeze %dma_wait3A_1857 : memref<1x8x128xf32, #tpu.memory_space<vmem>> -> memref<8x128xf32, #tpu.memory_space<vmem>>
        %dma_wait3A_1859 = arith.constant 0 : i32
        %dma_wait3A_1860 = arith.constant 0 : i32
        %dma_wait3A_1861 = tpu.memref_slice %arg4[%select_n3A_1807, %dma_wait3A_1853, %rem3A_1809, %dma_wait3A_1859, %dma_wait3A_1860] : memref<200x8x32x8x128xf32, #tpu.memory_space<hbm>> -> memref<1x1x1x8x128xf32, #tpu.memory_space<hbm>>
        %dma_wait3A_1862 = tpu.memref_squeeze %dma_wait3A_1861 : memref<1x1x1x8x128xf32, #tpu.memory_space<hbm>> -> memref<8x128xf32, #tpu.memory_space<hbm>>
        %dma_wait3A_1863 = tpu.memref_slice %arg9[%dma_wait3A_1854] : memref<4x!tpu.dma_semaphore, #tpu.memory_space<semaphore_mem>> -> memref<1x!tpu.dma_semaphore, #tpu.memory_space<semaphore_mem>>
        %dma_wait3A_1864 = tpu.memref_squeeze %dma_wait3A_1863 : memref<1x!tpu.dma_semaphore, #tpu.memory_space<semaphore_mem>> -> memref<!tpu.dma_semaphore, #tpu.memory_space<semaphore_mem>>
        %dma_wait3A_1865 = arith.constant 0 : i32
        %dma_wait3A_1866 = arith.constant 0 : i32
        %dma_wait3A_1867 = tpu.memref_slice %arg4[%select_n3A_1807, %dma_wait3A_1853, %rem3A_1809, %dma_wait3A_1865, %dma_wait3A_1866] : memref<200x8x32x8x128xf32, #tpu.memory_space<hbm>> -> memref<1x1x1x8x128xf32, #tpu.memory_space<hbm>>
        %dma_wait3A_1868 = tpu.memref_squeeze %dma_wait3A_1867 : memref<1x1x1x8x128xf32, #tpu.memory_space<hbm>> -> memref<8x128xf32, #tpu.memory_space<hbm>>
        %dma_wait3A_1869 = arith.constant 16 : i32
        %dma_wait3A_1870 = arith.constant 0 : i32
        %dma_wait3A_1871 = tpu.memref_slice %arg7[%dma_wait3A_1852, %dma_wait3A_1869, %dma_wait3A_1870] : memref<4x64x129xf32, #tpu.memory_space<vmem>> -> memref<1x8x128xf32, #tpu.memory_space<vmem>>
        %dma_wait3A_1872 = tpu.memref_squeeze %dma_wait3A_1871 : memref<1x8x128xf32, #tpu.memory_space<vmem>> -> memref<8x128xf32, #tpu.memory_space<vmem>>
        tpu.wait_dma2 semaphore(%dma_wait3A_1864 : memref<!tpu.dma_semaphore, #tpu.memory_space<semaphore_mem>>) src(%dma_wait3A_1872 : memref<8x128xf32, #tpu.memory_space<vmem>>) dst(%dma_wait3A_1868 : memref<8x128xf32, #tpu.memory_space<hbm>>)
        %dma_wait3A_1873 = arith.constant 3 : i32
        %dma_wait3A_1874 = arith.constant 3 : i32
        %dma_wait3A_1875 = arith.constant 3 : i32
        %dma_wait3A_1876 = arith.constant 24 : i32
        %dma_wait3A_1877 = arith.constant 0 : i32
        %dma_wait3A_1878 = tpu.memref_slice %arg7[%dma_wait3A_1873, %dma_wait3A_1876, %dma_wait3A_1877] : memref<4x64x129xf32, #tpu.memory_space<vmem>> -> memref<1x8x128xf32, #tpu.memory_space<vmem>>
        %dma_wait3A_1879 = tpu.memref_squeeze %dma_wait3A_1878 : memref<1x8x128xf32, #tpu.memory_space<vmem>> -> memref<8x128xf32, #tpu.memory_space<vmem>>
        %dma_wait3A_1880 = arith.constant 0 : i32
        %dma_wait3A_1881 = arith.constant 0 : i32
        %dma_wait3A_1882 = tpu.memref_slice %arg4[%select_n3A_1807, %dma_wait3A_1874, %rem3A_1809, %dma_wait3A_1880, %dma_wait3A_1881] : memref<200x8x32x8x128xf32, #tpu.memory_space<hbm>> -> memref<1x1x1x8x128xf32, #tpu.memory_space<hbm>>
        %dma_wait3A_1883 = tpu.memref_squeeze %dma_wait3A_1882 : memref<1x1x1x8x128xf32, #tpu.memory_space<hbm>> -> memref<8x128xf32, #tpu.memory_space<hbm>>
        %dma_wait3A_1884 = tpu.memref_slice %arg9[%dma_wait3A_1875] : memref<4x!tpu.dma_semaphore, #tpu.memory_space<semaphore_mem>> -> memref<1x!tpu.dma_semaphore, #tpu.memory_space<semaphore_mem>>
        %dma_wait3A_1885 = tpu.memref_squeeze %dma_wait3A_1884 : memref<1x!tpu.dma_semaphore, #tpu.memory_space<semaphore_mem>> -> memref<!tpu.dma_semaphore, #tpu.memory_space<semaphore_mem>>
        %dma_wait3A_1886 = arith.constant 0 : i32
        %dma_wait3A_1887 = arith.constant 0 : i32
        %dma_wait3A_1888 = tpu.memref_slice %arg4[%select_n3A_1807, %dma_wait3A_1874, %rem3A_1809, %dma_wait3A_1886, %dma_wait3A_1887] : memref<200x8x32x8x128xf32, #tpu.memory_space<hbm>> -> memref<1x1x1x8x128xf32, #tpu.memory_space<hbm>>
        %dma_wait3A_1889 = tpu.memref_squeeze %dma_wait3A_1888 : memref<1x1x1x8x128xf32, #tpu.memory_space<hbm>> -> memref<8x128xf32, #tpu.memory_space<hbm>>
        %dma_wait3A_1890 = arith.constant 24 : i32
        %dma_wait3A_1891 = arith.constant 0 : i32
        %dma_wait3A_1892 = tpu.memref_slice %arg7[%dma_wait3A_1873, %dma_wait3A_1890, %dma_wait3A_1891] : memref<4x64x129xf32, #tpu.memory_space<vmem>> -> memref<1x8x128xf32, #tpu.memory_space<vmem>>
        %dma_wait3A_1893 = tpu.memref_squeeze %dma_wait3A_1892 : memref<1x8x128xf32, #tpu.memory_space<vmem>> -> memref<8x128xf32, #tpu.memory_space<vmem>>
        tpu.wait_dma2 semaphore(%dma_wait3A_1885 : memref<!tpu.dma_semaphore, #tpu.memory_space<semaphore_mem>>) src(%dma_wait3A_1893 : memref<8x128xf32, #tpu.memory_space<vmem>>) dst(%dma_wait3A_1889 : memref<8x128xf32, #tpu.memory_space<hbm>>)
        %dma_wait3A_1894 = arith.constant 3 : i32
        %dma_wait3A_1895 = arith.constant 4 : i32
        %dma_wait3A_1896 = arith.constant 3 : i32
        %dma_wait3A_1897 = arith.constant 32 : i32
        %dma_wait3A_1898 = arith.constant 0 : i32
        %dma_wait3A_1899 = tpu.memref_slice %arg7[%dma_wait3A_1894, %dma_wait3A_1897, %dma_wait3A_1898] : memref<4x64x129xf32, #tpu.memory_space<vmem>> -> memref<1x8x128xf32, #tpu.memory_space<vmem>>
        %dma_wait3A_1900 = tpu.memref_squeeze %dma_wait3A_1899 : memref<1x8x128xf32, #tpu.memory_space<vmem>> -> memref<8x128xf32, #tpu.memory_space<vmem>>
        %dma_wait3A_1901 = arith.constant 0 : i32
        %dma_wait3A_1902 = arith.constant 0 : i32
        %dma_wait3A_1903 = tpu.memref_slice %arg4[%select_n3A_1807, %dma_wait3A_1895, %rem3A_1809, %dma_wait3A_1901, %dma_wait3A_1902] : memref<200x8x32x8x128xf32, #tpu.memory_space<hbm>> -> memref<1x1x1x8x128xf32, #tpu.memory_space<hbm>>
        %dma_wait3A_1904 = tpu.memref_squeeze %dma_wait3A_1903 : memref<1x1x1x8x128xf32, #tpu.memory_space<hbm>> -> memref<8x128xf32, #tpu.memory_space<hbm>>
        %dma_wait3A_1905 = tpu.memref_slice %arg9[%dma_wait3A_1896] : memref<4x!tpu.dma_semaphore, #tpu.memory_space<semaphore_mem>> -> memref<1x!tpu.dma_semaphore, #tpu.memory_space<semaphore_mem>>
        %dma_wait3A_1906 = tpu.memref_squeeze %dma_wait3A_1905 : memref<1x!tpu.dma_semaphore, #tpu.memory_space<semaphore_mem>> -> memref<!tpu.dma_semaphore, #tpu.memory_space<semaphore_mem>>
        %dma_wait3A_1907 = arith.constant 0 : i32
        %dma_wait3A_1908 = arith.constant 0 : i32
        %dma_wait3A_1909 = tpu.memref_slice %arg4[%select_n3A_1807, %dma_wait3A_1895, %rem3A_1809, %dma_wait3A_1907, %dma_wait3A_1908] : memref<200x8x32x8x128xf32, #tpu.memory_space<hbm>> -> memref<1x1x1x8x128xf32, #tpu.memory_space<hbm>>
        %dma_wait3A_1910 = tpu.memref_squeeze %dma_wait3A_1909 : memref<1x1x1x8x128xf32, #tpu.memory_space<hbm>> -> memref<8x128xf32, #tpu.memory_space<hbm>>
        %dma_wait3A_1911 = arith.constant 32 : i32
        %dma_wait3A_1912 = arith.constant 0 : i32
        %dma_wait3A_1913 = tpu.memref_slice %arg7[%dma_wait3A_1894, %dma_wait3A_1911, %dma_wait3A_1912] : memref<4x64x129xf32, #tpu.memory_space<vmem>> -> memref<1x8x128xf32, #tpu.memory_space<vmem>>
        %dma_wait3A_1914 = tpu.memref_squeeze %dma_wait3A_1913 : memref<1x8x128xf32, #tpu.memory_space<vmem>> -> memref<8x128xf32, #tpu.memory_space<vmem>>
        tpu.wait_dma2 semaphore(%dma_wait3A_1906 : memref<!tpu.dma_semaphore, #tpu.memory_space<semaphore_mem>>) src(%dma_wait3A_1914 : memref<8x128xf32, #tpu.memory_space<vmem>>) dst(%dma_wait3A_1910 : memref<8x128xf32, #tpu.memory_space<hbm>>)
        %dma_wait3A_1915 = arith.constant 3 : i32
        %dma_wait3A_1916 = arith.constant 5 : i32
        %dma_wait3A_1917 = arith.constant 3 : i32
        %dma_wait3A_1918 = arith.constant 40 : i32
        %dma_wait3A_1919 = arith.constant 0 : i32
        %dma_wait3A_1920 = tpu.memref_slice %arg7[%dma_wait3A_1915, %dma_wait3A_1918, %dma_wait3A_1919] : memref<4x64x129xf32, #tpu.memory_space<vmem>> -> memref<1x8x128xf32, #tpu.memory_space<vmem>>
        %dma_wait3A_1921 = tpu.memref_squeeze %dma_wait3A_1920 : memref<1x8x128xf32, #tpu.memory_space<vmem>> -> memref<8x128xf32, #tpu.memory_space<vmem>>
        %dma_wait3A_1922 = arith.constant 0 : i32
        %dma_wait3A_1923 = arith.constant 0 : i32
        %dma_wait3A_1924 = tpu.memref_slice %arg4[%select_n3A_1807, %dma_wait3A_1916, %rem3A_1809, %dma_wait3A_1922, %dma_wait3A_1923] : memref<200x8x32x8x128xf32, #tpu.memory_space<hbm>> -> memref<1x1x1x8x128xf32, #tpu.memory_space<hbm>>
        %dma_wait3A_1925 = tpu.memref_squeeze %dma_wait3A_1924 : memref<1x1x1x8x128xf32, #tpu.memory_space<hbm>> -> memref<8x128xf32, #tpu.memory_space<hbm>>
        %dma_wait3A_1926 = tpu.memref_slice %arg9[%dma_wait3A_1917] : memref<4x!tpu.dma_semaphore, #tpu.memory_space<semaphore_mem>> -> memref<1x!tpu.dma_semaphore, #tpu.memory_space<semaphore_mem>>
        %dma_wait3A_1927 = tpu.memref_squeeze %dma_wait3A_1926 : memref<1x!tpu.dma_semaphore, #tpu.memory_space<semaphore_mem>> -> memref<!tpu.dma_semaphore, #tpu.memory_space<semaphore_mem>>
        %dma_wait3A_1928 = arith.constant 0 : i32
        %dma_wait3A_1929 = arith.constant 0 : i32
        %dma_wait3A_1930 = tpu.memref_slice %arg4[%select_n3A_1807, %dma_wait3A_1916, %rem3A_1809, %dma_wait3A_1928, %dma_wait3A_1929] : memref<200x8x32x8x128xf32, #tpu.memory_space<hbm>> -> memref<1x1x1x8x128xf32, #tpu.memory_space<hbm>>
        %dma_wait3A_1931 = tpu.memref_squeeze %dma_wait3A_1930 : memref<1x1x1x8x128xf32, #tpu.memory_space<hbm>> -> memref<8x128xf32, #tpu.memory_space<hbm>>
        %dma_wait3A_1932 = arith.constant 40 : i32
        %dma_wait3A_1933 = arith.constant 0 : i32
        %dma_wait3A_1934 = tpu.memref_slice %arg7[%dma_wait3A_1915, %dma_wait3A_1932, %dma_wait3A_1933] : memref<4x64x129xf32, #tpu.memory_space<vmem>> -> memref<1x8x128xf32, #tpu.memory_space<vmem>>
        %dma_wait3A_1935 = tpu.memref_squeeze %dma_wait3A_1934 : memref<1x8x128xf32, #tpu.memory_space<vmem>> -> memref<8x128xf32, #tpu.memory_space<vmem>>
        tpu.wait_dma2 semaphore(%dma_wait3A_1927 : memref<!tpu.dma_semaphore, #tpu.memory_space<semaphore_mem>>) src(%dma_wait3A_1935 : memref<8x128xf32, #tpu.memory_space<vmem>>) dst(%dma_wait3A_1931 : memref<8x128xf32, #tpu.memory_space<hbm>>)
        %dma_wait3A_1936 = arith.constant 3 : i32
        %dma_wait3A_1937 = arith.constant 6 : i32
        %dma_wait3A_1938 = arith.constant 3 : i32
        %dma_wait3A_1939 = arith.constant 48 : i32
        %dma_wait3A_1940 = arith.constant 0 : i32
        %dma_wait3A_1941 = tpu.memref_slice %arg7[%dma_wait3A_1936, %dma_wait3A_1939, %dma_wait3A_1940] : memref<4x64x129xf32, #tpu.memory_space<vmem>> -> memref<1x8x128xf32, #tpu.memory_space<vmem>>
        %dma_wait3A_1942 = tpu.memref_squeeze %dma_wait3A_1941 : memref<1x8x128xf32, #tpu.memory_space<vmem>> -> memref<8x128xf32, #tpu.memory_space<vmem>>
        %dma_wait3A_1943 = arith.constant 0 : i32
        %dma_wait3A_1944 = arith.constant 0 : i32
        %dma_wait3A_1945 = tpu.memref_slice %arg4[%select_n3A_1807, %dma_wait3A_1937, %rem3A_1809, %dma_wait3A_1943, %dma_wait3A_1944] : memref<200x8x32x8x128xf32, #tpu.memory_space<hbm>> -> memref<1x1x1x8x128xf32, #tpu.memory_space<hbm>>
        %dma_wait3A_1946 = tpu.memref_squeeze %dma_wait3A_1945 : memref<1x1x1x8x128xf32, #tpu.memory_space<hbm>> -> memref<8x128xf32, #tpu.memory_space<hbm>>
        %dma_wait3A_1947 = tpu.memref_slice %arg9[%dma_wait3A_1938] : memref<4x!tpu.dma_semaphore, #tpu.memory_space<semaphore_mem>> -> memref<1x!tpu.dma_semaphore, #tpu.memory_space<semaphore_mem>>
        %dma_wait3A_1948 = tpu.memref_squeeze %dma_wait3A_1947 : memref<1x!tpu.dma_semaphore, #tpu.memory_space<semaphore_mem>> -> memref<!tpu.dma_semaphore, #tpu.memory_space<semaphore_mem>>
        %dma_wait3A_1949 = arith.constant 0 : i32
        %dma_wait3A_1950 = arith.constant 0 : i32
        %dma_wait3A_1951 = tpu.memref_slice %arg4[%select_n3A_1807, %dma_wait3A_1937, %rem3A_1809, %dma_wait3A_1949, %dma_wait3A_1950] : memref<200x8x32x8x128xf32, #tpu.memory_space<hbm>> -> memref<1x1x1x8x128xf32, #tpu.memory_space<hbm>>
        %dma_wait3A_1952 = tpu.memref_squeeze %dma_wait3A_1951 : memref<1x1x1x8x128xf32, #tpu.memory_space<hbm>> -> memref<8x128xf32, #tpu.memory_space<hbm>>
        %dma_wait3A_1953 = arith.constant 48 : i32
        %dma_wait3A_1954 = arith.constant 0 : i32
        %dma_wait3A_1955 = tpu.memref_slice %arg7[%dma_wait3A_1936, %dma_wait3A_1953, %dma_wait3A_1954] : memref<4x64x129xf32, #tpu.memory_space<vmem>> -> memref<1x8x128xf32, #tpu.memory_space<vmem>>
        %dma_wait3A_1956 = tpu.memref_squeeze %dma_wait3A_1955 : memref<1x8x128xf32, #tpu.memory_space<vmem>> -> memref<8x128xf32, #tpu.memory_space<vmem>>
        tpu.wait_dma2 semaphore(%dma_wait3A_1948 : memref<!tpu.dma_semaphore, #tpu.memory_space<semaphore_mem>>) src(%dma_wait3A_1956 : memref<8x128xf32, #tpu.memory_space<vmem>>) dst(%dma_wait3A_1952 : memref<8x128xf32, #tpu.memory_space<hbm>>)
        %dma_wait3A_1957 = arith.constant 3 : i32
        %dma_wait3A_1958 = arith.constant 7 : i32
        %dma_wait3A_1959 = arith.constant 3 : i32
        %dma_wait3A_1960 = arith.constant 56 : i32
        %dma_wait3A_1961 = arith.constant 0 : i32
        %dma_wait3A_1962 = tpu.memref_slice %arg7[%dma_wait3A_1957, %dma_wait3A_1960, %dma_wait3A_1961] : memref<4x64x129xf32, #tpu.memory_space<vmem>> -> memref<1x8x128xf32, #tpu.memory_space<vmem>>
        %dma_wait3A_1963 = tpu.memref_squeeze %dma_wait3A_1962 : memref<1x8x128xf32, #tpu.memory_space<vmem>> -> memref<8x128xf32, #tpu.memory_space<vmem>>
        %dma_wait3A_1964 = arith.constant 0 : i32
        %dma_wait3A_1965 = arith.constant 0 : i32
        %dma_wait3A_1966 = tpu.memref_slice %arg4[%select_n3A_1807, %dma_wait3A_1958, %rem3A_1809, %dma_wait3A_1964, %dma_wait3A_1965] : memref<200x8x32x8x128xf32, #tpu.memory_space<hbm>> -> memref<1x1x1x8x128xf32, #tpu.memory_space<hbm>>
        %dma_wait3A_1967 = tpu.memref_squeeze %dma_wait3A_1966 : memref<1x1x1x8x128xf32, #tpu.memory_space<hbm>> -> memref<8x128xf32, #tpu.memory_space<hbm>>
        %dma_wait3A_1968 = tpu.memref_slice %arg9[%dma_wait3A_1959] : memref<4x!tpu.dma_semaphore, #tpu.memory_space<semaphore_mem>> -> memref<1x!tpu.dma_semaphore, #tpu.memory_space<semaphore_mem>>
        %dma_wait3A_1969 = tpu.memref_squeeze %dma_wait3A_1968 : memref<1x!tpu.dma_semaphore, #tpu.memory_space<semaphore_mem>> -> memref<!tpu.dma_semaphore, #tpu.memory_space<semaphore_mem>>
        %dma_wait3A_1970 = arith.constant 0 : i32
        %dma_wait3A_1971 = arith.constant 0 : i32
        %dma_wait3A_1972 = tpu.memref_slice %arg4[%select_n3A_1807, %dma_wait3A_1958, %rem3A_1809, %dma_wait3A_1970, %dma_wait3A_1971] : memref<200x8x32x8x128xf32, #tpu.memory_space<hbm>> -> memref<1x1x1x8x128xf32, #tpu.memory_space<hbm>>
        %dma_wait3A_1973 = tpu.memref_squeeze %dma_wait3A_1972 : memref<1x1x1x8x128xf32, #tpu.memory_space<hbm>> -> memref<8x128xf32, #tpu.memory_space<hbm>>
        %dma_wait3A_1974 = arith.constant 56 : i32
        %dma_wait3A_1975 = arith.constant 0 : i32
        %dma_wait3A_1976 = tpu.memref_slice %arg7[%dma_wait3A_1957, %dma_wait3A_1974, %dma_wait3A_1975] : memref<4x64x129xf32, #tpu.memory_space<vmem>> -> memref<1x8x128xf32, #tpu.memory_space<vmem>>
        %dma_wait3A_1977 = tpu.memref_squeeze %dma_wait3A_1976 : memref<1x8x128xf32, #tpu.memory_space<vmem>> -> memref<8x128xf32, #tpu.memory_space<vmem>>
        tpu.wait_dma2 semaphore(%dma_wait3A_1969 : memref<!tpu.dma_semaphore, #tpu.memory_space<semaphore_mem>>) src(%dma_wait3A_1977 : memref<8x128xf32, #tpu.memory_space<vmem>>) dst(%dma_wait3A_1973 : memref<8x128xf32, #tpu.memory_space<hbm>>)
      } else {
      }
      %barrier3A_1572 = arith.constant 0 : index
      tpu.barrier barrier_id(%barrier3A_1572)
      %parallel_loop3A_1573 = arith.constant 0 : i32
      %parallel_loop3A_1574 = arith.constant 128 : i32
      %parallel_loop3A_1575 = arith.constant 1 : i32
      %parallel_loop3A_1576 = arith.constant 3 : i32
      %parallel_loop3A_1577 = scf.for %parallel_loop3A_1781 = %parallel_loop3A_1573 to %parallel_loop3A_1574 step %parallel_loop3A_1575 iter_args(%parallel_loop3A_1782 = %broadcast_in_dim3A_77) -> (vector<16xi32>)  : i32 {
        %parallel_loop3A_1783 = arith.constant 3 : i32
        %parallel_loop3A_1784 = arith.index_cast %parallel_loop3A_1783 : i32 to index
        %parallel_loop3A_1785 = arith.index_cast %parallel_loop3A_1781 : i32 to index
        %parallel_loop3A_1786 = arith.constant 0 : index
        %parallel_loop3A_1787 = tpu.vector_load %arg6[%parallel_loop3A_1784, %parallel_loop3A_1785, %parallel_loop3A_1786] {strides = array<i32>} : memref<4x128x64xf32, #tpu.memory_space<vmem>>, vector<16xf32>,
        %parallel_loop3A_1788 = arith.constant 8.000000e+00 : f32
        %parallel_loop3A_1789 = vector.broadcast %parallel_loop3A_1788 : f32 to vector<16xf32>
        %parallel_loop3A_1790 = arith.mulf %parallel_loop3A_1787, %parallel_loop3A_1789 : vector<16xf32>
        %parallel_loop3A_1791 = arith.constant 0 : i32
        %parallel_loop3A_1792 = arith.constant 0 : i32
        %parallel_loop3A_1793 = tpu.memref_slice %arg7[%parallel_loop3A_1576, %parallel_loop3A_1791, %parallel_loop3A_1792] : memref<4x64x129xf32, #tpu.memory_space<vmem>> -> memref<1x64x129xf32, #tpu.memory_space<vmem>>
        %parallel_loop3A_1794 = tpu.memref_squeeze %parallel_loop3A_1793 : memref<1x64x129xf32, #tpu.memory_space<vmem>> -> memref<64x129xf32, #tpu.memory_space<vmem>>
        tpu.vector_store_idx %parallel_loop3A_1794[%add3A_64, %parallel_loop3A_1782], %parallel_loop3A_1790 : memref<64x129xf32, #tpu.memory_space<vmem>>[vector<16xi32>, vector<16xi32>], vector<16xf32>,
        %parallel_loop3A_1795 = arith.constant 3 : i32
        %parallel_loop3A_1796 = arith.index_cast %parallel_loop3A_1795 : i32 to index
        %parallel_loop3A_1797 = arith.index_cast %parallel_loop3A_1781 : i32 to index
        %parallel_loop3A_1798 = arith.constant 16 : index
        %parallel_loop3A_1799 = tpu.vector_load %arg6[%parallel_loop3A_1796, %parallel_loop3A_1797, %parallel_loop3A_1798] {strides = array<i32>} : memref<4x128x64xf32, #tpu.memory_space<vmem>>, vector<16xf32>,
        %parallel_loop3A_1800 = arith.constant 8.000000e+00 : f32
        %parallel_loop3A_1801 = vector.broadcast %parallel_loop3A_1800 : f32 to vector<16xf32>
        %parallel_loop3A_1802 = arith.mulf %parallel_loop3A_1799, %parallel_loop3A_1801 : vector<16xf32>
        %parallel_loop3A_1803 = arith.constant 0 : i32
        %parallel_loop3A_1804 = arith.constant 0 : i32
        %parallel_loop3A_1805 = tpu.memref_slice %arg7[%parallel_loop3A_1576, %parallel_loop3A_1803, %parallel_loop3A_1804] : memref<4x64x129xf32, #tpu.memory_space<vmem>> -> memref<1x64x129xf32, #tpu.memory_space<vmem>>
        %parallel_loop3A_1806 = tpu.memref_squeeze %parallel_loop3A_1805 : memref<1x64x129xf32, #tpu.memory_space<vmem>> -> memref<64x129xf32, #tpu.memory_space<vmem>>
        tpu.vector_store_idx %parallel_loop3A_1806[%add3A_68, %parallel_loop3A_1782], %parallel_loop3A_1802 : memref<64x129xf32, #tpu.memory_space<vmem>>[vector<16xi32>, vector<16xi32>], vector<16xf32>,
        %parallel_loop3A_1807 = arith.constant 3 : i32
        %parallel_loop3A_1808 = arith.index_cast %parallel_loop3A_1807 : i32 to index
        %parallel_loop3A_1809 = arith.index_cast %parallel_loop3A_1781 : i32 to index
        %parallel_loop3A_1810 = arith.constant 32 : index
        %parallel_loop3A_1811 = tpu.vector_load %arg6[%parallel_loop3A_1808, %parallel_loop3A_1809, %parallel_loop3A_1810] {strides = array<i32>} : memref<4x128x64xf32, #tpu.memory_space<vmem>>, vector<16xf32>,
        %parallel_loop3A_1812 = arith.constant 8.000000e+00 : f32
        %parallel_loop3A_1813 = vector.broadcast %parallel_loop3A_1812 : f32 to vector<16xf32>
        %parallel_loop3A_1814 = arith.mulf %parallel_loop3A_1811, %parallel_loop3A_1813 : vector<16xf32>
        %parallel_loop3A_1815 = arith.constant 0 : i32
        %parallel_loop3A_1816 = arith.constant 0 : i32
        %parallel_loop3A_1817 = tpu.memref_slice %arg7[%parallel_loop3A_1576, %parallel_loop3A_1815, %parallel_loop3A_1816] : memref<4x64x129xf32, #tpu.memory_space<vmem>> -> memref<1x64x129xf32, #tpu.memory_space<vmem>>
        %parallel_loop3A_1818 = tpu.memref_squeeze %parallel_loop3A_1817 : memref<1x64x129xf32, #tpu.memory_space<vmem>> -> memref<64x129xf32, #tpu.memory_space<vmem>>
        tpu.vector_store_idx %parallel_loop3A_1818[%add3A_72, %parallel_loop3A_1782], %parallel_loop3A_1814 : memref<64x129xf32, #tpu.memory_space<vmem>>[vector<16xi32>, vector<16xi32>], vector<16xf32>,
        %parallel_loop3A_1819 = arith.constant 3 : i32
        %parallel_loop3A_1820 = arith.index_cast %parallel_loop3A_1819 : i32 to index
        %parallel_loop3A_1821 = arith.index_cast %parallel_loop3A_1781 : i32 to index
        %parallel_loop3A_1822 = arith.constant 48 : index
        %parallel_loop3A_1823 = tpu.vector_load %arg6[%parallel_loop3A_1820, %parallel_loop3A_1821, %parallel_loop3A_1822] {strides = array<i32>} : memref<4x128x64xf32, #tpu.memory_space<vmem>>, vector<16xf32>,
        %parallel_loop3A_1824 = arith.constant 8.000000e+00 : f32
        %parallel_loop3A_1825 = vector.broadcast %parallel_loop3A_1824 : f32 to vector<16xf32>
        %parallel_loop3A_1826 = arith.mulf %parallel_loop3A_1823, %parallel_loop3A_1825 : vector<16xf32>
        %parallel_loop3A_1827 = arith.constant 0 : i32
        %parallel_loop3A_1828 = arith.constant 0 : i32
        %parallel_loop3A_1829 = tpu.memref_slice %arg7[%parallel_loop3A_1576, %parallel_loop3A_1827, %parallel_loop3A_1828] : memref<4x64x129xf32, #tpu.memory_space<vmem>> -> memref<1x64x129xf32, #tpu.memory_space<vmem>>
        %parallel_loop3A_1830 = tpu.memref_squeeze %parallel_loop3A_1829 : memref<1x64x129xf32, #tpu.memory_space<vmem>> -> memref<64x129xf32, #tpu.memory_space<vmem>>
        tpu.vector_store_idx %parallel_loop3A_1830[%add3A_76, %parallel_loop3A_1782], %parallel_loop3A_1826 : memref<64x129xf32, #tpu.memory_space<vmem>>[vector<16xi32>, vector<16xi32>], vector<16xf32>,
        %parallel_loop3A_1831 = arith.constant 1 : i32
        %parallel_loop3A_1832 = vector.broadcast %parallel_loop3A_1831 : i32 to vector<16xi32>
        %parallel_loop3A_1833 = arith.addi %parallel_loop3A_1782, %parallel_loop3A_1832 : vector<16xi32>
        scf.yield %parallel_loop3A_1833 : vector<16xi32>
      } {sc.loop_unroll_factor = 8 : i64, sc.parallel_access}
      %barrier3A_1578 = arith.constant 0 : index
      tpu.barrier barrier_id(%barrier3A_1578)
      %add3A_1579 = arith.addi %mul3A_2, %add3A_1552 : i32
      %jit3A_1580 = arith.constant 32 : i32
      %div3A_1581 = arith.divsi %add3A_1579, %jit3A_1580 : i32
      %sign3A_1582 = arith.constant 0 : i32
      %sign3A_1583 = arith.cmpi sgt, %add3A_1579, %sign3A_1582 : i32
      %sign3A_1584 = arith.extui %sign3A_1583 : i1 to i32
      %sign3A_1585 = arith.constant 0 : i32
      %sign3A_1586 = arith.cmpi slt, %add3A_1579, %sign3A_1585 : i32
      %sign3A_1587 = arith.extui %sign3A_1586 : i1 to i32
      %sign3A_1588 = arith.subi %sign3A_1584, %sign3A_1587 : i32
      %sign3A_1589 = arith.constant 0 : i32
      %sign3A_1590 = arith.cmpi sgt, %jit3A_1580, %sign3A_1589 : i32
      %sign3A_1591 = arith.extui %sign3A_1590 : i1 to i32
      %sign3A_1592 = arith.constant 0 : i32
      %sign3A_1593 = arith.cmpi slt, %jit3A_1580, %sign3A_1592 : i32
      %sign3A_1594 = arith.extui %sign3A_1593 : i1 to i32
      %sign3A_1595 = arith.subi %sign3A_1591, %sign3A_1594 : i32
      %ne3A_1596 = arith.cmpi ne, %sign3A_1588, %sign3A_1595 : i32
      %rem3A_1597 = arith.remsi %add3A_1579, %jit3A_1580 : i32
      %ne3A_1598 = arith.constant 0 : i32
      %ne3A_1599 = arith.cmpi ne, %rem3A_1597, %ne3A_1598 : i32
      %and3A_1600 = arith.andi %ne3A_1596, %ne3A_1599 : i1
      %sub3A_1601 = arith.constant 1 : i32
      %sub3A_1602 = arith.subi %div3A_1581, %sub3A_1601 : i32
      %select_n3A_1603 = arith.select %and3A_1600, %sub3A_1602, %div3A_1581 : i32
      %rem3A_1604 = arith.constant 32 : i32
      %rem3A_1605 = arith.remsi %add3A_1579, %rem3A_1604 : i32
      %dma_start3A_1606 = arith.constant 3 : i32
      %dma_start3A_1607 = arith.constant 0 : i32
      %dma_start3A_1608 = arith.constant 3 : i32
      %dma_start3A_1609 = arith.constant 0 : i32
      %dma_start3A_1610 = arith.constant 0 : i32
      %dma_start3A_1611 = tpu.memref_slice %arg7[%dma_start3A_1606, %dma_start3A_1609, %dma_start3A_1610] : memref<4x64x129xf32, #tpu.memory_space<vmem>> -> memref<1x8x128xf32, #tpu.memory_space<vmem>>
      %dma_start3A_1612 = tpu.memref_squeeze %dma_start3A_1611 : memref<1x8x128xf32, #tpu.memory_space<vmem>> -> memref<8x128xf32, #tpu.memory_space<vmem>>
      %dma_start3A_1613 = arith.constant 0 : i32
      %dma_start3A_1614 = arith.constant 0 : i32
      %dma_start3A_1615 = tpu.memref_slice %arg4[%select_n3A_1603, %dma_start3A_1607, %rem3A_1605, %dma_start3A_1613, %dma_start3A_1614] : memref<200x8x32x8x128xf32, #tpu.memory_space<hbm>> -> memref<1x1x1x8x128xf32, #tpu.memory_space<hbm>>
      %dma_start3A_1616 = tpu.memref_squeeze %dma_start3A_1615 : memref<1x1x1x8x128xf32, #tpu.memory_space<hbm>> -> memref<8x128xf32, #tpu.memory_space<hbm>>
      %dma_start3A_1617 = tpu.memref_slice %arg9[%dma_start3A_1608] : memref<4x!tpu.dma_semaphore, #tpu.memory_space<semaphore_mem>> -> memref<1x!tpu.dma_semaphore, #tpu.memory_space<semaphore_mem>>
      %dma_start3A_1618 = tpu.memref_squeeze %dma_start3A_1617 : memref<1x!tpu.dma_semaphore, #tpu.memory_space<semaphore_mem>> -> memref<!tpu.dma_semaphore, #tpu.memory_space<semaphore_mem>>
      %dma_start3A_1619 = arith.constant 0 : i32
      %dma_start3A_1620 = arith.constant 0 : i32
      %dma_start3A_1621 = tpu.memref_slice %arg4[%select_n3A_1603, %dma_start3A_1607, %rem3A_1605, %dma_start3A_1619, %dma_start3A_1620] : memref<200x8x32x8x128xf32, #tpu.memory_space<hbm>> -> memref<1x1x1x8x128xf32, #tpu.memory_space<hbm>>
      %dma_start3A_1622 = tpu.memref_squeeze %dma_start3A_1621 : memref<1x1x1x8x128xf32, #tpu.memory_space<hbm>> -> memref<8x128xf32, #tpu.memory_space<hbm>>
      %dma_start3A_1623 = arith.constant 0 : i32
      %dma_start3A_1624 = arith.constant 0 : i32
      %dma_start3A_1625 = tpu.memref_slice %arg7[%dma_start3A_1606, %dma_start3A_1623, %dma_start3A_1624] : memref<4x64x129xf32, #tpu.memory_space<vmem>> -> memref<1x8x128xf32, #tpu.memory_space<vmem>>
      %dma_start3A_1626 = tpu.memref_squeeze %dma_start3A_1625 : memref<1x8x128xf32, #tpu.memory_space<vmem>> -> memref<8x128xf32, #tpu.memory_space<vmem>>
      tpu.enqueue_dma source(%dma_start3A_1626 : memref<8x128xf32, #tpu.memory_space<vmem>>) target(%dma_start3A_1622 : memref<8x128xf32, #tpu.memory_space<hbm>>) target_semaphore(%dma_start3A_1618 : memref<!tpu.dma_semaphore, #tpu.memory_space<semaphore_mem>>)
      %dma_start3A_1627 = arith.constant 3 : i32
      %dma_start3A_1628 = arith.constant 1 : i32
      %dma_start3A_1629 = arith.constant 3 : i32
      %dma_start3A_1630 = arith.constant 8 : i32
      %dma_start3A_1631 = arith.constant 0 : i32
      %dma_start3A_1632 = tpu.memref_slice %arg7[%dma_start3A_1627, %dma_start3A_1630, %dma_start3A_1631] : memref<4x64x129xf32, #tpu.memory_space<vmem>> -> memref<1x8x128xf32, #tpu.memory_space<vmem>>
      %dma_start3A_1633 = tpu.memref_squeeze %dma_start3A_1632 : memref<1x8x128xf32, #tpu.memory_space<vmem>> -> memref<8x128xf32, #tpu.memory_space<vmem>>
      %dma_start3A_1634 = arith.constant 0 : i32
      %dma_start3A_1635 = arith.constant 0 : i32
      %dma_start3A_1636 = tpu.memref_slice %arg4[%select_n3A_1603, %dma_start3A_1628, %rem3A_1605, %dma_start3A_1634, %dma_start3A_1635] : memref<200x8x32x8x128xf32, #tpu.memory_space<hbm>> -> memref<1x1x1x8x128xf32, #tpu.memory_space<hbm>>
      %dma_start3A_1637 = tpu.memref_squeeze %dma_start3A_1636 : memref<1x1x1x8x128xf32, #tpu.memory_space<hbm>> -> memref<8x128xf32, #tpu.memory_space<hbm>>
      %dma_start3A_1638 = tpu.memref_slice %arg9[%dma_start3A_1629] : memref<4x!tpu.dma_semaphore, #tpu.memory_space<semaphore_mem>> -> memref<1x!tpu.dma_semaphore, #tpu.memory_space<semaphore_mem>>
      %dma_start3A_1639 = tpu.memref_squeeze %dma_start3A_1638 : memref<1x!tpu.dma_semaphore, #tpu.memory_space<semaphore_mem>> -> memref<!tpu.dma_semaphore, #tpu.memory_space<semaphore_mem>>
      %dma_start3A_1640 = arith.constant 0 : i32
      %dma_start3A_1641 = arith.constant 0 : i32
      %dma_start3A_1642 = tpu.memref_slice %arg4[%select_n3A_1603, %dma_start3A_1628, %rem3A_1605, %dma_start3A_1640, %dma_start3A_1641] : memref<200x8x32x8x128xf32, #tpu.memory_space<hbm>> -> memref<1x1x1x8x128xf32, #tpu.memory_space<hbm>>
      %dma_start3A_1643 = tpu.memref_squeeze %dma_start3A_1642 : memref<1x1x1x8x128xf32, #tpu.memory_space<hbm>> -> memref<8x128xf32, #tpu.memory_space<hbm>>
      %dma_start3A_1644 = arith.constant 8 : i32
      %dma_start3A_1645 = arith.constant 0 : i32
      %dma_start3A_1646 = tpu.memref_slice %arg7[%dma_start3A_1627, %dma_start3A_1644, %dma_start3A_1645] : memref<4x64x129xf32, #tpu.memory_space<vmem>> -> memref<1x8x128xf32, #tpu.memory_space<vmem>>
      %dma_start3A_1647 = tpu.memref_squeeze %dma_start3A_1646 : memref<1x8x128xf32, #tpu.memory_space<vmem>> -> memref<8x128xf32, #tpu.memory_space<vmem>>
      tpu.enqueue_dma source(%dma_start3A_1647 : memref<8x128xf32, #tpu.memory_space<vmem>>) target(%dma_start3A_1643 : memref<8x128xf32, #tpu.memory_space<hbm>>) target_semaphore(%dma_start3A_1639 : memref<!tpu.dma_semaphore, #tpu.memory_space<semaphore_mem>>)
      %dma_start3A_1648 = arith.constant 3 : i32
      %dma_start3A_1649 = arith.constant 2 : i32
      %dma_start3A_1650 = arith.constant 3 : i32
      %dma_start3A_1651 = arith.constant 16 : i32
      %dma_start3A_1652 = arith.constant 0 : i32
      %dma_start3A_1653 = tpu.memref_slice %arg7[%dma_start3A_1648, %dma_start3A_1651, %dma_start3A_1652] : memref<4x64x129xf32, #tpu.memory_space<vmem>> -> memref<1x8x128xf32, #tpu.memory_space<vmem>>
      %dma_start3A_1654 = tpu.memref_squeeze %dma_start3A_1653 : memref<1x8x128xf32, #tpu.memory_space<vmem>> -> memref<8x128xf32, #tpu.memory_space<vmem>>
      %dma_start3A_1655 = arith.constant 0 : i32
      %dma_start3A_1656 = arith.constant 0 : i32
      %dma_start3A_1657 = tpu.memref_slice %arg4[%select_n3A_1603, %dma_start3A_1649, %rem3A_1605, %dma_start3A_1655, %dma_start3A_1656] : memref<200x8x32x8x128xf32, #tpu.memory_space<hbm>> -> memref<1x1x1x8x128xf32, #tpu.memory_space<hbm>>
      %dma_start3A_1658 = tpu.memref_squeeze %dma_start3A_1657 : memref<1x1x1x8x128xf32, #tpu.memory_space<hbm>> -> memref<8x128xf32, #tpu.memory_space<hbm>>
      %dma_start3A_1659 = tpu.memref_slice %arg9[%dma_start3A_1650] : memref<4x!tpu.dma_semaphore, #tpu.memory_space<semaphore_mem>> -> memref<1x!tpu.dma_semaphore, #tpu.memory_space<semaphore_mem>>
      %dma_start3A_1660 = tpu.memref_squeeze %dma_start3A_1659 : memref<1x!tpu.dma_semaphore, #tpu.memory_space<semaphore_mem>> -> memref<!tpu.dma_semaphore, #tpu.memory_space<semaphore_mem>>
      %dma_start3A_1661 = arith.constant 0 : i32
      %dma_start3A_1662 = arith.constant 0 : i32
      %dma_start3A_1663 = tpu.memref_slice %arg4[%select_n3A_1603, %dma_start3A_1649, %rem3A_1605, %dma_start3A_1661, %dma_start3A_1662] : memref<200x8x32x8x128xf32, #tpu.memory_space<hbm>> -> memref<1x1x1x8x128xf32, #tpu.memory_space<hbm>>
      %dma_start3A_1664 = tpu.memref_squeeze %dma_start3A_1663 : memref<1x1x1x8x128xf32, #tpu.memory_space<hbm>> -> memref<8x128xf32, #tpu.memory_space<hbm>>
      %dma_start3A_1665 = arith.constant 16 : i32
      %dma_start3A_1666 = arith.constant 0 : i32
      %dma_start3A_1667 = tpu.memref_slice %arg7[%dma_start3A_1648, %dma_start3A_1665, %dma_start3A_1666] : memref<4x64x129xf32, #tpu.memory_space<vmem>> -> memref<1x8x128xf32, #tpu.memory_space<vmem>>
      %dma_start3A_1668 = tpu.memref_squeeze %dma_start3A_1667 : memref<1x8x128xf32, #tpu.memory_space<vmem>> -> memref<8x128xf32, #tpu.memory_space<vmem>>
      tpu.enqueue_dma source(%dma_start3A_1668 : memref<8x128xf32, #tpu.memory_space<vmem>>) target(%dma_start3A_1664 : memref<8x128xf32, #tpu.memory_space<hbm>>) target_semaphore(%dma_start3A_1660 : memref<!tpu.dma_semaphore, #tpu.memory_space<semaphore_mem>>)
      %dma_start3A_1669 = arith.constant 3 : i32
      %dma_start3A_1670 = arith.constant 3 : i32
      %dma_start3A_1671 = arith.constant 3 : i32
      %dma_start3A_1672 = arith.constant 24 : i32
      %dma_start3A_1673 = arith.constant 0 : i32
      %dma_start3A_1674 = tpu.memref_slice %arg7[%dma_start3A_1669, %dma_start3A_1672, %dma_start3A_1673] : memref<4x64x129xf32, #tpu.memory_space<vmem>> -> memref<1x8x128xf32, #tpu.memory_space<vmem>>
      %dma_start3A_1675 = tpu.memref_squeeze %dma_start3A_1674 : memref<1x8x128xf32, #tpu.memory_space<vmem>> -> memref<8x128xf32, #tpu.memory_space<vmem>>
      %dma_start3A_1676 = arith.constant 0 : i32
      %dma_start3A_1677 = arith.constant 0 : i32
      %dma_start3A_1678 = tpu.memref_slice %arg4[%select_n3A_1603, %dma_start3A_1670, %rem3A_1605, %dma_start3A_1676, %dma_start3A_1677] : memref<200x8x32x8x128xf32, #tpu.memory_space<hbm>> -> memref<1x1x1x8x128xf32, #tpu.memory_space<hbm>>
      %dma_start3A_1679 = tpu.memref_squeeze %dma_start3A_1678 : memref<1x1x1x8x128xf32, #tpu.memory_space<hbm>> -> memref<8x128xf32, #tpu.memory_space<hbm>>
      %dma_start3A_1680 = tpu.memref_slice %arg9[%dma_start3A_1671] : memref<4x!tpu.dma_semaphore, #tpu.memory_space<semaphore_mem>> -> memref<1x!tpu.dma_semaphore, #tpu.memory_space<semaphore_mem>>
      %dma_start3A_1681 = tpu.memref_squeeze %dma_start3A_1680 : memref<1x!tpu.dma_semaphore, #tpu.memory_space<semaphore_mem>> -> memref<!tpu.dma_semaphore, #tpu.memory_space<semaphore_mem>>
      %dma_start3A_1682 = arith.constant 0 : i32
      %dma_start3A_1683 = arith.constant 0 : i32
      %dma_start3A_1684 = tpu.memref_slice %arg4[%select_n3A_1603, %dma_start3A_1670, %rem3A_1605, %dma_start3A_1682, %dma_start3A_1683] : memref<200x8x32x8x128xf32, #tpu.memory_space<hbm>> -> memref<1x1x1x8x128xf32, #tpu.memory_space<hbm>>
      %dma_start3A_1685 = tpu.memref_squeeze %dma_start3A_1684 : memref<1x1x1x8x128xf32, #tpu.memory_space<hbm>> -> memref<8x128xf32, #tpu.memory_space<hbm>>
      %dma_start3A_1686 = arith.constant 24 : i32
      %dma_start3A_1687 = arith.constant 0 : i32
      %dma_start3A_1688 = tpu.memref_slice %arg7[%dma_start3A_1669, %dma_start3A_1686, %dma_start3A_1687] : memref<4x64x129xf32, #tpu.memory_space<vmem>> -> memref<1x8x128xf32, #tpu.memory_space<vmem>>
      %dma_start3A_1689 = tpu.memref_squeeze %dma_start3A_1688 : memref<1x8x128xf32, #tpu.memory_space<vmem>> -> memref<8x128xf32, #tpu.memory_space<vmem>>
      tpu.enqueue_dma source(%dma_start3A_1689 : memref<8x128xf32, #tpu.memory_space<vmem>>) target(%dma_start3A_1685 : memref<8x128xf32, #tpu.memory_space<hbm>>) target_semaphore(%dma_start3A_1681 : memref<!tpu.dma_semaphore, #tpu.memory_space<semaphore_mem>>)
      %dma_start3A_1690 = arith.constant 3 : i32
      %dma_start3A_1691 = arith.constant 4 : i32
      %dma_start3A_1692 = arith.constant 3 : i32
      %dma_start3A_1693 = arith.constant 32 : i32
      %dma_start3A_1694 = arith.constant 0 : i32
      %dma_start3A_1695 = tpu.memref_slice %arg7[%dma_start3A_1690, %dma_start3A_1693, %dma_start3A_1694] : memref<4x64x129xf32, #tpu.memory_space<vmem>> -> memref<1x8x128xf32, #tpu.memory_space<vmem>>
      %dma_start3A_1696 = tpu.memref_squeeze %dma_start3A_1695 : memref<1x8x128xf32, #tpu.memory_space<vmem>> -> memref<8x128xf32, #tpu.memory_space<vmem>>
      %dma_start3A_1697 = arith.constant 0 : i32
      %dma_start3A_1698 = arith.constant 0 : i32
      %dma_start3A_1699 = tpu.memref_slice %arg4[%select_n3A_1603, %dma_start3A_1691, %rem3A_1605, %dma_start3A_1697, %dma_start3A_1698] : memref<200x8x32x8x128xf32, #tpu.memory_space<hbm>> -> memref<1x1x1x8x128xf32, #tpu.memory_space<hbm>>
      %dma_start3A_1700 = tpu.memref_squeeze %dma_start3A_1699 : memref<1x1x1x8x128xf32, #tpu.memory_space<hbm>> -> memref<8x128xf32, #tpu.memory_space<hbm>>
      %dma_start3A_1701 = tpu.memref_slice %arg9[%dma_start3A_1692] : memref<4x!tpu.dma_semaphore, #tpu.memory_space<semaphore_mem>> -> memref<1x!tpu.dma_semaphore, #tpu.memory_space<semaphore_mem>>
      %dma_start3A_1702 = tpu.memref_squeeze %dma_start3A_1701 : memref<1x!tpu.dma_semaphore, #tpu.memory_space<semaphore_mem>> -> memref<!tpu.dma_semaphore, #tpu.memory_space<semaphore_mem>>
      %dma_start3A_1703 = arith.constant 0 : i32
      %dma_start3A_1704 = arith.constant 0 : i32
      %dma_start3A_1705 = tpu.memref_slice %arg4[%select_n3A_1603, %dma_start3A_1691, %rem3A_1605, %dma_start3A_1703, %dma_start3A_1704] : memref<200x8x32x8x128xf32, #tpu.memory_space<hbm>> -> memref<1x1x1x8x128xf32, #tpu.memory_space<hbm>>
      %dma_start3A_1706 = tpu.memref_squeeze %dma_start3A_1705 : memref<1x1x1x8x128xf32, #tpu.memory_space<hbm>> -> memref<8x128xf32, #tpu.memory_space<hbm>>
      %dma_start3A_1707 = arith.constant 32 : i32
      %dma_start3A_1708 = arith.constant 0 : i32
      %dma_start3A_1709 = tpu.memref_slice %arg7[%dma_start3A_1690, %dma_start3A_1707, %dma_start3A_1708] : memref<4x64x129xf32, #tpu.memory_space<vmem>> -> memref<1x8x128xf32, #tpu.memory_space<vmem>>
      %dma_start3A_1710 = tpu.memref_squeeze %dma_start3A_1709 : memref<1x8x128xf32, #tpu.memory_space<vmem>> -> memref<8x128xf32, #tpu.memory_space<vmem>>
      tpu.enqueue_dma source(%dma_start3A_1710 : memref<8x128xf32, #tpu.memory_space<vmem>>) target(%dma_start3A_1706 : memref<8x128xf32, #tpu.memory_space<hbm>>) target_semaphore(%dma_start3A_1702 : memref<!tpu.dma_semaphore, #tpu.memory_space<semaphore_mem>>)
      %dma_start3A_1711 = arith.constant 3 : i32
      %dma_start3A_1712 = arith.constant 5 : i32
      %dma_start3A_1713 = arith.constant 3 : i32
      %dma_start3A_1714 = arith.constant 40 : i32
      %dma_start3A_1715 = arith.constant 0 : i32
      %dma_start3A_1716 = tpu.memref_slice %arg7[%dma_start3A_1711, %dma_start3A_1714, %dma_start3A_1715] : memref<4x64x129xf32, #tpu.memory_space<vmem>> -> memref<1x8x128xf32, #tpu.memory_space<vmem>>
      %dma_start3A_1717 = tpu.memref_squeeze %dma_start3A_1716 : memref<1x8x128xf32, #tpu.memory_space<vmem>> -> memref<8x128xf32, #tpu.memory_space<vmem>>
      %dma_start3A_1718 = arith.constant 0 : i32
      %dma_start3A_1719 = arith.constant 0 : i32
      %dma_start3A_1720 = tpu.memref_slice %arg4[%select_n3A_1603, %dma_start3A_1712, %rem3A_1605, %dma_start3A_1718, %dma_start3A_1719] : memref<200x8x32x8x128xf32, #tpu.memory_space<hbm>> -> memref<1x1x1x8x128xf32, #tpu.memory_space<hbm>>
      %dma_start3A_1721 = tpu.memref_squeeze %dma_start3A_1720 : memref<1x1x1x8x128xf32, #tpu.memory_space<hbm>> -> memref<8x128xf32, #tpu.memory_space<hbm>>
      %dma_start3A_1722 = tpu.memref_slice %arg9[%dma_start3A_1713] : memref<4x!tpu.dma_semaphore, #tpu.memory_space<semaphore_mem>> -> memref<1x!tpu.dma_semaphore, #tpu.memory_space<semaphore_mem>>
      %dma_start3A_1723 = tpu.memref_squeeze %dma_start3A_1722 : memref<1x!tpu.dma_semaphore, #tpu.memory_space<semaphore_mem>> -> memref<!tpu.dma_semaphore, #tpu.memory_space<semaphore_mem>>
      %dma_start3A_1724 = arith.constant 0 : i32
      %dma_start3A_1725 = arith.constant 0 : i32
      %dma_start3A_1726 = tpu.memref_slice %arg4[%select_n3A_1603, %dma_start3A_1712, %rem3A_1605, %dma_start3A_1724, %dma_start3A_1725] : memref<200x8x32x8x128xf32, #tpu.memory_space<hbm>> -> memref<1x1x1x8x128xf32, #tpu.memory_space<hbm>>
      %dma_start3A_1727 = tpu.memref_squeeze %dma_start3A_1726 : memref<1x1x1x8x128xf32, #tpu.memory_space<hbm>> -> memref<8x128xf32, #tpu.memory_space<hbm>>
      %dma_start3A_1728 = arith.constant 40 : i32
      %dma_start3A_1729 = arith.constant 0 : i32
      %dma_start3A_1730 = tpu.memref_slice %arg7[%dma_start3A_1711, %dma_start3A_1728, %dma_start3A_1729] : memref<4x64x129xf32, #tpu.memory_space<vmem>> -> memref<1x8x128xf32, #tpu.memory_space<vmem>>
      %dma_start3A_1731 = tpu.memref_squeeze %dma_start3A_1730 : memref<1x8x128xf32, #tpu.memory_space<vmem>> -> memref<8x128xf32, #tpu.memory_space<vmem>>
      tpu.enqueue_dma source(%dma_start3A_1731 : memref<8x128xf32, #tpu.memory_space<vmem>>) target(%dma_start3A_1727 : memref<8x128xf32, #tpu.memory_space<hbm>>) target_semaphore(%dma_start3A_1723 : memref<!tpu.dma_semaphore, #tpu.memory_space<semaphore_mem>>)
      %dma_start3A_1732 = arith.constant 3 : i32
      %dma_start3A_1733 = arith.constant 6 : i32
      %dma_start3A_1734 = arith.constant 3 : i32
      %dma_start3A_1735 = arith.constant 48 : i32
      %dma_start3A_1736 = arith.constant 0 : i32
      %dma_start3A_1737 = tpu.memref_slice %arg7[%dma_start3A_1732, %dma_start3A_1735, %dma_start3A_1736] : memref<4x64x129xf32, #tpu.memory_space<vmem>> -> memref<1x8x128xf32, #tpu.memory_space<vmem>>
      %dma_start3A_1738 = tpu.memref_squeeze %dma_start3A_1737 : memref<1x8x128xf32, #tpu.memory_space<vmem>> -> memref<8x128xf32, #tpu.memory_space<vmem>>
      %dma_start3A_1739 = arith.constant 0 : i32
      %dma_start3A_1740 = arith.constant 0 : i32
      %dma_start3A_1741 = tpu.memref_slice %arg4[%select_n3A_1603, %dma_start3A_1733, %rem3A_1605, %dma_start3A_1739, %dma_start3A_1740] : memref<200x8x32x8x128xf32, #tpu.memory_space<hbm>> -> memref<1x1x1x8x128xf32, #tpu.memory_space<hbm>>
      %dma_start3A_1742 = tpu.memref_squeeze %dma_start3A_1741 : memref<1x1x1x8x128xf32, #tpu.memory_space<hbm>> -> memref<8x128xf32, #tpu.memory_space<hbm>>
      %dma_start3A_1743 = tpu.memref_slice %arg9[%dma_start3A_1734] : memref<4x!tpu.dma_semaphore, #tpu.memory_space<semaphore_mem>> -> memref<1x!tpu.dma_semaphore, #tpu.memory_space<semaphore_mem>>
      %dma_start3A_1744 = tpu.memref_squeeze %dma_start3A_1743 : memref<1x!tpu.dma_semaphore, #tpu.memory_space<semaphore_mem>> -> memref<!tpu.dma_semaphore, #tpu.memory_space<semaphore_mem>>
      %dma_start3A_1745 = arith.constant 0 : i32
      %dma_start3A_1746 = arith.constant 0 : i32
      %dma_start3A_1747 = tpu.memref_slice %arg4[%select_n3A_1603, %dma_start3A_1733, %rem3A_1605, %dma_start3A_1745, %dma_start3A_1746] : memref<200x8x32x8x128xf32, #tpu.memory_space<hbm>> -> memref<1x1x1x8x128xf32, #tpu.memory_space<hbm>>
      %dma_start3A_1748 = tpu.memref_squeeze %dma_start3A_1747 : memref<1x1x1x8x128xf32, #tpu.memory_space<hbm>> -> memref<8x128xf32, #tpu.memory_space<hbm>>
      %dma_start3A_1749 = arith.constant 48 : i32
      %dma_start3A_1750 = arith.constant 0 : i32
      %dma_start3A_1751 = tpu.memref_slice %arg7[%dma_start3A_1732, %dma_start3A_1749, %dma_start3A_1750] : memref<4x64x129xf32, #tpu.memory_space<vmem>> -> memref<1x8x128xf32, #tpu.memory_space<vmem>>
      %dma_start3A_1752 = tpu.memref_squeeze %dma_start3A_1751 : memref<1x8x128xf32, #tpu.memory_space<vmem>> -> memref<8x128xf32, #tpu.memory_space<vmem>>
      tpu.enqueue_dma source(%dma_start3A_1752 : memref<8x128xf32, #tpu.memory_space<vmem>>) target(%dma_start3A_1748 : memref<8x128xf32, #tpu.memory_space<hbm>>) target_semaphore(%dma_start3A_1744 : memref<!tpu.dma_semaphore, #tpu.memory_space<semaphore_mem>>)
      %dma_start3A_1753 = arith.constant 3 : i32
      %dma_start3A_1754 = arith.constant 7 : i32
      %dma_start3A_1755 = arith.constant 3 : i32
      %dma_start3A_1756 = arith.constant 56 : i32
      %dma_start3A_1757 = arith.constant 0 : i32
      %dma_start3A_1758 = tpu.memref_slice %arg7[%dma_start3A_1753, %dma_start3A_1756, %dma_start3A_1757] : memref<4x64x129xf32, #tpu.memory_space<vmem>> -> memref<1x8x128xf32, #tpu.memory_space<vmem>>
      %dma_start3A_1759 = tpu.memref_squeeze %dma_start3A_1758 : memref<1x8x128xf32, #tpu.memory_space<vmem>> -> memref<8x128xf32, #tpu.memory_space<vmem>>
      %dma_start3A_1760 = arith.constant 0 : i32
      %dma_start3A_1761 = arith.constant 0 : i32
      %dma_start3A_1762 = tpu.memref_slice %arg4[%select_n3A_1603, %dma_start3A_1754, %rem3A_1605, %dma_start3A_1760, %dma_start3A_1761] : memref<200x8x32x8x128xf32, #tpu.memory_space<hbm>> -> memref<1x1x1x8x128xf32, #tpu.memory_space<hbm>>
      %dma_start3A_1763 = tpu.memref_squeeze %dma_start3A_1762 : memref<1x1x1x8x128xf32, #tpu.memory_space<hbm>> -> memref<8x128xf32, #tpu.memory_space<hbm>>
      %dma_start3A_1764 = tpu.memref_slice %arg9[%dma_start3A_1755] : memref<4x!tpu.dma_semaphore, #tpu.memory_space<semaphore_mem>> -> memref<1x!tpu.dma_semaphore, #tpu.memory_space<semaphore_mem>>
      %dma_start3A_1765 = tpu.memref_squeeze %dma_start3A_1764 : memref<1x!tpu.dma_semaphore, #tpu.memory_space<semaphore_mem>> -> memref<!tpu.dma_semaphore, #tpu.memory_space<semaphore_mem>>
      %dma_start3A_1766 = arith.constant 0 : i32
      %dma_start3A_1767 = arith.constant 0 : i32
      %dma_start3A_1768 = tpu.memref_slice %arg4[%select_n3A_1603, %dma_start3A_1754, %rem3A_1605, %dma_start3A_1766, %dma_start3A_1767] : memref<200x8x32x8x128xf32, #tpu.memory_space<hbm>> -> memref<1x1x1x8x128xf32, #tpu.memory_space<hbm>>
      %dma_start3A_1769 = tpu.memref_squeeze %dma_start3A_1768 : memref<1x1x1x8x128xf32, #tpu.memory_space<hbm>> -> memref<8x128xf32, #tpu.memory_space<hbm>>
      %dma_start3A_1770 = arith.constant 56 : i32
      %dma_start3A_1771 = arith.constant 0 : i32
      %dma_start3A_1772 = tpu.memref_slice %arg7[%dma_start3A_1753, %dma_start3A_1770, %dma_start3A_1771] : memref<4x64x129xf32, #tpu.memory_space<vmem>> -> memref<1x8x128xf32, #tpu.memory_space<vmem>>
      %dma_start3A_1773 = tpu.memref_squeeze %dma_start3A_1772 : memref<1x8x128xf32, #tpu.memory_space<vmem>> -> memref<8x128xf32, #tpu.memory_space<vmem>>
      tpu.enqueue_dma source(%dma_start3A_1773 : memref<8x128xf32, #tpu.memory_space<vmem>>) target(%dma_start3A_1769 : memref<8x128xf32, #tpu.memory_space<hbm>>) target_semaphore(%dma_start3A_1765 : memref<!tpu.dma_semaphore, #tpu.memory_space<semaphore_mem>>)
      %add3A_1774 = arith.constant 4 : i32
      %add3A_1775 = arith.addi %add3A_1552, %add3A_1774 : i32
      %lt3A_1776 = arith.constant 200 : i32
      %lt3A_1777 = arith.cmpi slt, %add3A_1775, %lt3A_1776 : i32
      %convert_element_type3A_1778 = arith.extui %lt3A_1777 : i1 to i32
      %cond3A_1779 = arith.constant 0 : i32
      %cond3A_1780 = arith.cmpi ne, %convert_element_type3A_1778, %cond3A_1779 : i32
      scf.if %cond3A_1780 {
        %add3A_1781 = arith.constant 4 : i32
        %add3A_1782 = arith.addi %add3A_1552, %add3A_1781 : i32
        %dma_start3A_1783 = arith.constant 3 : i32
        %dma_start3A_1784 = arith.constant 3 : i32
        %dma_start3A_1785 = arith.constant 0 : i32
        %dma_start3A_1786 = arith.constant 0 : i32
        %dma_start3A_1787 = tpu.memref_slice %arg6[%dma_start3A_1783, %dma_start3A_1785, %dma_start3A_1786] : memref<4x128x64xf32, #tpu.memory_space<vmem>> -> memref<1x128x64xf32, #tpu.memory_space<vmem>>
        %dma_start3A_1788 = tpu.memref_squeeze %dma_start3A_1787 : memref<1x128x64xf32, #tpu.memory_space<vmem>> -> memref<128x64xf32, #tpu.memory_space<vmem>>
        %dma_start3A_1789 = arith.constant 0 : i32
        %dma_start3A_1790 = tpu.memref_slice %arg5[%add3A_1782, %dma_start3A_1789] : memref<200x128xi32, #tpu.memory_space<vmem>> -> memref<1x128xi32, #tpu.memory_space<vmem>>
        %dma_start3A_1791 = tpu.memref_squeeze %dma_start3A_1790 : memref<1x128xi32, #tpu.memory_space<vmem>> -> memref<128xi32, #tpu.memory_space<vmem>>
        %dma_start3A_1792 = arith.constant 0 : i32
        %dma_start3A_1793 = arith.constant 0 : i32
        %dma_start3A_1794 = tpu.memref_slice %arg3[%dma_start3A_1792, %dma_start3A_1793] : memref<1000000x64xf32, #tpu.memory_space<hbm>> -> memref<1000000x64xf32, #tpu.memory_space<hbm>>
        %dma_start3A_1795 = tpu.memref_slice %arg8[%dma_start3A_1784] : memref<4x!tpu.dma_semaphore, #tpu.memory_space<semaphore_mem>> -> memref<1x!tpu.dma_semaphore, #tpu.memory_space<semaphore_mem>>
        %dma_start3A_1796 = tpu.memref_squeeze %dma_start3A_1795 : memref<1x!tpu.dma_semaphore, #tpu.memory_space<semaphore_mem>> -> memref<!tpu.dma_semaphore, #tpu.memory_space<semaphore_mem>>
        tpu.enqueue_indirect_dma source(%dma_start3A_1794 : memref<1000000x64xf32, #tpu.memory_space<hbm>>) target(%dma_start3A_1788 : memref<128x64xf32, #tpu.memory_space<vmem>>) offsets(%dma_start3A_1791 : memref<128xi32, #tpu.memory_space<vmem>>) semaphore(%dma_start3A_1796 : memref<!tpu.dma_semaphore, #tpu.memory_space<semaphore_mem>>)
      } else {
      }
    }
    %scan3A_82 = arith.constant 50 : i32
    %add3A_83 = arith.constant 196 : i32
    %add3A_84 = arith.addi %mul3A_2, %add3A_83 : i32
    %jit3A = arith.constant 32 : i32
    %div3A = arith.divsi %add3A_84, %jit3A : i32
    %sign3A = arith.constant 0 : i32
    %sign3A_85 = arith.cmpi sgt, %add3A_84, %sign3A : i32
    %sign3A_86 = arith.extui %sign3A_85 : i1 to i32
    %sign3A_87 = arith.constant 0 : i32
    %sign3A_88 = arith.cmpi slt, %add3A_84, %sign3A_87 : i32
    %sign3A_89 = arith.extui %sign3A_88 : i1 to i32
    %sign3A_90 = arith.subi %sign3A_86, %sign3A_89 : i32
    %sign3A_91 = arith.constant 0 : i32
    %sign3A_92 = arith.cmpi sgt, %jit3A, %sign3A_91 : i32
    %sign3A_93 = arith.extui %sign3A_92 : i1 to i32
    %sign3A_94 = arith.constant 0 : i32
    %sign3A_95 = arith.cmpi slt, %jit3A, %sign3A_94 : i32
    %sign3A_96 = arith.extui %sign3A_95 : i1 to i32
    %sign3A_97 = arith.subi %sign3A_93, %sign3A_96 : i32
    %ne3A = arith.cmpi ne, %sign3A_90, %sign3A_97 : i32
    %rem3A = arith.remsi %add3A_84, %jit3A : i32
    %ne3A_98 = arith.constant 0 : i32
    %ne3A_99 = arith.cmpi ne, %rem3A, %ne3A_98 : i32
    %and3A = arith.andi %ne3A, %ne3A_99 : i1
    %sub3A = arith.constant 1 : i32
    %sub3A_100 = arith.subi %div3A, %sub3A : i32
    %select_n3A = arith.select %and3A, %sub3A_100, %div3A : i32
    %rem3A_101 = arith.constant 32 : i32
    %rem3A_102 = arith.remsi %add3A_84, %rem3A_101 : i32
    %dma_wait3A = arith.constant 0 : i32
    %dma_wait3A_103 = arith.constant 0 : i32
    %dma_wait3A_104 = arith.constant 0 : i32
    %dma_wait3A_105 = arith.constant 0 : i32
    %dma_wait3A_106 = arith.constant 0 : i32
    %dma_wait3A_107 = tpu.memref_slice %arg7[%dma_wait3A, %dma_wait3A_105, %dma_wait3A_106] : memref<4x64x129xf32, #tpu.memory_space<vmem>> -> memref<1x8x128xf32, #tpu.memory_space<vmem>>
    %dma_wait3A_108 = tpu.memref_squeeze %dma_wait3A_107 : memref<1x8x128xf32, #tpu.memory_space<vmem>> -> memref<8x128xf32, #tpu.memory_space<vmem>>
    %dma_wait3A_109 = arith.constant 0 : i32
    %dma_wait3A_110 = arith.constant 0 : i32
    %dma_wait3A_111 = tpu.memref_slice %arg4[%select_n3A, %dma_wait3A_103, %rem3A_102, %dma_wait3A_109, %dma_wait3A_110] : memref<200x8x32x8x128xf32, #tpu.memory_space<hbm>> -> memref<1x1x1x8x128xf32, #tpu.memory_space<hbm>>
    %dma_wait3A_112 = tpu.memref_squeeze %dma_wait3A_111 : memref<1x1x1x8x128xf32, #tpu.memory_space<hbm>> -> memref<8x128xf32, #tpu.memory_space<hbm>>
    %dma_wait3A_113 = tpu.memref_slice %arg9[%dma_wait3A_104] : memref<4x!tpu.dma_semaphore, #tpu.memory_space<semaphore_mem>> -> memref<1x!tpu.dma_semaphore, #tpu.memory_space<semaphore_mem>>
    %dma_wait3A_114 = tpu.memref_squeeze %dma_wait3A_113 : memref<1x!tpu.dma_semaphore, #tpu.memory_space<semaphore_mem>> -> memref<!tpu.dma_semaphore, #tpu.memory_space<semaphore_mem>>
    %dma_wait3A_115 = arith.constant 0 : i32
    %dma_wait3A_116 = arith.constant 0 : i32
    %dma_wait3A_117 = tpu.memref_slice %arg4[%select_n3A, %dma_wait3A_103, %rem3A_102, %dma_wait3A_115, %dma_wait3A_116] : memref<200x8x32x8x128xf32, #tpu.memory_space<hbm>> -> memref<1x1x1x8x128xf32, #tpu.memory_space<hbm>>
    %dma_wait3A_118 = tpu.memref_squeeze %dma_wait3A_117 : memref<1x1x1x8x128xf32, #tpu.memory_space<hbm>> -> memref<8x128xf32, #tpu.memory_space<hbm>>
    %dma_wait3A_119 = arith.constant 0 : i32
    %dma_wait3A_120 = arith.constant 0 : i32
    %dma_wait3A_121 = tpu.memref_slice %arg7[%dma_wait3A, %dma_wait3A_119, %dma_wait3A_120] : memref<4x64x129xf32, #tpu.memory_space<vmem>> -> memref<1x8x128xf32, #tpu.memory_space<vmem>>
    %dma_wait3A_122 = tpu.memref_squeeze %dma_wait3A_121 : memref<1x8x128xf32, #tpu.memory_space<vmem>> -> memref<8x128xf32, #tpu.memory_space<vmem>>
    tpu.wait_dma2 semaphore(%dma_wait3A_114 : memref<!tpu.dma_semaphore, #tpu.memory_space<semaphore_mem>>) src(%dma_wait3A_122 : memref<8x128xf32, #tpu.memory_space<vmem>>) dst(%dma_wait3A_118 : memref<8x128xf32, #tpu.memory_space<hbm>>)
    %dma_wait3A_123 = arith.constant 0 : i32
    %dma_wait3A_124 = arith.constant 1 : i32
    %dma_wait3A_125 = arith.constant 0 : i32
    %dma_wait3A_126 = arith.constant 8 : i32
    %dma_wait3A_127 = arith.constant 0 : i32
    %dma_wait3A_128 = tpu.memref_slice %arg7[%dma_wait3A_123, %dma_wait3A_126, %dma_wait3A_127] : memref<4x64x129xf32, #tpu.memory_space<vmem>> -> memref<1x8x128xf32, #tpu.memory_space<vmem>>
    %dma_wait3A_129 = tpu.memref_squeeze %dma_wait3A_128 : memref<1x8x128xf32, #tpu.memory_space<vmem>> -> memref<8x128xf32, #tpu.memory_space<vmem>>
    %dma_wait3A_130 = arith.constant 0 : i32
    %dma_wait3A_131 = arith.constant 0 : i32
    %dma_wait3A_132 = tpu.memref_slice %arg4[%select_n3A, %dma_wait3A_124, %rem3A_102, %dma_wait3A_130, %dma_wait3A_131] : memref<200x8x32x8x128xf32, #tpu.memory_space<hbm>> -> memref<1x1x1x8x128xf32, #tpu.memory_space<hbm>>
    %dma_wait3A_133 = tpu.memref_squeeze %dma_wait3A_132 : memref<1x1x1x8x128xf32, #tpu.memory_space<hbm>> -> memref<8x128xf32, #tpu.memory_space<hbm>>
    %dma_wait3A_134 = tpu.memref_slice %arg9[%dma_wait3A_125] : memref<4x!tpu.dma_semaphore, #tpu.memory_space<semaphore_mem>> -> memref<1x!tpu.dma_semaphore, #tpu.memory_space<semaphore_mem>>
    %dma_wait3A_135 = tpu.memref_squeeze %dma_wait3A_134 : memref<1x!tpu.dma_semaphore, #tpu.memory_space<semaphore_mem>> -> memref<!tpu.dma_semaphore, #tpu.memory_space<semaphore_mem>>
    %dma_wait3A_136 = arith.constant 0 : i32
    %dma_wait3A_137 = arith.constant 0 : i32
    %dma_wait3A_138 = tpu.memref_slice %arg4[%select_n3A, %dma_wait3A_124, %rem3A_102, %dma_wait3A_136, %dma_wait3A_137] : memref<200x8x32x8x128xf32, #tpu.memory_space<hbm>> -> memref<1x1x1x8x128xf32, #tpu.memory_space<hbm>>
    %dma_wait3A_139 = tpu.memref_squeeze %dma_wait3A_138 : memref<1x1x1x8x128xf32, #tpu.memory_space<hbm>> -> memref<8x128xf32, #tpu.memory_space<hbm>>
    %dma_wait3A_140 = arith.constant 8 : i32
    %dma_wait3A_141 = arith.constant 0 : i32
    %dma_wait3A_142 = tpu.memref_slice %arg7[%dma_wait3A_123, %dma_wait3A_140, %dma_wait3A_141] : memref<4x64x129xf32, #tpu.memory_space<vmem>> -> memref<1x8x128xf32, #tpu.memory_space<vmem>>
    %dma_wait3A_143 = tpu.memref_squeeze %dma_wait3A_142 : memref<1x8x128xf32, #tpu.memory_space<vmem>> -> memref<8x128xf32, #tpu.memory_space<vmem>>
    tpu.wait_dma2 semaphore(%dma_wait3A_135 : memref<!tpu.dma_semaphore, #tpu.memory_space<semaphore_mem>>) src(%dma_wait3A_143 : memref<8x128xf32, #tpu.memory_space<vmem>>) dst(%dma_wait3A_139 : memref<8x128xf32, #tpu.memory_space<hbm>>)
    %dma_wait3A_144 = arith.constant 0 : i32
    %dma_wait3A_145 = arith.constant 2 : i32
    %dma_wait3A_146 = arith.constant 0 : i32
    %dma_wait3A_147 = arith.constant 16 : i32
    %dma_wait3A_148 = arith.constant 0 : i32
    %dma_wait3A_149 = tpu.memref_slice %arg7[%dma_wait3A_144, %dma_wait3A_147, %dma_wait3A_148] : memref<4x64x129xf32, #tpu.memory_space<vmem>> -> memref<1x8x128xf32, #tpu.memory_space<vmem>>
    %dma_wait3A_150 = tpu.memref_squeeze %dma_wait3A_149 : memref<1x8x128xf32, #tpu.memory_space<vmem>> -> memref<8x128xf32, #tpu.memory_space<vmem>>
    %dma_wait3A_151 = arith.constant 0 : i32
    %dma_wait3A_152 = arith.constant 0 : i32
    %dma_wait3A_153 = tpu.memref_slice %arg4[%select_n3A, %dma_wait3A_145, %rem3A_102, %dma_wait3A_151, %dma_wait3A_152] : memref<200x8x32x8x128xf32, #tpu.memory_space<hbm>> -> memref<1x1x1x8x128xf32, #tpu.memory_space<hbm>>
    %dma_wait3A_154 = tpu.memref_squeeze %dma_wait3A_153 : memref<1x1x1x8x128xf32, #tpu.memory_space<hbm>> -> memref<8x128xf32, #tpu.memory_space<hbm>>
    %dma_wait3A_155 = tpu.memref_slice %arg9[%dma_wait3A_146] : memref<4x!tpu.dma_semaphore, #tpu.memory_space<semaphore_mem>> -> memref<1x!tpu.dma_semaphore, #tpu.memory_space<semaphore_mem>>
    %dma_wait3A_156 = tpu.memref_squeeze %dma_wait3A_155 : memref<1x!tpu.dma_semaphore, #tpu.memory_space<semaphore_mem>> -> memref<!tpu.dma_semaphore, #tpu.memory_space<semaphore_mem>>
    %dma_wait3A_157 = arith.constant 0 : i32
    %dma_wait3A_158 = arith.constant 0 : i32
    %dma_wait3A_159 = tpu.memref_slice %arg4[%select_n3A, %dma_wait3A_145, %rem3A_102, %dma_wait3A_157, %dma_wait3A_158] : memref<200x8x32x8x128xf32, #tpu.memory_space<hbm>> -> memref<1x1x1x8x128xf32, #tpu.memory_space<hbm>>
    %dma_wait3A_160 = tpu.memref_squeeze %dma_wait3A_159 : memref<1x1x1x8x128xf32, #tpu.memory_space<hbm>> -> memref<8x128xf32, #tpu.memory_space<hbm>>
    %dma_wait3A_161 = arith.constant 16 : i32
    %dma_wait3A_162 = arith.constant 0 : i32
    %dma_wait3A_163 = tpu.memref_slice %arg7[%dma_wait3A_144, %dma_wait3A_161, %dma_wait3A_162] : memref<4x64x129xf32, #tpu.memory_space<vmem>> -> memref<1x8x128xf32, #tpu.memory_space<vmem>>
    %dma_wait3A_164 = tpu.memref_squeeze %dma_wait3A_163 : memref<1x8x128xf32, #tpu.memory_space<vmem>> -> memref<8x128xf32, #tpu.memory_space<vmem>>
    tpu.wait_dma2 semaphore(%dma_wait3A_156 : memref<!tpu.dma_semaphore, #tpu.memory_space<semaphore_mem>>) src(%dma_wait3A_164 : memref<8x128xf32, #tpu.memory_space<vmem>>) dst(%dma_wait3A_160 : memref<8x128xf32, #tpu.memory_space<hbm>>)
    %dma_wait3A_165 = arith.constant 0 : i32
    %dma_wait3A_166 = arith.constant 3 : i32
    %dma_wait3A_167 = arith.constant 0 : i32
    %dma_wait3A_168 = arith.constant 24 : i32
    %dma_wait3A_169 = arith.constant 0 : i32
    %dma_wait3A_170 = tpu.memref_slice %arg7[%dma_wait3A_165, %dma_wait3A_168, %dma_wait3A_169] : memref<4x64x129xf32, #tpu.memory_space<vmem>> -> memref<1x8x128xf32, #tpu.memory_space<vmem>>
    %dma_wait3A_171 = tpu.memref_squeeze %dma_wait3A_170 : memref<1x8x128xf32, #tpu.memory_space<vmem>> -> memref<8x128xf32, #tpu.memory_space<vmem>>
    %dma_wait3A_172 = arith.constant 0 : i32
    %dma_wait3A_173 = arith.constant 0 : i32
    %dma_wait3A_174 = tpu.memref_slice %arg4[%select_n3A, %dma_wait3A_166, %rem3A_102, %dma_wait3A_172, %dma_wait3A_173] : memref<200x8x32x8x128xf32, #tpu.memory_space<hbm>> -> memref<1x1x1x8x128xf32, #tpu.memory_space<hbm>>
    %dma_wait3A_175 = tpu.memref_squeeze %dma_wait3A_174 : memref<1x1x1x8x128xf32, #tpu.memory_space<hbm>> -> memref<8x128xf32, #tpu.memory_space<hbm>>
    %dma_wait3A_176 = tpu.memref_slice %arg9[%dma_wait3A_167] : memref<4x!tpu.dma_semaphore, #tpu.memory_space<semaphore_mem>> -> memref<1x!tpu.dma_semaphore, #tpu.memory_space<semaphore_mem>>
    %dma_wait3A_177 = tpu.memref_squeeze %dma_wait3A_176 : memref<1x!tpu.dma_semaphore, #tpu.memory_space<semaphore_mem>> -> memref<!tpu.dma_semaphore, #tpu.memory_space<semaphore_mem>>
    %dma_wait3A_178 = arith.constant 0 : i32
    %dma_wait3A_179 = arith.constant 0 : i32
    %dma_wait3A_180 = tpu.memref_slice %arg4[%select_n3A, %dma_wait3A_166, %rem3A_102, %dma_wait3A_178, %dma_wait3A_179] : memref<200x8x32x8x128xf32, #tpu.memory_space<hbm>> -> memref<1x1x1x8x128xf32, #tpu.memory_space<hbm>>
    %dma_wait3A_181 = tpu.memref_squeeze %dma_wait3A_180 : memref<1x1x1x8x128xf32, #tpu.memory_space<hbm>> -> memref<8x128xf32, #tpu.memory_space<hbm>>
    %dma_wait3A_182 = arith.constant 24 : i32
    %dma_wait3A_183 = arith.constant 0 : i32
    %dma_wait3A_184 = tpu.memref_slice %arg7[%dma_wait3A_165, %dma_wait3A_182, %dma_wait3A_183] : memref<4x64x129xf32, #tpu.memory_space<vmem>> -> memref<1x8x128xf32, #tpu.memory_space<vmem>>
    %dma_wait3A_185 = tpu.memref_squeeze %dma_wait3A_184 : memref<1x8x128xf32, #tpu.memory_space<vmem>> -> memref<8x128xf32, #tpu.memory_space<vmem>>
    tpu.wait_dma2 semaphore(%dma_wait3A_177 : memref<!tpu.dma_semaphore, #tpu.memory_space<semaphore_mem>>) src(%dma_wait3A_185 : memref<8x128xf32, #tpu.memory_space<vmem>>) dst(%dma_wait3A_181 : memref<8x128xf32, #tpu.memory_space<hbm>>)
    %dma_wait3A_186 = arith.constant 0 : i32
    %dma_wait3A_187 = arith.constant 4 : i32
    %dma_wait3A_188 = arith.constant 0 : i32
    %dma_wait3A_189 = arith.constant 32 : i32
    %dma_wait3A_190 = arith.constant 0 : i32
    %dma_wait3A_191 = tpu.memref_slice %arg7[%dma_wait3A_186, %dma_wait3A_189, %dma_wait3A_190] : memref<4x64x129xf32, #tpu.memory_space<vmem>> -> memref<1x8x128xf32, #tpu.memory_space<vmem>>
    %dma_wait3A_192 = tpu.memref_squeeze %dma_wait3A_191 : memref<1x8x128xf32, #tpu.memory_space<vmem>> -> memref<8x128xf32, #tpu.memory_space<vmem>>
    %dma_wait3A_193 = arith.constant 0 : i32
    %dma_wait3A_194 = arith.constant 0 : i32
    %dma_wait3A_195 = tpu.memref_slice %arg4[%select_n3A, %dma_wait3A_187, %rem3A_102, %dma_wait3A_193, %dma_wait3A_194] : memref<200x8x32x8x128xf32, #tpu.memory_space<hbm>> -> memref<1x1x1x8x128xf32, #tpu.memory_space<hbm>>
    %dma_wait3A_196 = tpu.memref_squeeze %dma_wait3A_195 : memref<1x1x1x8x128xf32, #tpu.memory_space<hbm>> -> memref<8x128xf32, #tpu.memory_space<hbm>>
    %dma_wait3A_197 = tpu.memref_slice %arg9[%dma_wait3A_188] : memref<4x!tpu.dma_semaphore, #tpu.memory_space<semaphore_mem>> -> memref<1x!tpu.dma_semaphore, #tpu.memory_space<semaphore_mem>>
    %dma_wait3A_198 = tpu.memref_squeeze %dma_wait3A_197 : memref<1x!tpu.dma_semaphore, #tpu.memory_space<semaphore_mem>> -> memref<!tpu.dma_semaphore, #tpu.memory_space<semaphore_mem>>
    %dma_wait3A_199 = arith.constant 0 : i32
    %dma_wait3A_200 = arith.constant 0 : i32
    %dma_wait3A_201 = tpu.memref_slice %arg4[%select_n3A, %dma_wait3A_187, %rem3A_102, %dma_wait3A_199, %dma_wait3A_200] : memref<200x8x32x8x128xf32, #tpu.memory_space<hbm>> -> memref<1x1x1x8x128xf32, #tpu.memory_space<hbm>>
    %dma_wait3A_202 = tpu.memref_squeeze %dma_wait3A_201 : memref<1x1x1x8x128xf32, #tpu.memory_space<hbm>> -> memref<8x128xf32, #tpu.memory_space<hbm>>
    %dma_wait3A_203 = arith.constant 32 : i32
    %dma_wait3A_204 = arith.constant 0 : i32
    %dma_wait3A_205 = tpu.memref_slice %arg7[%dma_wait3A_186, %dma_wait3A_203, %dma_wait3A_204] : memref<4x64x129xf32, #tpu.memory_space<vmem>> -> memref<1x8x128xf32, #tpu.memory_space<vmem>>
    %dma_wait3A_206 = tpu.memref_squeeze %dma_wait3A_205 : memref<1x8x128xf32, #tpu.memory_space<vmem>> -> memref<8x128xf32, #tpu.memory_space<vmem>>
    tpu.wait_dma2 semaphore(%dma_wait3A_198 : memref<!tpu.dma_semaphore, #tpu.memory_space<semaphore_mem>>) src(%dma_wait3A_206 : memref<8x128xf32, #tpu.memory_space<vmem>>) dst(%dma_wait3A_202 : memref<8x128xf32, #tpu.memory_space<hbm>>)
    %dma_wait3A_207 = arith.constant 0 : i32
    %dma_wait3A_208 = arith.constant 5 : i32
    %dma_wait3A_209 = arith.constant 0 : i32
    %dma_wait3A_210 = arith.constant 40 : i32
    %dma_wait3A_211 = arith.constant 0 : i32
    %dma_wait3A_212 = tpu.memref_slice %arg7[%dma_wait3A_207, %dma_wait3A_210, %dma_wait3A_211] : memref<4x64x129xf32, #tpu.memory_space<vmem>> -> memref<1x8x128xf32, #tpu.memory_space<vmem>>
    %dma_wait3A_213 = tpu.memref_squeeze %dma_wait3A_212 : memref<1x8x128xf32, #tpu.memory_space<vmem>> -> memref<8x128xf32, #tpu.memory_space<vmem>>
    %dma_wait3A_214 = arith.constant 0 : i32
    %dma_wait3A_215 = arith.constant 0 : i32
    %dma_wait3A_216 = tpu.memref_slice %arg4[%select_n3A, %dma_wait3A_208, %rem3A_102, %dma_wait3A_214, %dma_wait3A_215] : memref<200x8x32x8x128xf32, #tpu.memory_space<hbm>> -> memref<1x1x1x8x128xf32, #tpu.memory_space<hbm>>
    %dma_wait3A_217 = tpu.memref_squeeze %dma_wait3A_216 : memref<1x1x1x8x128xf32, #tpu.memory_space<hbm>> -> memref<8x128xf32, #tpu.memory_space<hbm>>
    %dma_wait3A_218 = tpu.memref_slice %arg9[%dma_wait3A_209] : memref<4x!tpu.dma_semaphore, #tpu.memory_space<semaphore_mem>> -> memref<1x!tpu.dma_semaphore, #tpu.memory_space<semaphore_mem>>
    %dma_wait3A_219 = tpu.memref_squeeze %dma_wait3A_218 : memref<1x!tpu.dma_semaphore, #tpu.memory_space<semaphore_mem>> -> memref<!tpu.dma_semaphore, #tpu.memory_space<semaphore_mem>>
    %dma_wait3A_220 = arith.constant 0 : i32
    %dma_wait3A_221 = arith.constant 0 : i32
    %dma_wait3A_222 = tpu.memref_slice %arg4[%select_n3A, %dma_wait3A_208, %rem3A_102, %dma_wait3A_220, %dma_wait3A_221] : memref<200x8x32x8x128xf32, #tpu.memory_space<hbm>> -> memref<1x1x1x8x128xf32, #tpu.memory_space<hbm>>
    %dma_wait3A_223 = tpu.memref_squeeze %dma_wait3A_222 : memref<1x1x1x8x128xf32, #tpu.memory_space<hbm>> -> memref<8x128xf32, #tpu.memory_space<hbm>>
    %dma_wait3A_224 = arith.constant 40 : i32
    %dma_wait3A_225 = arith.constant 0 : i32
    %dma_wait3A_226 = tpu.memref_slice %arg7[%dma_wait3A_207, %dma_wait3A_224, %dma_wait3A_225] : memref<4x64x129xf32, #tpu.memory_space<vmem>> -> memref<1x8x128xf32, #tpu.memory_space<vmem>>
    %dma_wait3A_227 = tpu.memref_squeeze %dma_wait3A_226 : memref<1x8x128xf32, #tpu.memory_space<vmem>> -> memref<8x128xf32, #tpu.memory_space<vmem>>
    tpu.wait_dma2 semaphore(%dma_wait3A_219 : memref<!tpu.dma_semaphore, #tpu.memory_space<semaphore_mem>>) src(%dma_wait3A_227 : memref<8x128xf32, #tpu.memory_space<vmem>>) dst(%dma_wait3A_223 : memref<8x128xf32, #tpu.memory_space<hbm>>)
    %dma_wait3A_228 = arith.constant 0 : i32
    %dma_wait3A_229 = arith.constant 6 : i32
    %dma_wait3A_230 = arith.constant 0 : i32
    %dma_wait3A_231 = arith.constant 48 : i32
    %dma_wait3A_232 = arith.constant 0 : i32
    %dma_wait3A_233 = tpu.memref_slice %arg7[%dma_wait3A_228, %dma_wait3A_231, %dma_wait3A_232] : memref<4x64x129xf32, #tpu.memory_space<vmem>> -> memref<1x8x128xf32, #tpu.memory_space<vmem>>
    %dma_wait3A_234 = tpu.memref_squeeze %dma_wait3A_233 : memref<1x8x128xf32, #tpu.memory_space<vmem>> -> memref<8x128xf32, #tpu.memory_space<vmem>>
    %dma_wait3A_235 = arith.constant 0 : i32
    %dma_wait3A_236 = arith.constant 0 : i32
    %dma_wait3A_237 = tpu.memref_slice %arg4[%select_n3A, %dma_wait3A_229, %rem3A_102, %dma_wait3A_235, %dma_wait3A_236] : memref<200x8x32x8x128xf32, #tpu.memory_space<hbm>> -> memref<1x1x1x8x128xf32, #tpu.memory_space<hbm>>
    %dma_wait3A_238 = tpu.memref_squeeze %dma_wait3A_237 : memref<1x1x1x8x128xf32, #tpu.memory_space<hbm>> -> memref<8x128xf32, #tpu.memory_space<hbm>>
    %dma_wait3A_239 = tpu.memref_slice %arg9[%dma_wait3A_230] : memref<4x!tpu.dma_semaphore, #tpu.memory_space<semaphore_mem>> -> memref<1x!tpu.dma_semaphore, #tpu.memory_space<semaphore_mem>>
    %dma_wait3A_240 = tpu.memref_squeeze %dma_wait3A_239 : memref<1x!tpu.dma_semaphore, #tpu.memory_space<semaphore_mem>> -> memref<!tpu.dma_semaphore, #tpu.memory_space<semaphore_mem>>
    %dma_wait3A_241 = arith.constant 0 : i32
    %dma_wait3A_242 = arith.constant 0 : i32
    %dma_wait3A_243 = tpu.memref_slice %arg4[%select_n3A, %dma_wait3A_229, %rem3A_102, %dma_wait3A_241, %dma_wait3A_242] : memref<200x8x32x8x128xf32, #tpu.memory_space<hbm>> -> memref<1x1x1x8x128xf32, #tpu.memory_space<hbm>>
    %dma_wait3A_244 = tpu.memref_squeeze %dma_wait3A_243 : memref<1x1x1x8x128xf32, #tpu.memory_space<hbm>> -> memref<8x128xf32, #tpu.memory_space<hbm>>
    %dma_wait3A_245 = arith.constant 48 : i32
    %dma_wait3A_246 = arith.constant 0 : i32
    %dma_wait3A_247 = tpu.memref_slice %arg7[%dma_wait3A_228, %dma_wait3A_245, %dma_wait3A_246] : memref<4x64x129xf32, #tpu.memory_space<vmem>> -> memref<1x8x128xf32, #tpu.memory_space<vmem>>
    %dma_wait3A_248 = tpu.memref_squeeze %dma_wait3A_247 : memref<1x8x128xf32, #tpu.memory_space<vmem>> -> memref<8x128xf32, #tpu.memory_space<vmem>>
    tpu.wait_dma2 semaphore(%dma_wait3A_240 : memref<!tpu.dma_semaphore, #tpu.memory_space<semaphore_mem>>) src(%dma_wait3A_248 : memref<8x128xf32, #tpu.memory_space<vmem>>) dst(%dma_wait3A_244 : memref<8x128xf32, #tpu.memory_space<hbm>>)
    %dma_wait3A_249 = arith.constant 0 : i32
    %dma_wait3A_250 = arith.constant 7 : i32
    %dma_wait3A_251 = arith.constant 0 : i32
    %dma_wait3A_252 = arith.constant 56 : i32
    %dma_wait3A_253 = arith.constant 0 : i32
    %dma_wait3A_254 = tpu.memref_slice %arg7[%dma_wait3A_249, %dma_wait3A_252, %dma_wait3A_253] : memref<4x64x129xf32, #tpu.memory_space<vmem>> -> memref<1x8x128xf32, #tpu.memory_space<vmem>>
    %dma_wait3A_255 = tpu.memref_squeeze %dma_wait3A_254 : memref<1x8x128xf32, #tpu.memory_space<vmem>> -> memref<8x128xf32, #tpu.memory_space<vmem>>
    %dma_wait3A_256 = arith.constant 0 : i32
    %dma_wait3A_257 = arith.constant 0 : i32
    %dma_wait3A_258 = tpu.memref_slice %arg4[%select_n3A, %dma_wait3A_250, %rem3A_102, %dma_wait3A_256, %dma_wait3A_257] : memref<200x8x32x8x128xf32, #tpu.memory_space<hbm>> -> memref<1x1x1x8x128xf32, #tpu.memory_space<hbm>>
    %dma_wait3A_259 = tpu.memref_squeeze %dma_wait3A_258 : memref<1x1x1x8x128xf32, #tpu.memory_space<hbm>> -> memref<8x128xf32, #tpu.memory_space<hbm>>
    %dma_wait3A_260 = tpu.memref_slice %arg9[%dma_wait3A_251] : memref<4x!tpu.dma_semaphore, #tpu.memory_space<semaphore_mem>> -> memref<1x!tpu.dma_semaphore, #tpu.memory_space<semaphore_mem>>
    %dma_wait3A_261 = tpu.memref_squeeze %dma_wait3A_260 : memref<1x!tpu.dma_semaphore, #tpu.memory_space<semaphore_mem>> -> memref<!tpu.dma_semaphore, #tpu.memory_space<semaphore_mem>>
    %dma_wait3A_262 = arith.constant 0 : i32
    %dma_wait3A_263 = arith.constant 0 : i32
    %dma_wait3A_264 = tpu.memref_slice %arg4[%select_n3A, %dma_wait3A_250, %rem3A_102, %dma_wait3A_262, %dma_wait3A_263] : memref<200x8x32x8x128xf32, #tpu.memory_space<hbm>> -> memref<1x1x1x8x128xf32, #tpu.memory_space<hbm>>
    %dma_wait3A_265 = tpu.memref_squeeze %dma_wait3A_264 : memref<1x1x1x8x128xf32, #tpu.memory_space<hbm>> -> memref<8x128xf32, #tpu.memory_space<hbm>>
    %dma_wait3A_266 = arith.constant 56 : i32
    %dma_wait3A_267 = arith.constant 0 : i32
    %dma_wait3A_268 = tpu.memref_slice %arg7[%dma_wait3A_249, %dma_wait3A_266, %dma_wait3A_267] : memref<4x64x129xf32, #tpu.memory_space<vmem>> -> memref<1x8x128xf32, #tpu.memory_space<vmem>>
    %dma_wait3A_269 = tpu.memref_squeeze %dma_wait3A_268 : memref<1x8x128xf32, #tpu.memory_space<vmem>> -> memref<8x128xf32, #tpu.memory_space<vmem>>
    tpu.wait_dma2 semaphore(%dma_wait3A_261 : memref<!tpu.dma_semaphore, #tpu.memory_space<semaphore_mem>>) src(%dma_wait3A_269 : memref<8x128xf32, #tpu.memory_space<vmem>>) dst(%dma_wait3A_265 : memref<8x128xf32, #tpu.memory_space<hbm>>)
    %add3A_270 = arith.constant 197 : i32
    %add3A_271 = arith.addi %mul3A_2, %add3A_270 : i32
    %jit3A_272 = arith.constant 32 : i32
    %div3A_273 = arith.divsi %add3A_271, %jit3A_272 : i32
    %sign3A_274 = arith.constant 0 : i32
    %sign3A_275 = arith.cmpi sgt, %add3A_271, %sign3A_274 : i32
    %sign3A_276 = arith.extui %sign3A_275 : i1 to i32
    %sign3A_277 = arith.constant 0 : i32
    %sign3A_278 = arith.cmpi slt, %add3A_271, %sign3A_277 : i32
    %sign3A_279 = arith.extui %sign3A_278 : i1 to i32
    %sign3A_280 = arith.subi %sign3A_276, %sign3A_279 : i32
    %sign3A_281 = arith.constant 0 : i32
    %sign3A_282 = arith.cmpi sgt, %jit3A_272, %sign3A_281 : i32
    %sign3A_283 = arith.extui %sign3A_282 : i1 to i32
    %sign3A_284 = arith.constant 0 : i32
    %sign3A_285 = arith.cmpi slt, %jit3A_272, %sign3A_284 : i32
    %sign3A_286 = arith.extui %sign3A_285 : i1 to i32
    %sign3A_287 = arith.subi %sign3A_283, %sign3A_286 : i32
    %ne3A_288 = arith.cmpi ne, %sign3A_280, %sign3A_287 : i32
    %rem3A_289 = arith.remsi %add3A_271, %jit3A_272 : i32
    %ne3A_290 = arith.constant 0 : i32
    %ne3A_291 = arith.cmpi ne, %rem3A_289, %ne3A_290 : i32
    %and3A_292 = arith.andi %ne3A_288, %ne3A_291 : i1
    %sub3A_293 = arith.constant 1 : i32
    %sub3A_294 = arith.subi %div3A_273, %sub3A_293 : i32
    %select_n3A_295 = arith.select %and3A_292, %sub3A_294, %div3A_273 : i32
    %rem3A_296 = arith.constant 32 : i32
    %rem3A_297 = arith.remsi %add3A_271, %rem3A_296 : i32
    %dma_wait3A_298 = arith.constant 1 : i32
    %dma_wait3A_299 = arith.constant 0 : i32
    %dma_wait3A_300 = arith.constant 1 : i32
    %dma_wait3A_301 = arith.constant 0 : i32
    %dma_wait3A_302 = arith.constant 0 : i32
    %dma_wait3A_303 = tpu.memref_slice %arg7[%dma_wait3A_298, %dma_wait3A_301, %dma_wait3A_302] : memref<4x64x129xf32, #tpu.memory_space<vmem>> -> memref<1x8x128xf32, #tpu.memory_space<vmem>>
    %dma_wait3A_304 = tpu.memref_squeeze %dma_wait3A_303 : memref<1x8x128xf32, #tpu.memory_space<vmem>> -> memref<8x128xf32, #tpu.memory_space<vmem>>
    %dma_wait3A_305 = arith.constant 0 : i32
    %dma_wait3A_306 = arith.constant 0 : i32
    %dma_wait3A_307 = tpu.memref_slice %arg4[%select_n3A_295, %dma_wait3A_299, %rem3A_297, %dma_wait3A_305, %dma_wait3A_306] : memref<200x8x32x8x128xf32, #tpu.memory_space<hbm>> -> memref<1x1x1x8x128xf32, #tpu.memory_space<hbm>>
    %dma_wait3A_308 = tpu.memref_squeeze %dma_wait3A_307 : memref<1x1x1x8x128xf32, #tpu.memory_space<hbm>> -> memref<8x128xf32, #tpu.memory_space<hbm>>
    %dma_wait3A_309 = tpu.memref_slice %arg9[%dma_wait3A_300] : memref<4x!tpu.dma_semaphore, #tpu.memory_space<semaphore_mem>> -> memref<1x!tpu.dma_semaphore, #tpu.memory_space<semaphore_mem>>
    %dma_wait3A_310 = tpu.memref_squeeze %dma_wait3A_309 : memref<1x!tpu.dma_semaphore, #tpu.memory_space<semaphore_mem>> -> memref<!tpu.dma_semaphore, #tpu.memory_space<semaphore_mem>>
    %dma_wait3A_311 = arith.constant 0 : i32
    %dma_wait3A_312 = arith.constant 0 : i32
    %dma_wait3A_313 = tpu.memref_slice %arg4[%select_n3A_295, %dma_wait3A_299, %rem3A_297, %dma_wait3A_311, %dma_wait3A_312] : memref<200x8x32x8x128xf32, #tpu.memory_space<hbm>> -> memref<1x1x1x8x128xf32, #tpu.memory_space<hbm>>
    %dma_wait3A_314 = tpu.memref_squeeze %dma_wait3A_313 : memref<1x1x1x8x128xf32, #tpu.memory_space<hbm>> -> memref<8x128xf32, #tpu.memory_space<hbm>>
    %dma_wait3A_315 = arith.constant 0 : i32
    %dma_wait3A_316 = arith.constant 0 : i32
    %dma_wait3A_317 = tpu.memref_slice %arg7[%dma_wait3A_298, %dma_wait3A_315, %dma_wait3A_316] : memref<4x64x129xf32, #tpu.memory_space<vmem>> -> memref<1x8x128xf32, #tpu.memory_space<vmem>>
    %dma_wait3A_318 = tpu.memref_squeeze %dma_wait3A_317 : memref<1x8x128xf32, #tpu.memory_space<vmem>> -> memref<8x128xf32, #tpu.memory_space<vmem>>
    tpu.wait_dma2 semaphore(%dma_wait3A_310 : memref<!tpu.dma_semaphore, #tpu.memory_space<semaphore_mem>>) src(%dma_wait3A_318 : memref<8x128xf32, #tpu.memory_space<vmem>>) dst(%dma_wait3A_314 : memref<8x128xf32, #tpu.memory_space<hbm>>)
    %dma_wait3A_319 = arith.constant 1 : i32
    %dma_wait3A_320 = arith.constant 1 : i32
    %dma_wait3A_321 = arith.constant 1 : i32
    %dma_wait3A_322 = arith.constant 8 : i32
    %dma_wait3A_323 = arith.constant 0 : i32
    %dma_wait3A_324 = tpu.memref_slice %arg7[%dma_wait3A_319, %dma_wait3A_322, %dma_wait3A_323] : memref<4x64x129xf32, #tpu.memory_space<vmem>> -> memref<1x8x128xf32, #tpu.memory_space<vmem>>
    %dma_wait3A_325 = tpu.memref_squeeze %dma_wait3A_324 : memref<1x8x128xf32, #tpu.memory_space<vmem>> -> memref<8x128xf32, #tpu.memory_space<vmem>>
    %dma_wait3A_326 = arith.constant 0 : i32
    %dma_wait3A_327 = arith.constant 0 : i32
    %dma_wait3A_328 = tpu.memref_slice %arg4[%select_n3A_295, %dma_wait3A_320, %rem3A_297, %dma_wait3A_326, %dma_wait3A_327] : memref<200x8x32x8x128xf32, #tpu.memory_space<hbm>> -> memref<1x1x1x8x128xf32, #tpu.memory_space<hbm>>
    %dma_wait3A_329 = tpu.memref_squeeze %dma_wait3A_328 : memref<1x1x1x8x128xf32, #tpu.memory_space<hbm>> -> memref<8x128xf32, #tpu.memory_space<hbm>>
    %dma_wait3A_330 = tpu.memref_slice %arg9[%dma_wait3A_321] : memref<4x!tpu.dma_semaphore, #tpu.memory_space<semaphore_mem>> -> memref<1x!tpu.dma_semaphore, #tpu.memory_space<semaphore_mem>>
    %dma_wait3A_331 = tpu.memref_squeeze %dma_wait3A_330 : memref<1x!tpu.dma_semaphore, #tpu.memory_space<semaphore_mem>> -> memref<!tpu.dma_semaphore, #tpu.memory_space<semaphore_mem>>
    %dma_wait3A_332 = arith.constant 0 : i32
    %dma_wait3A_333 = arith.constant 0 : i32
    %dma_wait3A_334 = tpu.memref_slice %arg4[%select_n3A_295, %dma_wait3A_320, %rem3A_297, %dma_wait3A_332, %dma_wait3A_333] : memref<200x8x32x8x128xf32, #tpu.memory_space<hbm>> -> memref<1x1x1x8x128xf32, #tpu.memory_space<hbm>>
    %dma_wait3A_335 = tpu.memref_squeeze %dma_wait3A_334 : memref<1x1x1x8x128xf32, #tpu.memory_space<hbm>> -> memref<8x128xf32, #tpu.memory_space<hbm>>
    %dma_wait3A_336 = arith.constant 8 : i32
    %dma_wait3A_337 = arith.constant 0 : i32
    %dma_wait3A_338 = tpu.memref_slice %arg7[%dma_wait3A_319, %dma_wait3A_336, %dma_wait3A_337] : memref<4x64x129xf32, #tpu.memory_space<vmem>> -> memref<1x8x128xf32, #tpu.memory_space<vmem>>
    %dma_wait3A_339 = tpu.memref_squeeze %dma_wait3A_338 : memref<1x8x128xf32, #tpu.memory_space<vmem>> -> memref<8x128xf32, #tpu.memory_space<vmem>>
    tpu.wait_dma2 semaphore(%dma_wait3A_331 : memref<!tpu.dma_semaphore, #tpu.memory_space<semaphore_mem>>) src(%dma_wait3A_339 : memref<8x128xf32, #tpu.memory_space<vmem>>) dst(%dma_wait3A_335 : memref<8x128xf32, #tpu.memory_space<hbm>>)
    %dma_wait3A_340 = arith.constant 1 : i32
    %dma_wait3A_341 = arith.constant 2 : i32
    %dma_wait3A_342 = arith.constant 1 : i32
    %dma_wait3A_343 = arith.constant 16 : i32
    %dma_wait3A_344 = arith.constant 0 : i32
    %dma_wait3A_345 = tpu.memref_slice %arg7[%dma_wait3A_340, %dma_wait3A_343, %dma_wait3A_344] : memref<4x64x129xf32, #tpu.memory_space<vmem>> -> memref<1x8x128xf32, #tpu.memory_space<vmem>>
    %dma_wait3A_346 = tpu.memref_squeeze %dma_wait3A_345 : memref<1x8x128xf32, #tpu.memory_space<vmem>> -> memref<8x128xf32, #tpu.memory_space<vmem>>
    %dma_wait3A_347 = arith.constant 0 : i32
    %dma_wait3A_348 = arith.constant 0 : i32
    %dma_wait3A_349 = tpu.memref_slice %arg4[%select_n3A_295, %dma_wait3A_341, %rem3A_297, %dma_wait3A_347, %dma_wait3A_348] : memref<200x8x32x8x128xf32, #tpu.memory_space<hbm>> -> memref<1x1x1x8x128xf32, #tpu.memory_space<hbm>>
    %dma_wait3A_350 = tpu.memref_squeeze %dma_wait3A_349 : memref<1x1x1x8x128xf32, #tpu.memory_space<hbm>> -> memref<8x128xf32, #tpu.memory_space<hbm>>
    %dma_wait3A_351 = tpu.memref_slice %arg9[%dma_wait3A_342] : memref<4x!tpu.dma_semaphore, #tpu.memory_space<semaphore_mem>> -> memref<1x!tpu.dma_semaphore, #tpu.memory_space<semaphore_mem>>
    %dma_wait3A_352 = tpu.memref_squeeze %dma_wait3A_351 : memref<1x!tpu.dma_semaphore, #tpu.memory_space<semaphore_mem>> -> memref<!tpu.dma_semaphore, #tpu.memory_space<semaphore_mem>>
    %dma_wait3A_353 = arith.constant 0 : i32
    %dma_wait3A_354 = arith.constant 0 : i32
    %dma_wait3A_355 = tpu.memref_slice %arg4[%select_n3A_295, %dma_wait3A_341, %rem3A_297, %dma_wait3A_353, %dma_wait3A_354] : memref<200x8x32x8x128xf32, #tpu.memory_space<hbm>> -> memref<1x1x1x8x128xf32, #tpu.memory_space<hbm>>
    %dma_wait3A_356 = tpu.memref_squeeze %dma_wait3A_355 : memref<1x1x1x8x128xf32, #tpu.memory_space<hbm>> -> memref<8x128xf32, #tpu.memory_space<hbm>>
    %dma_wait3A_357 = arith.constant 16 : i32
    %dma_wait3A_358 = arith.constant 0 : i32
    %dma_wait3A_359 = tpu.memref_slice %arg7[%dma_wait3A_340, %dma_wait3A_357, %dma_wait3A_358] : memref<4x64x129xf32, #tpu.memory_space<vmem>> -> memref<1x8x128xf32, #tpu.memory_space<vmem>>
    %dma_wait3A_360 = tpu.memref_squeeze %dma_wait3A_359 : memref<1x8x128xf32, #tpu.memory_space<vmem>> -> memref<8x128xf32, #tpu.memory_space<vmem>>
    tpu.wait_dma2 semaphore(%dma_wait3A_352 : memref<!tpu.dma_semaphore, #tpu.memory_space<semaphore_mem>>) src(%dma_wait3A_360 : memref<8x128xf32, #tpu.memory_space<vmem>>) dst(%dma_wait3A_356 : memref<8x128xf32, #tpu.memory_space<hbm>>)
    %dma_wait3A_361 = arith.constant 1 : i32
    %dma_wait3A_362 = arith.constant 3 : i32
    %dma_wait3A_363 = arith.constant 1 : i32
    %dma_wait3A_364 = arith.constant 24 : i32
    %dma_wait3A_365 = arith.constant 0 : i32
    %dma_wait3A_366 = tpu.memref_slice %arg7[%dma_wait3A_361, %dma_wait3A_364, %dma_wait3A_365] : memref<4x64x129xf32, #tpu.memory_space<vmem>> -> memref<1x8x128xf32, #tpu.memory_space<vmem>>
    %dma_wait3A_367 = tpu.memref_squeeze %dma_wait3A_366 : memref<1x8x128xf32, #tpu.memory_space<vmem>> -> memref<8x128xf32, #tpu.memory_space<vmem>>
    %dma_wait3A_368 = arith.constant 0 : i32
    %dma_wait3A_369 = arith.constant 0 : i32
    %dma_wait3A_370 = tpu.memref_slice %arg4[%select_n3A_295, %dma_wait3A_362, %rem3A_297, %dma_wait3A_368, %dma_wait3A_369] : memref<200x8x32x8x128xf32, #tpu.memory_space<hbm>> -> memref<1x1x1x8x128xf32, #tpu.memory_space<hbm>>
    %dma_wait3A_371 = tpu.memref_squeeze %dma_wait3A_370 : memref<1x1x1x8x128xf32, #tpu.memory_space<hbm>> -> memref<8x128xf32, #tpu.memory_space<hbm>>
    %dma_wait3A_372 = tpu.memref_slice %arg9[%dma_wait3A_363] : memref<4x!tpu.dma_semaphore, #tpu.memory_space<semaphore_mem>> -> memref<1x!tpu.dma_semaphore, #tpu.memory_space<semaphore_mem>>
    %dma_wait3A_373 = tpu.memref_squeeze %dma_wait3A_372 : memref<1x!tpu.dma_semaphore, #tpu.memory_space<semaphore_mem>> -> memref<!tpu.dma_semaphore, #tpu.memory_space<semaphore_mem>>
    %dma_wait3A_374 = arith.constant 0 : i32
    %dma_wait3A_375 = arith.constant 0 : i32
    %dma_wait3A_376 = tpu.memref_slice %arg4[%select_n3A_295, %dma_wait3A_362, %rem3A_297, %dma_wait3A_374, %dma_wait3A_375] : memref<200x8x32x8x128xf32, #tpu.memory_space<hbm>> -> memref<1x1x1x8x128xf32, #tpu.memory_space<hbm>>
    %dma_wait3A_377 = tpu.memref_squeeze %dma_wait3A_376 : memref<1x1x1x8x128xf32, #tpu.memory_space<hbm>> -> memref<8x128xf32, #tpu.memory_space<hbm>>
    %dma_wait3A_378 = arith.constant 24 : i32
    %dma_wait3A_379 = arith.constant 0 : i32
    %dma_wait3A_380 = tpu.memref_slice %arg7[%dma_wait3A_361, %dma_wait3A_378, %dma_wait3A_379] : memref<4x64x129xf32, #tpu.memory_space<vmem>> -> memref<1x8x128xf32, #tpu.memory_space<vmem>>
    %dma_wait3A_381 = tpu.memref_squeeze %dma_wait3A_380 : memref<1x8x128xf32, #tpu.memory_space<vmem>> -> memref<8x128xf32, #tpu.memory_space<vmem>>
    tpu.wait_dma2 semaphore(%dma_wait3A_373 : memref<!tpu.dma_semaphore, #tpu.memory_space<semaphore_mem>>) src(%dma_wait3A_381 : memref<8x128xf32, #tpu.memory_space<vmem>>) dst(%dma_wait3A_377 : memref<8x128xf32, #tpu.memory_space<hbm>>)
    %dma_wait3A_382 = arith.constant 1 : i32
    %dma_wait3A_383 = arith.constant 4 : i32
    %dma_wait3A_384 = arith.constant 1 : i32
    %dma_wait3A_385 = arith.constant 32 : i32
    %dma_wait3A_386 = arith.constant 0 : i32
    %dma_wait3A_387 = tpu.memref_slice %arg7[%dma_wait3A_382, %dma_wait3A_385, %dma_wait3A_386] : memref<4x64x129xf32, #tpu.memory_space<vmem>> -> memref<1x8x128xf32, #tpu.memory_space<vmem>>
    %dma_wait3A_388 = tpu.memref_squeeze %dma_wait3A_387 : memref<1x8x128xf32, #tpu.memory_space<vmem>> -> memref<8x128xf32, #tpu.memory_space<vmem>>
    %dma_wait3A_389 = arith.constant 0 : i32
    %dma_wait3A_390 = arith.constant 0 : i32
    %dma_wait3A_391 = tpu.memref_slice %arg4[%select_n3A_295, %dma_wait3A_383, %rem3A_297, %dma_wait3A_389, %dma_wait3A_390] : memref<200x8x32x8x128xf32, #tpu.memory_space<hbm>> -> memref<1x1x1x8x128xf32, #tpu.memory_space<hbm>>
    %dma_wait3A_392 = tpu.memref_squeeze %dma_wait3A_391 : memref<1x1x1x8x128xf32, #tpu.memory_space<hbm>> -> memref<8x128xf32, #tpu.memory_space<hbm>>
    %dma_wait3A_393 = tpu.memref_slice %arg9[%dma_wait3A_384] : memref<4x!tpu.dma_semaphore, #tpu.memory_space<semaphore_mem>> -> memref<1x!tpu.dma_semaphore, #tpu.memory_space<semaphore_mem>>
    %dma_wait3A_394 = tpu.memref_squeeze %dma_wait3A_393 : memref<1x!tpu.dma_semaphore, #tpu.memory_space<semaphore_mem>> -> memref<!tpu.dma_semaphore, #tpu.memory_space<semaphore_mem>>
    %dma_wait3A_395 = arith.constant 0 : i32
    %dma_wait3A_396 = arith.constant 0 : i32
    %dma_wait3A_397 = tpu.memref_slice %arg4[%select_n3A_295, %dma_wait3A_383, %rem3A_297, %dma_wait3A_395, %dma_wait3A_396] : memref<200x8x32x8x128xf32, #tpu.memory_space<hbm>> -> memref<1x1x1x8x128xf32, #tpu.memory_space<hbm>>
    %dma_wait3A_398 = tpu.memref_squeeze %dma_wait3A_397 : memref<1x1x1x8x128xf32, #tpu.memory_space<hbm>> -> memref<8x128xf32, #tpu.memory_space<hbm>>
    %dma_wait3A_399 = arith.constant 32 : i32
    %dma_wait3A_400 = arith.constant 0 : i32
    %dma_wait3A_401 = tpu.memref_slice %arg7[%dma_wait3A_382, %dma_wait3A_399, %dma_wait3A_400] : memref<4x64x129xf32, #tpu.memory_space<vmem>> -> memref<1x8x128xf32, #tpu.memory_space<vmem>>
    %dma_wait3A_402 = tpu.memref_squeeze %dma_wait3A_401 : memref<1x8x128xf32, #tpu.memory_space<vmem>> -> memref<8x128xf32, #tpu.memory_space<vmem>>
    tpu.wait_dma2 semaphore(%dma_wait3A_394 : memref<!tpu.dma_semaphore, #tpu.memory_space<semaphore_mem>>) src(%dma_wait3A_402 : memref<8x128xf32, #tpu.memory_space<vmem>>) dst(%dma_wait3A_398 : memref<8x128xf32, #tpu.memory_space<hbm>>)
    %dma_wait3A_403 = arith.constant 1 : i32
    %dma_wait3A_404 = arith.constant 5 : i32
    %dma_wait3A_405 = arith.constant 1 : i32
    %dma_wait3A_406 = arith.constant 40 : i32
    %dma_wait3A_407 = arith.constant 0 : i32
    %dma_wait3A_408 = tpu.memref_slice %arg7[%dma_wait3A_403, %dma_wait3A_406, %dma_wait3A_407] : memref<4x64x129xf32, #tpu.memory_space<vmem>> -> memref<1x8x128xf32, #tpu.memory_space<vmem>>
    %dma_wait3A_409 = tpu.memref_squeeze %dma_wait3A_408 : memref<1x8x128xf32, #tpu.memory_space<vmem>> -> memref<8x128xf32, #tpu.memory_space<vmem>>
    %dma_wait3A_410 = arith.constant 0 : i32
    %dma_wait3A_411 = arith.constant 0 : i32
    %dma_wait3A_412 = tpu.memref_slice %arg4[%select_n3A_295, %dma_wait3A_404, %rem3A_297, %dma_wait3A_410, %dma_wait3A_411] : memref<200x8x32x8x128xf32, #tpu.memory_space<hbm>> -> memref<1x1x1x8x128xf32, #tpu.memory_space<hbm>>
    %dma_wait3A_413 = tpu.memref_squeeze %dma_wait3A_412 : memref<1x1x1x8x128xf32, #tpu.memory_space<hbm>> -> memref<8x128xf32, #tpu.memory_space<hbm>>
    %dma_wait3A_414 = tpu.memref_slice %arg9[%dma_wait3A_405] : memref<4x!tpu.dma_semaphore, #tpu.memory_space<semaphore_mem>> -> memref<1x!tpu.dma_semaphore, #tpu.memory_space<semaphore_mem>>
    %dma_wait3A_415 = tpu.memref_squeeze %dma_wait3A_414 : memref<1x!tpu.dma_semaphore, #tpu.memory_space<semaphore_mem>> -> memref<!tpu.dma_semaphore, #tpu.memory_space<semaphore_mem>>
    %dma_wait3A_416 = arith.constant 0 : i32
    %dma_wait3A_417 = arith.constant 0 : i32
    %dma_wait3A_418 = tpu.memref_slice %arg4[%select_n3A_295, %dma_wait3A_404, %rem3A_297, %dma_wait3A_416, %dma_wait3A_417] : memref<200x8x32x8x128xf32, #tpu.memory_space<hbm>> -> memref<1x1x1x8x128xf32, #tpu.memory_space<hbm>>
    %dma_wait3A_419 = tpu.memref_squeeze %dma_wait3A_418 : memref<1x1x1x8x128xf32, #tpu.memory_space<hbm>> -> memref<8x128xf32, #tpu.memory_space<hbm>>
    %dma_wait3A_420 = arith.constant 40 : i32
    %dma_wait3A_421 = arith.constant 0 : i32
    %dma_wait3A_422 = tpu.memref_slice %arg7[%dma_wait3A_403, %dma_wait3A_420, %dma_wait3A_421] : memref<4x64x129xf32, #tpu.memory_space<vmem>> -> memref<1x8x128xf32, #tpu.memory_space<vmem>>
    %dma_wait3A_423 = tpu.memref_squeeze %dma_wait3A_422 : memref<1x8x128xf32, #tpu.memory_space<vmem>> -> memref<8x128xf32, #tpu.memory_space<vmem>>
    tpu.wait_dma2 semaphore(%dma_wait3A_415 : memref<!tpu.dma_semaphore, #tpu.memory_space<semaphore_mem>>) src(%dma_wait3A_423 : memref<8x128xf32, #tpu.memory_space<vmem>>) dst(%dma_wait3A_419 : memref<8x128xf32, #tpu.memory_space<hbm>>)
    %dma_wait3A_424 = arith.constant 1 : i32
    %dma_wait3A_425 = arith.constant 6 : i32
    %dma_wait3A_426 = arith.constant 1 : i32
    %dma_wait3A_427 = arith.constant 48 : i32
    %dma_wait3A_428 = arith.constant 0 : i32
    %dma_wait3A_429 = tpu.memref_slice %arg7[%dma_wait3A_424, %dma_wait3A_427, %dma_wait3A_428] : memref<4x64x129xf32, #tpu.memory_space<vmem>> -> memref<1x8x128xf32, #tpu.memory_space<vmem>>
    %dma_wait3A_430 = tpu.memref_squeeze %dma_wait3A_429 : memref<1x8x128xf32, #tpu.memory_space<vmem>> -> memref<8x128xf32, #tpu.memory_space<vmem>>
    %dma_wait3A_431 = arith.constant 0 : i32
    %dma_wait3A_432 = arith.constant 0 : i32
    %dma_wait3A_433 = tpu.memref_slice %arg4[%select_n3A_295, %dma_wait3A_425, %rem3A_297, %dma_wait3A_431, %dma_wait3A_432] : memref<200x8x32x8x128xf32, #tpu.memory_space<hbm>> -> memref<1x1x1x8x128xf32, #tpu.memory_space<hbm>>
    %dma_wait3A_434 = tpu.memref_squeeze %dma_wait3A_433 : memref<1x1x1x8x128xf32, #tpu.memory_space<hbm>> -> memref<8x128xf32, #tpu.memory_space<hbm>>
    %dma_wait3A_435 = tpu.memref_slice %arg9[%dma_wait3A_426] : memref<4x!tpu.dma_semaphore, #tpu.memory_space<semaphore_mem>> -> memref<1x!tpu.dma_semaphore, #tpu.memory_space<semaphore_mem>>
    %dma_wait3A_436 = tpu.memref_squeeze %dma_wait3A_435 : memref<1x!tpu.dma_semaphore, #tpu.memory_space<semaphore_mem>> -> memref<!tpu.dma_semaphore, #tpu.memory_space<semaphore_mem>>
    %dma_wait3A_437 = arith.constant 0 : i32
    %dma_wait3A_438 = arith.constant 0 : i32
    %dma_wait3A_439 = tpu.memref_slice %arg4[%select_n3A_295, %dma_wait3A_425, %rem3A_297, %dma_wait3A_437, %dma_wait3A_438] : memref<200x8x32x8x128xf32, #tpu.memory_space<hbm>> -> memref<1x1x1x8x128xf32, #tpu.memory_space<hbm>>
    %dma_wait3A_440 = tpu.memref_squeeze %dma_wait3A_439 : memref<1x1x1x8x128xf32, #tpu.memory_space<hbm>> -> memref<8x128xf32, #tpu.memory_space<hbm>>
    %dma_wait3A_441 = arith.constant 48 : i32
    %dma_wait3A_442 = arith.constant 0 : i32
    %dma_wait3A_443 = tpu.memref_slice %arg7[%dma_wait3A_424, %dma_wait3A_441, %dma_wait3A_442] : memref<4x64x129xf32, #tpu.memory_space<vmem>> -> memref<1x8x128xf32, #tpu.memory_space<vmem>>
    %dma_wait3A_444 = tpu.memref_squeeze %dma_wait3A_443 : memref<1x8x128xf32, #tpu.memory_space<vmem>> -> memref<8x128xf32, #tpu.memory_space<vmem>>
    tpu.wait_dma2 semaphore(%dma_wait3A_436 : memref<!tpu.dma_semaphore, #tpu.memory_space<semaphore_mem>>) src(%dma_wait3A_444 : memref<8x128xf32, #tpu.memory_space<vmem>>) dst(%dma_wait3A_440 : memref<8x128xf32, #tpu.memory_space<hbm>>)
    %dma_wait3A_445 = arith.constant 1 : i32
    %dma_wait3A_446 = arith.constant 7 : i32
    %dma_wait3A_447 = arith.constant 1 : i32
    %dma_wait3A_448 = arith.constant 56 : i32
    %dma_wait3A_449 = arith.constant 0 : i32
    %dma_wait3A_450 = tpu.memref_slice %arg7[%dma_wait3A_445, %dma_wait3A_448, %dma_wait3A_449] : memref<4x64x129xf32, #tpu.memory_space<vmem>> -> memref<1x8x128xf32, #tpu.memory_space<vmem>>
    %dma_wait3A_451 = tpu.memref_squeeze %dma_wait3A_450 : memref<1x8x128xf32, #tpu.memory_space<vmem>> -> memref<8x128xf32, #tpu.memory_space<vmem>>
    %dma_wait3A_452 = arith.constant 0 : i32
    %dma_wait3A_453 = arith.constant 0 : i32
    %dma_wait3A_454 = tpu.memref_slice %arg4[%select_n3A_295, %dma_wait3A_446, %rem3A_297, %dma_wait3A_452, %dma_wait3A_453] : memref<200x8x32x8x128xf32, #tpu.memory_space<hbm>> -> memref<1x1x1x8x128xf32, #tpu.memory_space<hbm>>
    %dma_wait3A_455 = tpu.memref_squeeze %dma_wait3A_454 : memref<1x1x1x8x128xf32, #tpu.memory_space<hbm>> -> memref<8x128xf32, #tpu.memory_space<hbm>>
    %dma_wait3A_456 = tpu.memref_slice %arg9[%dma_wait3A_447] : memref<4x!tpu.dma_semaphore, #tpu.memory_space<semaphore_mem>> -> memref<1x!tpu.dma_semaphore, #tpu.memory_space<semaphore_mem>>
    %dma_wait3A_457 = tpu.memref_squeeze %dma_wait3A_456 : memref<1x!tpu.dma_semaphore, #tpu.memory_space<semaphore_mem>> -> memref<!tpu.dma_semaphore, #tpu.memory_space<semaphore_mem>>
    %dma_wait3A_458 = arith.constant 0 : i32
    %dma_wait3A_459 = arith.constant 0 : i32
    %dma_wait3A_460 = tpu.memref_slice %arg4[%select_n3A_295, %dma_wait3A_446, %rem3A_297, %dma_wait3A_458, %dma_wait3A_459] : memref<200x8x32x8x128xf32, #tpu.memory_space<hbm>> -> memref<1x1x1x8x128xf32, #tpu.memory_space<hbm>>
    %dma_wait3A_461 = tpu.memref_squeeze %dma_wait3A_460 : memref<1x1x1x8x128xf32, #tpu.memory_space<hbm>> -> memref<8x128xf32, #tpu.memory_space<hbm>>
    %dma_wait3A_462 = arith.constant 56 : i32
    %dma_wait3A_463 = arith.constant 0 : i32
    %dma_wait3A_464 = tpu.memref_slice %arg7[%dma_wait3A_445, %dma_wait3A_462, %dma_wait3A_463] : memref<4x64x129xf32, #tpu.memory_space<vmem>> -> memref<1x8x128xf32, #tpu.memory_space<vmem>>
    %dma_wait3A_465 = tpu.memref_squeeze %dma_wait3A_464 : memref<1x8x128xf32, #tpu.memory_space<vmem>> -> memref<8x128xf32, #tpu.memory_space<vmem>>
    tpu.wait_dma2 semaphore(%dma_wait3A_457 : memref<!tpu.dma_semaphore, #tpu.memory_space<semaphore_mem>>) src(%dma_wait3A_465 : memref<8x128xf32, #tpu.memory_space<vmem>>) dst(%dma_wait3A_461 : memref<8x128xf32, #tpu.memory_space<hbm>>)
    %add3A_466 = arith.constant 198 : i32
    %add3A_467 = arith.addi %mul3A_2, %add3A_466 : i32
    %jit3A_468 = arith.constant 32 : i32
    %div3A_469 = arith.divsi %add3A_467, %jit3A_468 : i32
    %sign3A_470 = arith.constant 0 : i32
    %sign3A_471 = arith.cmpi sgt, %add3A_467, %sign3A_470 : i32
    %sign3A_472 = arith.extui %sign3A_471 : i1 to i32
    %sign3A_473 = arith.constant 0 : i32
    %sign3A_474 = arith.cmpi slt, %add3A_467, %sign3A_473 : i32
    %sign3A_475 = arith.extui %sign3A_474 : i1 to i32
    %sign3A_476 = arith.subi %sign3A_472, %sign3A_475 : i32
    %sign3A_477 = arith.constant 0 : i32
    %sign3A_478 = arith.cmpi sgt, %jit3A_468, %sign3A_477 : i32
    %sign3A_479 = arith.extui %sign3A_478 : i1 to i32
    %sign3A_480 = arith.constant 0 : i32
    %sign3A_481 = arith.cmpi slt, %jit3A_468, %sign3A_480 : i32
    %sign3A_482 = arith.extui %sign3A_481 : i1 to i32
    %sign3A_483 = arith.subi %sign3A_479, %sign3A_482 : i32
    %ne3A_484 = arith.cmpi ne, %sign3A_476, %sign3A_483 : i32
    %rem3A_485 = arith.remsi %add3A_467, %jit3A_468 : i32
    %ne3A_486 = arith.constant 0 : i32
    %ne3A_487 = arith.cmpi ne, %rem3A_485, %ne3A_486 : i32
    %and3A_488 = arith.andi %ne3A_484, %ne3A_487 : i1
    %sub3A_489 = arith.constant 1 : i32
    %sub3A_490 = arith.subi %div3A_469, %sub3A_489 : i32
    %select_n3A_491 = arith.select %and3A_488, %sub3A_490, %div3A_469 : i32
    %rem3A_492 = arith.constant 32 : i32
    %rem3A_493 = arith.remsi %add3A_467, %rem3A_492 : i32
    %dma_wait3A_494 = arith.constant 2 : i32
    %dma_wait3A_495 = arith.constant 0 : i32
    %dma_wait3A_496 = arith.constant 2 : i32
    %dma_wait3A_497 = arith.constant 0 : i32
    %dma_wait3A_498 = arith.constant 0 : i32
    %dma_wait3A_499 = tpu.memref_slice %arg7[%dma_wait3A_494, %dma_wait3A_497, %dma_wait3A_498] : memref<4x64x129xf32, #tpu.memory_space<vmem>> -> memref<1x8x128xf32, #tpu.memory_space<vmem>>
    %dma_wait3A_500 = tpu.memref_squeeze %dma_wait3A_499 : memref<1x8x128xf32, #tpu.memory_space<vmem>> -> memref<8x128xf32, #tpu.memory_space<vmem>>
    %dma_wait3A_501 = arith.constant 0 : i32
    %dma_wait3A_502 = arith.constant 0 : i32
    %dma_wait3A_503 = tpu.memref_slice %arg4[%select_n3A_491, %dma_wait3A_495, %rem3A_493, %dma_wait3A_501, %dma_wait3A_502] : memref<200x8x32x8x128xf32, #tpu.memory_space<hbm>> -> memref<1x1x1x8x128xf32, #tpu.memory_space<hbm>>
    %dma_wait3A_504 = tpu.memref_squeeze %dma_wait3A_503 : memref<1x1x1x8x128xf32, #tpu.memory_space<hbm>> -> memref<8x128xf32, #tpu.memory_space<hbm>>
    %dma_wait3A_505 = tpu.memref_slice %arg9[%dma_wait3A_496] : memref<4x!tpu.dma_semaphore, #tpu.memory_space<semaphore_mem>> -> memref<1x!tpu.dma_semaphore, #tpu.memory_space<semaphore_mem>>
    %dma_wait3A_506 = tpu.memref_squeeze %dma_wait3A_505 : memref<1x!tpu.dma_semaphore, #tpu.memory_space<semaphore_mem>> -> memref<!tpu.dma_semaphore, #tpu.memory_space<semaphore_mem>>
    %dma_wait3A_507 = arith.constant 0 : i32
    %dma_wait3A_508 = arith.constant 0 : i32
    %dma_wait3A_509 = tpu.memref_slice %arg4[%select_n3A_491, %dma_wait3A_495, %rem3A_493, %dma_wait3A_507, %dma_wait3A_508] : memref<200x8x32x8x128xf32, #tpu.memory_space<hbm>> -> memref<1x1x1x8x128xf32, #tpu.memory_space<hbm>>
    %dma_wait3A_510 = tpu.memref_squeeze %dma_wait3A_509 : memref<1x1x1x8x128xf32, #tpu.memory_space<hbm>> -> memref<8x128xf32, #tpu.memory_space<hbm>>
    %dma_wait3A_511 = arith.constant 0 : i32
    %dma_wait3A_512 = arith.constant 0 : i32
    %dma_wait3A_513 = tpu.memref_slice %arg7[%dma_wait3A_494, %dma_wait3A_511, %dma_wait3A_512] : memref<4x64x129xf32, #tpu.memory_space<vmem>> -> memref<1x8x128xf32, #tpu.memory_space<vmem>>
    %dma_wait3A_514 = tpu.memref_squeeze %dma_wait3A_513 : memref<1x8x128xf32, #tpu.memory_space<vmem>> -> memref<8x128xf32, #tpu.memory_space<vmem>>
    tpu.wait_dma2 semaphore(%dma_wait3A_506 : memref<!tpu.dma_semaphore, #tpu.memory_space<semaphore_mem>>) src(%dma_wait3A_514 : memref<8x128xf32, #tpu.memory_space<vmem>>) dst(%dma_wait3A_510 : memref<8x128xf32, #tpu.memory_space<hbm>>)
    %dma_wait3A_515 = arith.constant 2 : i32
    %dma_wait3A_516 = arith.constant 1 : i32
    %dma_wait3A_517 = arith.constant 2 : i32
    %dma_wait3A_518 = arith.constant 8 : i32
    %dma_wait3A_519 = arith.constant 0 : i32
    %dma_wait3A_520 = tpu.memref_slice %arg7[%dma_wait3A_515, %dma_wait3A_518, %dma_wait3A_519] : memref<4x64x129xf32, #tpu.memory_space<vmem>> -> memref<1x8x128xf32, #tpu.memory_space<vmem>>
    %dma_wait3A_521 = tpu.memref_squeeze %dma_wait3A_520 : memref<1x8x128xf32, #tpu.memory_space<vmem>> -> memref<8x128xf32, #tpu.memory_space<vmem>>
    %dma_wait3A_522 = arith.constant 0 : i32
    %dma_wait3A_523 = arith.constant 0 : i32
    %dma_wait3A_524 = tpu.memref_slice %arg4[%select_n3A_491, %dma_wait3A_516, %rem3A_493, %dma_wait3A_522, %dma_wait3A_523] : memref<200x8x32x8x128xf32, #tpu.memory_space<hbm>> -> memref<1x1x1x8x128xf32, #tpu.memory_space<hbm>>
    %dma_wait3A_525 = tpu.memref_squeeze %dma_wait3A_524 : memref<1x1x1x8x128xf32, #tpu.memory_space<hbm>> -> memref<8x128xf32, #tpu.memory_space<hbm>>
    %dma_wait3A_526 = tpu.memref_slice %arg9[%dma_wait3A_517] : memref<4x!tpu.dma_semaphore, #tpu.memory_space<semaphore_mem>> -> memref<1x!tpu.dma_semaphore, #tpu.memory_space<semaphore_mem>>
    %dma_wait3A_527 = tpu.memref_squeeze %dma_wait3A_526 : memref<1x!tpu.dma_semaphore, #tpu.memory_space<semaphore_mem>> -> memref<!tpu.dma_semaphore, #tpu.memory_space<semaphore_mem>>
    %dma_wait3A_528 = arith.constant 0 : i32
    %dma_wait3A_529 = arith.constant 0 : i32
    %dma_wait3A_530 = tpu.memref_slice %arg4[%select_n3A_491, %dma_wait3A_516, %rem3A_493, %dma_wait3A_528, %dma_wait3A_529] : memref<200x8x32x8x128xf32, #tpu.memory_space<hbm>> -> memref<1x1x1x8x128xf32, #tpu.memory_space<hbm>>
    %dma_wait3A_531 = tpu.memref_squeeze %dma_wait3A_530 : memref<1x1x1x8x128xf32, #tpu.memory_space<hbm>> -> memref<8x128xf32, #tpu.memory_space<hbm>>
    %dma_wait3A_532 = arith.constant 8 : i32
    %dma_wait3A_533 = arith.constant 0 : i32
    %dma_wait3A_534 = tpu.memref_slice %arg7[%dma_wait3A_515, %dma_wait3A_532, %dma_wait3A_533] : memref<4x64x129xf32, #tpu.memory_space<vmem>> -> memref<1x8x128xf32, #tpu.memory_space<vmem>>
    %dma_wait3A_535 = tpu.memref_squeeze %dma_wait3A_534 : memref<1x8x128xf32, #tpu.memory_space<vmem>> -> memref<8x128xf32, #tpu.memory_space<vmem>>
    tpu.wait_dma2 semaphore(%dma_wait3A_527 : memref<!tpu.dma_semaphore, #tpu.memory_space<semaphore_mem>>) src(%dma_wait3A_535 : memref<8x128xf32, #tpu.memory_space<vmem>>) dst(%dma_wait3A_531 : memref<8x128xf32, #tpu.memory_space<hbm>>)
    %dma_wait3A_536 = arith.constant 2 : i32
    %dma_wait3A_537 = arith.constant 2 : i32
    %dma_wait3A_538 = arith.constant 2 : i32
    %dma_wait3A_539 = arith.constant 16 : i32
    %dma_wait3A_540 = arith.constant 0 : i32
    %dma_wait3A_541 = tpu.memref_slice %arg7[%dma_wait3A_536, %dma_wait3A_539, %dma_wait3A_540] : memref<4x64x129xf32, #tpu.memory_space<vmem>> -> memref<1x8x128xf32, #tpu.memory_space<vmem>>
    %dma_wait3A_542 = tpu.memref_squeeze %dma_wait3A_541 : memref<1x8x128xf32, #tpu.memory_space<vmem>> -> memref<8x128xf32, #tpu.memory_space<vmem>>
    %dma_wait3A_543 = arith.constant 0 : i32
    %dma_wait3A_544 = arith.constant 0 : i32
    %dma_wait3A_545 = tpu.memref_slice %arg4[%select_n3A_491, %dma_wait3A_537, %rem3A_493, %dma_wait3A_543, %dma_wait3A_544] : memref<200x8x32x8x128xf32, #tpu.memory_space<hbm>> -> memref<1x1x1x8x128xf32, #tpu.memory_space<hbm>>
    %dma_wait3A_546 = tpu.memref_squeeze %dma_wait3A_545 : memref<1x1x1x8x128xf32, #tpu.memory_space<hbm>> -> memref<8x128xf32, #tpu.memory_space<hbm>>
    %dma_wait3A_547 = tpu.memref_slice %arg9[%dma_wait3A_538] : memref<4x!tpu.dma_semaphore, #tpu.memory_space<semaphore_mem>> -> memref<1x!tpu.dma_semaphore, #tpu.memory_space<semaphore_mem>>
    %dma_wait3A_548 = tpu.memref_squeeze %dma_wait3A_547 : memref<1x!tpu.dma_semaphore, #tpu.memory_space<semaphore_mem>> -> memref<!tpu.dma_semaphore, #tpu.memory_space<semaphore_mem>>
    %dma_wait3A_549 = arith.constant 0 : i32
    %dma_wait3A_550 = arith.constant 0 : i32
    %dma_wait3A_551 = tpu.memref_slice %arg4[%select_n3A_491, %dma_wait3A_537, %rem3A_493, %dma_wait3A_549, %dma_wait3A_550] : memref<200x8x32x8x128xf32, #tpu.memory_space<hbm>> -> memref<1x1x1x8x128xf32, #tpu.memory_space<hbm>>
    %dma_wait3A_552 = tpu.memref_squeeze %dma_wait3A_551 : memref<1x1x1x8x128xf32, #tpu.memory_space<hbm>> -> memref<8x128xf32, #tpu.memory_space<hbm>>
    %dma_wait3A_553 = arith.constant 16 : i32
    %dma_wait3A_554 = arith.constant 0 : i32
    %dma_wait3A_555 = tpu.memref_slice %arg7[%dma_wait3A_536, %dma_wait3A_553, %dma_wait3A_554] : memref<4x64x129xf32, #tpu.memory_space<vmem>> -> memref<1x8x128xf32, #tpu.memory_space<vmem>>
    %dma_wait3A_556 = tpu.memref_squeeze %dma_wait3A_555 : memref<1x8x128xf32, #tpu.memory_space<vmem>> -> memref<8x128xf32, #tpu.memory_space<vmem>>
    tpu.wait_dma2 semaphore(%dma_wait3A_548 : memref<!tpu.dma_semaphore, #tpu.memory_space<semaphore_mem>>) src(%dma_wait3A_556 : memref<8x128xf32, #tpu.memory_space<vmem>>) dst(%dma_wait3A_552 : memref<8x128xf32, #tpu.memory_space<hbm>>)
    %dma_wait3A_557 = arith.constant 2 : i32
    %dma_wait3A_558 = arith.constant 3 : i32
    %dma_wait3A_559 = arith.constant 2 : i32
    %dma_wait3A_560 = arith.constant 24 : i32
    %dma_wait3A_561 = arith.constant 0 : i32
    %dma_wait3A_562 = tpu.memref_slice %arg7[%dma_wait3A_557, %dma_wait3A_560, %dma_wait3A_561] : memref<4x64x129xf32, #tpu.memory_space<vmem>> -> memref<1x8x128xf32, #tpu.memory_space<vmem>>
    %dma_wait3A_563 = tpu.memref_squeeze %dma_wait3A_562 : memref<1x8x128xf32, #tpu.memory_space<vmem>> -> memref<8x128xf32, #tpu.memory_space<vmem>>
    %dma_wait3A_564 = arith.constant 0 : i32
    %dma_wait3A_565 = arith.constant 0 : i32
    %dma_wait3A_566 = tpu.memref_slice %arg4[%select_n3A_491, %dma_wait3A_558, %rem3A_493, %dma_wait3A_564, %dma_wait3A_565] : memref<200x8x32x8x128xf32, #tpu.memory_space<hbm>> -> memref<1x1x1x8x128xf32, #tpu.memory_space<hbm>>
    %dma_wait3A_567 = tpu.memref_squeeze %dma_wait3A_566 : memref<1x1x1x8x128xf32, #tpu.memory_space<hbm>> -> memref<8x128xf32, #tpu.memory_space<hbm>>
    %dma_wait3A_568 = tpu.memref_slice %arg9[%dma_wait3A_559] : memref<4x!tpu.dma_semaphore, #tpu.memory_space<semaphore_mem>> -> memref<1x!tpu.dma_semaphore, #tpu.memory_space<semaphore_mem>>
    %dma_wait3A_569 = tpu.memref_squeeze %dma_wait3A_568 : memref<1x!tpu.dma_semaphore, #tpu.memory_space<semaphore_mem>> -> memref<!tpu.dma_semaphore, #tpu.memory_space<semaphore_mem>>
    %dma_wait3A_570 = arith.constant 0 : i32
    %dma_wait3A_571 = arith.constant 0 : i32
    %dma_wait3A_572 = tpu.memref_slice %arg4[%select_n3A_491, %dma_wait3A_558, %rem3A_493, %dma_wait3A_570, %dma_wait3A_571] : memref<200x8x32x8x128xf32, #tpu.memory_space<hbm>> -> memref<1x1x1x8x128xf32, #tpu.memory_space<hbm>>
    %dma_wait3A_573 = tpu.memref_squeeze %dma_wait3A_572 : memref<1x1x1x8x128xf32, #tpu.memory_space<hbm>> -> memref<8x128xf32, #tpu.memory_space<hbm>>
    %dma_wait3A_574 = arith.constant 24 : i32
    %dma_wait3A_575 = arith.constant 0 : i32
    %dma_wait3A_576 = tpu.memref_slice %arg7[%dma_wait3A_557, %dma_wait3A_574, %dma_wait3A_575] : memref<4x64x129xf32, #tpu.memory_space<vmem>> -> memref<1x8x128xf32, #tpu.memory_space<vmem>>
    %dma_wait3A_577 = tpu.memref_squeeze %dma_wait3A_576 : memref<1x8x128xf32, #tpu.memory_space<vmem>> -> memref<8x128xf32, #tpu.memory_space<vmem>>
    tpu.wait_dma2 semaphore(%dma_wait3A_569 : memref<!tpu.dma_semaphore, #tpu.memory_space<semaphore_mem>>) src(%dma_wait3A_577 : memref<8x128xf32, #tpu.memory_space<vmem>>) dst(%dma_wait3A_573 : memref<8x128xf32, #tpu.memory_space<hbm>>)
    %dma_wait3A_578 = arith.constant 2 : i32
    %dma_wait3A_579 = arith.constant 4 : i32
    %dma_wait3A_580 = arith.constant 2 : i32
    %dma_wait3A_581 = arith.constant 32 : i32
    %dma_wait3A_582 = arith.constant 0 : i32
    %dma_wait3A_583 = tpu.memref_slice %arg7[%dma_wait3A_578, %dma_wait3A_581, %dma_wait3A_582] : memref<4x64x129xf32, #tpu.memory_space<vmem>> -> memref<1x8x128xf32, #tpu.memory_space<vmem>>
    %dma_wait3A_584 = tpu.memref_squeeze %dma_wait3A_583 : memref<1x8x128xf32, #tpu.memory_space<vmem>> -> memref<8x128xf32, #tpu.memory_space<vmem>>
    %dma_wait3A_585 = arith.constant 0 : i32
    %dma_wait3A_586 = arith.constant 0 : i32
    %dma_wait3A_587 = tpu.memref_slice %arg4[%select_n3A_491, %dma_wait3A_579, %rem3A_493, %dma_wait3A_585, %dma_wait3A_586] : memref<200x8x32x8x128xf32, #tpu.memory_space<hbm>> -> memref<1x1x1x8x128xf32, #tpu.memory_space<hbm>>
    %dma_wait3A_588 = tpu.memref_squeeze %dma_wait3A_587 : memref<1x1x1x8x128xf32, #tpu.memory_space<hbm>> -> memref<8x128xf32, #tpu.memory_space<hbm>>
    %dma_wait3A_589 = tpu.memref_slice %arg9[%dma_wait3A_580] : memref<4x!tpu.dma_semaphore, #tpu.memory_space<semaphore_mem>> -> memref<1x!tpu.dma_semaphore, #tpu.memory_space<semaphore_mem>>
    %dma_wait3A_590 = tpu.memref_squeeze %dma_wait3A_589 : memref<1x!tpu.dma_semaphore, #tpu.memory_space<semaphore_mem>> -> memref<!tpu.dma_semaphore, #tpu.memory_space<semaphore_mem>>
    %dma_wait3A_591 = arith.constant 0 : i32
    %dma_wait3A_592 = arith.constant 0 : i32
    %dma_wait3A_593 = tpu.memref_slice %arg4[%select_n3A_491, %dma_wait3A_579, %rem3A_493, %dma_wait3A_591, %dma_wait3A_592] : memref<200x8x32x8x128xf32, #tpu.memory_space<hbm>> -> memref<1x1x1x8x128xf32, #tpu.memory_space<hbm>>
    %dma_wait3A_594 = tpu.memref_squeeze %dma_wait3A_593 : memref<1x1x1x8x128xf32, #tpu.memory_space<hbm>> -> memref<8x128xf32, #tpu.memory_space<hbm>>
    %dma_wait3A_595 = arith.constant 32 : i32
    %dma_wait3A_596 = arith.constant 0 : i32
    %dma_wait3A_597 = tpu.memref_slice %arg7[%dma_wait3A_578, %dma_wait3A_595, %dma_wait3A_596] : memref<4x64x129xf32, #tpu.memory_space<vmem>> -> memref<1x8x128xf32, #tpu.memory_space<vmem>>
    %dma_wait3A_598 = tpu.memref_squeeze %dma_wait3A_597 : memref<1x8x128xf32, #tpu.memory_space<vmem>> -> memref<8x128xf32, #tpu.memory_space<vmem>>
    tpu.wait_dma2 semaphore(%dma_wait3A_590 : memref<!tpu.dma_semaphore, #tpu.memory_space<semaphore_mem>>) src(%dma_wait3A_598 : memref<8x128xf32, #tpu.memory_space<vmem>>) dst(%dma_wait3A_594 : memref<8x128xf32, #tpu.memory_space<hbm>>)
    %dma_wait3A_599 = arith.constant 2 : i32
    %dma_wait3A_600 = arith.constant 5 : i32
    %dma_wait3A_601 = arith.constant 2 : i32
    %dma_wait3A_602 = arith.constant 40 : i32
    %dma_wait3A_603 = arith.constant 0 : i32
    %dma_wait3A_604 = tpu.memref_slice %arg7[%dma_wait3A_599, %dma_wait3A_602, %dma_wait3A_603] : memref<4x64x129xf32, #tpu.memory_space<vmem>> -> memref<1x8x128xf32, #tpu.memory_space<vmem>>
    %dma_wait3A_605 = tpu.memref_squeeze %dma_wait3A_604 : memref<1x8x128xf32, #tpu.memory_space<vmem>> -> memref<8x128xf32, #tpu.memory_space<vmem>>
    %dma_wait3A_606 = arith.constant 0 : i32
    %dma_wait3A_607 = arith.constant 0 : i32
    %dma_wait3A_608 = tpu.memref_slice %arg4[%select_n3A_491, %dma_wait3A_600, %rem3A_493, %dma_wait3A_606, %dma_wait3A_607] : memref<200x8x32x8x128xf32, #tpu.memory_space<hbm>> -> memref<1x1x1x8x128xf32, #tpu.memory_space<hbm>>
    %dma_wait3A_609 = tpu.memref_squeeze %dma_wait3A_608 : memref<1x1x1x8x128xf32, #tpu.memory_space<hbm>> -> memref<8x128xf32, #tpu.memory_space<hbm>>
    %dma_wait3A_610 = tpu.memref_slice %arg9[%dma_wait3A_601] : memref<4x!tpu.dma_semaphore, #tpu.memory_space<semaphore_mem>> -> memref<1x!tpu.dma_semaphore, #tpu.memory_space<semaphore_mem>>
    %dma_wait3A_611 = tpu.memref_squeeze %dma_wait3A_610 : memref<1x!tpu.dma_semaphore, #tpu.memory_space<semaphore_mem>> -> memref<!tpu.dma_semaphore, #tpu.memory_space<semaphore_mem>>
    %dma_wait3A_612 = arith.constant 0 : i32
    %dma_wait3A_613 = arith.constant 0 : i32
    %dma_wait3A_614 = tpu.memref_slice %arg4[%select_n3A_491, %dma_wait3A_600, %rem3A_493, %dma_wait3A_612, %dma_wait3A_613] : memref<200x8x32x8x128xf32, #tpu.memory_space<hbm>> -> memref<1x1x1x8x128xf32, #tpu.memory_space<hbm>>
    %dma_wait3A_615 = tpu.memref_squeeze %dma_wait3A_614 : memref<1x1x1x8x128xf32, #tpu.memory_space<hbm>> -> memref<8x128xf32, #tpu.memory_space<hbm>>
    %dma_wait3A_616 = arith.constant 40 : i32
    %dma_wait3A_617 = arith.constant 0 : i32
    %dma_wait3A_618 = tpu.memref_slice %arg7[%dma_wait3A_599, %dma_wait3A_616, %dma_wait3A_617] : memref<4x64x129xf32, #tpu.memory_space<vmem>> -> memref<1x8x128xf32, #tpu.memory_space<vmem>>
    %dma_wait3A_619 = tpu.memref_squeeze %dma_wait3A_618 : memref<1x8x128xf32, #tpu.memory_space<vmem>> -> memref<8x128xf32, #tpu.memory_space<vmem>>
    tpu.wait_dma2 semaphore(%dma_wait3A_611 : memref<!tpu.dma_semaphore, #tpu.memory_space<semaphore_mem>>) src(%dma_wait3A_619 : memref<8x128xf32, #tpu.memory_space<vmem>>) dst(%dma_wait3A_615 : memref<8x128xf32, #tpu.memory_space<hbm>>)
    %dma_wait3A_620 = arith.constant 2 : i32
    %dma_wait3A_621 = arith.constant 6 : i32
    %dma_wait3A_622 = arith.constant 2 : i32
    %dma_wait3A_623 = arith.constant 48 : i32
    %dma_wait3A_624 = arith.constant 0 : i32
    %dma_wait3A_625 = tpu.memref_slice %arg7[%dma_wait3A_620, %dma_wait3A_623, %dma_wait3A_624] : memref<4x64x129xf32, #tpu.memory_space<vmem>> -> memref<1x8x128xf32, #tpu.memory_space<vmem>>
    %dma_wait3A_626 = tpu.memref_squeeze %dma_wait3A_625 : memref<1x8x128xf32, #tpu.memory_space<vmem>> -> memref<8x128xf32, #tpu.memory_space<vmem>>
    %dma_wait3A_627 = arith.constant 0 : i32
    %dma_wait3A_628 = arith.constant 0 : i32
    %dma_wait3A_629 = tpu.memref_slice %arg4[%select_n3A_491, %dma_wait3A_621, %rem3A_493, %dma_wait3A_627, %dma_wait3A_628] : memref<200x8x32x8x128xf32, #tpu.memory_space<hbm>> -> memref<1x1x1x8x128xf32, #tpu.memory_space<hbm>>
    %dma_wait3A_630 = tpu.memref_squeeze %dma_wait3A_629 : memref<1x1x1x8x128xf32, #tpu.memory_space<hbm>> -> memref<8x128xf32, #tpu.memory_space<hbm>>
    %dma_wait3A_631 = tpu.memref_slice %arg9[%dma_wait3A_622] : memref<4x!tpu.dma_semaphore, #tpu.memory_space<semaphore_mem>> -> memref<1x!tpu.dma_semaphore, #tpu.memory_space<semaphore_mem>>
    %dma_wait3A_632 = tpu.memref_squeeze %dma_wait3A_631 : memref<1x!tpu.dma_semaphore, #tpu.memory_space<semaphore_mem>> -> memref<!tpu.dma_semaphore, #tpu.memory_space<semaphore_mem>>
    %dma_wait3A_633 = arith.constant 0 : i32
    %dma_wait3A_634 = arith.constant 0 : i32
    %dma_wait3A_635 = tpu.memref_slice %arg4[%select_n3A_491, %dma_wait3A_621, %rem3A_493, %dma_wait3A_633, %dma_wait3A_634] : memref<200x8x32x8x128xf32, #tpu.memory_space<hbm>> -> memref<1x1x1x8x128xf32, #tpu.memory_space<hbm>>
    %dma_wait3A_636 = tpu.memref_squeeze %dma_wait3A_635 : memref<1x1x1x8x128xf32, #tpu.memory_space<hbm>> -> memref<8x128xf32, #tpu.memory_space<hbm>>
    %dma_wait3A_637 = arith.constant 48 : i32
    %dma_wait3A_638 = arith.constant 0 : i32
    %dma_wait3A_639 = tpu.memref_slice %arg7[%dma_wait3A_620, %dma_wait3A_637, %dma_wait3A_638] : memref<4x64x129xf32, #tpu.memory_space<vmem>> -> memref<1x8x128xf32, #tpu.memory_space<vmem>>
    %dma_wait3A_640 = tpu.memref_squeeze %dma_wait3A_639 : memref<1x8x128xf32, #tpu.memory_space<vmem>> -> memref<8x128xf32, #tpu.memory_space<vmem>>
    tpu.wait_dma2 semaphore(%dma_wait3A_632 : memref<!tpu.dma_semaphore, #tpu.memory_space<semaphore_mem>>) src(%dma_wait3A_640 : memref<8x128xf32, #tpu.memory_space<vmem>>) dst(%dma_wait3A_636 : memref<8x128xf32, #tpu.memory_space<hbm>>)
    %dma_wait3A_641 = arith.constant 2 : i32
    %dma_wait3A_642 = arith.constant 7 : i32
    %dma_wait3A_643 = arith.constant 2 : i32
    %dma_wait3A_644 = arith.constant 56 : i32
    %dma_wait3A_645 = arith.constant 0 : i32
    %dma_wait3A_646 = tpu.memref_slice %arg7[%dma_wait3A_641, %dma_wait3A_644, %dma_wait3A_645] : memref<4x64x129xf32, #tpu.memory_space<vmem>> -> memref<1x8x128xf32, #tpu.memory_space<vmem>>
    %dma_wait3A_647 = tpu.memref_squeeze %dma_wait3A_646 : memref<1x8x128xf32, #tpu.memory_space<vmem>> -> memref<8x128xf32, #tpu.memory_space<vmem>>
    %dma_wait3A_648 = arith.constant 0 : i32
    %dma_wait3A_649 = arith.constant 0 : i32
    %dma_wait3A_650 = tpu.memref_slice %arg4[%select_n3A_491, %dma_wait3A_642, %rem3A_493, %dma_wait3A_648, %dma_wait3A_649] : memref<200x8x32x8x128xf32, #tpu.memory_space<hbm>> -> memref<1x1x1x8x128xf32, #tpu.memory_space<hbm>>
    %dma_wait3A_651 = tpu.memref_squeeze %dma_wait3A_650 : memref<1x1x1x8x128xf32, #tpu.memory_space<hbm>> -> memref<8x128xf32, #tpu.memory_space<hbm>>
    %dma_wait3A_652 = tpu.memref_slice %arg9[%dma_wait3A_643] : memref<4x!tpu.dma_semaphore, #tpu.memory_space<semaphore_mem>> -> memref<1x!tpu.dma_semaphore, #tpu.memory_space<semaphore_mem>>
    %dma_wait3A_653 = tpu.memref_squeeze %dma_wait3A_652 : memref<1x!tpu.dma_semaphore, #tpu.memory_space<semaphore_mem>> -> memref<!tpu.dma_semaphore, #tpu.memory_space<semaphore_mem>>
    %dma_wait3A_654 = arith.constant 0 : i32
    %dma_wait3A_655 = arith.constant 0 : i32
    %dma_wait3A_656 = tpu.memref_slice %arg4[%select_n3A_491, %dma_wait3A_642, %rem3A_493, %dma_wait3A_654, %dma_wait3A_655] : memref<200x8x32x8x128xf32, #tpu.memory_space<hbm>> -> memref<1x1x1x8x128xf32, #tpu.memory_space<hbm>>
    %dma_wait3A_657 = tpu.memref_squeeze %dma_wait3A_656 : memref<1x1x1x8x128xf32, #tpu.memory_space<hbm>> -> memref<8x128xf32, #tpu.memory_space<hbm>>
    %dma_wait3A_658 = arith.constant 56 : i32
    %dma_wait3A_659 = arith.constant 0 : i32
    %dma_wait3A_660 = tpu.memref_slice %arg7[%dma_wait3A_641, %dma_wait3A_658, %dma_wait3A_659] : memref<4x64x129xf32, #tpu.memory_space<vmem>> -> memref<1x8x128xf32, #tpu.memory_space<vmem>>
    %dma_wait3A_661 = tpu.memref_squeeze %dma_wait3A_660 : memref<1x8x128xf32, #tpu.memory_space<vmem>> -> memref<8x128xf32, #tpu.memory_space<vmem>>
    tpu.wait_dma2 semaphore(%dma_wait3A_653 : memref<!tpu.dma_semaphore, #tpu.memory_space<semaphore_mem>>) src(%dma_wait3A_661 : memref<8x128xf32, #tpu.memory_space<vmem>>) dst(%dma_wait3A_657 : memref<8x128xf32, #tpu.memory_space<hbm>>)
    %add3A_662 = arith.constant 199 : i32
    %add3A_663 = arith.addi %mul3A_2, %add3A_662 : i32
    %jit3A_664 = arith.constant 32 : i32
    %div3A_665 = arith.divsi %add3A_663, %jit3A_664 : i32
    %sign3A_666 = arith.constant 0 : i32
    %sign3A_667 = arith.cmpi sgt, %add3A_663, %sign3A_666 : i32
    %sign3A_668 = arith.extui %sign3A_667 : i1 to i32
    %sign3A_669 = arith.constant 0 : i32
    %sign3A_670 = arith.cmpi slt, %add3A_663, %sign3A_669 : i32
    %sign3A_671 = arith.extui %sign3A_670 : i1 to i32
    %sign3A_672 = arith.subi %sign3A_668, %sign3A_671 : i32
    %sign3A_673 = arith.constant 0 : i32
    %sign3A_674 = arith.cmpi sgt, %jit3A_664, %sign3A_673 : i32
    %sign3A_675 = arith.extui %sign3A_674 : i1 to i32
    %sign3A_676 = arith.constant 0 : i32
    %sign3A_677 = arith.cmpi slt, %jit3A_664, %sign3A_676 : i32
    %sign3A_678 = arith.extui %sign3A_677 : i1 to i32
    %sign3A_679 = arith.subi %sign3A_675, %sign3A_678 : i32
    %ne3A_680 = arith.cmpi ne, %sign3A_672, %sign3A_679 : i32
    %rem3A_681 = arith.remsi %add3A_663, %jit3A_664 : i32
    %ne3A_682 = arith.constant 0 : i32
    %ne3A_683 = arith.cmpi ne, %rem3A_681, %ne3A_682 : i32
    %and3A_684 = arith.andi %ne3A_680, %ne3A_683 : i1
    %sub3A_685 = arith.constant 1 : i32
    %sub3A_686 = arith.subi %div3A_665, %sub3A_685 : i32
    %select_n3A_687 = arith.select %and3A_684, %sub3A_686, %div3A_665 : i32
    %rem3A_688 = arith.constant 32 : i32
    %rem3A_689 = arith.remsi %add3A_663, %rem3A_688 : i32
    %dma_wait3A_690 = arith.constant 3 : i32
    %dma_wait3A_691 = arith.constant 0 : i32
    %dma_wait3A_692 = arith.constant 3 : i32
    %dma_wait3A_693 = arith.constant 0 : i32
    %dma_wait3A_694 = arith.constant 0 : i32
    %dma_wait3A_695 = tpu.memref_slice %arg7[%dma_wait3A_690, %dma_wait3A_693, %dma_wait3A_694] : memref<4x64x129xf32, #tpu.memory_space<vmem>> -> memref<1x8x128xf32, #tpu.memory_space<vmem>>
    %dma_wait3A_696 = tpu.memref_squeeze %dma_wait3A_695 : memref<1x8x128xf32, #tpu.memory_space<vmem>> -> memref<8x128xf32, #tpu.memory_space<vmem>>
    %dma_wait3A_697 = arith.constant 0 : i32
    %dma_wait3A_698 = arith.constant 0 : i32
    %dma_wait3A_699 = tpu.memref_slice %arg4[%select_n3A_687, %dma_wait3A_691, %rem3A_689, %dma_wait3A_697, %dma_wait3A_698] : memref<200x8x32x8x128xf32, #tpu.memory_space<hbm>> -> memref<1x1x1x8x128xf32, #tpu.memory_space<hbm>>
    %dma_wait3A_700 = tpu.memref_squeeze %dma_wait3A_699 : memref<1x1x1x8x128xf32, #tpu.memory_space<hbm>> -> memref<8x128xf32, #tpu.memory_space<hbm>>
    %dma_wait3A_701 = tpu.memref_slice %arg9[%dma_wait3A_692] : memref<4x!tpu.dma_semaphore, #tpu.memory_space<semaphore_mem>> -> memref<1x!tpu.dma_semaphore, #tpu.memory_space<semaphore_mem>>
    %dma_wait3A_702 = tpu.memref_squeeze %dma_wait3A_701 : memref<1x!tpu.dma_semaphore, #tpu.memory_space<semaphore_mem>> -> memref<!tpu.dma_semaphore, #tpu.memory_space<semaphore_mem>>
    %dma_wait3A_703 = arith.constant 0 : i32
    %dma_wait3A_704 = arith.constant 0 : i32
    %dma_wait3A_705 = tpu.memref_slice %arg4[%select_n3A_687, %dma_wait3A_691, %rem3A_689, %dma_wait3A_703, %dma_wait3A_704] : memref<200x8x32x8x128xf32, #tpu.memory_space<hbm>> -> memref<1x1x1x8x128xf32, #tpu.memory_space<hbm>>
    %dma_wait3A_706 = tpu.memref_squeeze %dma_wait3A_705 : memref<1x1x1x8x128xf32, #tpu.memory_space<hbm>> -> memref<8x128xf32, #tpu.memory_space<hbm>>
    %dma_wait3A_707 = arith.constant 0 : i32
    %dma_wait3A_708 = arith.constant 0 : i32
    %dma_wait3A_709 = tpu.memref_slice %arg7[%dma_wait3A_690, %dma_wait3A_707, %dma_wait3A_708] : memref<4x64x129xf32, #tpu.memory_space<vmem>> -> memref<1x8x128xf32, #tpu.memory_space<vmem>>
    %dma_wait3A_710 = tpu.memref_squeeze %dma_wait3A_709 : memref<1x8x128xf32, #tpu.memory_space<vmem>> -> memref<8x128xf32, #tpu.memory_space<vmem>>
    tpu.wait_dma2 semaphore(%dma_wait3A_702 : memref<!tpu.dma_semaphore, #tpu.memory_space<semaphore_mem>>) src(%dma_wait3A_710 : memref<8x128xf32, #tpu.memory_space<vmem>>) dst(%dma_wait3A_706 : memref<8x128xf32, #tpu.memory_space<hbm>>)
    %dma_wait3A_711 = arith.constant 3 : i32
    %dma_wait3A_712 = arith.constant 1 : i32
    %dma_wait3A_713 = arith.constant 3 : i32
    %dma_wait3A_714 = arith.constant 8 : i32
    %dma_wait3A_715 = arith.constant 0 : i32
    %dma_wait3A_716 = tpu.memref_slice %arg7[%dma_wait3A_711, %dma_wait3A_714, %dma_wait3A_715] : memref<4x64x129xf32, #tpu.memory_space<vmem>> -> memref<1x8x128xf32, #tpu.memory_space<vmem>>
    %dma_wait3A_717 = tpu.memref_squeeze %dma_wait3A_716 : memref<1x8x128xf32, #tpu.memory_space<vmem>> -> memref<8x128xf32, #tpu.memory_space<vmem>>
    %dma_wait3A_718 = arith.constant 0 : i32
    %dma_wait3A_719 = arith.constant 0 : i32
    %dma_wait3A_720 = tpu.memref_slice %arg4[%select_n3A_687, %dma_wait3A_712, %rem3A_689, %dma_wait3A_718, %dma_wait3A_719] : memref<200x8x32x8x128xf32, #tpu.memory_space<hbm>> -> memref<1x1x1x8x128xf32, #tpu.memory_space<hbm>>
    %dma_wait3A_721 = tpu.memref_squeeze %dma_wait3A_720 : memref<1x1x1x8x128xf32, #tpu.memory_space<hbm>> -> memref<8x128xf32, #tpu.memory_space<hbm>>
    %dma_wait3A_722 = tpu.memref_slice %arg9[%dma_wait3A_713] : memref<4x!tpu.dma_semaphore, #tpu.memory_space<semaphore_mem>> -> memref<1x!tpu.dma_semaphore, #tpu.memory_space<semaphore_mem>>
    %dma_wait3A_723 = tpu.memref_squeeze %dma_wait3A_722 : memref<1x!tpu.dma_semaphore, #tpu.memory_space<semaphore_mem>> -> memref<!tpu.dma_semaphore, #tpu.memory_space<semaphore_mem>>
    %dma_wait3A_724 = arith.constant 0 : i32
    %dma_wait3A_725 = arith.constant 0 : i32
    %dma_wait3A_726 = tpu.memref_slice %arg4[%select_n3A_687, %dma_wait3A_712, %rem3A_689, %dma_wait3A_724, %dma_wait3A_725] : memref<200x8x32x8x128xf32, #tpu.memory_space<hbm>> -> memref<1x1x1x8x128xf32, #tpu.memory_space<hbm>>
    %dma_wait3A_727 = tpu.memref_squeeze %dma_wait3A_726 : memref<1x1x1x8x128xf32, #tpu.memory_space<hbm>> -> memref<8x128xf32, #tpu.memory_space<hbm>>
    %dma_wait3A_728 = arith.constant 8 : i32
    %dma_wait3A_729 = arith.constant 0 : i32
    %dma_wait3A_730 = tpu.memref_slice %arg7[%dma_wait3A_711, %dma_wait3A_728, %dma_wait3A_729] : memref<4x64x129xf32, #tpu.memory_space<vmem>> -> memref<1x8x128xf32, #tpu.memory_space<vmem>>
    %dma_wait3A_731 = tpu.memref_squeeze %dma_wait3A_730 : memref<1x8x128xf32, #tpu.memory_space<vmem>> -> memref<8x128xf32, #tpu.memory_space<vmem>>
    tpu.wait_dma2 semaphore(%dma_wait3A_723 : memref<!tpu.dma_semaphore, #tpu.memory_space<semaphore_mem>>) src(%dma_wait3A_731 : memref<8x128xf32, #tpu.memory_space<vmem>>) dst(%dma_wait3A_727 : memref<8x128xf32, #tpu.memory_space<hbm>>)
    %dma_wait3A_732 = arith.constant 3 : i32
    %dma_wait3A_733 = arith.constant 2 : i32
    %dma_wait3A_734 = arith.constant 3 : i32
    %dma_wait3A_735 = arith.constant 16 : i32
    %dma_wait3A_736 = arith.constant 0 : i32
    %dma_wait3A_737 = tpu.memref_slice %arg7[%dma_wait3A_732, %dma_wait3A_735, %dma_wait3A_736] : memref<4x64x129xf32, #tpu.memory_space<vmem>> -> memref<1x8x128xf32, #tpu.memory_space<vmem>>
    %dma_wait3A_738 = tpu.memref_squeeze %dma_wait3A_737 : memref<1x8x128xf32, #tpu.memory_space<vmem>> -> memref<8x128xf32, #tpu.memory_space<vmem>>
    %dma_wait3A_739 = arith.constant 0 : i32
    %dma_wait3A_740 = arith.constant 0 : i32
    %dma_wait3A_741 = tpu.memref_slice %arg4[%select_n3A_687, %dma_wait3A_733, %rem3A_689, %dma_wait3A_739, %dma_wait3A_740] : memref<200x8x32x8x128xf32, #tpu.memory_space<hbm>> -> memref<1x1x1x8x128xf32, #tpu.memory_space<hbm>>
    %dma_wait3A_742 = tpu.memref_squeeze %dma_wait3A_741 : memref<1x1x1x8x128xf32, #tpu.memory_space<hbm>> -> memref<8x128xf32, #tpu.memory_space<hbm>>
    %dma_wait3A_743 = tpu.memref_slice %arg9[%dma_wait3A_734] : memref<4x!tpu.dma_semaphore, #tpu.memory_space<semaphore_mem>> -> memref<1x!tpu.dma_semaphore, #tpu.memory_space<semaphore_mem>>
    %dma_wait3A_744 = tpu.memref_squeeze %dma_wait3A_743 : memref<1x!tpu.dma_semaphore, #tpu.memory_space<semaphore_mem>> -> memref<!tpu.dma_semaphore, #tpu.memory_space<semaphore_mem>>
    %dma_wait3A_745 = arith.constant 0 : i32
    %dma_wait3A_746 = arith.constant 0 : i32
    %dma_wait3A_747 = tpu.memref_slice %arg4[%select_n3A_687, %dma_wait3A_733, %rem3A_689, %dma_wait3A_745, %dma_wait3A_746] : memref<200x8x32x8x128xf32, #tpu.memory_space<hbm>> -> memref<1x1x1x8x128xf32, #tpu.memory_space<hbm>>
    %dma_wait3A_748 = tpu.memref_squeeze %dma_wait3A_747 : memref<1x1x1x8x128xf32, #tpu.memory_space<hbm>> -> memref<8x128xf32, #tpu.memory_space<hbm>>
    %dma_wait3A_749 = arith.constant 16 : i32
    %dma_wait3A_750 = arith.constant 0 : i32
    %dma_wait3A_751 = tpu.memref_slice %arg7[%dma_wait3A_732, %dma_wait3A_749, %dma_wait3A_750] : memref<4x64x129xf32, #tpu.memory_space<vmem>> -> memref<1x8x128xf32, #tpu.memory_space<vmem>>
    %dma_wait3A_752 = tpu.memref_squeeze %dma_wait3A_751 : memref<1x8x128xf32, #tpu.memory_space<vmem>> -> memref<8x128xf32, #tpu.memory_space<vmem>>
    tpu.wait_dma2 semaphore(%dma_wait3A_744 : memref<!tpu.dma_semaphore, #tpu.memory_space<semaphore_mem>>) src(%dma_wait3A_752 : memref<8x128xf32, #tpu.memory_space<vmem>>) dst(%dma_wait3A_748 : memref<8x128xf32, #tpu.memory_space<hbm>>)
    %dma_wait3A_753 = arith.constant 3 : i32
    %dma_wait3A_754 = arith.constant 3 : i32
    %dma_wait3A_755 = arith.constant 3 : i32
    %dma_wait3A_756 = arith.constant 24 : i32
    %dma_wait3A_757 = arith.constant 0 : i32
    %dma_wait3A_758 = tpu.memref_slice %arg7[%dma_wait3A_753, %dma_wait3A_756, %dma_wait3A_757] : memref<4x64x129xf32, #tpu.memory_space<vmem>> -> memref<1x8x128xf32, #tpu.memory_space<vmem>>
    %dma_wait3A_759 = tpu.memref_squeeze %dma_wait3A_758 : memref<1x8x128xf32, #tpu.memory_space<vmem>> -> memref<8x128xf32, #tpu.memory_space<vmem>>
    %dma_wait3A_760 = arith.constant 0 : i32
    %dma_wait3A_761 = arith.constant 0 : i32
    %dma_wait3A_762 = tpu.memref_slice %arg4[%select_n3A_687, %dma_wait3A_754, %rem3A_689, %dma_wait3A_760, %dma_wait3A_761] : memref<200x8x32x8x128xf32, #tpu.memory_space<hbm>> -> memref<1x1x1x8x128xf32, #tpu.memory_space<hbm>>
    %dma_wait3A_763 = tpu.memref_squeeze %dma_wait3A_762 : memref<1x1x1x8x128xf32, #tpu.memory_space<hbm>> -> memref<8x128xf32, #tpu.memory_space<hbm>>
    %dma_wait3A_764 = tpu.memref_slice %arg9[%dma_wait3A_755] : memref<4x!tpu.dma_semaphore, #tpu.memory_space<semaphore_mem>> -> memref<1x!tpu.dma_semaphore, #tpu.memory_space<semaphore_mem>>
    %dma_wait3A_765 = tpu.memref_squeeze %dma_wait3A_764 : memref<1x!tpu.dma_semaphore, #tpu.memory_space<semaphore_mem>> -> memref<!tpu.dma_semaphore, #tpu.memory_space<semaphore_mem>>
    %dma_wait3A_766 = arith.constant 0 : i32
    %dma_wait3A_767 = arith.constant 0 : i32
    %dma_wait3A_768 = tpu.memref_slice %arg4[%select_n3A_687, %dma_wait3A_754, %rem3A_689, %dma_wait3A_766, %dma_wait3A_767] : memref<200x8x32x8x128xf32, #tpu.memory_space<hbm>> -> memref<1x1x1x8x128xf32, #tpu.memory_space<hbm>>
    %dma_wait3A_769 = tpu.memref_squeeze %dma_wait3A_768 : memref<1x1x1x8x128xf32, #tpu.memory_space<hbm>> -> memref<8x128xf32, #tpu.memory_space<hbm>>
    %dma_wait3A_770 = arith.constant 24 : i32
    %dma_wait3A_771 = arith.constant 0 : i32
    %dma_wait3A_772 = tpu.memref_slice %arg7[%dma_wait3A_753, %dma_wait3A_770, %dma_wait3A_771] : memref<4x64x129xf32, #tpu.memory_space<vmem>> -> memref<1x8x128xf32, #tpu.memory_space<vmem>>
    %dma_wait3A_773 = tpu.memref_squeeze %dma_wait3A_772 : memref<1x8x128xf32, #tpu.memory_space<vmem>> -> memref<8x128xf32, #tpu.memory_space<vmem>>
    tpu.wait_dma2 semaphore(%dma_wait3A_765 : memref<!tpu.dma_semaphore, #tpu.memory_space<semaphore_mem>>) src(%dma_wait3A_773 : memref<8x128xf32, #tpu.memory_space<vmem>>) dst(%dma_wait3A_769 : memref<8x128xf32, #tpu.memory_space<hbm>>)
    %dma_wait3A_774 = arith.constant 3 : i32
    %dma_wait3A_775 = arith.constant 4 : i32
    %dma_wait3A_776 = arith.constant 3 : i32
    %dma_wait3A_777 = arith.constant 32 : i32
    %dma_wait3A_778 = arith.constant 0 : i32
    %dma_wait3A_779 = tpu.memref_slice %arg7[%dma_wait3A_774, %dma_wait3A_777, %dma_wait3A_778] : memref<4x64x129xf32, #tpu.memory_space<vmem>> -> memref<1x8x128xf32, #tpu.memory_space<vmem>>
    %dma_wait3A_780 = tpu.memref_squeeze %dma_wait3A_779 : memref<1x8x128xf32, #tpu.memory_space<vmem>> -> memref<8x128xf32, #tpu.memory_space<vmem>>
    %dma_wait3A_781 = arith.constant 0 : i32
    %dma_wait3A_782 = arith.constant 0 : i32
    %dma_wait3A_783 = tpu.memref_slice %arg4[%select_n3A_687, %dma_wait3A_775, %rem3A_689, %dma_wait3A_781, %dma_wait3A_782] : memref<200x8x32x8x128xf32, #tpu.memory_space<hbm>> -> memref<1x1x1x8x128xf32, #tpu.memory_space<hbm>>
    %dma_wait3A_784 = tpu.memref_squeeze %dma_wait3A_783 : memref<1x1x1x8x128xf32, #tpu.memory_space<hbm>> -> memref<8x128xf32, #tpu.memory_space<hbm>>
    %dma_wait3A_785 = tpu.memref_slice %arg9[%dma_wait3A_776] : memref<4x!tpu.dma_semaphore, #tpu.memory_space<semaphore_mem>> -> memref<1x!tpu.dma_semaphore, #tpu.memory_space<semaphore_mem>>
    %dma_wait3A_786 = tpu.memref_squeeze %dma_wait3A_785 : memref<1x!tpu.dma_semaphore, #tpu.memory_space<semaphore_mem>> -> memref<!tpu.dma_semaphore, #tpu.memory_space<semaphore_mem>>
    %dma_wait3A_787 = arith.constant 0 : i32
    %dma_wait3A_788 = arith.constant 0 : i32
    %dma_wait3A_789 = tpu.memref_slice %arg4[%select_n3A_687, %dma_wait3A_775, %rem3A_689, %dma_wait3A_787, %dma_wait3A_788] : memref<200x8x32x8x128xf32, #tpu.memory_space<hbm>> -> memref<1x1x1x8x128xf32, #tpu.memory_space<hbm>>
    %dma_wait3A_790 = tpu.memref_squeeze %dma_wait3A_789 : memref<1x1x1x8x128xf32, #tpu.memory_space<hbm>> -> memref<8x128xf32, #tpu.memory_space<hbm>>
    %dma_wait3A_791 = arith.constant 32 : i32
    %dma_wait3A_792 = arith.constant 0 : i32
    %dma_wait3A_793 = tpu.memref_slice %arg7[%dma_wait3A_774, %dma_wait3A_791, %dma_wait3A_792] : memref<4x64x129xf32, #tpu.memory_space<vmem>> -> memref<1x8x128xf32, #tpu.memory_space<vmem>>
    %dma_wait3A_794 = tpu.memref_squeeze %dma_wait3A_793 : memref<1x8x128xf32, #tpu.memory_space<vmem>> -> memref<8x128xf32, #tpu.memory_space<vmem>>
    tpu.wait_dma2 semaphore(%dma_wait3A_786 : memref<!tpu.dma_semaphore, #tpu.memory_space<semaphore_mem>>) src(%dma_wait3A_794 : memref<8x128xf32, #tpu.memory_space<vmem>>) dst(%dma_wait3A_790 : memref<8x128xf32, #tpu.memory_space<hbm>>)
    %dma_wait3A_795 = arith.constant 3 : i32
    %dma_wait3A_796 = arith.constant 5 : i32
    %dma_wait3A_797 = arith.constant 3 : i32
    %dma_wait3A_798 = arith.constant 40 : i32
    %dma_wait3A_799 = arith.constant 0 : i32
    %dma_wait3A_800 = tpu.memref_slice %arg7[%dma_wait3A_795, %dma_wait3A_798, %dma_wait3A_799] : memref<4x64x129xf32, #tpu.memory_space<vmem>> -> memref<1x8x128xf32, #tpu.memory_space<vmem>>
    %dma_wait3A_801 = tpu.memref_squeeze %dma_wait3A_800 : memref<1x8x128xf32, #tpu.memory_space<vmem>> -> memref<8x128xf32, #tpu.memory_space<vmem>>
    %dma_wait3A_802 = arith.constant 0 : i32
    %dma_wait3A_803 = arith.constant 0 : i32
    %dma_wait3A_804 = tpu.memref_slice %arg4[%select_n3A_687, %dma_wait3A_796, %rem3A_689, %dma_wait3A_802, %dma_wait3A_803] : memref<200x8x32x8x128xf32, #tpu.memory_space<hbm>> -> memref<1x1x1x8x128xf32, #tpu.memory_space<hbm>>
    %dma_wait3A_805 = tpu.memref_squeeze %dma_wait3A_804 : memref<1x1x1x8x128xf32, #tpu.memory_space<hbm>> -> memref<8x128xf32, #tpu.memory_space<hbm>>
    %dma_wait3A_806 = tpu.memref_slice %arg9[%dma_wait3A_797] : memref<4x!tpu.dma_semaphore, #tpu.memory_space<semaphore_mem>> -> memref<1x!tpu.dma_semaphore, #tpu.memory_space<semaphore_mem>>
    %dma_wait3A_807 = tpu.memref_squeeze %dma_wait3A_806 : memref<1x!tpu.dma_semaphore, #tpu.memory_space<semaphore_mem>> -> memref<!tpu.dma_semaphore, #tpu.memory_space<semaphore_mem>>
    %dma_wait3A_808 = arith.constant 0 : i32
    %dma_wait3A_809 = arith.constant 0 : i32
    %dma_wait3A_810 = tpu.memref_slice %arg4[%select_n3A_687, %dma_wait3A_796, %rem3A_689, %dma_wait3A_808, %dma_wait3A_809] : memref<200x8x32x8x128xf32, #tpu.memory_space<hbm>> -> memref<1x1x1x8x128xf32, #tpu.memory_space<hbm>>
    %dma_wait3A_811 = tpu.memref_squeeze %dma_wait3A_810 : memref<1x1x1x8x128xf32, #tpu.memory_space<hbm>> -> memref<8x128xf32, #tpu.memory_space<hbm>>
    %dma_wait3A_812 = arith.constant 40 : i32
    %dma_wait3A_813 = arith.constant 0 : i32
    %dma_wait3A_814 = tpu.memref_slice %arg7[%dma_wait3A_795, %dma_wait3A_812, %dma_wait3A_813] : memref<4x64x129xf32, #tpu.memory_space<vmem>> -> memref<1x8x128xf32, #tpu.memory_space<vmem>>
    %dma_wait3A_815 = tpu.memref_squeeze %dma_wait3A_814 : memref<1x8x128xf32, #tpu.memory_space<vmem>> -> memref<8x128xf32, #tpu.memory_space<vmem>>
    tpu.wait_dma2 semaphore(%dma_wait3A_807 : memref<!tpu.dma_semaphore, #tpu.memory_space<semaphore_mem>>) src(%dma_wait3A_815 : memref<8x128xf32, #tpu.memory_space<vmem>>) dst(%dma_wait3A_811 : memref<8x128xf32, #tpu.memory_space<hbm>>)
    %dma_wait3A_816 = arith.constant 3 : i32
    %dma_wait3A_817 = arith.constant 6 : i32
    %dma_wait3A_818 = arith.constant 3 : i32
    %dma_wait3A_819 = arith.constant 48 : i32
    %dma_wait3A_820 = arith.constant 0 : i32
    %dma_wait3A_821 = tpu.memref_slice %arg7[%dma_wait3A_816, %dma_wait3A_819, %dma_wait3A_820] : memref<4x64x129xf32, #tpu.memory_space<vmem>> -> memref<1x8x128xf32, #tpu.memory_space<vmem>>
    %dma_wait3A_822 = tpu.memref_squeeze %dma_wait3A_821 : memref<1x8x128xf32, #tpu.memory_space<vmem>> -> memref<8x128xf32, #tpu.memory_space<vmem>>
    %dma_wait3A_823 = arith.constant 0 : i32
    %dma_wait3A_824 = arith.constant 0 : i32
    %dma_wait3A_825 = tpu.memref_slice %arg4[%select_n3A_687, %dma_wait3A_817, %rem3A_689, %dma_wait3A_823, %dma_wait3A_824] : memref<200x8x32x8x128xf32, #tpu.memory_space<hbm>> -> memref<1x1x1x8x128xf32, #tpu.memory_space<hbm>>
    %dma_wait3A_826 = tpu.memref_squeeze %dma_wait3A_825 : memref<1x1x1x8x128xf32, #tpu.memory_space<hbm>> -> memref<8x128xf32, #tpu.memory_space<hbm>>
    %dma_wait3A_827 = tpu.memref_slice %arg9[%dma_wait3A_818] : memref<4x!tpu.dma_semaphore, #tpu.memory_space<semaphore_mem>> -> memref<1x!tpu.dma_semaphore, #tpu.memory_space<semaphore_mem>>
    %dma_wait3A_828 = tpu.memref_squeeze %dma_wait3A_827 : memref<1x!tpu.dma_semaphore, #tpu.memory_space<semaphore_mem>> -> memref<!tpu.dma_semaphore, #tpu.memory_space<semaphore_mem>>
    %dma_wait3A_829 = arith.constant 0 : i32
    %dma_wait3A_830 = arith.constant 0 : i32
    %dma_wait3A_831 = tpu.memref_slice %arg4[%select_n3A_687, %dma_wait3A_817, %rem3A_689, %dma_wait3A_829, %dma_wait3A_830] : memref<200x8x32x8x128xf32, #tpu.memory_space<hbm>> -> memref<1x1x1x8x128xf32, #tpu.memory_space<hbm>>
    %dma_wait3A_832 = tpu.memref_squeeze %dma_wait3A_831 : memref<1x1x1x8x128xf32, #tpu.memory_space<hbm>> -> memref<8x128xf32, #tpu.memory_space<hbm>>
    %dma_wait3A_833 = arith.constant 48 : i32
    %dma_wait3A_834 = arith.constant 0 : i32
    %dma_wait3A_835 = tpu.memref_slice %arg7[%dma_wait3A_816, %dma_wait3A_833, %dma_wait3A_834] : memref<4x64x129xf32, #tpu.memory_space<vmem>> -> memref<1x8x128xf32, #tpu.memory_space<vmem>>
    %dma_wait3A_836 = tpu.memref_squeeze %dma_wait3A_835 : memref<1x8x128xf32, #tpu.memory_space<vmem>> -> memref<8x128xf32, #tpu.memory_space<vmem>>
    tpu.wait_dma2 semaphore(%dma_wait3A_828 : memref<!tpu.dma_semaphore, #tpu.memory_space<semaphore_mem>>) src(%dma_wait3A_836 : memref<8x128xf32, #tpu.memory_space<vmem>>) dst(%dma_wait3A_832 : memref<8x128xf32, #tpu.memory_space<hbm>>)
    %dma_wait3A_837 = arith.constant 3 : i32
    %dma_wait3A_838 = arith.constant 7 : i32
    %dma_wait3A_839 = arith.constant 3 : i32
    %dma_wait3A_840 = arith.constant 56 : i32
    %dma_wait3A_841 = arith.constant 0 : i32
    %dma_wait3A_842 = tpu.memref_slice %arg7[%dma_wait3A_837, %dma_wait3A_840, %dma_wait3A_841] : memref<4x64x129xf32, #tpu.memory_space<vmem>> -> memref<1x8x128xf32, #tpu.memory_space<vmem>>
    %dma_wait3A_843 = tpu.memref_squeeze %dma_wait3A_842 : memref<1x8x128xf32, #tpu.memory_space<vmem>> -> memref<8x128xf32, #tpu.memory_space<vmem>>
    %dma_wait3A_844 = arith.constant 0 : i32
    %dma_wait3A_845 = arith.constant 0 : i32
    %dma_wait3A_846 = tpu.memref_slice %arg4[%select_n3A_687, %dma_wait3A_838, %rem3A_689, %dma_wait3A_844, %dma_wait3A_845] : memref<200x8x32x8x128xf32, #tpu.memory_space<hbm>> -> memref<1x1x1x8x128xf32, #tpu.memory_space<hbm>>
    %dma_wait3A_847 = tpu.memref_squeeze %dma_wait3A_846 : memref<1x1x1x8x128xf32, #tpu.memory_space<hbm>> -> memref<8x128xf32, #tpu.memory_space<hbm>>
    %dma_wait3A_848 = tpu.memref_slice %arg9[%dma_wait3A_839] : memref<4x!tpu.dma_semaphore, #tpu.memory_space<semaphore_mem>> -> memref<1x!tpu.dma_semaphore, #tpu.memory_space<semaphore_mem>>
    %dma_wait3A_849 = tpu.memref_squeeze %dma_wait3A_848 : memref<1x!tpu.dma_semaphore, #tpu.memory_space<semaphore_mem>> -> memref<!tpu.dma_semaphore, #tpu.memory_space<semaphore_mem>>
    %dma_wait3A_850 = arith.constant 0 : i32
    %dma_wait3A_851 = arith.constant 0 : i32
    %dma_wait3A_852 = tpu.memref_slice %arg4[%select_n3A_687, %dma_wait3A_838, %rem3A_689, %dma_wait3A_850, %dma_wait3A_851] : memref<200x8x32x8x128xf32, #tpu.memory_space<hbm>> -> memref<1x1x1x8x128xf32, #tpu.memory_space<hbm>>
    %dma_wait3A_853 = tpu.memref_squeeze %dma_wait3A_852 : memref<1x1x1x8x128xf32, #tpu.memory_space<hbm>> -> memref<8x128xf32, #tpu.memory_space<hbm>>
    %dma_wait3A_854 = arith.constant 56 : i32
    %dma_wait3A_855 = arith.constant 0 : i32
    %dma_wait3A_856 = tpu.memref_slice %arg7[%dma_wait3A_837, %dma_wait3A_854, %dma_wait3A_855] : memref<4x64x129xf32, #tpu.memory_space<vmem>> -> memref<1x8x128xf32, #tpu.memory_space<vmem>>
    %dma_wait3A_857 = tpu.memref_squeeze %dma_wait3A_856 : memref<1x8x128xf32, #tpu.memory_space<vmem>> -> memref<8x128xf32, #tpu.memory_space<vmem>>
    tpu.wait_dma2 semaphore(%dma_wait3A_849 : memref<!tpu.dma_semaphore, #tpu.memory_space<semaphore_mem>>) src(%dma_wait3A_857 : memref<8x128xf32, #tpu.memory_space<vmem>>) dst(%dma_wait3A_853 : memref<8x128xf32, #tpu.memory_space<hbm>>)
    return
  }
}

</mosaic_0001>

<sc_bundles>
// kernel: kernel.3.cloned.1.call-start
scs
__scs_entry_jumppad:
0x0: {  	(pc) =	sbr.rel $0x88, $3  }
0x1: {  	(tag) =	ssettag $0x0;
	lr =	simm.s32 $0x1  }
0x2: {  	[smem:$0x3F9F] =	sst lr;
	_ =	strace $0xD0000000  }
0x3: {  	_ = 	snop  }
0x4: {  	_ = 	snop  }
0x5: {  	_ = 	snop  }
0x6: {  	_ = 	snop  }
0x7: {  	_ = 	snop  }
__scs_overlays_trampoline_lowered:
0x8: {  	[smem:$0x3FAE] =	sst s0  }
0x9: {  	[smem:$0x3FAF] =	sst s1  }
0xa: {  	[smem:$0x3FB0] =	sst s2  }
0xb: {  	[smem:$0x3FB1] =	sst s3  }
0xc: {  	[smem:$0x3FB2] =	sst s4  }
0xd: {  	[smem:$0x3FB3] =	sst s5  }
0xe: {  	[smem:$0x3FB4] =	sst s6  }
0xf: {  	[smem:$0x3FB5] =	sst s7  }
0x10: {  	[smem:$0x3FB6] =	sst s8  }
0x11: {  	[smem:$0x3FB7] =	sst s9;
	s0 =	simm.s32 @!p0 $0x0  }
0x12: {  	s1 =	sld [smem:$0x3F9D];
	s0 =	simm.s32 @p0 $0x1  }
0x13: {  	[smem:$0x3FB8] =	sst s0;
	s0 =	simm.s32 @!p1 $0x0  }
0x14: {  	s2 =	sld [smem:$0x3F9C];
	s0 =	simm.s32 @p1 $0x1  }
0x15: {  	[smem:$0x3FB9] =	sst s0;
	s0 =	simm.s32 @!p2 $0x0  }
0x16: {  	s3 =	sld [smem:$0x3FDB];
	s0 =	simm.s32 @p2 $0x1  }
0x17: {  	s4 =	simm.s32 $0x1BF5;
	[smem:$0x3FBB] =	sst s0  }
0x18: {  	s0 =	sld [smem:$0x3F9E];
	_ =	swait.ge [sflag:s4], $0x0  }
0x19: {  	s7 =	sld [smem:$0x3F9F]  }
0x1a: {  	s8 =	sadd.s32 $0xFFFFE003, lr  }
0x1b: {  	s9 =	sadd.s32 $0xFFFFFEF7, lr;
	s5 =	simm.s32 $0xFFFFFFFF;
	p2 =	slt.u32 s8, $0xFFFFF086  }
0x1c: {  	p1 =	slt.u32 s9, $0xF7A;
	s5 =	simm.s32 @!p2 $0x0  }
0x1d: {  	s5 =	simm.s32 @p1 $0x1;
	p0 =	seq.s32 s7, s2  }
0x1e: {  	s7 =	smul.u32 @!p0 $0xF7A, s2;
	p2 =	seq.s32 @!p0 s5, $0x0  }
0x1f: {  	s9 =	smul.u32 $0xF7A, s1;
	s8 =	simm.s32 @!p0 $0x1BF5;
	p2 =	por !p2, p0  }
0x20: {  	[sflag:s8] =	ssyncset.s32 @!p0 $0xFFFFF086;
	s6 =	sadd.s32 @!p0 s3, s7;
	s7 =	simm.s32 @!p0 $0x108  }
0x21: {  	s3 =	sadd.s32 s3, s9;
	s6 =	sadd.s32 @!p0 $0x88, s6;
	s7 =	simm.s32 @p2 $0x1082  }
0x22: {  	[simem:s7], [sflag:s8] =	dma.local @!p0 [hbm:s6], $0xF7A  }
0x23: {  	s9 =	sor.u32 $0xD0000000, s2;
	s6 =	simm.s32 $0x108;
	_ =	swait.ge @!p0 [sflag:s8], $0x0  }
0x24: {  	s3 =	sadd.s32 $0x88, s3;
	s6 =	simm.s32 @!p1 $0x1082;
	[sflag:s4] =	ssyncset.s32 $0xFFFFF086  }
0x25: {  	[simem:s6], [sflag:s4] =	dma.local [hbm:s3], $0xF7A  }
0x26: {  	[smem:$0x3F9F] =	sst s1;
	(tag) =	ssettag s2;
	_ =	strace s9  }
0x27: {  	s1 =	sld [smem:$0x3FAF]  }
0x28: {  	s2 =	sld [smem:$0x3FB0]  }
0x29: {  	s4 =	sld [smem:$0x3FB2]  }
0x2a: {  	p0 =	seq.s32 s5, $0x0;
	s5 =	sld [smem:$0x3FB3]  }
0x2b: {  	s6 =	sld [smem:$0x3FB4]  }
0x2c: {  	s7 =	sld [smem:$0x3FB5]  }
0x2d: {  	s3 =	simm.s32 $0x108;
	s8 =	sld [smem:$0x3FB6]  }
0x2e: {  	s3 =	simm.s32 @!p0 $0x1082;
	s9 =	sld [smem:$0x3FB7]  }
0x2f: {  	lr =	sadd.s32 s0, s3;
	s0 =	sld [smem:$0x3FAE]  }
0x30: {  	s3 =	sld [smem:$0x3FB1]  }
0x31: {  	[smem:$0x3FBA] =	sst s10  }
0x32: {  	s10 =	sld [smem:$0x3FB8];
	_ =	sdelay $0x3  }
0x33: {  	p0 =	seq.s32 s10, $0x1;
	s10 =	sld [smem:$0x3FBA];
	_ =	sdelay $0x3  }
0x34: {  	[smem:$0x3FBA] =	sst s10  }
0x35: {  	s10 =	sld [smem:$0x3FB9];
	_ =	sdelay $0x3  }
0x36: {  	p1 =	seq.s32 s10, $0x1;
	s10 =	sld [smem:$0x3FBA];
	_ =	sdelay $0x3  }
0x37: {  	[smem:$0x3FBA] =	sst s10  }
0x38: {  	s10 =	sld [smem:$0x3FBB]  }
0x39: {  	_ = 	snop;
	(pc) =	sbr.ind lr, $3  }
0x3a: {  	_ = 	snop  }
0x3b: {  	_ = 	snop  }
0x3c: {  	p2 =	seq.s32 s10, $0x1;
	s10 =	sld [smem:$0x3FBA]  }
0x3d: {  	_ =	shalt  }
0x3e: {  	_ =	shalt  }
0x3f: {  	_ =	shalt  }
0x40: {  	_ =	shalt  }
0x41: {  	_ =	shalt  }
0x42: {  	_ =	shalt  }
0x43: {  	_ =	shalt  }
0x44: {  	_ =	shalt  }
0x45: {  	_ =	shalt  }
0x46: {  	_ =	shalt  }
0x47: {  	_ =	shalt  }
0x48: {  	_ =	shalt  }
0x49: {  	_ =	shalt  }
0x4a: {  	_ =	shalt  }
0x4b: {  	_ =	shalt  }
0x4c: {  	_ =	shalt  }
0x4d: {  	_ =	shalt  }
0x4e: {  	_ =	shalt  }
0x4f: {  	_ =	shalt  }
0x50: {  	_ =	shalt  }
0x51: {  	_ =	shalt  }
0x52: {  	_ =	shalt  }
0x53: {  	_ =	shalt  }
0x54: {  	_ =	shalt  }
0x55: {  	_ =	shalt  }
0x56: {  	_ =	shalt  }
0x57: {  	_ =	shalt  }
0x58: {  	_ =	shalt  }
0x59: {  	_ =	shalt  }
0x5a: {  	_ =	shalt  }
0x5b: {  	_ =	shalt  }
0x5c: {  	_ =	shalt  }
0x5d: {  	_ =	shalt  }
0x5e: {  	_ =	shalt  }
0x5f: {  	_ =	shalt  }
0x60: {  	_ =	shalt  }
0x61: {  	_ =	shalt  }
0x62: {  	_ =	shalt  }
0x63: {  	_ =	shalt  }
0x64: {  	_ =	shalt  }
0x65: {  	_ =	shalt  }
0x66: {  	_ =	shalt  }
0x67: {  	_ =	shalt  }
0x68: {  	_ =	shalt  }
0x69: {  	_ =	shalt  }
0x6a: {  	_ =	shalt  }
0x6b: {  	_ =	shalt  }
0x6c: {  	_ =	shalt  }
0x6d: {  	_ =	shalt  }
0x6e: {  	_ =	shalt  }
0x6f: {  	_ =	shalt  }
0x70: {  	_ =	shalt  }
0x71: {  	_ =	shalt  }
0x72: {  	_ =	shalt  }
0x73: {  	_ =	shalt  }
0x74: {  	_ =	shalt  }
0x75: {  	_ =	shalt  }
0x76: {  	_ =	shalt  }
0x77: {  	_ =	shalt  }
0x78: {  	_ =	shalt  }
0x79: {  	_ =	shalt  }
0x7a: {  	_ =	shalt  }
0x7b: {  	_ =	shalt  }
0x7c: {  	_ =	shalt  }
0x7d: {  	_ =	shalt  }
0x7e: {  	_ =	shalt  }
0x7f: {  	_ =	shalt  }
0x80: {  	_ =	shalt  }
0x81: {  	_ =	shalt  }
0x82: {  	_ =	shalt  }
0x83: {  	_ =	shalt  }
0x84: {  	_ =	shalt  }
0x85: {  	_ =	shalt  }
0x86: {  	_ =	shalt  }
0x87: {  	_ =	shalt  }
.Lfunc_end0:
.L_simem_size_0:
called_computation_lowered:
.L_overlay_start_0:
0x88: {  	s2 =	sld [smem:$0x3FD9]  }
0x89: {  	s3 =	sld [smem:$0x3FFE];
	_ =	sdelay $0x1  }
0x8a: {  	s1 =	srdreg.scid  }
0x8b: {  	s0 =	sand.u32 $0x1, s1  }
0x8c: {  	s17 =	sshll.u32 s0, $0xA;
	s2 =	sadd.s32 s3, s2  }
0x8d: {  	s2 =	sadd.s32 s2, s17  }
0x8e: {  	[smem:$0x3FC6] =	sst s2  }
0x8f: {  	_ = 	snop  }
0x90: {  	s2 =	sld [smem:$0x3FD0];
	(tm) =	ssettm $0x1  }
0x91: {  	s18 =	sld [smem:$0x3FFB];
	_ =	sdelay $0x3  }
0x92: {  	_ =	strace s18  }
0x93: {  	s3 =	sld [smem:$0x3FFC];
	_ =	sdelay $0x3  }
0x94: {  	_ =	strace s3  }
0x95: {  	s3 =	sld [smem:$0x3FFD];
	_ =	sdelay $0x3  }
0x96: {  	_ =	strace s3  }
0x97: {  	_ =	strace $0x8FFFFFFF  }
0x98: {  	s19 =	sld [smem:$0x3FDB];
	_ =	sdelay $0x1  }
0x99: {  	s4 =	simm.s32 $_scs_section_size  }
0x9a: {  	s5 =	simm.s32 $_size__tile_overlayer_lowered;
	s6 =	simm.s32 $_tile_overlayer_lowered  }
0x9b: {  	s22 =	simm.s32 $0x1BFF;
	s21 =	sshll.u32 s6, $0x1;
	s3 =	sadd.s32 s4, s19  }
0x9c: {  	s7 =	simm.s32 $0x0;
	s20 =	sshll.u32 s5, $0x1;
	s5 =	sadd.s32 s21, s3  }
0x9d: {  	[timem:s7], [sflag:s22] =	dma.local [hbm:s5], s20  }
0x9e: {  	_ =	swait.ge [sflag:s22], s20  }
0x9f: {  	s4 =	ssub.s32 $0x0, s20;
	[sflag:s22] =	ssyncset.done $0x0  }
0xa0: {  	[sflag:s22] =	ssyncadd.s32 s4;
	_ =	sdelay $0x1  }
0xa1: {  	s23 =	simm.s32 $0x1B8B  }
0xa2: {  	_ =	swait.ge [sflag:s23], $0x1  }
0xa3: {  	[sflag:s23] =	ssyncset.done $0x0  }
0xa4: {  	s25 =	simm.s32 $0x1B8E;
	s24 =	sld [smem:$0x3FFE];
	[sflag:s23] =	ssyncadd.s32 $0xFFFFFFFF  }
0xa5: {  	s26 =	simm.s32 $execute0_lowered;
	[smem:$0x3FD2] =	sst s25  }
0xa6: {  	s5 =	sshll.u32 s26, $0x1;
	_ =	strace $0x80000046;
	[dreg:$0x1] =	wrdreg $0xFFFFFFFF  }
0xa7: {  	s28 =	simm.s32 $_size_execute0_lowered;
	s3 =	sadd.s32 s3, s5;
	[dreg:$0x0] =	wrdreg $0x0  }
0xa8: {  	s5 =	sshll.u32 s28, $0x1;
	[dreg:$0x2] =	wrdreg s3  }
0xa9: {  	[dreg:$0x3] =	wrdreg s5  }
0xaa: {  	[dreg:$0x4] =	wrdreg $0xC0  }
0xab: {  	_ =	task [dreg:s7], $0x5FFFF  }
0xac: {  	[dreg:$0x1] =	wrdreg $0xFFFFFFFF  }
0xad: {  	[dreg:$0x0] =	wrdreg $0x60  }
0xae: {  	[dreg:$0x2] =	wrdreg s24  }
0xaf: {  	[dreg:$0x3] =	wrdreg s2  }
0xb0: {  	[dreg:$0x4] =	wrdreg $0x9  }
0xb1: {  	_ =	task.clear_ibuf [dreg:s7], $0x5FFFF;
	_ =	strace $0x90000046  }
0xb2: {  	s29 =	simm.s32 $0x9;
	_ =	strace $0x80000048  }
0xb3: {  	_ =	swait.ge [sflag:s29], $0x1  }
0xb4: {  	[sflag:s29] =	ssyncadd.s32 $0xFFFFFFFF  }
0xb5: {  	_ =	strace $0x90000048  }
0xb6: {  	_ =	sfence  }
0xb7: {  	s30 =	sld [smem:$0x0];
	_ =	sdelay $0x2  }
0xb8: {  	s31 =	sshll.u32 s1, $0xD;
	s1 =	sshrl.u32 s1, $0x2  }
0xb9: {  	s3 =	sand.u32 $0x4000, s31;
	s1 =	sadd.s32 s1, s30  }
0xba: {  	s0 =	sor.u32 s3, s0;
	s1 =	sshll.u32 s1, $0x11  }
0xbb: {  	s0 =	sor.u32 s1, s0  }
0xbc: {  	s0 =	sadd.s32 $0x8F2B, s0  }
0xbd: {  	[sflag:s0] =	ssyncadd.remote.s32 $0x1  }
0xbe: {  	_ =	sfence.sel $0xFFFF  }
0xbf: {  	[dreg:$0x0] =	wrdreg $0xFFFFFFFF;
	(pc) =	sbr.abs _section_cstart, $3  }
0xc0: {  	[dreg:$0x1] =	wrdreg $0xFFFFFFFF  }
0xc1: {  	_ =	task.clear_ibuf [dreg:s7], $0x2FFFF;
	_ =	strace $0x9FFFFFFF  }
0xc2: {  	(tm) =	ssettm $0x7FFFFFFF  }
0xc3: {  	_ =	shalt  }
tec
execute0_lowered:
.L_overlay_start_1:
0x0: {  	(tag) =	ssettag $0x1  }
0x1: {  	s0 =	srdreg.scid  }
0x2: {  	s2 =	stileid.u32;
	s1 =	rddreg [dreg:$0x0];
	s23 =	simm.s32 $0x1;
	v0 =	vlaneseq.u32  }
0x3: {  	s24 =	simm.s32 $0xE400;
	s21 =	simm.s32 $0x2;
	s25 =	simm.s32 $0x3;
	v0 =	vmul.u32 $0x88, v0  }
0x4: {  	s26 =	simm.s32 $0x12800;
	s15 =	simm.s32 $0x4;
	s22 =	simm.s32 $0x14A00  }
0x5: {  	s31 =	simm.s32 $0x15B88;
	s16 =	simm.s32 $0x15C98;
	s18 =	simm.s32 $0x0;
	v1 =	vadd.s32 $0x880, v0  }
0x6: {  	s30 =	simm.s32 $0x80;
	s0 =	sand.u32 $0x1, s0;
	s3 =	sshll.u32 s2, $0x1;
	v2 =	vadd.s32 $0x1100, v0;
	v3 =	vadd.s32 $0x1980, v0;
	v4 =	vor.u32 $0x1, v0  }
0x7: {  	s2 =	rddreg [dreg:$0x1];
	s5 =	sor.u32 s0, s3;
	s3 =	simm.s32 $0x0;
	v5 =	vadd.s32 $0x881, v0;
	v6 =	vadd.s32 $0x1101, v0;
	v7 =	vadd.s32 $0x1981, v0  }
0x8: {  	s0 =	ssub.s32 $0x2, s0;
	s8 =	sadd.s32 $0x2000, s2;
	s9 =	sadd.s32 $0x3000, s2;
	v8 =	vor.u32 $0x2, v0;
	v9 =	vadd.s32 $0x882, v0;
	v10 =	vadd.s32 $0x1102, v0  }
0x9: {  	s10 =	sadd.s32 $0x4000, s2;
	s11 =	sadd.s32 $0x5000, s2;
	s4 =	smul.u32 $0xC80, s5;
	v11 =	vadd.s32 $0x1982, v0;
	v12 =	vor.u32 $0x3, v0;
	v13 =	vadd.s32 $0x883, v0  }
0xa: {  	s12 =	sadd.s32 $0x6000, s2;
	s13 =	sadd.s32 $0x7000, s2;
	s5 =	smul.u32 $0xC8, s5;
	v14 =	vadd.s32 $0x1103, v0;
	v15 =	vadd.s32 $0x1983, v0;
	v16 =	vor.u32 $0x4, v0  }
.Ltmp0:
0xb: {  	[smem:$0x7FF] =	sst s3;
	s7 =	sshrl.u32 s0, $0x1;
	v17 =	vadd.s32 $0x884, v0;
	v18 =	vadd.s32 $0x1104, v0;
	v19 =	vadd.s32 $0x1984, v0;
	(pc) =	sbr.rel .LBB2_1-.Ltmp0, $4  }
0xc: {  	v20 =	vor.u32 $0x5, v0;
	v21 =	vadd.s32 $0x885, v0;
	v22 =	vadd.s32 $0x1105, v0;
	_ =	strace $0x80000047;
	s0 =	ssub.s32 s0, s7;
	s7 =	sadd.s32 $0x1000, s2  }
0xd: {  	v23 =	vadd.s32 $0x1985, v0;
	v24 =	vor.u32 $0x6, v0;
	v25 =	vadd.s32 $0x886, v0;
	s6 =	sadd.s32 s4, s1;
	s4 =	sadd.s32 $0xF42A00, s1;
	s0 =	smax.u32 s0, $0x1  }
0xe: {  	v26 =	vadd.s32 $0x1106, v0;
	v27 =	vadd.s32 $0x1986, v0;
	v28 =	vor.u32 $0x7, v0;
	s1 =	simm.s32 $0x15C10;
	s29 =	sadd.s32 $0x600, s6;
	[dreg:$0x4] =	wrdreg s0  }
0xf: {  	v29 =	vadd.s32 $0x887, v0;
	v30 =	vadd.s32 $0x1107, v0;
	v31 =	vadd.s32 $0x1987, v0;
	s6 =	simm.s32 $0x10600;
	s0 =	simm.s32 $0x15D20;
	[dreg:$0x3] =	wrdreg s29  }
.LBB2_12:
0x10: {  	s14 =	simm.s32 $0x5  }
0x11: {  	_ =	swait.ge [sflag:s14], $0x400  }
0x12: {  	[sflag:s14] =	ssyncset.done $0x0  }
0x13: {  	[sflag:s14] =	ssyncadd.s32 $0xFFFFFC00  }
0x14: {  	_ =	swait.ge [sflag:s14], $0x400  }
0x15: {  	[sflag:s14] =	ssyncset.done $0x0  }
0x16: {  	[sflag:s14] =	ssyncadd.s32 $0xFFFFFC00  }
0x17: {  	_ =	swait.ge [sflag:s14], $0x400  }
0x18: {  	[sflag:s14] =	ssyncset.done $0x0  }
0x19: {  	[sflag:s14] =	ssyncadd.s32 $0xFFFFFC00  }
0x1a: {  	_ =	swait.ge [sflag:s14], $0x400  }
0x1b: {  	[sflag:s14] =	ssyncset.done $0x0  }
0x1c: {  	[sflag:s14] =	ssyncadd.s32 $0xFFFFFC00  }
0x1d: {  	_ =	swait.ge [sflag:s14], $0x400  }
0x1e: {  	[sflag:s14] =	ssyncset.done $0x0  }
0x1f: {  	[sflag:s14] =	ssyncadd.s32 $0xFFFFFC00  }
0x20: {  	_ =	swait.ge [sflag:s14], $0x400  }
0x21: {  	[sflag:s14] =	ssyncset.done $0x0  }
0x22: {  	[sflag:s14] =	ssyncadd.s32 $0xFFFFFC00  }
0x23: {  	_ =	swait.ge [sflag:s14], $0x400  }
0x24: {  	[sflag:s14] =	ssyncset.done $0x0  }
0x25: {  	[sflag:s14] =	ssyncadd.s32 $0xFFFFFC00  }
0x26: {  	_ =	swait.ge [sflag:s14], $0x400  }
0x27: {  	[sflag:s14] =	ssyncset.done $0x0  }
0x28: {  	s20 =	simm.s32 $0x6;
	[sflag:s14] =	ssyncadd.s32 $0xFFFFFC00  }
0x29: {  	_ =	swait.ge [sflag:s20], $0x400  }
0x2a: {  	[sflag:s20] =	ssyncset.done $0x0  }
0x2b: {  	[sflag:s20] =	ssyncadd.s32 $0xFFFFFC00  }
0x2c: {  	_ =	swait.ge [sflag:s20], $0x400  }
0x2d: {  	[sflag:s20] =	ssyncset.done $0x0  }
0x2e: {  	[sflag:s20] =	ssyncadd.s32 $0xFFFFFC00  }
0x2f: {  	_ =	swait.ge [sflag:s20], $0x400  }
0x30: {  	[sflag:s20] =	ssyncset.done $0x0  }
0x31: {  	[sflag:s20] =	ssyncadd.s32 $0xFFFFFC00  }
0x32: {  	_ =	swait.ge [sflag:s20], $0x400  }
0x33: {  	[sflag:s20] =	ssyncset.done $0x0  }
0x34: {  	[sflag:s20] =	ssyncadd.s32 $0xFFFFFC00  }
0x35: {  	_ =	swait.ge [sflag:s20], $0x400  }
0x36: {  	[sflag:s20] =	ssyncset.done $0x0  }
0x37: {  	[sflag:s20] =	ssyncadd.s32 $0xFFFFFC00  }
0x38: {  	_ =	swait.ge [sflag:s20], $0x400  }
0x39: {  	[sflag:s20] =	ssyncset.done $0x0  }
0x3a: {  	[sflag:s20] =	ssyncadd.s32 $0xFFFFFC00  }
0x3b: {  	_ =	swait.ge [sflag:s20], $0x400  }
0x3c: {  	[sflag:s20] =	ssyncset.done $0x0  }
0x3d: {  	[sflag:s20] =	ssyncadd.s32 $0xFFFFFC00  }
0x3e: {  	_ =	swait.ge [sflag:s20], $0x400  }
0x3f: {  	[sflag:s20] =	ssyncset.done $0x0  }
0x40: {  	s28 =	simm.s32 $0x7;
	[sflag:s20] =	ssyncadd.s32 $0xFFFFFC00  }
0x41: {  	_ =	swait.ge [sflag:s28], $0x400  }
0x42: {  	[sflag:s28] =	ssyncset.done $0x0  }
0x43: {  	[sflag:s28] =	ssyncadd.s32 $0xFFFFFC00  }
0x44: {  	_ =	swait.ge [sflag:s28], $0x400  }
0x45: {  	[sflag:s28] =	ssyncset.done $0x0  }
0x46: {  	[sflag:s28] =	ssyncadd.s32 $0xFFFFFC00  }
0x47: {  	_ =	swait.ge [sflag:s28], $0x400  }
0x48: {  	[sflag:s28] =	ssyncset.done $0x0  }
0x49: {  	[sflag:s28] =	ssyncadd.s32 $0xFFFFFC00  }
0x4a: {  	_ =	swait.ge [sflag:s28], $0x400  }
0x4b: {  	[sflag:s28] =	ssyncset.done $0x0  }
0x4c: {  	[sflag:s28] =	ssyncadd.s32 $0xFFFFFC00  }
0x4d: {  	_ =	swait.ge [sflag:s28], $0x400  }
0x4e: {  	[sflag:s28] =	ssyncset.done $0x0  }
0x4f: {  	[sflag:s28] =	ssyncadd.s32 $0xFFFFFC00  }
0x50: {  	_ =	swait.ge [sflag:s28], $0x400  }
0x51: {  	[sflag:s28] =	ssyncset.done $0x0  }
0x52: {  	[sflag:s28] =	ssyncadd.s32 $0xFFFFFC00  }
0x53: {  	_ =	swait.ge [sflag:s28], $0x400  }
0x54: {  	[sflag:s28] =	ssyncset.done $0x0  }
0x55: {  	[sflag:s28] =	ssyncadd.s32 $0xFFFFFC00  }
0x56: {  	_ =	swait.ge [sflag:s28], $0x400  }
0x57: {  	[sflag:s28] =	ssyncset.done $0x0  }
0x58: {  	s17 =	simm.s32 $0x8;
	[sflag:s28] =	ssyncadd.s32 $0xFFFFFC00  }
0x59: {  	_ =	swait.ge [sflag:s17], $0x400  }
0x5a: {  	[sflag:s17] =	ssyncset.done $0x0  }
0x5b: {  	[sflag:s17] =	ssyncadd.s32 $0xFFFFFC00  }
0x5c: {  	_ =	swait.ge [sflag:s17], $0x400  }
0x5d: {  	[sflag:s17] =	ssyncset.done $0x0  }
0x5e: {  	[sflag:s17] =	ssyncadd.s32 $0xFFFFFC00  }
0x5f: {  	_ =	swait.ge [sflag:s17], $0x400  }
0x60: {  	[sflag:s17] =	ssyncset.done $0x0  }
0x61: {  	[sflag:s17] =	ssyncadd.s32 $0xFFFFFC00  }
0x62: {  	_ =	swait.ge [sflag:s17], $0x400  }
0x63: {  	[sflag:s17] =	ssyncset.done $0x0  }
0x64: {  	[sflag:s17] =	ssyncadd.s32 $0xFFFFFC00  }
0x65: {  	_ =	swait.ge [sflag:s17], $0x400  }
0x66: {  	[sflag:s17] =	ssyncset.done $0x0  }
0x67: {  	[sflag:s17] =	ssyncadd.s32 $0xFFFFFC00  }
0x68: {  	_ =	swait.ge [sflag:s17], $0x400  }
0x69: {  	[sflag:s17] =	ssyncset.done $0x0  }
0x6a: {  	[sflag:s17] =	ssyncadd.s32 $0xFFFFFC00  }
0x6b: {  	_ =	swait.ge [sflag:s17], $0x400  }
0x6c: {  	[sflag:s17] =	ssyncset.done $0x0  }
0x6d: {  	[sflag:s17] =	ssyncadd.s32 $0xFFFFFC00  }
0x6e: {  	_ =	swait.ge [sflag:s17], $0x400  }
0x6f: {  	s18 =	rddreg [dreg:$0x5]  }
0x70: {  	s29 =	rddreg [dreg:$0x4];
	s18 =	sadd.s32 $0x1, s18  }
0x71: {  	p0 =	sne.s32 s18, s29  }
.Ltmp1:
0x72: {  	_ = 	snop;
	(pc) =	sbr.rel @!p0 .LBB2_13-.Ltmp1, $3  }
0x73: {  	_ =	sdelay $0x1  }
0x74: {  	[sflag:s17] =	ssyncset.done $0x0  }
0x75: {  	[sflag:s17] =	ssyncadd.s32 $0xFFFFFC00  }
.LBB2_1:
0x76: {  	[dreg:$0x5] =	wrdreg s18  }
0x77: {  	s14 =	rddreg [dreg:$0x3];
	s17 =	simm.s32 $0x9  }
0x78: {  	[tilespmem:s3], [sflag:$0x9] =	stream.linear.gather [hbm4b:s14+s3], $0x6400, $0x38;
	[tilespmem:$0x16C00] =	vst v63  }
0x79: {  	_ =	swait.ge [sflag:s17], $0x6400  }
0x7a: {  	[sflag:s17] =	ssyncset.done $0x0  }
0x7b: {  	s14 =	simm.s32 $0x80;
	[sflag:s17] =	ssyncadd.s32 $0xFFFF9C00;
	s17 =	simm.s32 $0x6400  }
0x7c: {  	[tilespmem:s17], [sflag:$0x1] =	stream.indirect.gather [hbm4b:s4+s14], $0x40, s3, s14, $0xb8;
	[tilespmem:$0x16C00] =	vst v63  }
0x7d: {  	s18 =	simm.s32 $0x8400  }
0x7e: {  	[tilespmem:s18], [sflag:$0x2] =	stream.indirect.gather [hbm4b:s4+s14], $0x40, s14, s14, $0xb8;
	[tilespmem:$0x16C00] =	vst v63  }
0x7f: {  	s19 =	simm.s32 $0x100;
	s20 =	simm.s32 $0xA400  }
0x80: {  	[tilespmem:s20], [sflag:$0x3] =	stream.indirect.gather [hbm4b:s4+s14], $0x40, s19, s14, $0xb8;
	[tilespmem:$0x16C00] =	vst v63  }
0x81: {  	s28 =	simm.s32 $0x180;
	s29 =	simm.s32 $0xC400;
	s17 =	simm.s32 $0x0  }
0x82: {  	[tilespmem:s29], [sflag:$0x4] =	stream.indirect.gather [hbm4b:s4+s14], $0x40, s28, s14, $0xb8;
	[tilespmem:$0x16C00] =	vst v63  }
.LBB2_2:
0x83: {  	_ =	swait.ge [sflag:s23], $0x2000  }
0x84: {  	p0 =	seq.s32 s17, $0x0;
	[sflag:s23] =	ssyncset.done $0x0  }
0x85: {  	s14 =	simm.s32 @!p0 $0x5;
	[sflag:s23] =	ssyncadd.s32 $0xFFFFE000  }
0x86: {  	_ =	swait.ge @!p0 [sflag:s14], $0x400  }
0x87: {  	[sflag:s14] =	ssyncset.done @!p0 $0x0  }
0x88: {  	[sflag:s14] =	ssyncadd.s32 @!p0 $0xFFFFFC00  }
0x89: {  	_ =	swait.ge @!p0 [sflag:s14], $0x400  }
0x8a: {  	[sflag:s14] =	ssyncset.done @!p0 $0x0  }
0x8b: {  	[sflag:s14] =	ssyncadd.s32 @!p0 $0xFFFFFC00  }
0x8c: {  	_ =	swait.ge @!p0 [sflag:s14], $0x400  }
0x8d: {  	[sflag:s14] =	ssyncset.done @!p0 $0x0  }
0x8e: {  	[sflag:s14] =	ssyncadd.s32 @!p0 $0xFFFFFC00  }
0x8f: {  	_ =	swait.ge @!p0 [sflag:s14], $0x400  }
0x90: {  	[sflag:s14] =	ssyncset.done @!p0 $0x0  }
0x91: {  	[sflag:s14] =	ssyncadd.s32 @!p0 $0xFFFFFC00  }
0x92: {  	_ =	swait.ge @!p0 [sflag:s14], $0x400  }
0x93: {  	[sflag:s14] =	ssyncset.done @!p0 $0x0  }
0x94: {  	[sflag:s14] =	ssyncadd.s32 @!p0 $0xFFFFFC00  }
0x95: {  	_ =	swait.ge @!p0 [sflag:s14], $0x400  }
0x96: {  	[sflag:s14] =	ssyncset.done @!p0 $0x0  }
0x97: {  	[sflag:s14] =	ssyncadd.s32 @!p0 $0xFFFFFC00  }
0x98: {  	_ =	swait.ge @!p0 [sflag:s14], $0x400  }
0x99: {  	[sflag:s14] =	ssyncset.done @!p0 $0x0  }
0x9a: {  	[sflag:s14] =	ssyncadd.s32 @!p0 $0xFFFFFC00  }
0x9b: {  	_ =	swait.ge @!p0 [sflag:s14], $0x400  }
0x9c: {  	[sflag:s14] =	ssyncset.done @!p0 $0x0  }
0x9d: {  	[sflag:s14] =	ssyncadd.s32 @!p0 $0xFFFFFC00  }
0x9e: {  	s29 =	simm.s32 $0x6500;
	[bflag:$0x0] =	sbarrier.arrive $0xFFFF  }
0x9f: {  	v32 =	vld [tilespmem:s29+$0xFFFFFF80]  }
0xa0: {  	v34 =	vld [tilespmem:s29+$0x40]  }
0xa1: {  	v36 =	vld [tilespmem:s29+$0xC0]  }
0xa2: {  	v35 =	vimm.s32 $0x0;
	v39 =	vld [tilespmem:s29+$0xFFFFFFC0]  }
0xa3: {  	v33 =	vadd.s32 v8, v35;
	v37 =	vld [tilespmem:s29+$0x0]  }
0xa4: {  	v53 =	vadd.s32 v12, v35;
	v41 =	vld [tilespmem:s29+$0xFFFFFF00]  }
0xa5: {  	v42 =	vadd.s32 v16, v35;
	v45 =	vld [tilespmem:s29+$0xFFFFFF40]  }
0xa6: {  	s19 =	simm.s32 $0x6700;
	v40 =	vadd.s32 v28, v35;
	v43 =	vld [tilespmem:s29+$0x80];
	v32 =	vmul.f32 $8.000000000e+00, v32  }
0xa7: {  	v49 =	vld [tilespmem:s19+$0xFFFFFF80];
	v56 =	vmul.f32 $8.000000000e+00, v39  }
0xa8: {  	v38 =	vadd.s32 v20, v35;
	v55 =	vmul.f32 $8.000000000e+00, v37;
	[tilespmem:v33+s24+$0x0] =	vst.idx.msk $0xffff, v32;
	v32 =	vld [tilespmem:s19+$0x80]  }
0xa9: {  	v36 =	vmul.f32 $8.000000000e+00, v36;
	[tilespmem:v53+s24+$0x0] =	vst.idx.msk $0xffff, v56;
	v56 =	vld [tilespmem:s19+$0x40]  }
0xaa: {  	v54 =	vadd.s32 v0, v35;
	[tilespmem:v42+s24+$0x0] =	vst.idx.msk $0xffff, v55;
	v55 =	vmul.f32 $8.000000000e+00, v45;
	v45 =	vld [tilespmem:s19+$0x0]  }
0xab: {  	v52 =	vmul.f32 $8.000000000e+00, v34;
	[tilespmem:v40+s24+$0x0] =	vst.idx.msk $0xffff, v36;
	v40 =	vld [tilespmem:s19+$0xC0]  }
0xac: {  	v48 =	vadd.s32 v24, v35;
	v44 =	vld [tilespmem:s29+$0xFFFFFF90]  }
0xad: {  	v59 =	vmul.f32 $8.000000000e+00, v41;
	[tilespmem:v38+s24+$0x0] =	vst.idx.msk $0xffff, v52;
	v52 =	vadd.s32 v4, v35;
	v51 =	vld [tilespmem:s29+$0xFFFFFFD0]  }
0xae: {  	v57 =	vadd.s32 v9, v35;
	v58 =	vld [tilespmem:s29+$0xD0]  }
0xaf: {  	v43 =	vmul.f32 $8.000000000e+00, v43;
	[tilespmem:v54+s24+$0x0] =	vst.idx.msk $0xffff, v59;
	v54 =	vadd.s32 v13, v35;
	v38 =	vld [tilespmem:s29+$0x50]  }
0xb0: {  	v47 =	vadd.s32 v29, v35;
	v53 =	vld [tilespmem:s29+$0xFFFFFF10]  }
0xb1: {  	[tilespmem:v48+s24+$0x0] =	vst.idx.msk $0xffff, v43;
	v60 =	vld [tilespmem:s29+$0x10];
	v50 =	vmul.f32 $8.000000000e+00, v44  }
0xb2: {  	v46 =	vadd.s32 v1, v35;
	[tilespmem:v52+s24+$0x0] =	vst.idx.msk $0xffff, v55;
	v52 =	vld [tilespmem:s19+$0xFFFFFF00];
	v34 =	vmul.f32 $8.000000000e+00, v51  }
0xb3: {  	v61 =	vadd.s32 v21, v35;
	v42 =	vld [tilespmem:s29+$0xFFFFFF50];
	v39 =	vmul.f32 $8.000000000e+00, v58;
	[tilespmem:v57+s24+$0x0] =	vst.idx.msk $0xffff, v50  }
0xb4: {  	v62 =	vadd.s32 v17, v35;
	v58 =	vmul.f32 $8.000000000e+00, v49;
	v49 =	vld [tilespmem:s19+$0xFFFFFF40];
	[tilespmem:v54+s24+$0x0] =	vst.idx.msk $0xffff, v34  }
0xb5: {  	v41 =	vmul.f32 $8.000000000e+00, v53;
	v50 =	vadd.s32 v5, v35;
	v34 =	vadd.s32 $0x8, v35;
	[tilespmem:v47+s24+$0x0] =	vst.idx.msk $0xffff, v39;
	v47 =	vld [tilespmem:s19+$0xFFFFFFC0]  }
0xb6: {  	v38 =	vmul.f32 $8.000000000e+00, v38;
	v57 =	vld [tilespmem:s29+$0x90];
	v63 =	vadd.s32 v8, v34  }
0xb7: {  	v33 =	vmul.f32 $8.000000000e+00, v60;
	[tilespmem:v46+s24+$0x0] =	vst.idx.msk $0xffff, v41;
	v36 =	vld [tilespmem:s29+$0xFFFFFFA0];
	v54 =	vadd.s32 v20, v34  }
0xb8: {  	[tilespmem:v61+s24+$0x0] =	vst.idx.msk $0xffff, v38;
	v61 =	vadd.s32 v25, v35;
	v46 =	vld [tilespmem:s29+$0xFFFFFF20];
	v42 =	vmul.f32 $8.000000000e+00, v42  }
0xb9: {  	v53 =	vadd.s32 v10, v35;
	[tilespmem:v62+s24+$0x0] =	vst.idx.msk $0xffff, v33;
	v60 =	vld [tilespmem:s29+$0x60]  }
0xba: {  	v59 =	vadd.s32 v2, v35;
	v62 =	vmul.f32 $8.000000000e+00, v56;
	v51 =	vld [tilespmem:s29+$0xFFFFFFE0];
	[tilespmem:v50+s24+$0x0] =	vst.idx.msk $0xffff, v42  }
0xbb: {  	v56 =	vadd.s32 v22, v35;
	v48 =	vld [tilespmem:s29+$0x20];
	v37 =	vmul.f32 $8.000000000e+00, v57;
	[tilespmem:v63+s24+$0x0] =	vst.idx.msk $0xffff, v58  }
0xbc: {  	v42 =	vld [tilespmem:s29+$0xE0];
	v57 =	vadd.s32 v28, v34;
	v36 =	vmul.f32 $8.000000000e+00, v36;
	[tilespmem:v54+s24+$0x0] =	vst.idx.msk $0xffff, v62  }
0xbd: {  	v63 =	vadd.s32 v14, v35;
	v55 =	vmul.f32 $8.000000000e+00, v46;
	v46 =	vld [tilespmem:s19+$0xFFFFFF90];
	[tilespmem:v61+s24+$0x0] =	vst.idx.msk $0xffff, v37  }
0xbe: {  	v33 =	vmul.f32 $8.000000000e+00, v60;
	v62 =	vadd.s32 v18, v35;
	v54 =	vld [tilespmem:s19+$0x50];
	[tilespmem:v53+s24+$0x0] =	vst.idx.msk $0xffff, v36  }
0xbf: {  	v40 =	vmul.f32 $8.000000000e+00, v40;
	v38 =	vadd.s32 v30, v35;
	[tilespmem:v59+s24+$0x0] =	vst.idx.msk $0xffff, v55;
	v53 =	vld [tilespmem:s29+$0xFFFFFF60]  }
0xc0: {  	v58 =	vmul.f32 $8.000000000e+00, v51;
	v37 =	vadd.s32 v16, v34;
	v60 =	vld [tilespmem:s29+$0xA0];
	[tilespmem:v56+s24+$0x0] =	vst.idx.msk $0xffff, v33  }
0xc1: {  	v41 =	vmul.f32 $8.000000000e+00, v45;
	v45 =	vmul.f32 $8.000000000e+00, v48;
	v59 =	vadd.s32 v12, v34;
	v43 =	vld [tilespmem:s29+$0xFFFFFFB0];
	[tilespmem:v57+s24+$0x0] =	vst.idx.msk $0xffff, v40  }
0xc2: {  	v61 =	vmul.f32 $8.000000000e+00, v42;
	[tilespmem:v63+s24+$0x0] =	vst.idx.msk $0xffff, v58;
	v63 =	vmul.f32 $8.000000000e+00, v47;
	v47 =	vadd.s32 v26, v35;
	v51 =	vld [tilespmem:s19+$0xD0]  }
0xc3: {  	v55 =	vadd.s32 v0, v34;
	[tilespmem:v62+s24+$0x0] =	vst.idx.msk $0xffff, v45;
	v42 =	vld [tilespmem:s29+$0xFFFFFFF0]  }
0xc4: {  	v56 =	vadd.s32 v6, v35;
	[tilespmem:v38+s24+$0x0] =	vst.idx.msk $0xffff, v61;
	v38 =	vld [tilespmem:s29+$0xFFFFFF30]  }
0xc5: {  	v50 =	vmul.f32 $8.000000000e+00, v52;
	v52 =	vadd.s32 v9, v34;
	[tilespmem:v37+s24+$0x0] =	vst.idx.msk $0xffff, v41;
	v48 =	vmul.f32 $8.000000000e+00, v60;
	v58 =	vld [tilespmem:s29+$0xF0]  }
0xc6: {  	v39 =	vadd.s32 v23, v35;
	[tilespmem:v59+s24+$0x0] =	vst.idx.msk $0xffff, v63;
	v40 =	vld [tilespmem:s19+$0x10];
	v59 =	vadd.s32 v11, v35  }
0xc7: {  	v36 =	vadd.s32 v27, v35;
	v57 =	vadd.s32 v15, v35;
	v44 =	vmul.f32 $8.000000000e+00, v53;
	v60 =	vld [tilespmem:s29+$0x30];
	[tilespmem:v47+s24+$0x0] =	vst.idx.msk $0xffff, v48  }
0xc8: {  	v33 =	vadd.s32 v27, v34;
	v46 =	vmul.f32 $8.000000000e+00, v46;
	[tilespmem:v55+s24+$0x0] =	vst.idx.msk $0xffff, v50;
	v50 =	vadd.s32 v4, v34;
	v47 =	vld [tilespmem:s29+$0xB0]  }
0xc9: {  	v41 =	vmul.f32 $8.000000000e+00, v49;
	v63 =	vmul.f32 $8.000000000e+00, v43;
	v45 =	vld [tilespmem:s19+$0xFFFFFFD0];
	[tilespmem:v56+s24+$0x0] =	vst.idx.msk $0xffff, v44;
	v48 =	vadd.s32 v29, v34  }
0xca: {  	v37 =	vmul.f32 $8.000000000e+00, v54;
	v49 =	vadd.s32 v19, v35;
	[tilespmem:v52+s24+$0x0] =	vst.idx.msk $0xffff, v46;
	v44 =	vld [tilespmem:s29+$0xFFFFFF70];
	v62 =	vmul.f32 $8.000000000e+00, v42  }
0xcb: {  	v43 =	vld [tilespmem:s29+$0x70];
	v52 =	vadd.s32 v3, v35;
	v53 =	vmul.f32 $8.000000000e+00, v51;
	v51 =	vadd.s32 v31, v35;
	[tilespmem:v59+s24+$0x0] =	vst.idx.msk $0xffff, v63  }
0xcc: {  	s18 =	sshll.u32 s17, $0x2;
	s20 =	simm.s32 $0x6900;
	s14 =	simm.s32 $0x8;
	v46 =	vld [tilespmem:s19+$0xFFFFFF10];
	v42 =	vadd.s32 v7, v35;
	v35 =	vmovc v34;
	v55 =	vmul.f32 $8.000000000e+00, v60;
	v54 =	vmul.f32 $8.000000000e+00, v58;
	[tilespmem:v57+s24+$0x0] =	vst.idx.msk $0xffff, v62  }
.LBB2_3:
0xcd: {  	s14 =	sadd.s32 $0x8, s14;
	[tilespmem:v50+s24+$0x0] =	vst.idx.msk $0xffff, v41;
	v41 =	vmul.f32 $8.000000000e+00, v32;
	v32 =	vld [tilespmem:s20+$0x80];
	v34 =	vadd.s32 $0x8, v34;
	v47 =	vmul.f32 $8.000000000e+00, v47  }
0xce: {  	v56 =	vadd.s32 v13, v35;
	v40 =	vmul.f32 $8.000000000e+00, v40;
	p1 =	slt.u32 s14, $0x78;
	v50 =	vld [tilespmem:s19+$0xFFFFFFA0];
	v45 =	vmul.f32 $8.000000000e+00, v45;
	[tilespmem:v48+s24+$0x0] =	vst.idx.msk $0xffff, v53  }
0xcf: {  	v38 =	vmul.f32 $8.000000000e+00, v38;
	v48 =	vadd.s32 v8, v34;
	v53 =	vld [tilespmem:s20+$0x40];
	v44 =	vmul.f32 $8.000000000e+00, v44;
	[tilespmem:v49+s24+$0x0] =	vst.idx.msk $0xffff, v55  }
0xd0: {  	v57 =	vadd.s32 v1, v35;
	v49 =	vadd.s32 v0, v34;
	v55 =	vld [tilespmem:s20+$0x0];
	v43 =	vmul.f32 $8.000000000e+00, v43;
	[tilespmem:v51+s24+$0x0] =	vst.idx.msk $0xffff, v54  }
0xd1: {  	v51 =	vadd.s32 v27, v34;
	v54 =	vld [tilespmem:s20+$0xC0];
	[tilespmem:v52+s24+$0x0] =	vst.idx.msk $0xffff, v38  }
0xd2: {  	v38 =	vmul.f32 $8.000000000e+00, v46;
	v52 =	vadd.s32 v24, v35;
	v46 =	vld [tilespmem:s19+$0xFFFFFF50];
	[tilespmem:v36+s24+$0x0] =	vst.idx.msk $0xffff, v47;
	v36 =	vmovc v33;
	v33 =	vmov v51  }
0xd3: {  	v47 =	vld [tilespmem:s20+$0xFFFFFF80];
	[tilespmem:v56+s24+$0x0] =	vst.idx.msk $0xffff, v45;
	v45 =	vadd.s32 v21, v35  }
0xd4: {  	v51 =	vadd.s32 v5, v35;
	v50 =	vmul.f32 $8.000000000e+00, v50;
	v56 =	vld [tilespmem:s19+$0xFFFFFFE0];
	[tilespmem:v42+s24+$0x0] =	vst.idx.msk $0xffff, v44  }
0xd5: {  	v42 =	vld [tilespmem:s20+$0xFFFFFF00];
	[tilespmem:v57+s24+$0x0] =	vst.idx.msk $0xffff, v38;
	v38 =	vadd.s32 v17, v35  }
0xd6: {  	v44 =	vld [tilespmem:s19+$0xFFFFFF20];
	[tilespmem:v39+s24+$0x0] =	vst.idx.msk $0xffff, v43  }
0xd7: {  	v39 =	vld [tilespmem:s20+$0xFFFFFFC0];
	v43 =	vmul.f32 $8.000000000e+00, v46;
	v46 =	vadd.s32 v10, v35;
	[tilespmem:v52+s24+$0x0] =	vst.idx.msk $0xffff, v41  }
0xd8: {  	v41 =	vmul.f32 $8.000000000e+00, v47;
	v47 =	vadd.s32 v20, v34;
	[tilespmem:v45+s24+$0x0] =	vst.idx.msk $0xffff, v37;
	v37 =	vld [tilespmem:s19+$0x90]  }
0xd9: {  	v52 =	vadd.s32 v2, v35;
	v45 =	vadd.s32 v28, v34;
	[tilespmem:v51+s24+$0x0] =	vst.idx.msk $0xffff, v43;
	v43 =	vld [tilespmem:s19+$0xE0]  }
0xda: {  	[tilespmem:v38+s24+$0x0] =	vst.idx.msk $0xffff, v40;
	v38 =	vld [tilespmem:s19+$0x60];
	v40 =	vadd.s32 v25, v35  }
0xdb: {  	v51 =	vld [tilespmem:s20+$0xFFFFFF40];
	[tilespmem:v48+s24+$0x0] =	vst.idx.msk $0xffff, v41;
	v41 =	vmul.f32 $8.000000000e+00, v53;
	v44 =	vmul.f32 $8.000000000e+00, v44;
	v48 =	vadd.s32 v14, v35  }
0xdc: {  	v54 =	vmul.f32 $8.000000000e+00, v54;
	v53 =	vld [tilespmem:s20+$0xFFFFFF90];
	[tilespmem:v46+s24+$0x0] =	vst.idx.msk $0xffff, v50;
	v46 =	vadd.s32 v22, v35  }
0xdd: {  	v39 =	vmul.f32 $8.000000000e+00, v39;
	v50 =	vadd.s32 v30, v35;
	[tilespmem:v47+s24+$0x0] =	vst.idx.msk $0xffff, v41;
	v47 =	vld [tilespmem:s19+$0xFFFFFFB0];
	v37 =	vmul.f32 $8.000000000e+00, v37  }
0xde: {  	v55 =	vmul.f32 $8.000000000e+00, v55;
	v41 =	vmul.f32 $8.000000000e+00, v56;
	[tilespmem:v52+s24+$0x0] =	vst.idx.msk $0xffff, v44;
	v44 =	vld [tilespmem:s19+$0x20]  }
0xdf: {  	v52 =	vadd.s32 v12, v34;
	v56 =	vld [tilespmem:s19+$0xFFFFFF60];
	v38 =	vmul.f32 $8.000000000e+00, v38;
	[tilespmem:v40+s24+$0x0] =	vst.idx.msk $0xffff, v37  }
0xe0: {  	v43 =	vmul.f32 $8.000000000e+00, v43;
	v37 =	vadd.s32 v16, v34;
	[tilespmem:v48+s24+$0x0] =	vst.idx.msk $0xffff, v41;
	v40 =	vld [tilespmem:s19+$0xA0]  }
0xe1: {  	v57 =	vadd.s32 v18, v35;
	v48 =	vld [tilespmem:s19+$0xFFFFFFF0];
	[tilespmem:v46+s24+$0x0] =	vst.idx.msk $0xffff, v38  }
0xe2: {  	v41 =	vmul.f32 $8.000000000e+00, v51;
	v51 =	vadd.s32 v26, v35;
	v46 =	vld [tilespmem:s20+$0x50];
	[tilespmem:v50+s24+$0x0] =	vst.idx.msk $0xffff, v43  }
0xe3: {  	[tilespmem:v45+s24+$0x0] =	vst.idx.msk $0xffff, v54;
	v38 =	vld [tilespmem:s19+$0xFFFFFF30]  }
0xe4: {  	v44 =	vmul.f32 $8.000000000e+00, v44;
	[tilespmem:v52+s24+$0x0] =	vst.idx.msk $0xffff, v39;
	v43 =	vld [tilespmem:s20+$0xD0];
	v39 =	vmul.f32 $8.000000000e+00, v56;
	v52 =	vadd.s32 v6, v35  }
0xe5: {  	v53 =	vmul.f32 $8.000000000e+00, v53;
	v54 =	vadd.s32 v15, v35;
	[tilespmem:v37+s24+$0x0] =	vst.idx.msk $0xffff, v55;
	v37 =	vmul.f32 $8.000000000e+00, v40;
	v56 =	vld [tilespmem:s19+$0xF0]  }
0xe6: {  	v42 =	vmul.f32 $8.000000000e+00, v42;
	v55 =	vadd.s32 v9, v34;
	v40 =	vld [tilespmem:s20+$0x10];
	[tilespmem:v57+s24+$0x0] =	vst.idx.msk $0xffff, v44  }
0xe7: {  	v58 =	vadd.s32 v11, v35;
	v57 =	vmul.f32 $8.000000000e+00, v47;
	v59 =	vld [tilespmem:s19+$0x30];
	[tilespmem:v51+s24+$0x0] =	vst.idx.msk $0xffff, v37  }
.Ltmp2:
0xe8: {  	v50 =	vadd.s32 v4, v34;
	v37 =	vmul.f32 $8.000000000e+00, v46;
	[tilespmem:v49+s24+$0x0] =	vst.idx.msk $0xffff, v42;
	v42 =	vmul.f32 $8.000000000e+00, v48;
	v47 =	vld [tilespmem:s19+$0xB0];
	(pc) =	sbr.rel @p1 .LBB2_3-.Ltmp2, $4  }
0xe9: {  	v48 =	vadd.s32 v29, v34;
	v45 =	vld [tilespmem:s20+$0xFFFFFFD0];
	[tilespmem:v52+s24+$0x0] =	vst.idx.msk $0xffff, v39  }
0xea: {  	v49 =	vadd.s32 v19, v35;
	v39 =	vadd.s32 v23, v35;
	v44 =	vld [tilespmem:s19+$0xFFFFFF70];
	[tilespmem:v54+s24+$0x0] =	vst.idx.msk $0xffff, v42  }
0xeb: {  	v51 =	vadd.s32 v31, v35;
	v42 =	vadd.s32 v7, v35;
	[tilespmem:v55+s24+$0x0] =	vst.idx.msk $0xffff, v53;
	v53 =	vmul.f32 $8.000000000e+00, v43;
	v43 =	vld [tilespmem:s19+$0x70];
	s19 =	smov.u32 s20  }
0xec: {  	v52 =	vadd.s32 v3, v35;
	v54 =	vmul.f32 $8.000000000e+00, v56;
	v35 =	vmovc v34;
	s20 =	sadd.s32 $0x200, s20;
	v46 =	vld [tilespmem:s19+$0xFFFFFF10];
	[tilespmem:v58+s24+$0x0] =	vst.idx.msk $0xffff, v57;
	v55 =	vmul.f32 $8.000000000e+00, v59  }
0xed: {  	_ =	sdelay $0x3  }
0xee: {  	v34 =	vadd.s32 v24, v35;
	[tilespmem:v50+s24+$0x0] =	vst.idx.msk $0xffff, v41  }
0xef: {  	[tilespmem:v48+s24+$0x0] =	vst.idx.msk $0xffff, v53  }
0xf0: {  	v59 =	vadd.s32 v13, v35;
	v38 =	vmul.f32 $8.000000000e+00, v38;
	[tilespmem:v49+s24+$0x0] =	vst.idx.msk $0xffff, v55  }
0xf1: {  	v32 =	vmul.f32 $8.000000000e+00, v32;
	v60 =	vadd.s32 v17, v35;
	[tilespmem:v51+s24+$0x0] =	vst.idx.msk $0xffff, v54  }
0xf2: {  	v49 =	vld [tilespmem:s19+$0xFFFFFF50];
	[tilespmem:v52+s24+$0x0] =	vst.idx.msk $0xffff, v38;
	v44 =	vmul.f32 $8.000000000e+00, v44  }
0xf3: {  	v62 =	vadd.s32 v1, v35;
	v61 =	vmul.f32 $8.000000000e+00, v45;
	[tilespmem:v34+s24+$0x0] =	vst.idx.msk $0xffff, v32  }
0xf4: {  	v50 =	vmul.f32 $8.000000000e+00, v40;
	v53 =	vadd.s32 v5, v35;
	[tilespmem:v42+s24+$0x0] =	vst.idx.msk $0xffff, v44;
	v63 =	vld [tilespmem:s19+$0x90]  }
0xf5: {  	v56 =	vadd.s32 v21, v35;
	v55 =	vld [tilespmem:s19+$0xFFFFFFA0];
	v43 =	vmul.f32 $8.000000000e+00, v43;
	[tilespmem:v59+s24+$0x0] =	vst.idx.msk $0xffff, v61  }
0xf6: {  	v51 =	vadd.s32 v25, v35;
	v52 =	vmul.f32 $8.000000000e+00, v46;
	[tilespmem:v60+s24+$0x0] =	vst.idx.msk $0xffff, v50;
	v54 =	vld [tilespmem:s19+$0xFFFFFFE0]  }
0xf7: {  	[tilespmem:v39+s24+$0x0] =	vst.idx.msk $0xffff, v43;
	v61 =	vadd.s32 v10, v35;
	v59 =	vld [tilespmem:s19+$0x20];
	v60 =	vmul.f32 $8.000000000e+00, v49  }
0xf8: {  	v57 =	vadd.s32 v14, v35;
	[tilespmem:v62+s24+$0x0] =	vst.idx.msk $0xffff, v52;
	v62 =	vld [tilespmem:s19+$0xE0]  }
0xf9: {  	v48 =	vadd.s32 v18, v35;
	[tilespmem:v53+s24+$0x0] =	vst.idx.msk $0xffff, v60;
	v58 =	vmul.f32 $8.000000000e+00, v63;
	v63 =	vld [tilespmem:s19+$0xFFFFFF20]  }
0xfa: {  	[tilespmem:v56+s24+$0x0] =	vst.idx.msk $0xffff, v37;
	v49 =	vadd.s32 v30, v35;
	v42 =	vmul.f32 $8.000000000e+00, v55;
	v53 =	vld [tilespmem:s19+$0xFFFFFF60]  }
0xfb: {  	v52 =	vadd.s32 v2, v35;
	v50 =	vmul.f32 $8.000000000e+00, v54;
	v54 =	vld [tilespmem:s19+$0x60];
	[tilespmem:v51+s24+$0x0] =	vst.idx.msk $0xffff, v58  }
0xfc: {  	[tilespmem:v61+s24+$0x0] =	vst.idx.msk $0xffff, v42;
	v38 =	vmul.f32 $8.000000000e+00, v59;
	v58 =	vadd.s32 v6, v35;
	v51 =	vld [tilespmem:s19+$0xA0]  }
0xfd: {  	v60 =	vadd.s32 v22, v35;
	v56 =	vmul.f32 $8.000000000e+00, v62;
	v61 =	vld [tilespmem:s19+$0xFFFFFFB0];
	[tilespmem:v57+s24+$0x0] =	vst.idx.msk $0xffff, v50  }
0xfe: {  	v55 =	vadd.s32 v26, v35;
	[tilespmem:v48+s24+$0x0] =	vst.idx.msk $0xffff, v38;
	v57 =	vld [tilespmem:s19+$0xFFFFFFF0];
	v59 =	vmul.f32 $8.000000000e+00, v63  }
0xff: {  	[tilespmem:v49+s24+$0x0] =	vst.idx.msk $0xffff, v56;
	v48 =	vmul.f32 $8.000000000e+00, v53  }
0x100: {  	v49 =	vadd.s32 v11, v35;
	v38 =	vld [tilespmem:s19+$0x30];
	v50 =	vmul.f32 $8.000000000e+00, v54;
	[tilespmem:v52+s24+$0x0] =	vst.idx.msk $0xffff, v59  }
0x101: {  	v62 =	vadd.s32 v15, v35;
	v39 =	vld [tilespmem:s19+$0xF0];
	[tilespmem:v58+s24+$0x0] =	vst.idx.msk $0xffff, v48;
	v63 =	vmul.f32 $8.000000000e+00, v51  }
0x102: {  	v47 =	vmul.f32 $8.000000000e+00, v47;
	v52 =	vadd.s32 v19, v35;
	[tilespmem:v60+s24+$0x0] =	vst.idx.msk $0xffff, v50;
	v51 =	vld [tilespmem:s19+$0xFFFFFF30]  }
0x103: {  	v56 =	vmul.f32 $8.000000000e+00, v61;
	v53 =	vmul.f32 $8.000000000e+00, v57;
	v57 =	vld [tilespmem:s19+$0xFFFFFF70];
	[tilespmem:v55+s24+$0x0] =	vst.idx.msk $0xffff, v63;
	v55 =	vadd.s32 v31, v35  }
0x104: {  	[tilespmem:v36+s24+$0x0] =	vst.idx.msk $0xffff, v47;
	v58 =	vadd.s32 v3, v35;
	v59 =	vld [tilespmem:s19+$0x70]  }
0x105: {  	v61 =	vadd.s32 v7, v35;
	[tilespmem:v49+s24+$0x0] =	vst.idx.msk $0xffff, v56;
	v60 =	vmul.f32 $8.000000000e+00, v38;
	v54 =	vld [tilespmem:s19+$0xB0]  }
0x106: {  	v39 =	vmul.f32 $8.000000000e+00, v39;
	[tilespmem:v62+s24+$0x0] =	vst.idx.msk $0xffff, v53;
	v62 =	vadd.s32 v23, v35  }
0x107: {  	[tilespmem:v52+s24+$0x0] =	vst.idx.msk $0xffff, v60;
	v63 =	vmul.f32 $8.000000000e+00, v51  }
0x108: {  	v44 =	vmul.f32 $8.000000000e+00, v57;
	[tilespmem:v55+s24+$0x0] =	vst.idx.msk $0xffff, v39  }
0x109: {  	s14 =	sadd.s32 s5, s18;
	v32 =	vmul.f32 $8.000000000e+00, v59;
	[tilespmem:v58+s24+$0x0] =	vst.idx.msk $0xffff, v63  }
0x10a: {  	s20 =	sshll.u32 s14, $0xA;
	s14 =	sshll.u32 s14, $0x7;
	[tilespmem:v61+s24+$0x0] =	vst.idx.msk $0xffff, v44;
	v42 =	vmul.f32 $8.000000000e+00, v54  }
0x10b: {  	s14 =	sand.u32 $0xE00, s14;
	s19 =	sand.u32 $0xFFF8000, s20;
	[tilespmem:v62+s24+$0x0] =	vst.idx.msk $0xffff, v32  }
0x10c: {  	s14 =	sor.u32 s14, s19;
	[tilespmem:v33+s24+$0x0] =	vst.idx.msk $0xffff, v42  }
0x10d: {  	s19 =	sadd.s32 s2, s14;
	[bflag:$0x0] =	sbarrier.arrive $0xFFFF  }
0x10e: {  	[hbm4b:s19+s3] =	stream.linear.scatter [tilespmem:s24], [sflag:$0x5], $0x80, $0x38;
	[tilespmem:$0x16C00] =	vst v63  }
0x10f: {  	s28 =	simm.s32 $0xE488;
	s20 =	sadd.s32 $0x10, s19  }
0x110: {  	[hbm4b:s20+s3] =	stream.linear.scatter [tilespmem:s28], [sflag:$0x5], $0x80, $0x38;
	[tilespmem:$0x16C00] =	vst v63  }
0x111: {  	s20 =	sadd.s32 $0x20, s19;
	s28 =	simm.s32 $0xE510  }
0x112: {  	[hbm4b:s20+s3] =	stream.linear.scatter [tilespmem:s28], [sflag:$0x5], $0x80, $0x38;
	[tilespmem:$0x16C00] =	vst v63  }
0x113: {  	s20 =	sadd.s32 $0x30, s19;
	s28 =	simm.s32 $0xE598  }
0x114: {  	[hbm4b:s20+s3] =	stream.linear.scatter [tilespmem:s28], [sflag:$0x5], $0x80, $0x38;
	[tilespmem:$0x16C00] =	vst v63  }
0x115: {  	s20 =	sadd.s32 $0x40, s19;
	s28 =	simm.s32 $0xE620  }
0x116: {  	[hbm4b:s20+s3] =	stream.linear.scatter [tilespmem:s28], [sflag:$0x5], $0x80, $0x38;
	[tilespmem:$0x16C00] =	vst v63  }
0x117: {  	s20 =	sadd.s32 $0x50, s19;
	s28 =	simm.s32 $0xE6A8  }
0x118: {  	[hbm4b:s20+s3] =	stream.linear.scatter [tilespmem:s28], [sflag:$0x5], $0x80, $0x38;
	[tilespmem:$0x16C00] =	vst v63  }
0x119: {  	s20 =	sadd.s32 $0x60, s19;
	s28 =	simm.s32 $0xE730  }
0x11a: {  	[hbm4b:s20+s3] =	stream.linear.scatter [tilespmem:s28], [sflag:$0x5], $0x80, $0x38;
	[tilespmem:$0x16C00] =	vst v63  }
0x11b: {  	s19 =	sadd.s32 $0x70, s19;
	s20 =	simm.s32 $0xE7B8  }
0x11c: {  	[hbm4b:s19+s3] =	stream.linear.scatter [tilespmem:s20], [sflag:$0x5], $0x80, $0x38;
	[tilespmem:$0x16C00] =	vst v63  }
0x11d: {  	s19 =	sadd.s32 s14, s7;
	s20 =	simm.s32 $0xE840  }
0x11e: {  	[hbm4b:s19+s3] =	stream.linear.scatter [tilespmem:s20], [sflag:$0x5], $0x80, $0x38;
	[tilespmem:$0x16C00] =	vst v63  }
0x11f: {  	s28 =	simm.s32 $0xE8C8;
	s20 =	sadd.s32 $0x10, s19  }
0x120: {  	[hbm4b:s20+s3] =	stream.linear.scatter [tilespmem:s28], [sflag:$0x5], $0x80, $0x38;
	[tilespmem:$0x16C00] =	vst v63  }
0x121: {  	s20 =	sadd.s32 $0x20, s19;
	s28 =	simm.s32 $0xE950  }
0x122: {  	[hbm4b:s20+s3] =	stream.linear.scatter [tilespmem:s28], [sflag:$0x5], $0x80, $0x38;
	[tilespmem:$0x16C00] =	vst v63  }
0x123: {  	s20 =	sadd.s32 $0x30, s19;
	s28 =	simm.s32 $0xE9D8  }
0x124: {  	[hbm4b:s20+s3] =	stream.linear.scatter [tilespmem:s28], [sflag:$0x5], $0x80, $0x38;
	[tilespmem:$0x16C00] =	vst v63  }
0x125: {  	s20 =	sadd.s32 $0x40, s19;
	s28 =	simm.s32 $0xEA60  }
0x126: {  	[hbm4b:s20+s3] =	stream.linear.scatter [tilespmem:s28], [sflag:$0x5], $0x80, $0x38;
	[tilespmem:$0x16C00] =	vst v63  }
0x127: {  	s20 =	sadd.s32 $0x50, s19;
	s28 =	simm.s32 $0xEAE8  }
0x128: {  	[hbm4b:s20+s3] =	stream.linear.scatter [tilespmem:s28], [sflag:$0x5], $0x80, $0x38;
	[tilespmem:$0x16C00] =	vst v63  }
0x129: {  	s20 =	sadd.s32 $0x60, s19;
	s28 =	simm.s32 $0xEB70  }
0x12a: {  	[hbm4b:s20+s3] =	stream.linear.scatter [tilespmem:s28], [sflag:$0x5], $0x80, $0x38;
	[tilespmem:$0x16C00] =	vst v63  }
0x12b: {  	s19 =	sadd.s32 $0x70, s19;
	s20 =	simm.s32 $0xEBF8  }
0x12c: {  	[hbm4b:s19+s3] =	stream.linear.scatter [tilespmem:s20], [sflag:$0x5], $0x80, $0x38;
	[tilespmem:$0x16C00] =	vst v63  }
0x12d: {  	s19 =	sadd.s32 s14, s8;
	s20 =	simm.s32 $0xEC80  }
0x12e: {  	[hbm4b:s19+s3] =	stream.linear.scatter [tilespmem:s20], [sflag:$0x5], $0x80, $0x38;
	[tilespmem:$0x16C00] =	vst v63  }
0x12f: {  	s28 =	simm.s32 $0xED08;
	s20 =	sadd.s32 $0x10, s19  }
0x130: {  	[hbm4b:s20+s3] =	stream.linear.scatter [tilespmem:s28], [sflag:$0x5], $0x80, $0x38;
	[tilespmem:$0x16C00] =	vst v63  }
0x131: {  	s20 =	sadd.s32 $0x20, s19;
	s28 =	simm.s32 $0xED90  }
0x132: {  	[hbm4b:s20+s3] =	stream.linear.scatter [tilespmem:s28], [sflag:$0x5], $0x80, $0x38;
	[tilespmem:$0x16C00] =	vst v63  }
0x133: {  	s20 =	sadd.s32 $0x30, s19;
	s28 =	simm.s32 $0xEE18  }
0x134: {  	[hbm4b:s20+s3] =	stream.linear.scatter [tilespmem:s28], [sflag:$0x5], $0x80, $0x38;
	[tilespmem:$0x16C00] =	vst v63  }
0x135: {  	s20 =	sadd.s32 $0x40, s19;
	s28 =	simm.s32 $0xEEA0  }
0x136: {  	[hbm4b:s20+s3] =	stream.linear.scatter [tilespmem:s28], [sflag:$0x5], $0x80, $0x38;
	[tilespmem:$0x16C00] =	vst v63  }
0x137: {  	s20 =	sadd.s32 $0x50, s19;
	s28 =	simm.s32 $0xEF28  }
0x138: {  	[hbm4b:s20+s3] =	stream.linear.scatter [tilespmem:s28], [sflag:$0x5], $0x80, $0x38;
	[tilespmem:$0x16C00] =	vst v63  }
0x139: {  	s20 =	sadd.s32 $0x60, s19;
	s28 =	simm.s32 $0xEFB0  }
0x13a: {  	[hbm4b:s20+s3] =	stream.linear.scatter [tilespmem:s28], [sflag:$0x5], $0x80, $0x38;
	[tilespmem:$0x16C00] =	vst v63  }
0x13b: {  	s19 =	sadd.s32 $0x70, s19;
	s20 =	simm.s32 $0xF038  }
0x13c: {  	[hbm4b:s19+s3] =	stream.linear.scatter [tilespmem:s20], [sflag:$0x5], $0x80, $0x38;
	[tilespmem:$0x16C00] =	vst v63  }
0x13d: {  	s19 =	sadd.s32 s14, s9;
	s20 =	simm.s32 $0xF0C0  }
0x13e: {  	[hbm4b:s19+s3] =	stream.linear.scatter [tilespmem:s20], [sflag:$0x5], $0x80, $0x38;
	[tilespmem:$0x16C00] =	vst v63  }
0x13f: {  	s28 =	simm.s32 $0xF148;
	s20 =	sadd.s32 $0x10, s19  }
0x140: {  	[hbm4b:s20+s3] =	stream.linear.scatter [tilespmem:s28], [sflag:$0x5], $0x80, $0x38;
	[tilespmem:$0x16C00] =	vst v63  }
0x141: {  	s20 =	sadd.s32 $0x20, s19;
	s28 =	simm.s32 $0xF1D0  }
0x142: {  	[hbm4b:s20+s3] =	stream.linear.scatter [tilespmem:s28], [sflag:$0x5], $0x80, $0x38;
	[tilespmem:$0x16C00] =	vst v63  }
0x143: {  	s20 =	sadd.s32 $0x30, s19;
	s28 =	simm.s32 $0xF258  }
0x144: {  	[hbm4b:s20+s3] =	stream.linear.scatter [tilespmem:s28], [sflag:$0x5], $0x80, $0x38;
	[tilespmem:$0x16C00] =	vst v63  }
0x145: {  	s20 =	sadd.s32 $0x40, s19;
	s28 =	simm.s32 $0xF2E0  }
0x146: {  	[hbm4b:s20+s3] =	stream.linear.scatter [tilespmem:s28], [sflag:$0x5], $0x80, $0x38;
	[tilespmem:$0x16C00] =	vst v63  }
0x147: {  	s20 =	sadd.s32 $0x50, s19;
	s28 =	simm.s32 $0xF368  }
0x148: {  	[hbm4b:s20+s3] =	stream.linear.scatter [tilespmem:s28], [sflag:$0x5], $0x80, $0x38;
	[tilespmem:$0x16C00] =	vst v63  }
0x149: {  	s20 =	sadd.s32 $0x60, s19;
	s28 =	simm.s32 $0xF3F0  }
0x14a: {  	[hbm4b:s20+s3] =	stream.linear.scatter [tilespmem:s28], [sflag:$0x5], $0x80, $0x38;
	[tilespmem:$0x16C00] =	vst v63  }
0x14b: {  	s19 =	sadd.s32 $0x70, s19;
	s20 =	simm.s32 $0xF478  }
0x14c: {  	[hbm4b:s19+s3] =	stream.linear.scatter [tilespmem:s20], [sflag:$0x5], $0x80, $0x38;
	[tilespmem:$0x16C00] =	vst v63  }
0x14d: {  	s19 =	sadd.s32 s14, s10;
	s20 =	simm.s32 $0xF500  }
0x14e: {  	[hbm4b:s19+s3] =	stream.linear.scatter [tilespmem:s20], [sflag:$0x5], $0x80, $0x38;
	[tilespmem:$0x16C00] =	vst v63  }
0x14f: {  	s28 =	simm.s32 $0xF588;
	s20 =	sadd.s32 $0x10, s19  }
0x150: {  	[hbm4b:s20+s3] =	stream.linear.scatter [tilespmem:s28], [sflag:$0x5], $0x80, $0x38;
	[tilespmem:$0x16C00] =	vst v63  }
0x151: {  	s20 =	sadd.s32 $0x20, s19;
	s28 =	simm.s32 $0xF610  }
0x152: {  	[hbm4b:s20+s3] =	stream.linear.scatter [tilespmem:s28], [sflag:$0x5], $0x80, $0x38;
	[tilespmem:$0x16C00] =	vst v63  }
0x153: {  	s20 =	sadd.s32 $0x30, s19;
	s28 =	simm.s32 $0xF698  }
0x154: {  	[hbm4b:s20+s3] =	stream.linear.scatter [tilespmem:s28], [sflag:$0x5], $0x80, $0x38;
	[tilespmem:$0x16C00] =	vst v63  }
0x155: {  	s20 =	sadd.s32 $0x40, s19;
	s28 =	simm.s32 $0xF720  }
0x156: {  	[hbm4b:s20+s3] =	stream.linear.scatter [tilespmem:s28], [sflag:$0x5], $0x80, $0x38;
	[tilespmem:$0x16C00] =	vst v63  }
0x157: {  	s20 =	sadd.s32 $0x50, s19;
	s28 =	simm.s32 $0xF7A8  }
0x158: {  	[hbm4b:s20+s3] =	stream.linear.scatter [tilespmem:s28], [sflag:$0x5], $0x80, $0x38;
	[tilespmem:$0x16C00] =	vst v63  }
0x159: {  	s20 =	sadd.s32 $0x60, s19;
	s28 =	simm.s32 $0xF830  }
0x15a: {  	[hbm4b:s20+s3] =	stream.linear.scatter [tilespmem:s28], [sflag:$0x5], $0x80, $0x38;
	[tilespmem:$0x16C00] =	vst v63  }
0x15b: {  	s19 =	sadd.s32 $0x70, s19;
	s20 =	simm.s32 $0xF8B8  }
0x15c: {  	[hbm4b:s19+s3] =	stream.linear.scatter [tilespmem:s20], [sflag:$0x5], $0x80, $0x38;
	[tilespmem:$0x16C00] =	vst v63  }
0x15d: {  	s19 =	sadd.s32 s14, s11;
	s20 =	simm.s32 $0xF940  }
0x15e: {  	[hbm4b:s19+s3] =	stream.linear.scatter [tilespmem:s20], [sflag:$0x5], $0x80, $0x38;
	[tilespmem:$0x16C00] =	vst v63  }
0x15f: {  	s28 =	simm.s32 $0xF9C8;
	s20 =	sadd.s32 $0x10, s19  }
0x160: {  	[hbm4b:s20+s3] =	stream.linear.scatter [tilespmem:s28], [sflag:$0x5], $0x80, $0x38;
	[tilespmem:$0x16C00] =	vst v63  }
0x161: {  	s20 =	sadd.s32 $0x20, s19;
	s28 =	simm.s32 $0xFA50  }
0x162: {  	[hbm4b:s20+s3] =	stream.linear.scatter [tilespmem:s28], [sflag:$0x5], $0x80, $0x38;
	[tilespmem:$0x16C00] =	vst v63  }
0x163: {  	s20 =	sadd.s32 $0x30, s19;
	s28 =	simm.s32 $0xFAD8  }
0x164: {  	[hbm4b:s20+s3] =	stream.linear.scatter [tilespmem:s28], [sflag:$0x5], $0x80, $0x38;
	[tilespmem:$0x16C00] =	vst v63  }
0x165: {  	s20 =	sadd.s32 $0x40, s19;
	s28 =	simm.s32 $0xFB60  }
0x166: {  	[hbm4b:s20+s3] =	stream.linear.scatter [tilespmem:s28], [sflag:$0x5], $0x80, $0x38;
	[tilespmem:$0x16C00] =	vst v63  }
0x167: {  	s20 =	sadd.s32 $0x50, s19;
	s28 =	simm.s32 $0xFBE8  }
0x168: {  	[hbm4b:s20+s3] =	stream.linear.scatter [tilespmem:s28], [sflag:$0x5], $0x80, $0x38;
	[tilespmem:$0x16C00] =	vst v63  }
0x169: {  	s20 =	sadd.s32 $0x60, s19;
	s28 =	simm.s32 $0xFC70  }
0x16a: {  	[hbm4b:s20+s3] =	stream.linear.scatter [tilespmem:s28], [sflag:$0x5], $0x80, $0x38;
	[tilespmem:$0x16C00] =	vst v63  }
0x16b: {  	s19 =	sadd.s32 $0x70, s19;
	s20 =	simm.s32 $0xFCF8  }
0x16c: {  	[hbm4b:s19+s3] =	stream.linear.scatter [tilespmem:s20], [sflag:$0x5], $0x80, $0x38;
	[tilespmem:$0x16C00] =	vst v63  }
0x16d: {  	s19 =	sadd.s32 s14, s12;
	s20 =	simm.s32 $0xFD80  }
0x16e: {  	[hbm4b:s19+s3] =	stream.linear.scatter [tilespmem:s20], [sflag:$0x5], $0x80, $0x38;
	[tilespmem:$0x16C00] =	vst v63  }
0x16f: {  	s28 =	simm.s32 $0xFE08;
	s20 =	sadd.s32 $0x10, s19  }
0x170: {  	[hbm4b:s20+s3] =	stream.linear.scatter [tilespmem:s28], [sflag:$0x5], $0x80, $0x38;
	[tilespmem:$0x16C00] =	vst v63  }
0x171: {  	s20 =	sadd.s32 $0x20, s19;
	s28 =	simm.s32 $0xFE90  }
0x172: {  	[hbm4b:s20+s3] =	stream.linear.scatter [tilespmem:s28], [sflag:$0x5], $0x80, $0x38;
	[tilespmem:$0x16C00] =	vst v63  }
0x173: {  	s20 =	sadd.s32 $0x30, s19;
	s28 =	simm.s32 $0xFF18  }
0x174: {  	[hbm4b:s20+s3] =	stream.linear.scatter [tilespmem:s28], [sflag:$0x5], $0x80, $0x38;
	[tilespmem:$0x16C00] =	vst v63  }
0x175: {  	s20 =	sadd.s32 $0x40, s19;
	s28 =	simm.s32 $0xFFA0  }
0x176: {  	[hbm4b:s20+s3] =	stream.linear.scatter [tilespmem:s28], [sflag:$0x5], $0x80, $0x38;
	[tilespmem:$0x16C00] =	vst v63  }
0x177: {  	s20 =	sadd.s32 $0x50, s19;
	s28 =	simm.s32 $0x10028  }
0x178: {  	[hbm4b:s20+s3] =	stream.linear.scatter [tilespmem:s28], [sflag:$0x5], $0x80, $0x38;
	[tilespmem:$0x16C00] =	vst v63  }
0x179: {  	s20 =	sadd.s32 $0x60, s19;
	s28 =	simm.s32 $0x100B0  }
0x17a: {  	[hbm4b:s20+s3] =	stream.linear.scatter [tilespmem:s28], [sflag:$0x5], $0x80, $0x38;
	[tilespmem:$0x16C00] =	vst v63  }
0x17b: {  	s19 =	sadd.s32 $0x70, s19;
	s20 =	simm.s32 $0x10138  }
0x17c: {  	[hbm4b:s19+s3] =	stream.linear.scatter [tilespmem:s20], [sflag:$0x5], $0x80, $0x38;
	[tilespmem:$0x16C00] =	vst v63  }
0x17d: {  	s14 =	sadd.s32 s14, s13;
	s20 =	simm.s32 $0x101C0  }
0x17e: {  	[hbm4b:s14+s3] =	stream.linear.scatter [tilespmem:s20], [sflag:$0x5], $0x80, $0x38;
	[tilespmem:$0x16C00] =	vst v63  }
0x17f: {  	s19 =	sadd.s32 $0x10, s14;
	s20 =	simm.s32 $0x10248  }
0x180: {  	[hbm4b:s19+s3] =	stream.linear.scatter [tilespmem:s20], [sflag:$0x5], $0x80, $0x38;
	[tilespmem:$0x16C00] =	vst v63  }
0x181: {  	s19 =	sadd.s32 $0x20, s14;
	s20 =	simm.s32 $0x102D0  }
0x182: {  	[hbm4b:s19+s3] =	stream.linear.scatter [tilespmem:s20], [sflag:$0x5], $0x80, $0x38;
	[tilespmem:$0x16C00] =	vst v63  }
0x183: {  	s19 =	sadd.s32 $0x30, s14;
	s20 =	simm.s32 $0x10358  }
0x184: {  	[hbm4b:s19+s3] =	stream.linear.scatter [tilespmem:s20], [sflag:$0x5], $0x80, $0x38;
	[tilespmem:$0x16C00] =	vst v63  }
0x185: {  	s19 =	sadd.s32 $0x40, s14;
	s20 =	simm.s32 $0x103E0  }
0x186: {  	[hbm4b:s19+s3] =	stream.linear.scatter [tilespmem:s20], [sflag:$0x5], $0x80, $0x38;
	[tilespmem:$0x16C00] =	vst v63  }
0x187: {  	s19 =	sadd.s32 $0x50, s14;
	s20 =	simm.s32 $0x10468  }
0x188: {  	[hbm4b:s19+s3] =	stream.linear.scatter [tilespmem:s20], [sflag:$0x5], $0x80, $0x38;
	[tilespmem:$0x16C00] =	vst v63  }
0x189: {  	s19 =	sadd.s32 $0x60, s14;
	s20 =	simm.s32 $0x104F0  }
0x18a: {  	[hbm4b:s19+s3] =	stream.linear.scatter [tilespmem:s20], [sflag:$0x5], $0x80, $0x38;
	[tilespmem:$0x16C00] =	vst v63  }
0x18b: {  	p1 =	seq.s32 s17, $0x31;
	s14 =	sadd.s32 $0x70, s14;
	s20 =	simm.s32 $0x10578  }
0x18c: {  	[hbm4b:s14+s3] =	stream.linear.scatter [tilespmem:s20], [sflag:$0x5], $0x80, $0x38;
	[tilespmem:$0x16C00] =	vst v63  }
0x18d: {  	s14 =	sshll.u32 @!p1 s17, $0x9  }
0x18e: {  	s19 =	sand.u32 @!p1 $0x3FFFFE00, s14  }
0x18f: {  	s28 =	simm.s32 @!p1 $0x6400;
	s20 =	simm.s32 @!p1 $0x80;
	s14 =	sadd.s32 @!p1 $0x200, s19  }
0x190: {  	[tilespmem:s28], [sflag:$0x1] =	stream.indirect.gather @!p1 [hbm4b:s4+s20], $0x40, s14, s20, $0xb8;
	[tilespmem:$0x16C00] =	vst v63  }
0x191: {  	_ =	swait.ge [sflag:s21], $0x2000  }
0x192: {  	[sflag:s21] =	ssyncset.done $0x0  }
0x193: {  	s14 =	simm.s32 @!p0 $0x6;
	[sflag:s21] =	ssyncadd.s32 $0xFFFFE000  }
0x194: {  	_ =	swait.ge @!p0 [sflag:s14], $0x400  }
0x195: {  	[sflag:s14] =	ssyncset.done @!p0 $0x0  }
0x196: {  	[sflag:s14] =	ssyncadd.s32 @!p0 $0xFFFFFC00  }
0x197: {  	_ =	swait.ge @!p0 [sflag:s14], $0x400  }
0x198: {  	[sflag:s14] =	ssyncset.done @!p0 $0x0  }
0x199: {  	[sflag:s14] =	ssyncadd.s32 @!p0 $0xFFFFFC00  }
0x19a: {  	_ =	swait.ge @!p0 [sflag:s14], $0x400  }
0x19b: {  	[sflag:s14] =	ssyncset.done @!p0 $0x0  }
0x19c: {  	[sflag:s14] =	ssyncadd.s32 @!p0 $0xFFFFFC00  }
0x19d: {  	_ =	swait.ge @!p0 [sflag:s14], $0x400  }
0x19e: {  	[sflag:s14] =	ssyncset.done @!p0 $0x0  }
0x19f: {  	[sflag:s14] =	ssyncadd.s32 @!p0 $0xFFFFFC00  }
0x1a0: {  	_ =	swait.ge @!p0 [sflag:s14], $0x400  }
0x1a1: {  	[sflag:s14] =	ssyncset.done @!p0 $0x0  }
0x1a2: {  	[sflag:s14] =	ssyncadd.s32 @!p0 $0xFFFFFC00  }
0x1a3: {  	_ =	swait.ge @!p0 [sflag:s14], $0x400  }
0x1a4: {  	[sflag:s14] =	ssyncset.done @!p0 $0x0  }
0x1a5: {  	[sflag:s14] =	ssyncadd.s32 @!p0 $0xFFFFFC00  }
0x1a6: {  	_ =	swait.ge @!p0 [sflag:s14], $0x400  }
0x1a7: {  	[sflag:s14] =	ssyncset.done @!p0 $0x0  }
0x1a8: {  	[sflag:s14] =	ssyncadd.s32 @!p0 $0xFFFFFC00  }
0x1a9: {  	_ =	swait.ge @!p0 [sflag:s14], $0x400  }
0x1aa: {  	[sflag:s14] =	ssyncset.done @!p0 $0x0  }
0x1ab: {  	[sflag:s14] =	ssyncadd.s32 @!p0 $0xFFFFFC00  }
0x1ac: {  	s14 =	simm.s32 $0x85F0;
	[bflag:$0x0] =	sbarrier.arrive $0xFFFF  }
0x1ad: {  	v45 =	vld [tilespmem:s14+$0xFFFFFE90]  }
0x1ae: {  	v47 =	vld [tilespmem:s14+$0xFFFFFF50]  }
0x1af: {  	v48 =	vld [tilespmem:s14+$0xFFFFFFD0]  }
0x1b0: {  	v49 =	vld [tilespmem:s14+$0xFFFFFF10]  }
0x1b1: {  	v35 =	vimm.s32 $0x0;
	v51 =	vld [tilespmem:s14+$0xFFFFFED0]  }
0x1b2: {  	v46 =	vadd.s32 v8, v35;
	v53 =	vld [tilespmem:s14+$0xFFFFFE10]  }
0x1b3: {  	v52 =	vadd.s32 v28, v35;
	v43 =	vld [tilespmem:s14+$0xFFFFFF90]  }
0x1b4: {  	v56 =	vadd.s32 v12, v35;
	s20 =	simm.s32 $0x87F0;
	v59 =	vld [tilespmem:s14+$0xFFFFFE50]  }
0x1b5: {  	v57 =	vadd.s32 v0, v35;
	v44 =	vld [tilespmem:s20+$0xFFFFFF50];
	v32 =	vmul.f32 $8.000000000e+00, v45  }
0x1b6: {  	v50 =	vadd.s32 v20, v35;
	v40 =	vld [tilespmem:s20+$0xFFFFFFD0];
	v36 =	vmul.f32 $8.000000000e+00, v48  }
0x1b7: {  	v54 =	vadd.s32 v16, v35;
	v55 =	vmul.f32 $8.000000000e+00, v47;
	v61 =	vmul.f32 $8.000000000e+00, v51;
	v45 =	vld [tilespmem:s20+$0xFFFFFF10];
	[tilespmem:v46+s6+$0x0] =	vst.idx.msk $0xffff, v32  }
0x1b8: {  	v60 =	vmul.f32 $8.000000000e+00, v49;
	v49 =	vmul.f32 $8.000000000e+00, v53;
	v47 =	vld [tilespmem:s20+$0xFFFFFED0];
	[tilespmem:v52+s6+$0x0] =	vst.idx.msk $0xffff, v36  }
0x1b9: {  	[tilespmem:v56+s6+$0x0] =	vst.idx.msk $0xffff, v61;
	v52 =	vadd.s32 v4, v35;
	v58 =	vld [tilespmem:s14+$0xFFFFFEA0]  }
0x1ba: {  	[tilespmem:v57+s6+$0x0] =	vst.idx.msk $0xffff, v49;
	v51 =	vld [tilespmem:s14+$0xFFFFFEE0]  }
0x1bb: {  	v62 =	vadd.s32 v9, v35;
	[tilespmem:v50+s6+$0x0] =	vst.idx.msk $0xffff, v55;
	v53 =	vld [tilespmem:s14+$0xFFFFFE20]  }
0x1bc: {  	[tilespmem:v54+s6+$0x0] =	vst.idx.msk $0xffff, v60;
	v54 =	vadd.s32 v13, v35;
	v55 =	vmul.f32 $8.000000000e+00, v59;
	v63 =	vld [tilespmem:s14+$0xFFFFFFE0]  }
0x1bd: {  	v32 =	vld [tilespmem:s20+$0xFFFFFF90];
	v56 =	vadd.s32 v1, v35  }
0x1be: {  	v57 =	vadd.s32 v29, v35;
	v38 =	vld [tilespmem:s14+$0xFFFFFF60];
	[tilespmem:v52+s6+$0x0] =	vst.idx.msk $0xffff, v55;
	v50 =	vmul.f32 $8.000000000e+00, v58  }
0x1bf: {  	v34 =	vmul.f32 $8.000000000e+00, v51;
	v42 =	vld [tilespmem:s14+$0xFFFFFE60];
	v58 =	vadd.s32 v24, v35  }
0x1c0: {  	v60 =	vadd.s32 v21, v35;
	v33 =	vld [tilespmem:s14+$0xFFFFFF20];
	v41 =	vmul.f32 $8.000000000e+00, v53;
	[tilespmem:v62+s6+$0x0] =	vst.idx.msk $0xffff, v50  }
0x1c1: {  	v59 =	vld [tilespmem:s20+$0xFFFFFE90];
	v61 =	vadd.s32 v5, v35;
	v39 =	vmul.f32 $8.000000000e+00, v63;
	[tilespmem:v54+s6+$0x0] =	vst.idx.msk $0xffff, v34  }
0x1c2: {  	v43 =	vmul.f32 $8.000000000e+00, v43;
	v34 =	vadd.s32 $0x8, v35;
	[tilespmem:v56+s6+$0x0] =	vst.idx.msk $0xffff, v41;
	v62 =	vadd.s32 v17, v35;
	v36 =	vld [tilespmem:s14+$0xFFFFFEB0]  }
0x1c3: {  	v49 =	vld [tilespmem:s20+$0xFFFFFE50];
	v38 =	vmul.f32 $8.000000000e+00, v38;
	[tilespmem:v57+s6+$0x0] =	vst.idx.msk $0xffff, v39;
	v63 =	vadd.s32 v8, v34  }
0x1c4: {  	v56 =	vadd.s32 v10, v35;
	v46 =	vld [tilespmem:s14+$0xFFFFFE30];
	v42 =	vmul.f32 $8.000000000e+00, v42;
	[tilespmem:v58+s6+$0x0] =	vst.idx.msk $0xffff, v43  }
0x1c5: {  	v33 =	vmul.f32 $8.000000000e+00, v33;
	[tilespmem:v60+s6+$0x0] =	vst.idx.msk $0xffff, v38;
	v54 =	vadd.s32 v20, v34;
	v57 =	vld [tilespmem:s14+$0xFFFFFFA0]  }
0x1c6: {  	v51 =	vld [tilespmem:s14+$0xFFFFFEF0];
	v58 =	vmul.f32 $8.000000000e+00, v59;
	v59 =	vadd.s32 v2, v35;
	[tilespmem:v61+s6+$0x0] =	vst.idx.msk $0xffff, v42  }
0x1c7: {  	v60 =	vld [tilespmem:s14+$0xFFFFFF70];
	[tilespmem:v62+s6+$0x0] =	vst.idx.msk $0xffff, v33;
	v61 =	vadd.s32 v25, v35;
	v36 =	vmul.f32 $8.000000000e+00, v36  }
0x1c8: {  	v42 =	vld [tilespmem:s14+$0xFFFFFFF0];
	v62 =	vmul.f32 $8.000000000e+00, v44;
	[tilespmem:v63+s6+$0x0] =	vst.idx.msk $0xffff, v58;
	v63 =	vadd.s32 v14, v35  }
0x1c9: {  	v52 =	vld [tilespmem:s20+$0xFFFFFE10];
	v55 =	vmul.f32 $8.000000000e+00, v46;
	[tilespmem:v56+s6+$0x0] =	vst.idx.msk $0xffff, v36;
	v56 =	vadd.s32 v22, v35  }
0x1ca: {  	v38 =	vadd.s32 v30, v35;
	v48 =	vld [tilespmem:s14+$0xFFFFFF30];
	[tilespmem:v54+s6+$0x0] =	vst.idx.msk $0xffff, v62;
	v37 =	vmul.f32 $8.000000000e+00, v57  }
0x1cb: {  	v58 =	vmul.f32 $8.000000000e+00, v51;
	v53 =	vld [tilespmem:s14+$0xFFFFFE70];
	[tilespmem:v59+s6+$0x0] =	vst.idx.msk $0xffff, v55;
	v59 =	vadd.s32 v12, v34  }
0x1cc: {  	v33 =	vmul.f32 $8.000000000e+00, v60;
	v46 =	vld [tilespmem:s20+$0xFFFFFEA0];
	v62 =	vadd.s32 v18, v35;
	[tilespmem:v61+s6+$0x0] =	vst.idx.msk $0xffff, v37  }
0x1cd: {  	v54 =	vld [tilespmem:s20+$0xFFFFFF60];
	v55 =	vadd.s32 v0, v34;
	[tilespmem:v63+s6+$0x0] =	vst.idx.msk $0xffff, v58;
	v61 =	vmul.f32 $8.000000000e+00, v42  }
0x1ce: {  	v41 =	vmul.f32 $8.000000000e+00, v45;
	v57 =	vadd.s32 v28, v34;
	v63 =	vmul.f32 $8.000000000e+00, v47;
	v60 =	vld [tilespmem:s14+$0xFFFFFFB0];
	[tilespmem:v56+s6+$0x0] =	vst.idx.msk $0xffff, v33  }
0x1cf: {  	v50 =	vmul.f32 $8.000000000e+00, v52;
	v52 =	vadd.s32 v9, v34;
	v43 =	vld [tilespmem:s14+$0xFFFFFEC0];
	v45 =	vmul.f32 $8.000000000e+00, v48;
	[tilespmem:v38+s6+$0x0] =	vst.idx.msk $0xffff, v61  }
0x1d0: {  	v47 =	vadd.s32 v26, v35;
	v42 =	vld [tilespmem:s14+$0xFFFFFF00];
	[tilespmem:v59+s6+$0x0] =	vst.idx.msk $0xffff, v63  }
0x1d1: {  	v40 =	vmul.f32 $8.000000000e+00, v40;
	v37 =	vadd.s32 v16, v34;
	v38 =	vld [tilespmem:s14+$0xFFFFFE40];
	[tilespmem:v62+s6+$0x0] =	vst.idx.msk $0xffff, v45  }
0x1d2: {  	v46 =	vmul.f32 $8.000000000e+00, v46;
	v56 =	vadd.s32 v6, v35;
	[tilespmem:v55+s6+$0x0] =	vst.idx.msk $0xffff, v50;
	v58 =	vld [tilespmem:s14+$0x0]  }
0x1d3: {  	[tilespmem:v57+s6+$0x0] =	vst.idx.msk $0xffff, v40;
	v45 =	vld [tilespmem:s20+$0xFFFFFEE0];
	v48 =	vmul.f32 $8.000000000e+00, v60  }
0x1d4: {  	v39 =	vadd.s32 v23, v35;
	v59 =	vadd.s32 v11, v35;
	[tilespmem:v52+s6+$0x0] =	vst.idx.msk $0xffff, v46;
	v51 =	vld [tilespmem:s20+$0xFFFFFFE0]  }
0x1d5: {  	v36 =	vadd.s32 v27, v35;
	v44 =	vmul.f32 $8.000000000e+00, v53;
	v57 =	vadd.s32 v15, v35;
	v60 =	vld [tilespmem:s14+$0xFFFFFF40];
	[tilespmem:v47+s6+$0x0] =	vst.idx.msk $0xffff, v48  }
0x1d6: {  	v33 =	vadd.s32 v27, v34;
	v50 =	vadd.s32 v4, v34;
	[tilespmem:v37+s6+$0x0] =	vst.idx.msk $0xffff, v41;
	v47 =	vld [tilespmem:s14+$0xFFFFFFC0]  }
0x1d7: {  	v63 =	vmul.f32 $8.000000000e+00, v43;
	v52 =	vadd.s32 v3, v35;
	v40 =	vld [tilespmem:s20+$0xFFFFFF20];
	[tilespmem:v56+s6+$0x0] =	vst.idx.msk $0xffff, v44;
	v48 =	vadd.s32 v29, v34  }
0x1d8: {  	v41 =	vmul.f32 $8.000000000e+00, v49;
	v49 =	vadd.s32 v19, v35;
	v62 =	vmul.f32 $8.000000000e+00, v42;
	v44 =	vld [tilespmem:s14+$0xFFFFFE80]  }
0x1d9: {  	v43 =	vld [tilespmem:s14+$0xFFFFFF80];
	v37 =	vmul.f32 $8.000000000e+00, v54;
	[tilespmem:v59+s6+$0x0] =	vst.idx.msk $0xffff, v63;
	v53 =	vmul.f32 $8.000000000e+00, v51;
	v51 =	vadd.s32 v31, v35  }
0x1da: {  	s29 =	simm.s32 $0x89F0;
	s28 =	simm.s32 $0x8;
	v46 =	vld [tilespmem:s20+$0xFFFFFE20];
	v42 =	vadd.s32 v7, v35;
	[tilespmem:v57+s6+$0x0] =	vst.idx.msk $0xffff, v62;
	v54 =	vmul.f32 $8.000000000e+00, v58;
	s14 =	sor.u32 $0x1, s18;
	v35 =	vmovc v34;
	v55 =	vmul.f32 $8.000000000e+00, v60  }
.LBB2_5:
0x1db: {  	s28 =	sadd.s32 $0x8, s28;
	[tilespmem:v50+s6+$0x0] =	vst.idx.msk $0xffff, v41;
	v41 =	vmul.f32 $8.000000000e+00, v32;
	v32 =	vld [tilespmem:s29+$0xFFFFFF90];
	v34 =	vadd.s32 $0x8, v34;
	v47 =	vmul.f32 $8.000000000e+00, v47  }
0x1dc: {  	v56 =	vadd.s32 v13, v35;
	v40 =	vmul.f32 $8.000000000e+00, v40;
	p2 =	slt.u32 s28, $0x78;
	v50 =	vld [tilespmem:s20+$0xFFFFFEB0];
	v45 =	vmul.f32 $8.000000000e+00, v45;
	[tilespmem:v48+s6+$0x0] =	vst.idx.msk $0xffff, v53  }
0x1dd: {  	v38 =	vmul.f32 $8.000000000e+00, v38;
	v48 =	vadd.s32 v8, v34;
	v53 =	vld [tilespmem:s29+$0xFFFFFF50];
	v44 =	vmul.f32 $8.000000000e+00, v44;
	[tilespmem:v49+s6+$0x0] =	vst.idx.msk $0xffff, v55  }
0x1de: {  	v57 =	vadd.s32 v1, v35;
	v49 =	vadd.s32 v0, v34;
	v55 =	vld [tilespmem:s29+$0xFFFFFF10];
	v43 =	vmul.f32 $8.000000000e+00, v43;
	[tilespmem:v51+s6+$0x0] =	vst.idx.msk $0xffff, v54  }
0x1df: {  	v51 =	vadd.s32 v27, v34;
	v54 =	vld [tilespmem:s29+$0xFFFFFFD0];
	[tilespmem:v52+s6+$0x0] =	vst.idx.msk $0xffff, v38  }
0x1e0: {  	v38 =	vmul.f32 $8.000000000e+00, v46;
	v52 =	vadd.s32 v24, v35;
	v46 =	vld [tilespmem:s20+$0xFFFFFE60];
	[tilespmem:v36+s6+$0x0] =	vst.idx.msk $0xffff, v47;
	v36 =	vmovc v33;
	v33 =	vmov v51  }
0x1e1: {  	v47 =	vld [tilespmem:s29+$0xFFFFFE90];
	[tilespmem:v56+s6+$0x0] =	vst.idx.msk $0xffff, v45;
	v45 =	vadd.s32 v21, v35  }
0x1e2: {  	v51 =	vadd.s32 v5, v35;
	v50 =	vmul.f32 $8.000000000e+00, v50;
	v56 =	vld [tilespmem:s20+$0xFFFFFEF0];
	[tilespmem:v42+s6+$0x0] =	vst.idx.msk $0xffff, v44  }
0x1e3: {  	v42 =	vld [tilespmem:s29+$0xFFFFFE10];
	[tilespmem:v57+s6+$0x0] =	vst.idx.msk $0xffff, v38;
	v38 =	vadd.s32 v17, v35  }
0x1e4: {  	v44 =	vld [tilespmem:s20+$0xFFFFFE30];
	[tilespmem:v39+s6+$0x0] =	vst.idx.msk $0xffff, v43  }
0x1e5: {  	v39 =	vld [tilespmem:s29+$0xFFFFFED0];
	v43 =	vmul.f32 $8.000000000e+00, v46;
	v46 =	vadd.s32 v10, v35;
	[tilespmem:v52+s6+$0x0] =	vst.idx.msk $0xffff, v41  }
0x1e6: {  	v41 =	vmul.f32 $8.000000000e+00, v47;
	v47 =	vadd.s32 v20, v34;
	[tilespmem:v45+s6+$0x0] =	vst.idx.msk $0xffff, v37;
	v37 =	vld [tilespmem:s20+$0xFFFFFFA0]  }
0x1e7: {  	v52 =	vadd.s32 v2, v35;
	v45 =	vadd.s32 v28, v34;
	[tilespmem:v51+s6+$0x0] =	vst.idx.msk $0xffff, v43;
	v43 =	vld [tilespmem:s20+$0xFFFFFFF0]  }
0x1e8: {  	[tilespmem:v38+s6+$0x0] =	vst.idx.msk $0xffff, v40;
	v38 =	vld [tilespmem:s20+$0xFFFFFF70];
	v40 =	vadd.s32 v25, v35  }
0x1e9: {  	v51 =	vld [tilespmem:s29+$0xFFFFFE50];
	[tilespmem:v48+s6+$0x0] =	vst.idx.msk $0xffff, v41;
	v41 =	vmul.f32 $8.000000000e+00, v53;
	v44 =	vmul.f32 $8.000000000e+00, v44;
	v48 =	vadd.s32 v14, v35  }
0x1ea: {  	v54 =	vmul.f32 $8.000000000e+00, v54;
	v53 =	vld [tilespmem:s29+$0xFFFFFEA0];
	[tilespmem:v46+s6+$0x0] =	vst.idx.msk $0xffff, v50;
	v46 =	vadd.s32 v22, v35  }
0x1eb: {  	v39 =	vmul.f32 $8.000000000e+00, v39;
	v50 =	vadd.s32 v30, v35;
	[tilespmem:v47+s6+$0x0] =	vst.idx.msk $0xffff, v41;
	v47 =	vld [tilespmem:s20+$0xFFFFFEC0];
	v37 =	vmul.f32 $8.000000000e+00, v37  }
0x1ec: {  	v55 =	vmul.f32 $8.000000000e+00, v55;
	v41 =	vmul.f32 $8.000000000e+00, v56;
	[tilespmem:v52+s6+$0x0] =	vst.idx.msk $0xffff, v44;
	v44 =	vld [tilespmem:s20+$0xFFFFFF30]  }
0x1ed: {  	v52 =	vadd.s32 v12, v34;
	v56 =	vld [tilespmem:s20+$0xFFFFFE70];
	v38 =	vmul.f32 $8.000000000e+00, v38;
	[tilespmem:v40+s6+$0x0] =	vst.idx.msk $0xffff, v37  }
0x1ee: {  	v43 =	vmul.f32 $8.000000000e+00, v43;
	v37 =	vadd.s32 v16, v34;
	[tilespmem:v48+s6+$0x0] =	vst.idx.msk $0xffff, v41;
	v40 =	vld [tilespmem:s20+$0xFFFFFFB0]  }
0x1ef: {  	v57 =	vadd.s32 v18, v35;
	v48 =	vld [tilespmem:s20+$0xFFFFFF00];
	[tilespmem:v46+s6+$0x0] =	vst.idx.msk $0xffff, v38  }
0x1f0: {  	v41 =	vmul.f32 $8.000000000e+00, v51;
	v51 =	vadd.s32 v26, v35;
	v46 =	vld [tilespmem:s29+$0xFFFFFF60];
	[tilespmem:v50+s6+$0x0] =	vst.idx.msk $0xffff, v43  }
0x1f1: {  	[tilespmem:v45+s6+$0x0] =	vst.idx.msk $0xffff, v54;
	v38 =	vld [tilespmem:s20+$0xFFFFFE40]  }
0x1f2: {  	v44 =	vmul.f32 $8.000000000e+00, v44;
	[tilespmem:v52+s6+$0x0] =	vst.idx.msk $0xffff, v39;
	v43 =	vld [tilespmem:s29+$0xFFFFFFE0];
	v39 =	vmul.f32 $8.000000000e+00, v56;
	v52 =	vadd.s32 v6, v35  }
0x1f3: {  	v53 =	vmul.f32 $8.000000000e+00, v53;
	v54 =	vadd.s32 v15, v35;
	[tilespmem:v37+s6+$0x0] =	vst.idx.msk $0xffff, v55;
	v37 =	vmul.f32 $8.000000000e+00, v40;
	v56 =	vld [tilespmem:s20+$0x0]  }
0x1f4: {  	v42 =	vmul.f32 $8.000000000e+00, v42;
	v55 =	vadd.s32 v9, v34;
	v40 =	vld [tilespmem:s29+$0xFFFFFF20];
	[tilespmem:v57+s6+$0x0] =	vst.idx.msk $0xffff, v44  }
0x1f5: {  	v58 =	vadd.s32 v11, v35;
	v57 =	vmul.f32 $8.000000000e+00, v47;
	v59 =	vld [tilespmem:s20+$0xFFFFFF40];
	[tilespmem:v51+s6+$0x0] =	vst.idx.msk $0xffff, v37  }
.Ltmp3:
0x1f6: {  	v50 =	vadd.s32 v4, v34;
	v37 =	vmul.f32 $8.000000000e+00, v46;
	[tilespmem:v49+s6+$0x0] =	vst.idx.msk $0xffff, v42;
	v42 =	vmul.f32 $8.000000000e+00, v48;
	v47 =	vld [tilespmem:s20+$0xFFFFFFC0];
	(pc) =	sbr.rel @p2 .LBB2_5-.Ltmp3, $4  }
0x1f7: {  	v48 =	vadd.s32 v29, v34;
	v45 =	vld [tilespmem:s29+$0xFFFFFEE0];
	[tilespmem:v52+s6+$0x0] =	vst.idx.msk $0xffff, v39  }
0x1f8: {  	v49 =	vadd.s32 v19, v35;
	v39 =	vadd.s32 v23, v35;
	v44 =	vld [tilespmem:s20+$0xFFFFFE80];
	[tilespmem:v54+s6+$0x0] =	vst.idx.msk $0xffff, v42  }
0x1f9: {  	v51 =	vadd.s32 v31, v35;
	v42 =	vadd.s32 v7, v35;
	[tilespmem:v55+s6+$0x0] =	vst.idx.msk $0xffff, v53;
	v53 =	vmul.f32 $8.000000000e+00, v43;
	v43 =	vld [tilespmem:s20+$0xFFFFFF80];
	s20 =	smov.u32 s29  }
0x1fa: {  	v52 =	vadd.s32 v3, v35;
	v54 =	vmul.f32 $8.000000000e+00, v56;
	v35 =	vmovc v34;
	s29 =	sadd.s32 $0x200, s29;
	v46 =	vld [tilespmem:s20+$0xFFFFFE20];
	[tilespmem:v58+s6+$0x0] =	vst.idx.msk $0xffff, v57;
	v55 =	vmul.f32 $8.000000000e+00, v59  }
0x1fb: {  	_ =	sdelay $0x3  }
0x1fc: {  	v34 =	vadd.s32 v24, v35;
	[tilespmem:v50+s6+$0x0] =	vst.idx.msk $0xffff, v41  }
0x1fd: {  	[tilespmem:v48+s6+$0x0] =	vst.idx.msk $0xffff, v53  }
0x1fe: {  	v59 =	vadd.s32 v13, v35;
	v38 =	vmul.f32 $8.000000000e+00, v38;
	[tilespmem:v49+s6+$0x0] =	vst.idx.msk $0xffff, v55  }
0x1ff: {  	v32 =	vmul.f32 $8.000000000e+00, v32;
	v60 =	vadd.s32 v17, v35;
	[tilespmem:v51+s6+$0x0] =	vst.idx.msk $0xffff, v54  }
0x200: {  	v49 =	vld [tilespmem:s20+$0xFFFFFE60];
	[tilespmem:v52+s6+$0x0] =	vst.idx.msk $0xffff, v38;
	v44 =	vmul.f32 $8.000000000e+00, v44  }
0x201: {  	v62 =	vadd.s32 v1, v35;
	v61 =	vmul.f32 $8.000000000e+00, v45;
	[tilespmem:v34+s6+$0x0] =	vst.idx.msk $0xffff, v32  }
0x202: {  	v50 =	vmul.f32 $8.000000000e+00, v40;
	v53 =	vadd.s32 v5, v35;
	[tilespmem:v42+s6+$0x0] =	vst.idx.msk $0xffff, v44;
	v63 =	vld [tilespmem:s20+$0xFFFFFFA0]  }
0x203: {  	v56 =	vadd.s32 v21, v35;
	v55 =	vld [tilespmem:s20+$0xFFFFFEB0];
	v43 =	vmul.f32 $8.000000000e+00, v43;
	[tilespmem:v59+s6+$0x0] =	vst.idx.msk $0xffff, v61  }
0x204: {  	v51 =	vadd.s32 v25, v35;
	v52 =	vmul.f32 $8.000000000e+00, v46;
	[tilespmem:v60+s6+$0x0] =	vst.idx.msk $0xffff, v50;
	v54 =	vld [tilespmem:s20+$0xFFFFFEF0]  }
0x205: {  	[tilespmem:v39+s6+$0x0] =	vst.idx.msk $0xffff, v43;
	v61 =	vadd.s32 v10, v35;
	v59 =	vld [tilespmem:s20+$0xFFFFFF30];
	v60 =	vmul.f32 $8.000000000e+00, v49  }
0x206: {  	v57 =	vadd.s32 v14, v35;
	[tilespmem:v62+s6+$0x0] =	vst.idx.msk $0xffff, v52;
	v62 =	vld [tilespmem:s20+$0xFFFFFFF0]  }
0x207: {  	v48 =	vadd.s32 v18, v35;
	[tilespmem:v53+s6+$0x0] =	vst.idx.msk $0xffff, v60;
	v58 =	vmul.f32 $8.000000000e+00, v63;
	v63 =	vld [tilespmem:s20+$0xFFFFFE30]  }
0x208: {  	[tilespmem:v56+s6+$0x0] =	vst.idx.msk $0xffff, v37;
	v49 =	vadd.s32 v30, v35;
	v42 =	vmul.f32 $8.000000000e+00, v55;
	v53 =	vld [tilespmem:s20+$0xFFFFFE70]  }
0x209: {  	v52 =	vadd.s32 v2, v35;
	v50 =	vmul.f32 $8.000000000e+00, v54;
	v54 =	vld [tilespmem:s20+$0xFFFFFF70];
	[tilespmem:v51+s6+$0x0] =	vst.idx.msk $0xffff, v58  }
0x20a: {  	[tilespmem:v61+s6+$0x0] =	vst.idx.msk $0xffff, v42;
	v38 =	vmul.f32 $8.000000000e+00, v59;
	v58 =	vadd.s32 v6, v35;
	v51 =	vld [tilespmem:s20+$0xFFFFFFB0]  }
0x20b: {  	v60 =	vadd.s32 v22, v35;
	v56 =	vmul.f32 $8.000000000e+00, v62;
	v61 =	vld [tilespmem:s20+$0xFFFFFEC0];
	[tilespmem:v57+s6+$0x0] =	vst.idx.msk $0xffff, v50  }
0x20c: {  	v55 =	vadd.s32 v26, v35;
	[tilespmem:v48+s6+$0x0] =	vst.idx.msk $0xffff, v38;
	v57 =	vld [tilespmem:s20+$0xFFFFFF00];
	v59 =	vmul.f32 $8.000000000e+00, v63  }
0x20d: {  	[tilespmem:v49+s6+$0x0] =	vst.idx.msk $0xffff, v56;
	v48 =	vmul.f32 $8.000000000e+00, v53  }
0x20e: {  	v49 =	vadd.s32 v11, v35;
	v38 =	vld [tilespmem:s20+$0xFFFFFF40];
	v50 =	vmul.f32 $8.000000000e+00, v54;
	[tilespmem:v52+s6+$0x0] =	vst.idx.msk $0xffff, v59  }
0x20f: {  	v62 =	vadd.s32 v15, v35;
	v39 =	vld [tilespmem:s20+$0x0];
	[tilespmem:v58+s6+$0x0] =	vst.idx.msk $0xffff, v48;
	v63 =	vmul.f32 $8.000000000e+00, v51  }
0x210: {  	v47 =	vmul.f32 $8.000000000e+00, v47;
	v52 =	vadd.s32 v19, v35;
	[tilespmem:v60+s6+$0x0] =	vst.idx.msk $0xffff, v50;
	v51 =	vld [tilespmem:s20+$0xFFFFFE40]  }
0x211: {  	v56 =	vmul.f32 $8.000000000e+00, v61;
	v53 =	vmul.f32 $8.000000000e+00, v57;
	v57 =	vld [tilespmem:s20+$0xFFFFFE80];
	[tilespmem:v55+s6+$0x0] =	vst.idx.msk $0xffff, v63;
	v55 =	vadd.s32 v31, v35  }
0x212: {  	[tilespmem:v36+s6+$0x0] =	vst.idx.msk $0xffff, v47;
	v58 =	vadd.s32 v3, v35;
	v59 =	vld [tilespmem:s20+$0xFFFFFF80]  }
0x213: {  	v61 =	vadd.s32 v7, v35;
	[tilespmem:v49+s6+$0x0] =	vst.idx.msk $0xffff, v56;
	v60 =	vmul.f32 $8.000000000e+00, v38;
	v54 =	vld [tilespmem:s20+$0xFFFFFFC0]  }
0x214: {  	v39 =	vmul.f32 $8.000000000e+00, v39;
	[tilespmem:v62+s6+$0x0] =	vst.idx.msk $0xffff, v53;
	v62 =	vadd.s32 v23, v35  }
0x215: {  	[tilespmem:v52+s6+$0x0] =	vst.idx.msk $0xffff, v60;
	v63 =	vmul.f32 $8.000000000e+00, v51  }
0x216: {  	v44 =	vmul.f32 $8.000000000e+00, v57;
	[tilespmem:v55+s6+$0x0] =	vst.idx.msk $0xffff, v39  }
0x217: {  	s14 =	sadd.s32 s5, s14;
	v32 =	vmul.f32 $8.000000000e+00, v59;
	[tilespmem:v58+s6+$0x0] =	vst.idx.msk $0xffff, v63  }
0x218: {  	s20 =	sshll.u32 s14, $0xA;
	s14 =	sshll.u32 s14, $0x7;
	[tilespmem:v61+s6+$0x0] =	vst.idx.msk $0xffff, v44;
	v42 =	vmul.f32 $8.000000000e+00, v54  }
0x219: {  	s20 =	sand.u32 $0xFFF8000, s20;
	s14 =	sand.u32 $0xE80, s14;
	[tilespmem:v62+s6+$0x0] =	vst.idx.msk $0xffff, v32  }
0x21a: {  	s14 =	sor.u32 s14, s20;
	[tilespmem:v33+s6+$0x0] =	vst.idx.msk $0xffff, v42  }
0x21b: {  	s20 =	sadd.s32 s2, s14;
	[bflag:$0x0] =	sbarrier.arrive $0xFFFF  }
0x21c: {  	[hbm4b:s20+s3] =	stream.linear.scatter [tilespmem:s6], [sflag:$0x6], $0x80, $0x38;
	[tilespmem:$0x16C00] =	vst v63  }
0x21d: {  	s29 =	simm.s32 $0x10688;
	s28 =	sadd.s32 $0x10, s20  }
0x21e: {  	[hbm4b:s28+s3] =	stream.linear.scatter [tilespmem:s29], [sflag:$0x6], $0x80, $0x38;
	[tilespmem:$0x16C00] =	vst v63  }
0x21f: {  	s28 =	sadd.s32 $0x20, s20;
	s29 =	simm.s32 $0x10710  }
0x220: {  	[hbm4b:s28+s3] =	stream.linear.scatter [tilespmem:s29], [sflag:$0x6], $0x80, $0x38;
	[tilespmem:$0x16C00] =	vst v63  }
0x221: {  	s28 =	sadd.s32 $0x30, s20;
	s29 =	simm.s32 $0x10798  }
0x222: {  	[hbm4b:s28+s3] =	stream.linear.scatter [tilespmem:s29], [sflag:$0x6], $0x80, $0x38;
	[tilespmem:$0x16C00] =	vst v63  }
0x223: {  	s28 =	sadd.s32 $0x40, s20;
	s29 =	simm.s32 $0x10820  }
0x224: {  	[hbm4b:s28+s3] =	stream.linear.scatter [tilespmem:s29], [sflag:$0x6], $0x80, $0x38;
	[tilespmem:$0x16C00] =	vst v63  }
0x225: {  	s28 =	sadd.s32 $0x50, s20;
	s29 =	simm.s32 $0x108A8  }
0x226: {  	[hbm4b:s28+s3] =	stream.linear.scatter [tilespmem:s29], [sflag:$0x6], $0x80, $0x38;
	[tilespmem:$0x16C00] =	vst v63  }
0x227: {  	s28 =	sadd.s32 $0x60, s20;
	s29 =	simm.s32 $0x10930  }
0x228: {  	[hbm4b:s28+s3] =	stream.linear.scatter [tilespmem:s29], [sflag:$0x6], $0x80, $0x38;
	[tilespmem:$0x16C00] =	vst v63  }
0x229: {  	s20 =	sadd.s32 $0x70, s20;
	s28 =	simm.s32 $0x109B8  }
0x22a: {  	[hbm4b:s20+s3] =	stream.linear.scatter [tilespmem:s28], [sflag:$0x6], $0x80, $0x38;
	[tilespmem:$0x16C00] =	vst v63  }
0x22b: {  	s20 =	sadd.s32 s14, s7;
	s28 =	simm.s32 $0x10A40  }
0x22c: {  	[hbm4b:s20+s3] =	stream.linear.scatter [tilespmem:s28], [sflag:$0x6], $0x80, $0x38;
	[tilespmem:$0x16C00] =	vst v63  }
0x22d: {  	s29 =	simm.s32 $0x10AC8;
	s28 =	sadd.s32 $0x10, s20  }
0x22e: {  	[hbm4b:s28+s3] =	stream.linear.scatter [tilespmem:s29], [sflag:$0x6], $0x80, $0x38;
	[tilespmem:$0x16C00] =	vst v63  }
0x22f: {  	s28 =	sadd.s32 $0x20, s20;
	s29 =	simm.s32 $0x10B50  }
0x230: {  	[hbm4b:s28+s3] =	stream.linear.scatter [tilespmem:s29], [sflag:$0x6], $0x80, $0x38;
	[tilespmem:$0x16C00] =	vst v63  }
0x231: {  	s28 =	sadd.s32 $0x30, s20;
	s29 =	simm.s32 $0x10BD8  }
0x232: {  	[hbm4b:s28+s3] =	stream.linear.scatter [tilespmem:s29], [sflag:$0x6], $0x80, $0x38;
	[tilespmem:$0x16C00] =	vst v63  }
0x233: {  	s28 =	sadd.s32 $0x40, s20;
	s29 =	simm.s32 $0x10C60  }
0x234: {  	[hbm4b:s28+s3] =	stream.linear.scatter [tilespmem:s29], [sflag:$0x6], $0x80, $0x38;
	[tilespmem:$0x16C00] =	vst v63  }
0x235: {  	s28 =	sadd.s32 $0x50, s20;
	s29 =	simm.s32 $0x10CE8  }
0x236: {  	[hbm4b:s28+s3] =	stream.linear.scatter [tilespmem:s29], [sflag:$0x6], $0x80, $0x38;
	[tilespmem:$0x16C00] =	vst v63  }
0x237: {  	s28 =	sadd.s32 $0x60, s20;
	s29 =	simm.s32 $0x10D70  }
0x238: {  	[hbm4b:s28+s3] =	stream.linear.scatter [tilespmem:s29], [sflag:$0x6], $0x80, $0x38;
	[tilespmem:$0x16C00] =	vst v63  }
0x239: {  	s20 =	sadd.s32 $0x70, s20;
	s28 =	simm.s32 $0x10DF8  }
0x23a: {  	[hbm4b:s20+s3] =	stream.linear.scatter [tilespmem:s28], [sflag:$0x6], $0x80, $0x38;
	[tilespmem:$0x16C00] =	vst v63  }
0x23b: {  	s20 =	sadd.s32 s14, s8;
	s28 =	simm.s32 $0x10E80  }
0x23c: {  	[hbm4b:s20+s3] =	stream.linear.scatter [tilespmem:s28], [sflag:$0x6], $0x80, $0x38;
	[tilespmem:$0x16C00] =	vst v63  }
0x23d: {  	s29 =	simm.s32 $0x10F08;
	s28 =	sadd.s32 $0x10, s20  }
0x23e: {  	[hbm4b:s28+s3] =	stream.linear.scatter [tilespmem:s29], [sflag:$0x6], $0x80, $0x38;
	[tilespmem:$0x16C00] =	vst v63  }
0x23f: {  	s28 =	sadd.s32 $0x20, s20;
	s29 =	simm.s32 $0x10F90  }
0x240: {  	[hbm4b:s28+s3] =	stream.linear.scatter [tilespmem:s29], [sflag:$0x6], $0x80, $0x38;
	[tilespmem:$0x16C00] =	vst v63  }
0x241: {  	s28 =	sadd.s32 $0x30, s20;
	s29 =	simm.s32 $0x11018  }
0x242: {  	[hbm4b:s28+s3] =	stream.linear.scatter [tilespmem:s29], [sflag:$0x6], $0x80, $0x38;
	[tilespmem:$0x16C00] =	vst v63  }
0x243: {  	s28 =	sadd.s32 $0x40, s20;
	s29 =	simm.s32 $0x110A0  }
0x244: {  	[hbm4b:s28+s3] =	stream.linear.scatter [tilespmem:s29], [sflag:$0x6], $0x80, $0x38;
	[tilespmem:$0x16C00] =	vst v63  }
0x245: {  	s28 =	sadd.s32 $0x50, s20;
	s29 =	simm.s32 $0x11128  }
0x246: {  	[hbm4b:s28+s3] =	stream.linear.scatter [tilespmem:s29], [sflag:$0x6], $0x80, $0x38;
	[tilespmem:$0x16C00] =	vst v63  }
0x247: {  	s28 =	sadd.s32 $0x60, s20;
	s29 =	simm.s32 $0x111B0  }
0x248: {  	[hbm4b:s28+s3] =	stream.linear.scatter [tilespmem:s29], [sflag:$0x6], $0x80, $0x38;
	[tilespmem:$0x16C00] =	vst v63  }
0x249: {  	s20 =	sadd.s32 $0x70, s20;
	s28 =	simm.s32 $0x11238  }
0x24a: {  	[hbm4b:s20+s3] =	stream.linear.scatter [tilespmem:s28], [sflag:$0x6], $0x80, $0x38;
	[tilespmem:$0x16C00] =	vst v63  }
0x24b: {  	s20 =	sadd.s32 s14, s9;
	s28 =	simm.s32 $0x112C0  }
0x24c: {  	[hbm4b:s20+s3] =	stream.linear.scatter [tilespmem:s28], [sflag:$0x6], $0x80, $0x38;
	[tilespmem:$0x16C00] =	vst v63  }
0x24d: {  	s29 =	simm.s32 $0x11348;
	s28 =	sadd.s32 $0x10, s20  }
0x24e: {  	[hbm4b:s28+s3] =	stream.linear.scatter [tilespmem:s29], [sflag:$0x6], $0x80, $0x38;
	[tilespmem:$0x16C00] =	vst v63  }
0x24f: {  	s28 =	sadd.s32 $0x20, s20;
	s29 =	simm.s32 $0x113D0  }
0x250: {  	[hbm4b:s28+s3] =	stream.linear.scatter [tilespmem:s29], [sflag:$0x6], $0x80, $0x38;
	[tilespmem:$0x16C00] =	vst v63  }
0x251: {  	s28 =	sadd.s32 $0x30, s20;
	s29 =	simm.s32 $0x11458  }
0x252: {  	[hbm4b:s28+s3] =	stream.linear.scatter [tilespmem:s29], [sflag:$0x6], $0x80, $0x38;
	[tilespmem:$0x16C00] =	vst v63  }
0x253: {  	s28 =	sadd.s32 $0x40, s20;
	s29 =	simm.s32 $0x114E0  }
0x254: {  	[hbm4b:s28+s3] =	stream.linear.scatter [tilespmem:s29], [sflag:$0x6], $0x80, $0x38;
	[tilespmem:$0x16C00] =	vst v63  }
0x255: {  	s28 =	sadd.s32 $0x50, s20;
	s29 =	simm.s32 $0x11568  }
0x256: {  	[hbm4b:s28+s3] =	stream.linear.scatter [tilespmem:s29], [sflag:$0x6], $0x80, $0x38;
	[tilespmem:$0x16C00] =	vst v63  }
0x257: {  	s28 =	sadd.s32 $0x60, s20;
	s29 =	simm.s32 $0x115F0  }
0x258: {  	[hbm4b:s28+s3] =	stream.linear.scatter [tilespmem:s29], [sflag:$0x6], $0x80, $0x38;
	[tilespmem:$0x16C00] =	vst v63  }
0x259: {  	s20 =	sadd.s32 $0x70, s20;
	s28 =	simm.s32 $0x11678  }
0x25a: {  	[hbm4b:s20+s3] =	stream.linear.scatter [tilespmem:s28], [sflag:$0x6], $0x80, $0x38;
	[tilespmem:$0x16C00] =	vst v63  }
0x25b: {  	s20 =	sadd.s32 s14, s10;
	s28 =	simm.s32 $0x11700  }
0x25c: {  	[hbm4b:s20+s3] =	stream.linear.scatter [tilespmem:s28], [sflag:$0x6], $0x80, $0x38;
	[tilespmem:$0x16C00] =	vst v63  }
0x25d: {  	s29 =	simm.s32 $0x11788;
	s28 =	sadd.s32 $0x10, s20  }
0x25e: {  	[hbm4b:s28+s3] =	stream.linear.scatter [tilespmem:s29], [sflag:$0x6], $0x80, $0x38;
	[tilespmem:$0x16C00] =	vst v63  }
0x25f: {  	s28 =	sadd.s32 $0x20, s20;
	s29 =	simm.s32 $0x11810  }
0x260: {  	[hbm4b:s28+s3] =	stream.linear.scatter [tilespmem:s29], [sflag:$0x6], $0x80, $0x38;
	[tilespmem:$0x16C00] =	vst v63  }
0x261: {  	s28 =	sadd.s32 $0x30, s20;
	s29 =	simm.s32 $0x11898  }
0x262: {  	[hbm4b:s28+s3] =	stream.linear.scatter [tilespmem:s29], [sflag:$0x6], $0x80, $0x38;
	[tilespmem:$0x16C00] =	vst v63  }
0x263: {  	s28 =	sadd.s32 $0x40, s20;
	s29 =	simm.s32 $0x11920  }
0x264: {  	[hbm4b:s28+s3] =	stream.linear.scatter [tilespmem:s29], [sflag:$0x6], $0x80, $0x38;
	[tilespmem:$0x16C00] =	vst v63  }
0x265: {  	s28 =	sadd.s32 $0x50, s20;
	s29 =	simm.s32 $0x119A8  }
0x266: {  	[hbm4b:s28+s3] =	stream.linear.scatter [tilespmem:s29], [sflag:$0x6], $0x80, $0x38;
	[tilespmem:$0x16C00] =	vst v63  }
0x267: {  	s28 =	sadd.s32 $0x60, s20;
	s29 =	simm.s32 $0x11A30  }
0x268: {  	[hbm4b:s28+s3] =	stream.linear.scatter [tilespmem:s29], [sflag:$0x6], $0x80, $0x38;
	[tilespmem:$0x16C00] =	vst v63  }
0x269: {  	s20 =	sadd.s32 $0x70, s20;
	s28 =	simm.s32 $0x11AB8  }
0x26a: {  	[hbm4b:s20+s3] =	stream.linear.scatter [tilespmem:s28], [sflag:$0x6], $0x80, $0x38;
	[tilespmem:$0x16C00] =	vst v63  }
0x26b: {  	s20 =	sadd.s32 s14, s11;
	s28 =	simm.s32 $0x11B40  }
0x26c: {  	[hbm4b:s20+s3] =	stream.linear.scatter [tilespmem:s28], [sflag:$0x6], $0x80, $0x38;
	[tilespmem:$0x16C00] =	vst v63  }
0x26d: {  	s29 =	simm.s32 $0x11BC8;
	s28 =	sadd.s32 $0x10, s20  }
0x26e: {  	[hbm4b:s28+s3] =	stream.linear.scatter [tilespmem:s29], [sflag:$0x6], $0x80, $0x38;
	[tilespmem:$0x16C00] =	vst v63  }
0x26f: {  	s28 =	sadd.s32 $0x20, s20;
	s29 =	simm.s32 $0x11C50  }
0x270: {  	[hbm4b:s28+s3] =	stream.linear.scatter [tilespmem:s29], [sflag:$0x6], $0x80, $0x38;
	[tilespmem:$0x16C00] =	vst v63  }
0x271: {  	s28 =	sadd.s32 $0x30, s20;
	s29 =	simm.s32 $0x11CD8  }
0x272: {  	[hbm4b:s28+s3] =	stream.linear.scatter [tilespmem:s29], [sflag:$0x6], $0x80, $0x38;
	[tilespmem:$0x16C00] =	vst v63  }
0x273: {  	s28 =	sadd.s32 $0x40, s20;
	s29 =	simm.s32 $0x11D60  }
0x274: {  	[hbm4b:s28+s3] =	stream.linear.scatter [tilespmem:s29], [sflag:$0x6], $0x80, $0x38;
	[tilespmem:$0x16C00] =	vst v63  }
0x275: {  	s28 =	sadd.s32 $0x50, s20;
	s29 =	simm.s32 $0x11DE8  }
0x276: {  	[hbm4b:s28+s3] =	stream.linear.scatter [tilespmem:s29], [sflag:$0x6], $0x80, $0x38;
	[tilespmem:$0x16C00] =	vst v63  }
0x277: {  	s28 =	sadd.s32 $0x60, s20;
	s29 =	simm.s32 $0x11E70  }
0x278: {  	[hbm4b:s28+s3] =	stream.linear.scatter [tilespmem:s29], [sflag:$0x6], $0x80, $0x38;
	[tilespmem:$0x16C00] =	vst v63  }
0x279: {  	s20 =	sadd.s32 $0x70, s20;
	s28 =	simm.s32 $0x11EF8  }
0x27a: {  	[hbm4b:s20+s3] =	stream.linear.scatter [tilespmem:s28], [sflag:$0x6], $0x80, $0x38;
	[tilespmem:$0x16C00] =	vst v63  }
0x27b: {  	s20 =	sadd.s32 s14, s12;
	s28 =	simm.s32 $0x11F80  }
0x27c: {  	[hbm4b:s20+s3] =	stream.linear.scatter [tilespmem:s28], [sflag:$0x6], $0x80, $0x38;
	[tilespmem:$0x16C00] =	vst v63  }
0x27d: {  	s29 =	simm.s32 $0x12008;
	s28 =	sadd.s32 $0x10, s20  }
0x27e: {  	[hbm4b:s28+s3] =	stream.linear.scatter [tilespmem:s29], [sflag:$0x6], $0x80, $0x38;
	[tilespmem:$0x16C00] =	vst v63  }
0x27f: {  	s28 =	sadd.s32 $0x20, s20;
	s29 =	simm.s32 $0x12090  }
0x280: {  	[hbm4b:s28+s3] =	stream.linear.scatter [tilespmem:s29], [sflag:$0x6], $0x80, $0x38;
	[tilespmem:$0x16C00] =	vst v63  }
0x281: {  	s28 =	sadd.s32 $0x30, s20;
	s29 =	simm.s32 $0x12118  }
0x282: {  	[hbm4b:s28+s3] =	stream.linear.scatter [tilespmem:s29], [sflag:$0x6], $0x80, $0x38;
	[tilespmem:$0x16C00] =	vst v63  }
0x283: {  	s28 =	sadd.s32 $0x40, s20;
	s29 =	simm.s32 $0x121A0  }
0x284: {  	[hbm4b:s28+s3] =	stream.linear.scatter [tilespmem:s29], [sflag:$0x6], $0x80, $0x38;
	[tilespmem:$0x16C00] =	vst v63  }
0x285: {  	s28 =	sadd.s32 $0x50, s20;
	s29 =	simm.s32 $0x12228  }
0x286: {  	[hbm4b:s28+s3] =	stream.linear.scatter [tilespmem:s29], [sflag:$0x6], $0x80, $0x38;
	[tilespmem:$0x16C00] =	vst v63  }
0x287: {  	s28 =	sadd.s32 $0x60, s20;
	s29 =	simm.s32 $0x122B0  }
0x288: {  	[hbm4b:s28+s3] =	stream.linear.scatter [tilespmem:s29], [sflag:$0x6], $0x80, $0x38;
	[tilespmem:$0x16C00] =	vst v63  }
0x289: {  	s20 =	sadd.s32 $0x70, s20;
	s28 =	simm.s32 $0x12338  }
0x28a: {  	[hbm4b:s20+s3] =	stream.linear.scatter [tilespmem:s28], [sflag:$0x6], $0x80, $0x38;
	[tilespmem:$0x16C00] =	vst v63  }
0x28b: {  	s14 =	sadd.s32 s14, s13;
	s20 =	simm.s32 $0x123C0  }
0x28c: {  	[hbm4b:s14+s3] =	stream.linear.scatter [tilespmem:s20], [sflag:$0x6], $0x80, $0x38;
	[tilespmem:$0x16C00] =	vst v63  }
0x28d: {  	s28 =	simm.s32 $0x12448;
	s20 =	sadd.s32 $0x10, s14  }
0x28e: {  	[hbm4b:s20+s3] =	stream.linear.scatter [tilespmem:s28], [sflag:$0x6], $0x80, $0x38;
	[tilespmem:$0x16C00] =	vst v63  }
0x28f: {  	s20 =	sadd.s32 $0x20, s14;
	s28 =	simm.s32 $0x124D0  }
0x290: {  	[hbm4b:s20+s3] =	stream.linear.scatter [tilespmem:s28], [sflag:$0x6], $0x80, $0x38;
	[tilespmem:$0x16C00] =	vst v63  }
0x291: {  	s20 =	sadd.s32 $0x30, s14;
	s28 =	simm.s32 $0x12558  }
0x292: {  	[hbm4b:s20+s3] =	stream.linear.scatter [tilespmem:s28], [sflag:$0x6], $0x80, $0x38;
	[tilespmem:$0x16C00] =	vst v63  }
0x293: {  	s20 =	sadd.s32 $0x40, s14;
	s28 =	simm.s32 $0x125E0  }
0x294: {  	[hbm4b:s20+s3] =	stream.linear.scatter [tilespmem:s28], [sflag:$0x6], $0x80, $0x38;
	[tilespmem:$0x16C00] =	vst v63  }
0x295: {  	s20 =	sadd.s32 $0x50, s14;
	s28 =	simm.s32 $0x12668  }
0x296: {  	[hbm4b:s20+s3] =	stream.linear.scatter [tilespmem:s28], [sflag:$0x6], $0x80, $0x38;
	[tilespmem:$0x16C00] =	vst v63  }
0x297: {  	s20 =	sadd.s32 $0x60, s14;
	s28 =	simm.s32 $0x126F0  }
0x298: {  	[hbm4b:s20+s3] =	stream.linear.scatter [tilespmem:s28], [sflag:$0x6], $0x80, $0x38;
	[tilespmem:$0x16C00] =	vst v63  }
0x299: {  	s14 =	sadd.s32 $0x70, s14;
	s20 =	simm.s32 $0x12778  }
0x29a: {  	[hbm4b:s14+s3] =	stream.linear.scatter [tilespmem:s20], [sflag:$0x6], $0x80, $0x38;
	[tilespmem:$0x16C00] =	vst v63  }
0x29b: {  	s28 =	simm.s32 @!p1 $0x8400;
	s14 =	sadd.s32 @!p1 $0x280, s19;
	s20 =	simm.s32 @!p1 $0x80  }
0x29c: {  	[tilespmem:s28], [sflag:$0x2] =	stream.indirect.gather @!p1 [hbm4b:s4+s20], $0x40, s14, s20, $0xb8;
	[tilespmem:$0x16C00] =	vst v63  }
0x29d: {  	_ =	swait.ge [sflag:s25], $0x2000  }
0x29e: {  	[sflag:s25] =	ssyncset.done $0x0  }
0x29f: {  	s14 =	simm.s32 @!p0 $0x7;
	[sflag:s25] =	ssyncadd.s32 $0xFFFFE000  }
0x2a0: {  	_ =	swait.ge @!p0 [sflag:s14], $0x400  }
0x2a1: {  	[sflag:s14] =	ssyncset.done @!p0 $0x0  }
0x2a2: {  	[sflag:s14] =	ssyncadd.s32 @!p0 $0xFFFFFC00  }
0x2a3: {  	_ =	swait.ge @!p0 [sflag:s14], $0x400  }
0x2a4: {  	[sflag:s14] =	ssyncset.done @!p0 $0x0  }
0x2a5: {  	[sflag:s14] =	ssyncadd.s32 @!p0 $0xFFFFFC00  }
0x2a6: {  	_ =	swait.ge @!p0 [sflag:s14], $0x400  }
0x2a7: {  	[sflag:s14] =	ssyncset.done @!p0 $0x0  }
0x2a8: {  	[sflag:s14] =	ssyncadd.s32 @!p0 $0xFFFFFC00  }
0x2a9: {  	_ =	swait.ge @!p0 [sflag:s14], $0x400  }
0x2aa: {  	[sflag:s14] =	ssyncset.done @!p0 $0x0  }
0x2ab: {  	[sflag:s14] =	ssyncadd.s32 @!p0 $0xFFFFFC00  }
0x2ac: {  	_ =	swait.ge @!p0 [sflag:s14], $0x400  }
0x2ad: {  	[sflag:s14] =	ssyncset.done @!p0 $0x0  }
0x2ae: {  	[sflag:s14] =	ssyncadd.s32 @!p0 $0xFFFFFC00  }
0x2af: {  	_ =	swait.ge @!p0 [sflag:s14], $0x400  }
0x2b0: {  	[sflag:s14] =	ssyncset.done @!p0 $0x0  }
0x2b1: {  	[sflag:s14] =	ssyncadd.s32 @!p0 $0xFFFFFC00  }
0x2b2: {  	_ =	swait.ge @!p0 [sflag:s14], $0x400  }
0x2b3: {  	[sflag:s14] =	ssyncset.done @!p0 $0x0  }
0x2b4: {  	[sflag:s14] =	ssyncadd.s32 @!p0 $0xFFFFFC00  }
0x2b5: {  	_ =	swait.ge @!p0 [sflag:s14], $0x400  }
0x2b6: {  	[sflag:s14] =	ssyncset.done @!p0 $0x0  }
0x2b7: {  	[sflag:s14] =	ssyncadd.s32 @!p0 $0xFFFFFC00  }
0x2b8: {  	s14 =	simm.s32 $0xA400;
	[bflag:$0x0] =	sbarrier.arrive $0xFFFF  }
0x2b9: {  	v45 =	vld [tilespmem:s14+$0x80]  }
0x2ba: {  	v47 =	vld [tilespmem:s14+$0x140]  }
0x2bb: {  	v48 =	vld [tilespmem:s14+$0x1C0]  }
0x2bc: {  	v49 =	vld [tilespmem:s14+$0x100]  }
0x2bd: {  	v35 =	vimm.s32 $0x0;
	v51 =	vld [tilespmem:s14+$0xC0]  }
0x2be: {  	v46 =	vadd.s32 v8, v35;
	v53 =	vld [tilespmem:s14+$0x0]  }
0x2bf: {  	v52 =	vadd.s32 v28, v35;
	v43 =	vld [tilespmem:s14+$0x180]  }
0x2c0: {  	v56 =	vadd.s32 v12, v35;
	s20 =	simm.s32 $0xA600;
	v59 =	vld [tilespmem:s14+$0x40]  }
0x2c1: {  	v57 =	vadd.s32 v0, v35;
	v44 =	vld [tilespmem:s20+$0x140];
	v32 =	vmul.f32 $8.000000000e+00, v45  }
0x2c2: {  	v50 =	vadd.s32 v20, v35;
	v40 =	vld [tilespmem:s20+$0x1C0];
	v36 =	vmul.f32 $8.000000000e+00, v48  }
0x2c3: {  	v54 =	vadd.s32 v16, v35;
	v55 =	vmul.f32 $8.000000000e+00, v47;
	v61 =	vmul.f32 $8.000000000e+00, v51;
	v45 =	vld [tilespmem:s20+$0x100];
	[tilespmem:v46+s26+$0x0] =	vst.idx.msk $0xffff, v32  }
0x2c4: {  	v60 =	vmul.f32 $8.000000000e+00, v49;
	v49 =	vmul.f32 $8.000000000e+00, v53;
	v47 =	vld [tilespmem:s20+$0xC0];
	[tilespmem:v52+s26+$0x0] =	vst.idx.msk $0xffff, v36  }
0x2c5: {  	[tilespmem:v56+s26+$0x0] =	vst.idx.msk $0xffff, v61;
	v52 =	vadd.s32 v4, v35;
	v58 =	vld [tilespmem:s14+$0x90]  }
0x2c6: {  	[tilespmem:v57+s26+$0x0] =	vst.idx.msk $0xffff, v49;
	v51 =	vld [tilespmem:s14+$0xD0]  }
0x2c7: {  	v62 =	vadd.s32 v9, v35;
	[tilespmem:v50+s26+$0x0] =	vst.idx.msk $0xffff, v55;
	v53 =	vld [tilespmem:s14+$0x10]  }
0x2c8: {  	[tilespmem:v54+s26+$0x0] =	vst.idx.msk $0xffff, v60;
	v54 =	vadd.s32 v13, v35;
	v55 =	vmul.f32 $8.000000000e+00, v59;
	v63 =	vld [tilespmem:s14+$0x1D0]  }
0x2c9: {  	v32 =	vld [tilespmem:s20+$0x180];
	v56 =	vadd.s32 v1, v35  }
0x2ca: {  	v57 =	vadd.s32 v29, v35;
	v38 =	vld [tilespmem:s14+$0x150];
	[tilespmem:v52+s26+$0x0] =	vst.idx.msk $0xffff, v55;
	v50 =	vmul.f32 $8.000000000e+00, v58  }
0x2cb: {  	v34 =	vmul.f32 $8.000000000e+00, v51;
	v42 =	vld [tilespmem:s14+$0x50];
	v58 =	vadd.s32 v24, v35  }
0x2cc: {  	v60 =	vadd.s32 v21, v35;
	v33 =	vld [tilespmem:s14+$0x110];
	v41 =	vmul.f32 $8.000000000e+00, v53;
	[tilespmem:v62+s26+$0x0] =	vst.idx.msk $0xffff, v50  }
0x2cd: {  	v59 =	vld [tilespmem:s20+$0x80];
	v61 =	vadd.s32 v5, v35;
	v39 =	vmul.f32 $8.000000000e+00, v63;
	[tilespmem:v54+s26+$0x0] =	vst.idx.msk $0xffff, v34  }
0x2ce: {  	v43 =	vmul.f32 $8.000000000e+00, v43;
	v34 =	vadd.s32 $0x8, v35;
	[tilespmem:v56+s26+$0x0] =	vst.idx.msk $0xffff, v41;
	v62 =	vadd.s32 v17, v35;
	v36 =	vld [tilespmem:s14+$0xA0]  }
0x2cf: {  	v49 =	vld [tilespmem:s20+$0x40];
	v38 =	vmul.f32 $8.000000000e+00, v38;
	[tilespmem:v57+s26+$0x0] =	vst.idx.msk $0xffff, v39;
	v63 =	vadd.s32 v8, v34  }
0x2d0: {  	v56 =	vadd.s32 v10, v35;
	v46 =	vld [tilespmem:s14+$0x20];
	v42 =	vmul.f32 $8.000000000e+00, v42;
	[tilespmem:v58+s26+$0x0] =	vst.idx.msk $0xffff, v43  }
0x2d1: {  	v33 =	vmul.f32 $8.000000000e+00, v33;
	[tilespmem:v60+s26+$0x0] =	vst.idx.msk $0xffff, v38;
	v54 =	vadd.s32 v20, v34;
	v57 =	vld [tilespmem:s14+$0x190]  }
0x2d2: {  	v51 =	vld [tilespmem:s14+$0xE0];
	v58 =	vmul.f32 $8.000000000e+00, v59;
	v59 =	vadd.s32 v2, v35;
	[tilespmem:v61+s26+$0x0] =	vst.idx.msk $0xffff, v42  }
0x2d3: {  	v60 =	vld [tilespmem:s14+$0x160];
	[tilespmem:v62+s26+$0x0] =	vst.idx.msk $0xffff, v33;
	v61 =	vadd.s32 v25, v35;
	v36 =	vmul.f32 $8.000000000e+00, v36  }
0x2d4: {  	v42 =	vld [tilespmem:s14+$0x1E0];
	v62 =	vmul.f32 $8.000000000e+00, v44;
	[tilespmem:v63+s26+$0x0] =	vst.idx.msk $0xffff, v58;
	v63 =	vadd.s32 v14, v35  }
0x2d5: {  	v52 =	vld [tilespmem:s20+$0x0];
	v55 =	vmul.f32 $8.000000000e+00, v46;
	[tilespmem:v56+s26+$0x0] =	vst.idx.msk $0xffff, v36;
	v56 =	vadd.s32 v22, v35  }
0x2d6: {  	v38 =	vadd.s32 v30, v35;
	v48 =	vld [tilespmem:s14+$0x120];
	[tilespmem:v54+s26+$0x0] =	vst.idx.msk $0xffff, v62;
	v37 =	vmul.f32 $8.000000000e+00, v57  }
0x2d7: {  	v58 =	vmul.f32 $8.000000000e+00, v51;
	v53 =	vld [tilespmem:s14+$0x60];
	[tilespmem:v59+s26+$0x0] =	vst.idx.msk $0xffff, v55;
	v59 =	vadd.s32 v12, v34  }
0x2d8: {  	v33 =	vmul.f32 $8.000000000e+00, v60;
	v46 =	vld [tilespmem:s20+$0x90];
	v62 =	vadd.s32 v18, v35;
	[tilespmem:v61+s26+$0x0] =	vst.idx.msk $0xffff, v37  }
0x2d9: {  	v54 =	vld [tilespmem:s20+$0x150];
	v55 =	vadd.s32 v0, v34;
	[tilespmem:v63+s26+$0x0] =	vst.idx.msk $0xffff, v58;
	v61 =	vmul.f32 $8.000000000e+00, v42  }
0x2da: {  	v41 =	vmul.f32 $8.000000000e+00, v45;
	v57 =	vadd.s32 v28, v34;
	v63 =	vmul.f32 $8.000000000e+00, v47;
	v60 =	vld [tilespmem:s14+$0x1A0];
	[tilespmem:v56+s26+$0x0] =	vst.idx.msk $0xffff, v33  }
0x2db: {  	v50 =	vmul.f32 $8.000000000e+00, v52;
	v52 =	vadd.s32 v9, v34;
	v43 =	vld [tilespmem:s14+$0xB0];
	v45 =	vmul.f32 $8.000000000e+00, v48;
	[tilespmem:v38+s26+$0x0] =	vst.idx.msk $0xffff, v61  }
0x2dc: {  	v47 =	vadd.s32 v26, v35;
	v42 =	vld [tilespmem:s14+$0xF0];
	[tilespmem:v59+s26+$0x0] =	vst.idx.msk $0xffff, v63  }
0x2dd: {  	v40 =	vmul.f32 $8.000000000e+00, v40;
	v37 =	vadd.s32 v16, v34;
	v38 =	vld [tilespmem:s14+$0x30];
	[tilespmem:v62+s26+$0x0] =	vst.idx.msk $0xffff, v45  }
0x2de: {  	v46 =	vmul.f32 $8.000000000e+00, v46;
	v56 =	vadd.s32 v6, v35;
	[tilespmem:v55+s26+$0x0] =	vst.idx.msk $0xffff, v50;
	v58 =	vld [tilespmem:s14+$0x1F0]  }
0x2df: {  	[tilespmem:v57+s26+$0x0] =	vst.idx.msk $0xffff, v40;
	v45 =	vld [tilespmem:s20+$0xD0];
	v48 =	vmul.f32 $8.000000000e+00, v60  }
0x2e0: {  	v39 =	vadd.s32 v23, v35;
	v59 =	vadd.s32 v11, v35;
	[tilespmem:v52+s26+$0x0] =	vst.idx.msk $0xffff, v46;
	v51 =	vld [tilespmem:s20+$0x1D0]  }
0x2e1: {  	v36 =	vadd.s32 v27, v35;
	v44 =	vmul.f32 $8.000000000e+00, v53;
	v57 =	vadd.s32 v15, v35;
	v60 =	vld [tilespmem:s14+$0x130];
	[tilespmem:v47+s26+$0x0] =	vst.idx.msk $0xffff, v48  }
0x2e2: {  	v33 =	vadd.s32 v27, v34;
	v50 =	vadd.s32 v4, v34;
	[tilespmem:v37+s26+$0x0] =	vst.idx.msk $0xffff, v41;
	v47 =	vld [tilespmem:s14+$0x1B0]  }
0x2e3: {  	v63 =	vmul.f32 $8.000000000e+00, v43;
	v52 =	vadd.s32 v3, v35;
	v40 =	vld [tilespmem:s20+$0x110];
	[tilespmem:v56+s26+$0x0] =	vst.idx.msk $0xffff, v44;
	v48 =	vadd.s32 v29, v34  }
0x2e4: {  	v41 =	vmul.f32 $8.000000000e+00, v49;
	v49 =	vadd.s32 v19, v35;
	v62 =	vmul.f32 $8.000000000e+00, v42;
	v44 =	vld [tilespmem:s14+$0x70]  }
0x2e5: {  	v43 =	vld [tilespmem:s14+$0x170];
	v37 =	vmul.f32 $8.000000000e+00, v54;
	[tilespmem:v59+s26+$0x0] =	vst.idx.msk $0xffff, v63;
	v53 =	vmul.f32 $8.000000000e+00, v51;
	v51 =	vadd.s32 v31, v35  }
0x2e6: {  	s29 =	simm.s32 $0xA800;
	s28 =	simm.s32 $0x8;
	v46 =	vld [tilespmem:s20+$0x10];
	v42 =	vadd.s32 v7, v35;
	[tilespmem:v57+s26+$0x0] =	vst.idx.msk $0xffff, v62;
	v54 =	vmul.f32 $8.000000000e+00, v58;
	s14 =	sor.u32 $0x2, s18;
	v35 =	vmovc v34;
	v55 =	vmul.f32 $8.000000000e+00, v60  }
.LBB2_7:
0x2e7: {  	s28 =	sadd.s32 $0x8, s28;
	[tilespmem:v50+s26+$0x0] =	vst.idx.msk $0xffff, v41;
	v41 =	vmul.f32 $8.000000000e+00, v32;
	v32 =	vld [tilespmem:s29+$0x180];
	v34 =	vadd.s32 $0x8, v34;
	v47 =	vmul.f32 $8.000000000e+00, v47  }
0x2e8: {  	v56 =	vadd.s32 v13, v35;
	v40 =	vmul.f32 $8.000000000e+00, v40;
	p2 =	slt.u32 s28, $0x78;
	v50 =	vld [tilespmem:s20+$0xA0];
	v45 =	vmul.f32 $8.000000000e+00, v45;
	[tilespmem:v48+s26+$0x0] =	vst.idx.msk $0xffff, v53  }
0x2e9: {  	v38 =	vmul.f32 $8.000000000e+00, v38;
	v48 =	vadd.s32 v8, v34;
	v53 =	vld [tilespmem:s29+$0x140];
	v44 =	vmul.f32 $8.000000000e+00, v44;
	[tilespmem:v49+s26+$0x0] =	vst.idx.msk $0xffff, v55  }
0x2ea: {  	v57 =	vadd.s32 v1, v35;
	v49 =	vadd.s32 v0, v34;
	v55 =	vld [tilespmem:s29+$0x100];
	v43 =	vmul.f32 $8.000000000e+00, v43;
	[tilespmem:v51+s26+$0x0] =	vst.idx.msk $0xffff, v54  }
0x2eb: {  	v51 =	vadd.s32 v27, v34;
	v54 =	vld [tilespmem:s29+$0x1C0];
	[tilespmem:v52+s26+$0x0] =	vst.idx.msk $0xffff, v38  }
0x2ec: {  	v38 =	vmul.f32 $8.000000000e+00, v46;
	v52 =	vadd.s32 v24, v35;
	v46 =	vld [tilespmem:s20+$0x50];
	[tilespmem:v36+s26+$0x0] =	vst.idx.msk $0xffff, v47;
	v36 =	vmovc v33;
	v33 =	vmov v51  }
0x2ed: {  	v47 =	vld [tilespmem:s29+$0x80];
	[tilespmem:v56+s26+$0x0] =	vst.idx.msk $0xffff, v45;
	v45 =	vadd.s32 v21, v35  }
0x2ee: {  	v51 =	vadd.s32 v5, v35;
	v50 =	vmul.f32 $8.000000000e+00, v50;
	v56 =	vld [tilespmem:s20+$0xE0];
	[tilespmem:v42+s26+$0x0] =	vst.idx.msk $0xffff, v44  }
0x2ef: {  	v42 =	vld [tilespmem:s29+$0x0];
	[tilespmem:v57+s26+$0x0] =	vst.idx.msk $0xffff, v38;
	v38 =	vadd.s32 v17, v35  }
0x2f0: {  	v44 =	vld [tilespmem:s20+$0x20];
	[tilespmem:v39+s26+$0x0] =	vst.idx.msk $0xffff, v43  }
0x2f1: {  	v39 =	vld [tilespmem:s29+$0xC0];
	v43 =	vmul.f32 $8.000000000e+00, v46;
	v46 =	vadd.s32 v10, v35;
	[tilespmem:v52+s26+$0x0] =	vst.idx.msk $0xffff, v41  }
0x2f2: {  	v41 =	vmul.f32 $8.000000000e+00, v47;
	v47 =	vadd.s32 v20, v34;
	[tilespmem:v45+s26+$0x0] =	vst.idx.msk $0xffff, v37;
	v37 =	vld [tilespmem:s20+$0x190]  }
0x2f3: {  	v52 =	vadd.s32 v2, v35;
	v45 =	vadd.s32 v28, v34;
	[tilespmem:v51+s26+$0x0] =	vst.idx.msk $0xffff, v43;
	v43 =	vld [tilespmem:s20+$0x1E0]  }
0x2f4: {  	[tilespmem:v38+s26+$0x0] =	vst.idx.msk $0xffff, v40;
	v38 =	vld [tilespmem:s20+$0x160];
	v40 =	vadd.s32 v25, v35  }
0x2f5: {  	v51 =	vld [tilespmem:s29+$0x40];
	[tilespmem:v48+s26+$0x0] =	vst.idx.msk $0xffff, v41;
	v41 =	vmul.f32 $8.000000000e+00, v53;
	v44 =	vmul.f32 $8.000000000e+00, v44;
	v48 =	vadd.s32 v14, v35  }
0x2f6: {  	v54 =	vmul.f32 $8.000000000e+00, v54;
	v53 =	vld [tilespmem:s29+$0x90];
	[tilespmem:v46+s26+$0x0] =	vst.idx.msk $0xffff, v50;
	v46 =	vadd.s32 v22, v35  }
0x2f7: {  	v39 =	vmul.f32 $8.000000000e+00, v39;
	v50 =	vadd.s32 v30, v35;
	[tilespmem:v47+s26+$0x0] =	vst.idx.msk $0xffff, v41;
	v47 =	vld [tilespmem:s20+$0xB0];
	v37 =	vmul.f32 $8.000000000e+00, v37  }
0x2f8: {  	v55 =	vmul.f32 $8.000000000e+00, v55;
	v41 =	vmul.f32 $8.000000000e+00, v56;
	[tilespmem:v52+s26+$0x0] =	vst.idx.msk $0xffff, v44;
	v44 =	vld [tilespmem:s20+$0x120]  }
0x2f9: {  	v52 =	vadd.s32 v12, v34;
	v56 =	vld [tilespmem:s20+$0x60];
	v38 =	vmul.f32 $8.000000000e+00, v38;
	[tilespmem:v40+s26+$0x0] =	vst.idx.msk $0xffff, v37  }
0x2fa: {  	v43 =	vmul.f32 $8.000000000e+00, v43;
	v37 =	vadd.s32 v16, v34;
	[tilespmem:v48+s26+$0x0] =	vst.idx.msk $0xffff, v41;
	v40 =	vld [tilespmem:s20+$0x1A0]  }
0x2fb: {  	v57 =	vadd.s32 v18, v35;
	v48 =	vld [tilespmem:s20+$0xF0];
	[tilespmem:v46+s26+$0x0] =	vst.idx.msk $0xffff, v38  }
0x2fc: {  	v41 =	vmul.f32 $8.000000000e+00, v51;
	v51 =	vadd.s32 v26, v35;
	v46 =	vld [tilespmem:s29+$0x150];
	[tilespmem:v50+s26+$0x0] =	vst.idx.msk $0xffff, v43  }
0x2fd: {  	[tilespmem:v45+s26+$0x0] =	vst.idx.msk $0xffff, v54;
	v38 =	vld [tilespmem:s20+$0x30]  }
0x2fe: {  	v44 =	vmul.f32 $8.000000000e+00, v44;
	[tilespmem:v52+s26+$0x0] =	vst.idx.msk $0xffff, v39;
	v43 =	vld [tilespmem:s29+$0x1D0];
	v39 =	vmul.f32 $8.000000000e+00, v56;
	v52 =	vadd.s32 v6, v35  }
0x2ff: {  	v53 =	vmul.f32 $8.000000000e+00, v53;
	v54 =	vadd.s32 v15, v35;
	[tilespmem:v37+s26+$0x0] =	vst.idx.msk $0xffff, v55;
	v37 =	vmul.f32 $8.000000000e+00, v40;
	v56 =	vld [tilespmem:s20+$0x1F0]  }
0x300: {  	v42 =	vmul.f32 $8.000000000e+00, v42;
	v55 =	vadd.s32 v9, v34;
	v40 =	vld [tilespmem:s29+$0x110];
	[tilespmem:v57+s26+$0x0] =	vst.idx.msk $0xffff, v44  }
0x301: {  	v58 =	vadd.s32 v11, v35;
	v57 =	vmul.f32 $8.000000000e+00, v47;
	v59 =	vld [tilespmem:s20+$0x130];
	[tilespmem:v51+s26+$0x0] =	vst.idx.msk $0xffff, v37  }
.Ltmp4:
0x302: {  	v50 =	vadd.s32 v4, v34;
	v37 =	vmul.f32 $8.000000000e+00, v46;
	[tilespmem:v49+s26+$0x0] =	vst.idx.msk $0xffff, v42;
	v42 =	vmul.f32 $8.000000000e+00, v48;
	v47 =	vld [tilespmem:s20+$0x1B0];
	(pc) =	sbr.rel @p2 .LBB2_7-.Ltmp4, $4  }
0x303: {  	v48 =	vadd.s32 v29, v34;
	v45 =	vld [tilespmem:s29+$0xD0];
	[tilespmem:v52+s26+$0x0] =	vst.idx.msk $0xffff, v39  }
0x304: {  	v49 =	vadd.s32 v19, v35;
	v39 =	vadd.s32 v23, v35;
	v44 =	vld [tilespmem:s20+$0x70];
	[tilespmem:v54+s26+$0x0] =	vst.idx.msk $0xffff, v42  }
0x305: {  	v51 =	vadd.s32 v31, v35;
	v42 =	vadd.s32 v7, v35;
	[tilespmem:v55+s26+$0x0] =	vst.idx.msk $0xffff, v53;
	v53 =	vmul.f32 $8.000000000e+00, v43;
	v43 =	vld [tilespmem:s20+$0x170];
	s20 =	smov.u32 s29  }
0x306: {  	v52 =	vadd.s32 v3, v35;
	v54 =	vmul.f32 $8.000000000e+00, v56;
	v35 =	vmovc v34;
	s29 =	sadd.s32 $0x200, s29;
	v46 =	vld [tilespmem:s20+$0x10];
	[tilespmem:v58+s26+$0x0] =	vst.idx.msk $0xffff, v57;
	v55 =	vmul.f32 $8.000000000e+00, v59  }
0x307: {  	_ =	sdelay $0x3  }
0x308: {  	v34 =	vadd.s32 v24, v35;
	[tilespmem:v50+s26+$0x0] =	vst.idx.msk $0xffff, v41  }
0x309: {  	[tilespmem:v48+s26+$0x0] =	vst.idx.msk $0xffff, v53  }
0x30a: {  	v59 =	vadd.s32 v13, v35;
	v38 =	vmul.f32 $8.000000000e+00, v38;
	[tilespmem:v49+s26+$0x0] =	vst.idx.msk $0xffff, v55  }
0x30b: {  	v32 =	vmul.f32 $8.000000000e+00, v32;
	v60 =	vadd.s32 v17, v35;
	[tilespmem:v51+s26+$0x0] =	vst.idx.msk $0xffff, v54  }
0x30c: {  	v49 =	vld [tilespmem:s20+$0x50];
	[tilespmem:v52+s26+$0x0] =	vst.idx.msk $0xffff, v38;
	v44 =	vmul.f32 $8.000000000e+00, v44  }
0x30d: {  	v62 =	vadd.s32 v1, v35;
	v61 =	vmul.f32 $8.000000000e+00, v45;
	[tilespmem:v34+s26+$0x0] =	vst.idx.msk $0xffff, v32  }
0x30e: {  	v50 =	vmul.f32 $8.000000000e+00, v40;
	v53 =	vadd.s32 v5, v35;
	[tilespmem:v42+s26+$0x0] =	vst.idx.msk $0xffff, v44;
	v63 =	vld [tilespmem:s20+$0x190]  }
0x30f: {  	v56 =	vadd.s32 v21, v35;
	v55 =	vld [tilespmem:s20+$0xA0];
	v43 =	vmul.f32 $8.000000000e+00, v43;
	[tilespmem:v59+s26+$0x0] =	vst.idx.msk $0xffff, v61  }
0x310: {  	v51 =	vadd.s32 v25, v35;
	v52 =	vmul.f32 $8.000000000e+00, v46;
	[tilespmem:v60+s26+$0x0] =	vst.idx.msk $0xffff, v50;
	v54 =	vld [tilespmem:s20+$0xE0]  }
0x311: {  	[tilespmem:v39+s26+$0x0] =	vst.idx.msk $0xffff, v43;
	v61 =	vadd.s32 v10, v35;
	v59 =	vld [tilespmem:s20+$0x120];
	v60 =	vmul.f32 $8.000000000e+00, v49  }
0x312: {  	v57 =	vadd.s32 v14, v35;
	[tilespmem:v62+s26+$0x0] =	vst.idx.msk $0xffff, v52;
	v62 =	vld [tilespmem:s20+$0x1E0]  }
0x313: {  	v48 =	vadd.s32 v18, v35;
	[tilespmem:v53+s26+$0x0] =	vst.idx.msk $0xffff, v60;
	v58 =	vmul.f32 $8.000000000e+00, v63;
	v63 =	vld [tilespmem:s20+$0x20]  }
0x314: {  	[tilespmem:v56+s26+$0x0] =	vst.idx.msk $0xffff, v37;
	v49 =	vadd.s32 v30, v35;
	v42 =	vmul.f32 $8.000000000e+00, v55;
	v53 =	vld [tilespmem:s20+$0x60]  }
0x315: {  	v52 =	vadd.s32 v2, v35;
	v50 =	vmul.f32 $8.000000000e+00, v54;
	v54 =	vld [tilespmem:s20+$0x160];
	[tilespmem:v51+s26+$0x0] =	vst.idx.msk $0xffff, v58  }
0x316: {  	[tilespmem:v61+s26+$0x0] =	vst.idx.msk $0xffff, v42;
	v38 =	vmul.f32 $8.000000000e+00, v59;
	v58 =	vadd.s32 v6, v35;
	v51 =	vld [tilespmem:s20+$0x1A0]  }
0x317: {  	v60 =	vadd.s32 v22, v35;
	v56 =	vmul.f32 $8.000000000e+00, v62;
	v61 =	vld [tilespmem:s20+$0xB0];
	[tilespmem:v57+s26+$0x0] =	vst.idx.msk $0xffff, v50  }
0x318: {  	v55 =	vadd.s32 v26, v35;
	[tilespmem:v48+s26+$0x0] =	vst.idx.msk $0xffff, v38;
	v57 =	vld [tilespmem:s20+$0xF0];
	v59 =	vmul.f32 $8.000000000e+00, v63  }
0x319: {  	[tilespmem:v49+s26+$0x0] =	vst.idx.msk $0xffff, v56;
	v48 =	vmul.f32 $8.000000000e+00, v53  }
0x31a: {  	v49 =	vadd.s32 v11, v35;
	v38 =	vld [tilespmem:s20+$0x130];
	v50 =	vmul.f32 $8.000000000e+00, v54;
	[tilespmem:v52+s26+$0x0] =	vst.idx.msk $0xffff, v59  }
0x31b: {  	v62 =	vadd.s32 v15, v35;
	v39 =	vld [tilespmem:s20+$0x1F0];
	[tilespmem:v58+s26+$0x0] =	vst.idx.msk $0xffff, v48;
	v63 =	vmul.f32 $8.000000000e+00, v51  }
0x31c: {  	v47 =	vmul.f32 $8.000000000e+00, v47;
	v52 =	vadd.s32 v19, v35;
	[tilespmem:v60+s26+$0x0] =	vst.idx.msk $0xffff, v50;
	v51 =	vld [tilespmem:s20+$0x30]  }
0x31d: {  	v56 =	vmul.f32 $8.000000000e+00, v61;
	v53 =	vmul.f32 $8.000000000e+00, v57;
	v57 =	vld [tilespmem:s20+$0x70];
	[tilespmem:v55+s26+$0x0] =	vst.idx.msk $0xffff, v63;
	v55 =	vadd.s32 v31, v35  }
0x31e: {  	[tilespmem:v36+s26+$0x0] =	vst.idx.msk $0xffff, v47;
	v58 =	vadd.s32 v3, v35;
	v59 =	vld [tilespmem:s20+$0x170]  }
0x31f: {  	v61 =	vadd.s32 v7, v35;
	[tilespmem:v49+s26+$0x0] =	vst.idx.msk $0xffff, v56;
	v60 =	vmul.f32 $8.000000000e+00, v38;
	v54 =	vld [tilespmem:s20+$0x1B0]  }
0x320: {  	v39 =	vmul.f32 $8.000000000e+00, v39;
	[tilespmem:v62+s26+$0x0] =	vst.idx.msk $0xffff, v53;
	v62 =	vadd.s32 v23, v35  }
0x321: {  	[tilespmem:v52+s26+$0x0] =	vst.idx.msk $0xffff, v60;
	v63 =	vmul.f32 $8.000000000e+00, v51  }
0x322: {  	v44 =	vmul.f32 $8.000000000e+00, v57;
	[tilespmem:v55+s26+$0x0] =	vst.idx.msk $0xffff, v39  }
0x323: {  	s14 =	sadd.s32 s5, s14;
	v32 =	vmul.f32 $8.000000000e+00, v59;
	[tilespmem:v58+s26+$0x0] =	vst.idx.msk $0xffff, v63  }
0x324: {  	s28 =	sshll.u32 s14, $0xA;
	s14 =	sshll.u32 s14, $0x7;
	[tilespmem:v61+s26+$0x0] =	vst.idx.msk $0xffff, v44;
	v42 =	vmul.f32 $8.000000000e+00, v54  }
0x325: {  	s14 =	sand.u32 $0xF00, s14;
	s20 =	sand.u32 $0xFFF8000, s28;
	[tilespmem:v62+s26+$0x0] =	vst.idx.msk $0xffff, v32  }
0x326: {  	s14 =	sor.u32 s14, s20;
	[tilespmem:v33+s26+$0x0] =	vst.idx.msk $0xffff, v42  }
0x327: {  	s20 =	sadd.s32 s2, s14;
	[bflag:$0x0] =	sbarrier.arrive $0xFFFF  }
0x328: {  	[hbm4b:s20+s3] =	stream.linear.scatter [tilespmem:s26], [sflag:$0x7], $0x80, $0x38;
	[tilespmem:$0x16C00] =	vst v63  }
0x329: {  	s29 =	simm.s32 $0x12888;
	s28 =	sadd.s32 $0x10, s20  }
0x32a: {  	[hbm4b:s28+s3] =	stream.linear.scatter [tilespmem:s29], [sflag:$0x7], $0x80, $0x38;
	[tilespmem:$0x16C00] =	vst v63  }
0x32b: {  	s28 =	sadd.s32 $0x20, s20;
	s29 =	simm.s32 $0x12910  }
0x32c: {  	[hbm4b:s28+s3] =	stream.linear.scatter [tilespmem:s29], [sflag:$0x7], $0x80, $0x38;
	[tilespmem:$0x16C00] =	vst v63  }
0x32d: {  	s28 =	sadd.s32 $0x30, s20;
	s29 =	simm.s32 $0x12998  }
0x32e: {  	[hbm4b:s28+s3] =	stream.linear.scatter [tilespmem:s29], [sflag:$0x7], $0x80, $0x38;
	[tilespmem:$0x16C00] =	vst v63  }
0x32f: {  	s28 =	sadd.s32 $0x40, s20;
	s29 =	simm.s32 $0x12A20  }
0x330: {  	[hbm4b:s28+s3] =	stream.linear.scatter [tilespmem:s29], [sflag:$0x7], $0x80, $0x38;
	[tilespmem:$0x16C00] =	vst v63  }
0x331: {  	s28 =	sadd.s32 $0x50, s20;
	s29 =	simm.s32 $0x12AA8  }
0x332: {  	[hbm4b:s28+s3] =	stream.linear.scatter [tilespmem:s29], [sflag:$0x7], $0x80, $0x38;
	[tilespmem:$0x16C00] =	vst v63  }
0x333: {  	s28 =	sadd.s32 $0x60, s20;
	s29 =	simm.s32 $0x12B30  }
0x334: {  	[hbm4b:s28+s3] =	stream.linear.scatter [tilespmem:s29], [sflag:$0x7], $0x80, $0x38;
	[tilespmem:$0x16C00] =	vst v63  }
0x335: {  	s20 =	sadd.s32 $0x70, s20;
	s29 =	simm.s32 $0x12BB8  }
0x336: {  	[hbm4b:s20+s3] =	stream.linear.scatter [tilespmem:s29], [sflag:$0x7], $0x80, $0x38;
	[tilespmem:$0x16C00] =	vst v63  }
0x337: {  	s20 =	sadd.s32 s14, s7;
	s29 =	simm.s32 $0x12C40  }
0x338: {  	[hbm4b:s20+s3] =	stream.linear.scatter [tilespmem:s29], [sflag:$0x7], $0x80, $0x38;
	[tilespmem:$0x16C00] =	vst v63  }
0x339: {  	s28 =	sadd.s32 $0x10, s20;
	s29 =	simm.s32 $0x12CC8  }
0x33a: {  	[hbm4b:s28+s3] =	stream.linear.scatter [tilespmem:s29], [sflag:$0x7], $0x80, $0x38;
	[tilespmem:$0x16C00] =	vst v63  }
0x33b: {  	s28 =	sadd.s32 $0x20, s20;
	s29 =	simm.s32 $0x12D50  }
0x33c: {  	[hbm4b:s28+s3] =	stream.linear.scatter [tilespmem:s29], [sflag:$0x7], $0x80, $0x38;
	[tilespmem:$0x16C00] =	vst v63  }
0x33d: {  	s28 =	sadd.s32 $0x30, s20;
	s29 =	simm.s32 $0x12DD8  }
0x33e: {  	[hbm4b:s28+s3] =	stream.linear.scatter [tilespmem:s29], [sflag:$0x7], $0x80, $0x38;
	[tilespmem:$0x16C00] =	vst v63  }
0x33f: {  	s28 =	sadd.s32 $0x40, s20;
	s29 =	simm.s32 $0x12E60  }
0x340: {  	[hbm4b:s28+s3] =	stream.linear.scatter [tilespmem:s29], [sflag:$0x7], $0x80, $0x38;
	[tilespmem:$0x16C00] =	vst v63  }
0x341: {  	s28 =	sadd.s32 $0x50, s20;
	s29 =	simm.s32 $0x12EE8  }
0x342: {  	[hbm4b:s28+s3] =	stream.linear.scatter [tilespmem:s29], [sflag:$0x7], $0x80, $0x38;
	[tilespmem:$0x16C00] =	vst v63  }
0x343: {  	s28 =	sadd.s32 $0x60, s20;
	s29 =	simm.s32 $0x12F70  }
0x344: {  	[hbm4b:s28+s3] =	stream.linear.scatter [tilespmem:s29], [sflag:$0x7], $0x80, $0x38;
	[tilespmem:$0x16C00] =	vst v63  }
0x345: {  	s20 =	sadd.s32 $0x70, s20;
	s29 =	simm.s32 $0x12FF8  }
0x346: {  	[hbm4b:s20+s3] =	stream.linear.scatter [tilespmem:s29], [sflag:$0x7], $0x80, $0x38;
	[tilespmem:$0x16C00] =	vst v63  }
0x347: {  	s20 =	sadd.s32 s14, s8;
	s29 =	simm.s32 $0x13080  }
0x348: {  	[hbm4b:s20+s3] =	stream.linear.scatter [tilespmem:s29], [sflag:$0x7], $0x80, $0x38;
	[tilespmem:$0x16C00] =	vst v63  }
0x349: {  	s28 =	sadd.s32 $0x10, s20;
	s29 =	simm.s32 $0x13108  }
0x34a: {  	[hbm4b:s28+s3] =	stream.linear.scatter [tilespmem:s29], [sflag:$0x7], $0x80, $0x38;
	[tilespmem:$0x16C00] =	vst v63  }
0x34b: {  	s28 =	sadd.s32 $0x20, s20;
	s29 =	simm.s32 $0x13190  }
0x34c: {  	[hbm4b:s28+s3] =	stream.linear.scatter [tilespmem:s29], [sflag:$0x7], $0x80, $0x38;
	[tilespmem:$0x16C00] =	vst v63  }
0x34d: {  	s28 =	sadd.s32 $0x30, s20;
	s29 =	simm.s32 $0x13218  }
0x34e: {  	[hbm4b:s28+s3] =	stream.linear.scatter [tilespmem:s29], [sflag:$0x7], $0x80, $0x38;
	[tilespmem:$0x16C00] =	vst v63  }
0x34f: {  	s28 =	sadd.s32 $0x40, s20;
	s29 =	simm.s32 $0x132A0  }
0x350: {  	[hbm4b:s28+s3] =	stream.linear.scatter [tilespmem:s29], [sflag:$0x7], $0x80, $0x38;
	[tilespmem:$0x16C00] =	vst v63  }
0x351: {  	s28 =	sadd.s32 $0x50, s20;
	s29 =	simm.s32 $0x13328  }
0x352: {  	[hbm4b:s28+s3] =	stream.linear.scatter [tilespmem:s29], [sflag:$0x7], $0x80, $0x38;
	[tilespmem:$0x16C00] =	vst v63  }
0x353: {  	s28 =	sadd.s32 $0x60, s20;
	s29 =	simm.s32 $0x133B0  }
0x354: {  	[hbm4b:s28+s3] =	stream.linear.scatter [tilespmem:s29], [sflag:$0x7], $0x80, $0x38;
	[tilespmem:$0x16C00] =	vst v63  }
0x355: {  	s20 =	sadd.s32 $0x70, s20;
	s29 =	simm.s32 $0x13438  }
0x356: {  	[hbm4b:s20+s3] =	stream.linear.scatter [tilespmem:s29], [sflag:$0x7], $0x80, $0x38;
	[tilespmem:$0x16C00] =	vst v63  }
0x357: {  	s20 =	sadd.s32 s14, s9;
	s29 =	simm.s32 $0x134C0  }
0x358: {  	[hbm4b:s20+s3] =	stream.linear.scatter [tilespmem:s29], [sflag:$0x7], $0x80, $0x38;
	[tilespmem:$0x16C00] =	vst v63  }
0x359: {  	s28 =	sadd.s32 $0x10, s20;
	s29 =	simm.s32 $0x13548  }
0x35a: {  	[hbm4b:s28+s3] =	stream.linear.scatter [tilespmem:s29], [sflag:$0x7], $0x80, $0x38;
	[tilespmem:$0x16C00] =	vst v63  }
0x35b: {  	s28 =	sadd.s32 $0x20, s20;
	s29 =	simm.s32 $0x135D0  }
0x35c: {  	[hbm4b:s28+s3] =	stream.linear.scatter [tilespmem:s29], [sflag:$0x7], $0x80, $0x38;
	[tilespmem:$0x16C00] =	vst v63  }
0x35d: {  	s28 =	sadd.s32 $0x30, s20;
	s29 =	simm.s32 $0x13658  }
0x35e: {  	[hbm4b:s28+s3] =	stream.linear.scatter [tilespmem:s29], [sflag:$0x7], $0x80, $0x38;
	[tilespmem:$0x16C00] =	vst v63  }
0x35f: {  	s28 =	sadd.s32 $0x40, s20;
	s29 =	simm.s32 $0x136E0  }
0x360: {  	[hbm4b:s28+s3] =	stream.linear.scatter [tilespmem:s29], [sflag:$0x7], $0x80, $0x38;
	[tilespmem:$0x16C00] =	vst v63  }
0x361: {  	s28 =	sadd.s32 $0x50, s20;
	s29 =	simm.s32 $0x13768  }
0x362: {  	[hbm4b:s28+s3] =	stream.linear.scatter [tilespmem:s29], [sflag:$0x7], $0x80, $0x38;
	[tilespmem:$0x16C00] =	vst v63  }
0x363: {  	s28 =	sadd.s32 $0x60, s20;
	s29 =	simm.s32 $0x137F0  }
0x364: {  	[hbm4b:s28+s3] =	stream.linear.scatter [tilespmem:s29], [sflag:$0x7], $0x80, $0x38;
	[tilespmem:$0x16C00] =	vst v63  }
0x365: {  	s20 =	sadd.s32 $0x70, s20;
	s29 =	simm.s32 $0x13878  }
0x366: {  	[hbm4b:s20+s3] =	stream.linear.scatter [tilespmem:s29], [sflag:$0x7], $0x80, $0x38;
	[tilespmem:$0x16C00] =	vst v63  }
0x367: {  	s20 =	sadd.s32 s14, s10;
	s29 =	simm.s32 $0x13900  }
0x368: {  	[hbm4b:s20+s3] =	stream.linear.scatter [tilespmem:s29], [sflag:$0x7], $0x80, $0x38;
	[tilespmem:$0x16C00] =	vst v63  }
0x369: {  	s28 =	sadd.s32 $0x10, s20;
	s29 =	simm.s32 $0x13988  }
0x36a: {  	[hbm4b:s28+s3] =	stream.linear.scatter [tilespmem:s29], [sflag:$0x7], $0x80, $0x38;
	[tilespmem:$0x16C00] =	vst v63  }
0x36b: {  	s28 =	sadd.s32 $0x20, s20;
	s29 =	simm.s32 $0x13A10  }
0x36c: {  	[hbm4b:s28+s3] =	stream.linear.scatter [tilespmem:s29], [sflag:$0x7], $0x80, $0x38;
	[tilespmem:$0x16C00] =	vst v63  }
0x36d: {  	s28 =	sadd.s32 $0x30, s20;
	s29 =	simm.s32 $0x13A98  }
0x36e: {  	[hbm4b:s28+s3] =	stream.linear.scatter [tilespmem:s29], [sflag:$0x7], $0x80, $0x38;
	[tilespmem:$0x16C00] =	vst v63  }
0x36f: {  	s28 =	sadd.s32 $0x40, s20;
	s29 =	simm.s32 $0x13B20  }
0x370: {  	[hbm4b:s28+s3] =	stream.linear.scatter [tilespmem:s29], [sflag:$0x7], $0x80, $0x38;
	[tilespmem:$0x16C00] =	vst v63  }
0x371: {  	s28 =	sadd.s32 $0x50, s20;
	s29 =	simm.s32 $0x13BA8  }
0x372: {  	[hbm4b:s28+s3] =	stream.linear.scatter [tilespmem:s29], [sflag:$0x7], $0x80, $0x38;
	[tilespmem:$0x16C00] =	vst v63  }
0x373: {  	s28 =	sadd.s32 $0x60, s20;
	s29 =	simm.s32 $0x13C30  }
0x374: {  	[hbm4b:s28+s3] =	stream.linear.scatter [tilespmem:s29], [sflag:$0x7], $0x80, $0x38;
	[tilespmem:$0x16C00] =	vst v63  }
0x375: {  	s20 =	sadd.s32 $0x70, s20;
	s29 =	simm.s32 $0x13CB8  }
0x376: {  	[hbm4b:s20+s3] =	stream.linear.scatter [tilespmem:s29], [sflag:$0x7], $0x80, $0x38;
	[tilespmem:$0x16C00] =	vst v63  }
0x377: {  	s20 =	sadd.s32 s14, s11;
	s29 =	simm.s32 $0x13D40  }
0x378: {  	[hbm4b:s20+s3] =	stream.linear.scatter [tilespmem:s29], [sflag:$0x7], $0x80, $0x38;
	[tilespmem:$0x16C00] =	vst v63  }
0x379: {  	s28 =	sadd.s32 $0x10, s20;
	s29 =	simm.s32 $0x13DC8  }
0x37a: {  	[hbm4b:s28+s3] =	stream.linear.scatter [tilespmem:s29], [sflag:$0x7], $0x80, $0x38;
	[tilespmem:$0x16C00] =	vst v63  }
0x37b: {  	s28 =	sadd.s32 $0x20, s20;
	s29 =	simm.s32 $0x13E50  }
0x37c: {  	[hbm4b:s28+s3] =	stream.linear.scatter [tilespmem:s29], [sflag:$0x7], $0x80, $0x38;
	[tilespmem:$0x16C00] =	vst v63  }
0x37d: {  	s28 =	sadd.s32 $0x30, s20;
	s29 =	simm.s32 $0x13ED8  }
0x37e: {  	[hbm4b:s28+s3] =	stream.linear.scatter [tilespmem:s29], [sflag:$0x7], $0x80, $0x38;
	[tilespmem:$0x16C00] =	vst v63  }
0x37f: {  	s28 =	sadd.s32 $0x40, s20;
	s29 =	simm.s32 $0x13F60  }
0x380: {  	[hbm4b:s28+s3] =	stream.linear.scatter [tilespmem:s29], [sflag:$0x7], $0x80, $0x38;
	[tilespmem:$0x16C00] =	vst v63  }
0x381: {  	s28 =	sadd.s32 $0x50, s20;
	s29 =	simm.s32 $0x13FE8  }
0x382: {  	[hbm4b:s28+s3] =	stream.linear.scatter [tilespmem:s29], [sflag:$0x7], $0x80, $0x38;
	[tilespmem:$0x16C00] =	vst v63  }
0x383: {  	s28 =	sadd.s32 $0x60, s20;
	s29 =	simm.s32 $0x14070  }
0x384: {  	[hbm4b:s28+s3] =	stream.linear.scatter [tilespmem:s29], [sflag:$0x7], $0x80, $0x38;
	[tilespmem:$0x16C00] =	vst v63  }
0x385: {  	s20 =	sadd.s32 $0x70, s20;
	s29 =	simm.s32 $0x140F8  }
0x386: {  	[hbm4b:s20+s3] =	stream.linear.scatter [tilespmem:s29], [sflag:$0x7], $0x80, $0x38;
	[tilespmem:$0x16C00] =	vst v63  }
0x387: {  	s20 =	sadd.s32 s14, s12;
	s29 =	simm.s32 $0x14180  }
0x388: {  	[hbm4b:s20+s3] =	stream.linear.scatter [tilespmem:s29], [sflag:$0x7], $0x80, $0x38;
	[tilespmem:$0x16C00] =	vst v63  }
0x389: {  	s28 =	sadd.s32 $0x10, s20;
	s29 =	simm.s32 $0x14208  }
0x38a: {  	[hbm4b:s28+s3] =	stream.linear.scatter [tilespmem:s29], [sflag:$0x7], $0x80, $0x38;
	[tilespmem:$0x16C00] =	vst v63  }
0x38b: {  	s28 =	sadd.s32 $0x20, s20;
	s29 =	simm.s32 $0x14290  }
0x38c: {  	[hbm4b:s28+s3] =	stream.linear.scatter [tilespmem:s29], [sflag:$0x7], $0x80, $0x38;
	[tilespmem:$0x16C00] =	vst v63  }
0x38d: {  	s28 =	sadd.s32 $0x30, s20;
	s29 =	simm.s32 $0x14318  }
0x38e: {  	[hbm4b:s28+s3] =	stream.linear.scatter [tilespmem:s29], [sflag:$0x7], $0x80, $0x38;
	[tilespmem:$0x16C00] =	vst v63  }
0x38f: {  	s28 =	sadd.s32 $0x40, s20;
	s29 =	simm.s32 $0x143A0  }
0x390: {  	[hbm4b:s28+s3] =	stream.linear.scatter [tilespmem:s29], [sflag:$0x7], $0x80, $0x38;
	[tilespmem:$0x16C00] =	vst v63  }
0x391: {  	s28 =	sadd.s32 $0x50, s20;
	s29 =	simm.s32 $0x14428  }
0x392: {  	[hbm4b:s28+s3] =	stream.linear.scatter [tilespmem:s29], [sflag:$0x7], $0x80, $0x38;
	[tilespmem:$0x16C00] =	vst v63  }
0x393: {  	s28 =	sadd.s32 $0x60, s20;
	s29 =	simm.s32 $0x144B0  }
0x394: {  	[hbm4b:s28+s3] =	stream.linear.scatter [tilespmem:s29], [sflag:$0x7], $0x80, $0x38;
	[tilespmem:$0x16C00] =	vst v63  }
0x395: {  	s20 =	sadd.s32 $0x70, s20;
	s29 =	simm.s32 $0x14538  }
0x396: {  	[hbm4b:s20+s3] =	stream.linear.scatter [tilespmem:s29], [sflag:$0x7], $0x80, $0x38;
	[tilespmem:$0x16C00] =	vst v63  }
0x397: {  	s14 =	sadd.s32 s14, s13;
	s28 =	simm.s32 $0x145C0  }
0x398: {  	[hbm4b:s14+s3] =	stream.linear.scatter [tilespmem:s28], [sflag:$0x7], $0x80, $0x38;
	[tilespmem:$0x16C00] =	vst v63  }
0x399: {  	s20 =	sadd.s32 $0x10, s14;
	s29 =	simm.s32 $0x14648  }
0x39a: {  	[hbm4b:s20+s3] =	stream.linear.scatter [tilespmem:s29], [sflag:$0x7], $0x80, $0x38;
	[tilespmem:$0x16C00] =	vst v63  }
0x39b: {  	s20 =	sadd.s32 $0x20, s14;
	s29 =	simm.s32 $0x146D0  }
0x39c: {  	[hbm4b:s20+s3] =	stream.linear.scatter [tilespmem:s29], [sflag:$0x7], $0x80, $0x38;
	[tilespmem:$0x16C00] =	vst v63  }
0x39d: {  	s20 =	sadd.s32 $0x30, s14;
	s29 =	simm.s32 $0x14758  }
0x39e: {  	[hbm4b:s20+s3] =	stream.linear.scatter [tilespmem:s29], [sflag:$0x7], $0x80, $0x38;
	[tilespmem:$0x16C00] =	vst v63  }
0x39f: {  	s20 =	sadd.s32 $0x40, s14;
	s29 =	simm.s32 $0x147E0  }
0x3a0: {  	[hbm4b:s20+s3] =	stream.linear.scatter [tilespmem:s29], [sflag:$0x7], $0x80, $0x38;
	[tilespmem:$0x16C00] =	vst v63  }
0x3a1: {  	s20 =	sadd.s32 $0x50, s14;
	s29 =	simm.s32 $0x14868  }
0x3a2: {  	[hbm4b:s20+s3] =	stream.linear.scatter [tilespmem:s29], [sflag:$0x7], $0x80, $0x38;
	[tilespmem:$0x16C00] =	vst v63  }
0x3a3: {  	s20 =	sadd.s32 $0x60, s14;
	s29 =	simm.s32 $0x148F0  }
0x3a4: {  	[hbm4b:s20+s3] =	stream.linear.scatter [tilespmem:s29], [sflag:$0x7], $0x80, $0x38;
	[tilespmem:$0x16C00] =	vst v63  }
0x3a5: {  	s28 =	simm.s32 $0x14978;
	s14 =	sadd.s32 $0x70, s14  }
0x3a6: {  	[hbm4b:s14+s3] =	stream.linear.scatter [tilespmem:s28], [sflag:$0x7], $0x80, $0x38;
	[tilespmem:$0x16C00] =	vst v63  }
0x3a7: {  	s20 =	simm.s32 @!p1 $0xA400;
	s14 =	sadd.s32 @!p1 $0x300, s19;
	s19 =	simm.s32 @!p1 $0x80  }
0x3a8: {  	[tilespmem:s20], [sflag:$0x3] =	stream.indirect.gather @!p1 [hbm4b:s4+s19], $0x40, s14, s19, $0xb8;
	[tilespmem:$0x16C00] =	vst v63  }
0x3a9: {  	_ =	swait.ge [sflag:s15], $0x2000  }
0x3aa: {  	[sflag:s15] =	ssyncset.done $0x0  }
0x3ab: {  	s14 =	simm.s32 @!p0 $0x8;
	[sflag:s15] =	ssyncadd.s32 $0xFFFFE000  }
0x3ac: {  	_ =	swait.ge @!p0 [sflag:s14], $0x400  }
0x3ad: {  	[sflag:s14] =	ssyncset.done @!p0 $0x0  }
0x3ae: {  	[sflag:s14] =	ssyncadd.s32 @!p0 $0xFFFFFC00  }
0x3af: {  	_ =	swait.ge @!p0 [sflag:s14], $0x400  }
0x3b0: {  	[sflag:s14] =	ssyncset.done @!p0 $0x0  }
0x3b1: {  	[sflag:s14] =	ssyncadd.s32 @!p0 $0xFFFFFC00  }
0x3b2: {  	_ =	swait.ge @!p0 [sflag:s14], $0x400  }
0x3b3: {  	[sflag:s14] =	ssyncset.done @!p0 $0x0  }
0x3b4: {  	[sflag:s14] =	ssyncadd.s32 @!p0 $0xFFFFFC00  }
0x3b5: {  	_ =	swait.ge @!p0 [sflag:s14], $0x400  }
0x3b6: {  	[sflag:s14] =	ssyncset.done @!p0 $0x0  }
0x3b7: {  	[sflag:s14] =	ssyncadd.s32 @!p0 $0xFFFFFC00  }
0x3b8: {  	_ =	swait.ge @!p0 [sflag:s14], $0x400  }
0x3b9: {  	[sflag:s14] =	ssyncset.done @!p0 $0x0  }
0x3ba: {  	[sflag:s14] =	ssyncadd.s32 @!p0 $0xFFFFFC00  }
0x3bb: {  	_ =	swait.ge @!p0 [sflag:s14], $0x400  }
0x3bc: {  	[sflag:s14] =	ssyncset.done @!p0 $0x0  }
0x3bd: {  	[sflag:s14] =	ssyncadd.s32 @!p0 $0xFFFFFC00  }
0x3be: {  	_ =	swait.ge @!p0 [sflag:s14], $0x400  }
0x3bf: {  	[sflag:s14] =	ssyncset.done @!p0 $0x0  }
0x3c0: {  	[sflag:s14] =	ssyncadd.s32 @!p0 $0xFFFFFC00  }
0x3c1: {  	_ =	swait.ge @!p0 [sflag:s14], $0x400  }
0x3c2: {  	[sflag:s14] =	ssyncset.done @!p0 $0x0  }
0x3c3: {  	[sflag:s14] =	ssyncadd.s32 @!p0 $0xFFFFFC00  }
0x3c4: {  	s29 =	simm.s32 $0xC400;
	[bflag:$0x0] =	sbarrier.arrive $0xFFFF  }
0x3c5: {  	v45 =	vld [tilespmem:s29+$0x80]  }
0x3c6: {  	v47 =	vld [tilespmem:s29+$0x140]  }
0x3c7: {  	v48 =	vld [tilespmem:s29+$0x1C0]  }
0x3c8: {  	v49 =	vld [tilespmem:s29+$0x100]  }
0x3c9: {  	v35 =	vimm.s32 $0x0;
	v51 =	vld [tilespmem:s29+$0xC0]  }
0x3ca: {  	v46 =	vadd.s32 v8, v35;
	v53 =	vld [tilespmem:s29+$0x0]  }
0x3cb: {  	v52 =	vadd.s32 v28, v35;
	v43 =	vld [tilespmem:s29+$0x180]  }
0x3cc: {  	v56 =	vadd.s32 v12, v35;
	s19 =	simm.s32 $0xC600;
	v59 =	vld [tilespmem:s29+$0x40]  }
0x3cd: {  	v57 =	vadd.s32 v0, v35;
	v44 =	vld [tilespmem:s19+$0x140];
	v32 =	vmul.f32 $8.000000000e+00, v45  }
0x3ce: {  	v50 =	vadd.s32 v20, v35;
	v40 =	vld [tilespmem:s19+$0x1C0];
	v36 =	vmul.f32 $8.000000000e+00, v48  }
0x3cf: {  	v54 =	vadd.s32 v16, v35;
	v55 =	vmul.f32 $8.000000000e+00, v47;
	v61 =	vmul.f32 $8.000000000e+00, v51;
	v45 =	vld [tilespmem:s19+$0x100];
	[tilespmem:v46+s22+$0x0] =	vst.idx.msk $0xffff, v32  }
0x3d0: {  	v60 =	vmul.f32 $8.000000000e+00, v49;
	v49 =	vmul.f32 $8.000000000e+00, v53;
	v47 =	vld [tilespmem:s19+$0xC0];
	[tilespmem:v52+s22+$0x0] =	vst.idx.msk $0xffff, v36  }
0x3d1: {  	[tilespmem:v56+s22+$0x0] =	vst.idx.msk $0xffff, v61;
	v52 =	vadd.s32 v4, v35;
	v58 =	vld [tilespmem:s29+$0x90]  }
0x3d2: {  	[tilespmem:v57+s22+$0x0] =	vst.idx.msk $0xffff, v49;
	v51 =	vld [tilespmem:s29+$0xD0]  }
0x3d3: {  	v62 =	vadd.s32 v9, v35;
	[tilespmem:v50+s22+$0x0] =	vst.idx.msk $0xffff, v55;
	v53 =	vld [tilespmem:s29+$0x10]  }
0x3d4: {  	[tilespmem:v54+s22+$0x0] =	vst.idx.msk $0xffff, v60;
	v54 =	vadd.s32 v13, v35;
	v55 =	vmul.f32 $8.000000000e+00, v59;
	v63 =	vld [tilespmem:s29+$0x1D0]  }
0x3d5: {  	v32 =	vld [tilespmem:s19+$0x180];
	v56 =	vadd.s32 v1, v35  }
0x3d6: {  	v57 =	vadd.s32 v29, v35;
	v38 =	vld [tilespmem:s29+$0x150];
	[tilespmem:v52+s22+$0x0] =	vst.idx.msk $0xffff, v55;
	v50 =	vmul.f32 $8.000000000e+00, v58  }
0x3d7: {  	v34 =	vmul.f32 $8.000000000e+00, v51;
	v42 =	vld [tilespmem:s29+$0x50];
	v58 =	vadd.s32 v24, v35  }
0x3d8: {  	v60 =	vadd.s32 v21, v35;
	v33 =	vld [tilespmem:s29+$0x110];
	v41 =	vmul.f32 $8.000000000e+00, v53;
	[tilespmem:v62+s22+$0x0] =	vst.idx.msk $0xffff, v50  }
0x3d9: {  	v59 =	vld [tilespmem:s19+$0x80];
	v61 =	vadd.s32 v5, v35;
	v39 =	vmul.f32 $8.000000000e+00, v63;
	[tilespmem:v54+s22+$0x0] =	vst.idx.msk $0xffff, v34  }
0x3da: {  	v43 =	vmul.f32 $8.000000000e+00, v43;
	v34 =	vadd.s32 $0x8, v35;
	[tilespmem:v56+s22+$0x0] =	vst.idx.msk $0xffff, v41;
	v62 =	vadd.s32 v17, v35;
	v36 =	vld [tilespmem:s29+$0xA0]  }
0x3db: {  	v49 =	vld [tilespmem:s19+$0x40];
	v38 =	vmul.f32 $8.000000000e+00, v38;
	[tilespmem:v57+s22+$0x0] =	vst.idx.msk $0xffff, v39;
	v63 =	vadd.s32 v8, v34  }
0x3dc: {  	v56 =	vadd.s32 v10, v35;
	v46 =	vld [tilespmem:s29+$0x20];
	v42 =	vmul.f32 $8.000000000e+00, v42;
	[tilespmem:v58+s22+$0x0] =	vst.idx.msk $0xffff, v43  }
0x3dd: {  	v33 =	vmul.f32 $8.000000000e+00, v33;
	[tilespmem:v60+s22+$0x0] =	vst.idx.msk $0xffff, v38;
	v54 =	vadd.s32 v20, v34;
	v57 =	vld [tilespmem:s29+$0x190]  }
0x3de: {  	v51 =	vld [tilespmem:s29+$0xE0];
	v58 =	vmul.f32 $8.000000000e+00, v59;
	v59 =	vadd.s32 v2, v35;
	[tilespmem:v61+s22+$0x0] =	vst.idx.msk $0xffff, v42  }
0x3df: {  	v60 =	vld [tilespmem:s29+$0x160];
	[tilespmem:v62+s22+$0x0] =	vst.idx.msk $0xffff, v33;
	v61 =	vadd.s32 v25, v35;
	v36 =	vmul.f32 $8.000000000e+00, v36  }
0x3e0: {  	v42 =	vld [tilespmem:s29+$0x1E0];
	v62 =	vmul.f32 $8.000000000e+00, v44;
	[tilespmem:v63+s22+$0x0] =	vst.idx.msk $0xffff, v58;
	v63 =	vadd.s32 v14, v35  }
0x3e1: {  	v52 =	vld [tilespmem:s19+$0x0];
	v55 =	vmul.f32 $8.000000000e+00, v46;
	[tilespmem:v56+s22+$0x0] =	vst.idx.msk $0xffff, v36;
	v56 =	vadd.s32 v22, v35  }
0x3e2: {  	v38 =	vadd.s32 v30, v35;
	v48 =	vld [tilespmem:s29+$0x120];
	[tilespmem:v54+s22+$0x0] =	vst.idx.msk $0xffff, v62;
	v37 =	vmul.f32 $8.000000000e+00, v57  }
0x3e3: {  	v58 =	vmul.f32 $8.000000000e+00, v51;
	v53 =	vld [tilespmem:s29+$0x60];
	[tilespmem:v59+s22+$0x0] =	vst.idx.msk $0xffff, v55;
	v59 =	vadd.s32 v12, v34  }
0x3e4: {  	v33 =	vmul.f32 $8.000000000e+00, v60;
	v46 =	vld [tilespmem:s19+$0x90];
	v62 =	vadd.s32 v18, v35;
	[tilespmem:v61+s22+$0x0] =	vst.idx.msk $0xffff, v37  }
0x3e5: {  	v54 =	vld [tilespmem:s19+$0x150];
	v55 =	vadd.s32 v0, v34;
	[tilespmem:v63+s22+$0x0] =	vst.idx.msk $0xffff, v58;
	v61 =	vmul.f32 $8.000000000e+00, v42  }
0x3e6: {  	v41 =	vmul.f32 $8.000000000e+00, v45;
	v57 =	vadd.s32 v28, v34;
	v63 =	vmul.f32 $8.000000000e+00, v47;
	v60 =	vld [tilespmem:s29+$0x1A0];
	[tilespmem:v56+s22+$0x0] =	vst.idx.msk $0xffff, v33  }
0x3e7: {  	v50 =	vmul.f32 $8.000000000e+00, v52;
	v52 =	vadd.s32 v9, v34;
	v43 =	vld [tilespmem:s29+$0xB0];
	v45 =	vmul.f32 $8.000000000e+00, v48;
	[tilespmem:v38+s22+$0x0] =	vst.idx.msk $0xffff, v61  }
0x3e8: {  	v47 =	vadd.s32 v26, v35;
	v42 =	vld [tilespmem:s29+$0xF0];
	[tilespmem:v59+s22+$0x0] =	vst.idx.msk $0xffff, v63  }
0x3e9: {  	v40 =	vmul.f32 $8.000000000e+00, v40;
	v37 =	vadd.s32 v16, v34;
	v38 =	vld [tilespmem:s29+$0x30];
	[tilespmem:v62+s22+$0x0] =	vst.idx.msk $0xffff, v45  }
0x3ea: {  	v46 =	vmul.f32 $8.000000000e+00, v46;
	v56 =	vadd.s32 v6, v35;
	[tilespmem:v55+s22+$0x0] =	vst.idx.msk $0xffff, v50;
	v58 =	vld [tilespmem:s29+$0x1F0]  }
0x3eb: {  	[tilespmem:v57+s22+$0x0] =	vst.idx.msk $0xffff, v40;
	v45 =	vld [tilespmem:s19+$0xD0];
	v48 =	vmul.f32 $8.000000000e+00, v60  }
0x3ec: {  	v39 =	vadd.s32 v23, v35;
	v59 =	vadd.s32 v11, v35;
	[tilespmem:v52+s22+$0x0] =	vst.idx.msk $0xffff, v46;
	v51 =	vld [tilespmem:s19+$0x1D0]  }
0x3ed: {  	v36 =	vadd.s32 v27, v35;
	v44 =	vmul.f32 $8.000000000e+00, v53;
	v57 =	vadd.s32 v15, v35;
	v60 =	vld [tilespmem:s29+$0x130];
	[tilespmem:v47+s22+$0x0] =	vst.idx.msk $0xffff, v48  }
0x3ee: {  	v33 =	vadd.s32 v27, v34;
	v50 =	vadd.s32 v4, v34;
	[tilespmem:v37+s22+$0x0] =	vst.idx.msk $0xffff, v41;
	v47 =	vld [tilespmem:s29+$0x1B0]  }
0x3ef: {  	v63 =	vmul.f32 $8.000000000e+00, v43;
	v52 =	vadd.s32 v3, v35;
	v40 =	vld [tilespmem:s19+$0x110];
	[tilespmem:v56+s22+$0x0] =	vst.idx.msk $0xffff, v44;
	v48 =	vadd.s32 v29, v34  }
0x3f0: {  	v41 =	vmul.f32 $8.000000000e+00, v49;
	v49 =	vadd.s32 v19, v35;
	v62 =	vmul.f32 $8.000000000e+00, v42;
	v44 =	vld [tilespmem:s29+$0x70]  }
0x3f1: {  	v43 =	vld [tilespmem:s29+$0x170];
	v37 =	vmul.f32 $8.000000000e+00, v54;
	[tilespmem:v59+s22+$0x0] =	vst.idx.msk $0xffff, v63;
	v53 =	vmul.f32 $8.000000000e+00, v51;
	v51 =	vadd.s32 v31, v35  }
0x3f2: {  	s20 =	simm.s32 $0xC800;
	s14 =	sor.u32 $0x3, s18;
	s18 =	simm.s32 $0x8;
	v46 =	vld [tilespmem:s19+$0x10];
	v42 =	vadd.s32 v7, v35;
	[tilespmem:v57+s22+$0x0] =	vst.idx.msk $0xffff, v62;
	v54 =	vmul.f32 $8.000000000e+00, v58;
	v35 =	vmovc v34;
	v55 =	vmul.f32 $8.000000000e+00, v60  }
.LBB2_9:
0x3f3: {  	s18 =	sadd.s32 $0x8, s18;
	[tilespmem:v50+s22+$0x0] =	vst.idx.msk $0xffff, v41;
	v41 =	vmul.f32 $8.000000000e+00, v32;
	v32 =	vld [tilespmem:s20+$0x180];
	v34 =	vadd.s32 $0x8, v34;
	v47 =	vmul.f32 $8.000000000e+00, v47  }
0x3f4: {  	v56 =	vadd.s32 v13, v35;
	v40 =	vmul.f32 $8.000000000e+00, v40;
	p0 =	slt.u32 s18, $0x78;
	v50 =	vld [tilespmem:s19+$0xA0];
	v45 =	vmul.f32 $8.000000000e+00, v45;
	[tilespmem:v48+s22+$0x0] =	vst.idx.msk $0xffff, v53  }
0x3f5: {  	v38 =	vmul.f32 $8.000000000e+00, v38;
	v48 =	vadd.s32 v8, v34;
	v53 =	vld [tilespmem:s20+$0x140];
	v44 =	vmul.f32 $8.000000000e+00, v44;
	[tilespmem:v49+s22+$0x0] =	vst.idx.msk $0xffff, v55  }
0x3f6: {  	v57 =	vadd.s32 v1, v35;
	v49 =	vadd.s32 v0, v34;
	v55 =	vld [tilespmem:s20+$0x100];
	v43 =	vmul.f32 $8.000000000e+00, v43;
	[tilespmem:v51+s22+$0x0] =	vst.idx.msk $0xffff, v54  }
0x3f7: {  	v51 =	vadd.s32 v27, v34;
	v54 =	vld [tilespmem:s20+$0x1C0];
	[tilespmem:v52+s22+$0x0] =	vst.idx.msk $0xffff, v38  }
0x3f8: {  	v38 =	vmul.f32 $8.000000000e+00, v46;
	v52 =	vadd.s32 v24, v35;
	v46 =	vld [tilespmem:s19+$0x50];
	[tilespmem:v36+s22+$0x0] =	vst.idx.msk $0xffff, v47;
	v36 =	vmovc v33;
	v33 =	vmov v51  }
0x3f9: {  	v47 =	vld [tilespmem:s20+$0x80];
	[tilespmem:v56+s22+$0x0] =	vst.idx.msk $0xffff, v45;
	v45 =	vadd.s32 v21, v35  }
0x3fa: {  	v51 =	vadd.s32 v5, v35;
	v50 =	vmul.f32 $8.000000000e+00, v50;
	v56 =	vld [tilespmem:s19+$0xE0];
	[tilespmem:v42+s22+$0x0] =	vst.idx.msk $0xffff, v44  }
0x3fb: {  	v42 =	vld [tilespmem:s20+$0x0];
	[tilespmem:v57+s22+$0x0] =	vst.idx.msk $0xffff, v38;
	v38 =	vadd.s32 v17, v35  }
0x3fc: {  	v44 =	vld [tilespmem:s19+$0x20];
	[tilespmem:v39+s22+$0x0] =	vst.idx.msk $0xffff, v43  }
0x3fd: {  	v39 =	vld [tilespmem:s20+$0xC0];
	v43 =	vmul.f32 $8.000000000e+00, v46;
	v46 =	vadd.s32 v10, v35;
	[tilespmem:v52+s22+$0x0] =	vst.idx.msk $0xffff, v41  }
0x3fe: {  	v41 =	vmul.f32 $8.000000000e+00, v47;
	v47 =	vadd.s32 v20, v34;
	[tilespmem:v45+s22+$0x0] =	vst.idx.msk $0xffff, v37;
	v37 =	vld [tilespmem:s19+$0x190]  }
0x3ff: {  	v52 =	vadd.s32 v2, v35;
	v45 =	vadd.s32 v28, v34;
	[tilespmem:v51+s22+$0x0] =	vst.idx.msk $0xffff, v43;
	v43 =	vld [tilespmem:s19+$0x1E0]  }
0x400: {  	[tilespmem:v38+s22+$0x0] =	vst.idx.msk $0xffff, v40;
	v38 =	vld [tilespmem:s19+$0x160];
	v40 =	vadd.s32 v25, v35  }
0x401: {  	v51 =	vld [tilespmem:s20+$0x40];
	[tilespmem:v48+s22+$0x0] =	vst.idx.msk $0xffff, v41;
	v41 =	vmul.f32 $8.000000000e+00, v53;
	v44 =	vmul.f32 $8.000000000e+00, v44;
	v48 =	vadd.s32 v14, v35  }
0x402: {  	v54 =	vmul.f32 $8.000000000e+00, v54;
	v53 =	vld [tilespmem:s20+$0x90];
	[tilespmem:v46+s22+$0x0] =	vst.idx.msk $0xffff, v50;
	v46 =	vadd.s32 v22, v35  }
0x403: {  	v39 =	vmul.f32 $8.000000000e+00, v39;
	v50 =	vadd.s32 v30, v35;
	[tilespmem:v47+s22+$0x0] =	vst.idx.msk $0xffff, v41;
	v47 =	vld [tilespmem:s19+$0xB0];
	v37 =	vmul.f32 $8.000000000e+00, v37  }
0x404: {  	v55 =	vmul.f32 $8.000000000e+00, v55;
	v41 =	vmul.f32 $8.000000000e+00, v56;
	[tilespmem:v52+s22+$0x0] =	vst.idx.msk $0xffff, v44;
	v44 =	vld [tilespmem:s19+$0x120]  }
0x405: {  	v52 =	vadd.s32 v12, v34;
	v56 =	vld [tilespmem:s19+$0x60];
	v38 =	vmul.f32 $8.000000000e+00, v38;
	[tilespmem:v40+s22+$0x0] =	vst.idx.msk $0xffff, v37  }
0x406: {  	v43 =	vmul.f32 $8.000000000e+00, v43;
	v37 =	vadd.s32 v16, v34;
	[tilespmem:v48+s22+$0x0] =	vst.idx.msk $0xffff, v41;
	v40 =	vld [tilespmem:s19+$0x1A0]  }
0x407: {  	v57 =	vadd.s32 v18, v35;
	v48 =	vld [tilespmem:s19+$0xF0];
	[tilespmem:v46+s22+$0x0] =	vst.idx.msk $0xffff, v38  }
0x408: {  	v41 =	vmul.f32 $8.000000000e+00, v51;
	v51 =	vadd.s32 v26, v35;
	v46 =	vld [tilespmem:s20+$0x150];
	[tilespmem:v50+s22+$0x0] =	vst.idx.msk $0xffff, v43  }
0x409: {  	[tilespmem:v45+s22+$0x0] =	vst.idx.msk $0xffff, v54;
	v38 =	vld [tilespmem:s19+$0x30]  }
0x40a: {  	v44 =	vmul.f32 $8.000000000e+00, v44;
	[tilespmem:v52+s22+$0x0] =	vst.idx.msk $0xffff, v39;
	v43 =	vld [tilespmem:s20+$0x1D0];
	v39 =	vmul.f32 $8.000000000e+00, v56;
	v52 =	vadd.s32 v6, v35  }
0x40b: {  	v53 =	vmul.f32 $8.000000000e+00, v53;
	v54 =	vadd.s32 v15, v35;
	[tilespmem:v37+s22+$0x0] =	vst.idx.msk $0xffff, v55;
	v37 =	vmul.f32 $8.000000000e+00, v40;
	v56 =	vld [tilespmem:s19+$0x1F0]  }
0x40c: {  	v42 =	vmul.f32 $8.000000000e+00, v42;
	v55 =	vadd.s32 v9, v34;
	v40 =	vld [tilespmem:s20+$0x110];
	[tilespmem:v57+s22+$0x0] =	vst.idx.msk $0xffff, v44  }
0x40d: {  	v58 =	vadd.s32 v11, v35;
	v57 =	vmul.f32 $8.000000000e+00, v47;
	v59 =	vld [tilespmem:s19+$0x130];
	[tilespmem:v51+s22+$0x0] =	vst.idx.msk $0xffff, v37  }
.Ltmp5:
0x40e: {  	v50 =	vadd.s32 v4, v34;
	v37 =	vmul.f32 $8.000000000e+00, v46;
	[tilespmem:v49+s22+$0x0] =	vst.idx.msk $0xffff, v42;
	v42 =	vmul.f32 $8.000000000e+00, v48;
	v47 =	vld [tilespmem:s19+$0x1B0];
	(pc) =	sbr.rel @p0 .LBB2_9-.Ltmp5, $4  }
0x40f: {  	v48 =	vadd.s32 v29, v34;
	v45 =	vld [tilespmem:s20+$0xD0];
	[tilespmem:v52+s22+$0x0] =	vst.idx.msk $0xffff, v39  }
0x410: {  	v49 =	vadd.s32 v19, v35;
	v39 =	vadd.s32 v23, v35;
	v44 =	vld [tilespmem:s19+$0x70];
	[tilespmem:v54+s22+$0x0] =	vst.idx.msk $0xffff, v42  }
0x411: {  	v51 =	vadd.s32 v31, v35;
	v42 =	vadd.s32 v7, v35;
	[tilespmem:v55+s22+$0x0] =	vst.idx.msk $0xffff, v53;
	v53 =	vmul.f32 $8.000000000e+00, v43;
	v43 =	vld [tilespmem:s19+$0x170];
	s19 =	smov.u32 s20  }
0x412: {  	v52 =	vadd.s32 v3, v35;
	v54 =	vmul.f32 $8.000000000e+00, v56;
	v35 =	vmovc v34;
	s20 =	sadd.s32 $0x200, s20;
	v46 =	vld [tilespmem:s19+$0x10];
	[tilespmem:v58+s22+$0x0] =	vst.idx.msk $0xffff, v57;
	v55 =	vmul.f32 $8.000000000e+00, v59  }
0x413: {  	_ =	sdelay $0x3  }
0x414: {  	v34 =	vadd.s32 v24, v35;
	[tilespmem:v50+s22+$0x0] =	vst.idx.msk $0xffff, v41  }
0x415: {  	[tilespmem:v48+s22+$0x0] =	vst.idx.msk $0xffff, v53  }
0x416: {  	v57 =	vadd.s32 v13, v35;
	v38 =	vmul.f32 $8.000000000e+00, v38;
	[tilespmem:v49+s22+$0x0] =	vst.idx.msk $0xffff, v55  }
0x417: {  	v32 =	vmul.f32 $8.000000000e+00, v32;
	v58 =	vadd.s32 v17, v35;
	[tilespmem:v51+s22+$0x0] =	vst.idx.msk $0xffff, v54  }
0x418: {  	v62 =	vld [tilespmem:s19+$0x50];
	[tilespmem:v52+s22+$0x0] =	vst.idx.msk $0xffff, v38;
	v44 =	vmul.f32 $8.000000000e+00, v44  }
0x419: {  	v60 =	vadd.s32 v1, v35;
	v59 =	vmul.f32 $8.000000000e+00, v45;
	[tilespmem:v34+s22+$0x0] =	vst.idx.msk $0xffff, v32  }
0x41a: {  	v63 =	vmul.f32 $8.000000000e+00, v40;
	v51 =	vadd.s32 v5, v35;
	[tilespmem:v42+s22+$0x0] =	vst.idx.msk $0xffff, v44;
	v61 =	vld [tilespmem:s19+$0x190]  }
0x41b: {  	v53 =	vld [tilespmem:s19+$0xA0];
	v54 =	vadd.s32 v21, v35;
	v43 =	vmul.f32 $8.000000000e+00, v43;
	[tilespmem:v57+s22+$0x0] =	vst.idx.msk $0xffff, v59  }
0x41c: {  	v49 =	vadd.s32 v25, v35;
	v50 =	vmul.f32 $8.000000000e+00, v46;
	[tilespmem:v58+s22+$0x0] =	vst.idx.msk $0xffff, v63;
	v52 =	vld [tilespmem:s19+$0xE0]  }
0x41d: {  	[tilespmem:v39+s22+$0x0] =	vst.idx.msk $0xffff, v43;
	v59 =	vadd.s32 v10, v35;
	v57 =	vld [tilespmem:s19+$0x120];
	v58 =	vmul.f32 $8.000000000e+00, v62  }
0x41e: {  	v55 =	vadd.s32 v14, v35;
	[tilespmem:v60+s22+$0x0] =	vst.idx.msk $0xffff, v50;
	v60 =	vld [tilespmem:s19+$0x1E0]  }
0x41f: {  	v62 =	vadd.s32 v18, v35;
	[tilespmem:v51+s22+$0x0] =	vst.idx.msk $0xffff, v58;
	v56 =	vmul.f32 $8.000000000e+00, v61;
	v61 =	vld [tilespmem:s19+$0x20]  }
0x420: {  	v63 =	vadd.s32 v30, v35;
	v42 =	vmul.f32 $8.000000000e+00, v53;
	[tilespmem:v54+s22+$0x0] =	vst.idx.msk $0xffff, v37;
	v51 =	vld [tilespmem:s19+$0x60]  }
0x421: {  	v50 =	vadd.s32 v2, v35;
	v48 =	vmul.f32 $8.000000000e+00, v52;
	v52 =	vld [tilespmem:s19+$0x160];
	[tilespmem:v49+s22+$0x0] =	vst.idx.msk $0xffff, v56  }
0x422: {  	[tilespmem:v59+s22+$0x0] =	vst.idx.msk $0xffff, v42;
	v38 =	vmul.f32 $8.000000000e+00, v57;
	v56 =	vadd.s32 v6, v35;
	v49 =	vld [tilespmem:s19+$0x1A0]  }
0x423: {  	v58 =	vadd.s32 v22, v35;
	v54 =	vmul.f32 $8.000000000e+00, v60;
	v59 =	vld [tilespmem:s19+$0xB0];
	[tilespmem:v55+s22+$0x0] =	vst.idx.msk $0xffff, v48  }
0x424: {  	v53 =	vadd.s32 v26, v35;
	[tilespmem:v62+s22+$0x0] =	vst.idx.msk $0xffff, v38;
	v55 =	vld [tilespmem:s19+$0xF0];
	v57 =	vmul.f32 $8.000000000e+00, v61  }
0x425: {  	[tilespmem:v63+s22+$0x0] =	vst.idx.msk $0xffff, v54;
	v62 =	vmul.f32 $8.000000000e+00, v51  }
0x426: {  	v63 =	vadd.s32 v11, v35;
	v38 =	vld [tilespmem:s19+$0x130];
	v48 =	vmul.f32 $8.000000000e+00, v52;
	[tilespmem:v50+s22+$0x0] =	vst.idx.msk $0xffff, v57  }
0x427: {  	v60 =	vadd.s32 v15, v35;
	v39 =	vld [tilespmem:s19+$0x1F0];
	[tilespmem:v56+s22+$0x0] =	vst.idx.msk $0xffff, v62;
	v61 =	vmul.f32 $8.000000000e+00, v49  }
0x428: {  	v47 =	vmul.f32 $8.000000000e+00, v47;
	v50 =	vadd.s32 v19, v35;
	[tilespmem:v58+s22+$0x0] =	vst.idx.msk $0xffff, v48;
	v49 =	vld [tilespmem:s19+$0x30]  }
0x429: {  	v54 =	vmul.f32 $8.000000000e+00, v59;
	v51 =	vmul.f32 $8.000000000e+00, v55;
	v55 =	vld [tilespmem:s19+$0x70];
	[tilespmem:v53+s22+$0x0] =	vst.idx.msk $0xffff, v61;
	v53 =	vadd.s32 v31, v35  }
0x42a: {  	[tilespmem:v36+s22+$0x0] =	vst.idx.msk $0xffff, v47;
	v56 =	vadd.s32 v3, v35;
	v57 =	vld [tilespmem:s19+$0x170]  }
0x42b: {  	v59 =	vadd.s32 v7, v35;
	[tilespmem:v63+s22+$0x0] =	vst.idx.msk $0xffff, v54;
	v58 =	vmul.f32 $8.000000000e+00, v38;
	v52 =	vld [tilespmem:s19+$0x1B0]  }
0x42c: {  	v39 =	vmul.f32 $8.000000000e+00, v39;
	[tilespmem:v60+s22+$0x0] =	vst.idx.msk $0xffff, v51;
	v60 =	vadd.s32 v23, v35  }
0x42d: {  	[tilespmem:v50+s22+$0x0] =	vst.idx.msk $0xffff, v58;
	v61 =	vmul.f32 $8.000000000e+00, v49  }
0x42e: {  	v63 =	vmul.f32 $8.000000000e+00, v55;
	[tilespmem:v53+s22+$0x0] =	vst.idx.msk $0xffff, v39  }
0x42f: {  	s14 =	sadd.s32 s5, s14;
	v32 =	vmul.f32 $8.000000000e+00, v57;
	[tilespmem:v56+s22+$0x0] =	vst.idx.msk $0xffff, v61  }
0x430: {  	s18 =	sshll.u32 s14, $0xA;
	s14 =	sshll.u32 s14, $0x7;
	[tilespmem:v59+s22+$0x0] =	vst.idx.msk $0xffff, v63;
	v62 =	vmul.f32 $8.000000000e+00, v52  }
0x431: {  	s18 =	sand.u32 $0xFFF8000, s18;
	s14 =	sand.u32 $0xF80, s14;
	[tilespmem:v60+s22+$0x0] =	vst.idx.msk $0xffff, v32  }
0x432: {  	s14 =	sor.u32 s14, s18;
	[tilespmem:v33+s22+$0x0] =	vst.idx.msk $0xffff, v62  }
0x433: {  	s18 =	sadd.s32 s2, s14;
	[bflag:$0x0] =	sbarrier.arrive $0xFFFF  }
0x434: {  	[hbm4b:s18+s3] =	stream.linear.scatter [tilespmem:s22], [sflag:$0x8], $0x80, $0x38;
	[tilespmem:$0x16C00] =	vst v63  }
0x435: {  	s20 =	simm.s32 $0x14A88;
	s29 =	sadd.s32 $0x10, s18  }
0x436: {  	[hbm4b:s29+s3] =	stream.linear.scatter [tilespmem:s20], [sflag:$0x8], $0x80, $0x38;
	[tilespmem:$0x16C00] =	vst v63  }
0x437: {  	s28 =	sadd.s32 $0x20, s18;
	s29 =	simm.s32 $0x14B10  }
0x438: {  	[hbm4b:s28+s3] =	stream.linear.scatter [tilespmem:s29], [sflag:$0x8], $0x80, $0x38;
	[tilespmem:$0x16C00] =	vst v63  }
0x439: {  	s28 =	sadd.s32 $0x30, s18;
	s29 =	simm.s32 $0x14B98  }
0x43a: {  	[hbm4b:s28+s3] =	stream.linear.scatter [tilespmem:s29], [sflag:$0x8], $0x80, $0x38;
	[tilespmem:$0x16C00] =	vst v63  }
0x43b: {  	s28 =	sadd.s32 $0x40, s18;
	s29 =	simm.s32 $0x14C20  }
0x43c: {  	[hbm4b:s28+s3] =	stream.linear.scatter [tilespmem:s29], [sflag:$0x8], $0x80, $0x38;
	[tilespmem:$0x16C00] =	vst v63  }
0x43d: {  	s28 =	sadd.s32 $0x50, s18;
	s29 =	simm.s32 $0x14CA8  }
0x43e: {  	[hbm4b:s28+s3] =	stream.linear.scatter [tilespmem:s29], [sflag:$0x8], $0x80, $0x38;
	[tilespmem:$0x16C00] =	vst v63  }
0x43f: {  	s20 =	sadd.s32 $0x60, s18;
	s28 =	simm.s32 $0x14D30  }
0x440: {  	[hbm4b:s20+s3] =	stream.linear.scatter [tilespmem:s28], [sflag:$0x8], $0x80, $0x38;
	[tilespmem:$0x16C00] =	vst v63  }
0x441: {  	s18 =	sadd.s32 $0x70, s18;
	s29 =	simm.s32 $0x14DB8  }
0x442: {  	[hbm4b:s18+s3] =	stream.linear.scatter [tilespmem:s29], [sflag:$0x8], $0x80, $0x38;
	[tilespmem:$0x16C00] =	vst v63  }
0x443: {  	s20 =	simm.s32 $0x14E40;
	s18 =	sadd.s32 s14, s7  }
0x444: {  	[hbm4b:s18+s3] =	stream.linear.scatter [tilespmem:s20], [sflag:$0x8], $0x80, $0x38;
	[tilespmem:$0x16C00] =	vst v63  }
0x445: {  	s29 =	simm.s32 $0x14EC8;
	s28 =	sadd.s32 $0x10, s18  }
0x446: {  	[hbm4b:s28+s3] =	stream.linear.scatter [tilespmem:s29], [sflag:$0x8], $0x80, $0x38;
	[tilespmem:$0x16C00] =	vst v63  }
0x447: {  	s28 =	sadd.s32 $0x20, s18;
	s29 =	simm.s32 $0x14F50  }
0x448: {  	[hbm4b:s28+s3] =	stream.linear.scatter [tilespmem:s29], [sflag:$0x8], $0x80, $0x38;
	[tilespmem:$0x16C00] =	vst v63  }
0x449: {  	s28 =	sadd.s32 $0x30, s18;
	s29 =	simm.s32 $0x14FD8  }
0x44a: {  	[hbm4b:s28+s3] =	stream.linear.scatter [tilespmem:s29], [sflag:$0x8], $0x80, $0x38;
	[tilespmem:$0x16C00] =	vst v63  }
0x44b: {  	s28 =	sadd.s32 $0x40, s18;
	s29 =	simm.s32 $0x15060  }
0x44c: {  	[hbm4b:s28+s3] =	stream.linear.scatter [tilespmem:s29], [sflag:$0x8], $0x80, $0x38;
	[tilespmem:$0x16C00] =	vst v63  }
0x44d: {  	s28 =	sadd.s32 $0x50, s18;
	s29 =	simm.s32 $0x150E8  }
0x44e: {  	[hbm4b:s28+s3] =	stream.linear.scatter [tilespmem:s29], [sflag:$0x8], $0x80, $0x38;
	[tilespmem:$0x16C00] =	vst v63  }
0x44f: {  	s20 =	sadd.s32 $0x60, s18;
	s28 =	simm.s32 $0x15170  }
0x450: {  	[hbm4b:s20+s3] =	stream.linear.scatter [tilespmem:s28], [sflag:$0x8], $0x80, $0x38;
	[tilespmem:$0x16C00] =	vst v63  }
0x451: {  	s18 =	sadd.s32 $0x70, s18;
	s29 =	simm.s32 $0x151F8  }
0x452: {  	[hbm4b:s18+s3] =	stream.linear.scatter [tilespmem:s29], [sflag:$0x8], $0x80, $0x38;
	[tilespmem:$0x16C00] =	vst v63  }
0x453: {  	s20 =	simm.s32 $0x15280;
	s18 =	sadd.s32 s14, s8  }
0x454: {  	[hbm4b:s18+s3] =	stream.linear.scatter [tilespmem:s20], [sflag:$0x8], $0x80, $0x38;
	[tilespmem:$0x16C00] =	vst v63  }
0x455: {  	s29 =	simm.s32 $0x15308;
	s28 =	sadd.s32 $0x10, s18  }
0x456: {  	[hbm4b:s28+s3] =	stream.linear.scatter [tilespmem:s29], [sflag:$0x8], $0x80, $0x38;
	[tilespmem:$0x16C00] =	vst v63  }
0x457: {  	s28 =	sadd.s32 $0x20, s18;
	s29 =	simm.s32 $0x15390  }
0x458: {  	[hbm4b:s28+s3] =	stream.linear.scatter [tilespmem:s29], [sflag:$0x8], $0x80, $0x38;
	[tilespmem:$0x16C00] =	vst v63  }
0x459: {  	s28 =	sadd.s32 $0x30, s18;
	s29 =	simm.s32 $0x15418  }
0x45a: {  	[hbm4b:s28+s3] =	stream.linear.scatter [tilespmem:s29], [sflag:$0x8], $0x80, $0x38;
	[tilespmem:$0x16C00] =	vst v63  }
0x45b: {  	s28 =	sadd.s32 $0x40, s18;
	s29 =	simm.s32 $0x154A0  }
0x45c: {  	[hbm4b:s28+s3] =	stream.linear.scatter [tilespmem:s29], [sflag:$0x8], $0x80, $0x38;
	[tilespmem:$0x16C00] =	vst v63  }
0x45d: {  	s28 =	sadd.s32 $0x50, s18;
	s29 =	simm.s32 $0x15528  }
0x45e: {  	[hbm4b:s28+s3] =	stream.linear.scatter [tilespmem:s29], [sflag:$0x8], $0x80, $0x38;
	[tilespmem:$0x16C00] =	vst v63  }
0x45f: {  	s20 =	sadd.s32 $0x60, s18;
	s28 =	simm.s32 $0x155B0  }
0x460: {  	[hbm4b:s20+s3] =	stream.linear.scatter [tilespmem:s28], [sflag:$0x8], $0x80, $0x38;
	[tilespmem:$0x16C00] =	vst v63  }
0x461: {  	s18 =	sadd.s32 $0x70, s18;
	s29 =	simm.s32 $0x15638  }
0x462: {  	[hbm4b:s18+s3] =	stream.linear.scatter [tilespmem:s29], [sflag:$0x8], $0x80, $0x38;
	[tilespmem:$0x16C00] =	vst v63  }
0x463: {  	s20 =	simm.s32 $0x156C0;
	s18 =	sadd.s32 s14, s9  }
0x464: {  	[hbm4b:s18+s3] =	stream.linear.scatter [tilespmem:s20], [sflag:$0x8], $0x80, $0x38;
	[tilespmem:$0x16C00] =	vst v63  }
0x465: {  	s29 =	simm.s32 $0x15748;
	s28 =	sadd.s32 $0x10, s18  }
0x466: {  	[hbm4b:s28+s3] =	stream.linear.scatter [tilespmem:s29], [sflag:$0x8], $0x80, $0x38;
	[tilespmem:$0x16C00] =	vst v63  }
0x467: {  	s28 =	sadd.s32 $0x20, s18;
	s29 =	simm.s32 $0x157D0  }
0x468: {  	[hbm4b:s28+s3] =	stream.linear.scatter [tilespmem:s29], [sflag:$0x8], $0x80, $0x38;
	[tilespmem:$0x16C00] =	vst v63  }
0x469: {  	s28 =	sadd.s32 $0x30, s18;
	s29 =	simm.s32 $0x15858  }
0x46a: {  	[hbm4b:s28+s3] =	stream.linear.scatter [tilespmem:s29], [sflag:$0x8], $0x80, $0x38;
	[tilespmem:$0x16C00] =	vst v63  }
0x46b: {  	s28 =	sadd.s32 $0x40, s18;
	s29 =	simm.s32 $0x158E0  }
0x46c: {  	[hbm4b:s28+s3] =	stream.linear.scatter [tilespmem:s29], [sflag:$0x8], $0x80, $0x38;
	[tilespmem:$0x16C00] =	vst v63  }
0x46d: {  	s28 =	sadd.s32 $0x50, s18;
	s29 =	simm.s32 $0x15968  }
0x46e: {  	[hbm4b:s28+s3] =	stream.linear.scatter [tilespmem:s29], [sflag:$0x8], $0x80, $0x38;
	[tilespmem:$0x16C00] =	vst v63  }
0x46f: {  	s28 =	sadd.s32 $0x60, s18;
	s29 =	simm.s32 $0x159F0  }
0x470: {  	[hbm4b:s28+s3] =	stream.linear.scatter [tilespmem:s29], [sflag:$0x8], $0x80, $0x38;
	[tilespmem:$0x16C00] =	vst v63  }
0x471: {  	s18 =	sadd.s32 $0x70, s18;
	s28 =	simm.s32 $0x15A78  }
0x472: {  	[hbm4b:s18+s3] =	stream.linear.scatter [tilespmem:s28], [sflag:$0x8], $0x80, $0x38;
	[tilespmem:$0x16C00] =	vst v63  }
0x473: {  	s29 =	simm.s32 $0x15B00;
	s18 =	sadd.s32 s14, s10  }
0x474: {  	[hbm4b:s18+s3] =	stream.linear.scatter [tilespmem:s29], [sflag:$0x8], $0x80, $0x38;
	[tilespmem:$0x16C00] =	vst v63  }
0x475: {  	s20 =	sadd.s32 $0x10, s18  }
0x476: {  	[hbm4b:s20+s3] =	stream.linear.scatter [tilespmem:s31], [sflag:$0x8], $0x80, $0x38;
	[tilespmem:$0x16C00] =	vst v63  }
0x477: {  	s28 =	sadd.s32 $0x20, s18  }
0x478: {  	[hbm4b:s28+s3] =	stream.linear.scatter [tilespmem:s1], [sflag:$0x8], $0x80, $0x38;
	[tilespmem:$0x16C00] =	vst v63  }
0x479: {  	s29 =	sadd.s32 $0x30, s18  }
0x47a: {  	[hbm4b:s29+s3] =	stream.linear.scatter [tilespmem:s16], [sflag:$0x8], $0x80, $0x38;
	[tilespmem:$0x16C00] =	vst v63  }
0x47b: {  	s20 =	sadd.s32 $0x40, s18  }
0x47c: {  	[hbm4b:s20+s3] =	stream.linear.scatter [tilespmem:s0], [sflag:$0x8], $0x80, $0x38;
	[tilespmem:$0x16C00] =	vst v63  }
0x47d: {  	s28 =	sadd.s32 $0x50, s18;
	s29 =	simm.s32 $0x15DA8  }
0x47e: {  	[hbm4b:s28+s3] =	stream.linear.scatter [tilespmem:s29], [sflag:$0x8], $0x80, $0x38;
	[tilespmem:$0x16C00] =	vst v63  }
0x47f: {  	s20 =	sadd.s32 $0x60, s18;
	s28 =	simm.s32 $0x15E30  }
0x480: {  	[hbm4b:s20+s3] =	stream.linear.scatter [tilespmem:s28], [sflag:$0x8], $0x80, $0x38;
	[tilespmem:$0x16C00] =	vst v63  }
0x481: {  	s18 =	sadd.s32 $0x70, s18;
	s29 =	simm.s32 $0x15EB8  }
0x482: {  	[hbm4b:s18+s3] =	stream.linear.scatter [tilespmem:s29], [sflag:$0x8], $0x80, $0x38;
	[tilespmem:$0x16C00] =	vst v63  }
0x483: {  	s20 =	simm.s32 $0x15F40;
	s18 =	sadd.s32 s14, s11  }
0x484: {  	[hbm4b:s18+s3] =	stream.linear.scatter [tilespmem:s20], [sflag:$0x8], $0x80, $0x38;
	[tilespmem:$0x16C00] =	vst v63  }
0x485: {  	s29 =	simm.s32 $0x15FC8;
	s28 =	sadd.s32 $0x10, s18  }
0x486: {  	[hbm4b:s28+s3] =	stream.linear.scatter [tilespmem:s29], [sflag:$0x8], $0x80, $0x38;
	[tilespmem:$0x16C00] =	vst v63  }
0x487: {  	s28 =	sadd.s32 $0x20, s18;
	s29 =	simm.s32 $0x16050  }
0x488: {  	[hbm4b:s28+s3] =	stream.linear.scatter [tilespmem:s29], [sflag:$0x8], $0x80, $0x38;
	[tilespmem:$0x16C00] =	vst v63  }
0x489: {  	s28 =	sadd.s32 $0x30, s18;
	s29 =	simm.s32 $0x160D8  }
0x48a: {  	[hbm4b:s28+s3] =	stream.linear.scatter [tilespmem:s29], [sflag:$0x8], $0x80, $0x38;
	[tilespmem:$0x16C00] =	vst v63  }
0x48b: {  	s28 =	sadd.s32 $0x40, s18;
	s29 =	simm.s32 $0x16160  }
0x48c: {  	[hbm4b:s28+s3] =	stream.linear.scatter [tilespmem:s29], [sflag:$0x8], $0x80, $0x38;
	[tilespmem:$0x16C00] =	vst v63  }
0x48d: {  	s28 =	sadd.s32 $0x50, s18;
	s29 =	simm.s32 $0x161E8  }
0x48e: {  	[hbm4b:s28+s3] =	stream.linear.scatter [tilespmem:s29], [sflag:$0x8], $0x80, $0x38;
	[tilespmem:$0x16C00] =	vst v63  }
0x48f: {  	s20 =	sadd.s32 $0x60, s18;
	s28 =	simm.s32 $0x16270  }
0x490: {  	[hbm4b:s20+s3] =	stream.linear.scatter [tilespmem:s28], [sflag:$0x8], $0x80, $0x38;
	[tilespmem:$0x16C00] =	vst v63  }
0x491: {  	s18 =	sadd.s32 $0x70, s18;
	s29 =	simm.s32 $0x162F8  }
0x492: {  	[hbm4b:s18+s3] =	stream.linear.scatter [tilespmem:s29], [sflag:$0x8], $0x80, $0x38;
	[tilespmem:$0x16C00] =	vst v63  }
0x493: {  	s20 =	simm.s32 $0x16380;
	s18 =	sadd.s32 s14, s12  }
0x494: {  	[hbm4b:s18+s3] =	stream.linear.scatter [tilespmem:s20], [sflag:$0x8], $0x80, $0x38;
	[tilespmem:$0x16C00] =	vst v63  }
0x495: {  	s29 =	simm.s32 $0x16408;
	s28 =	sadd.s32 $0x10, s18  }
0x496: {  	[hbm4b:s28+s3] =	stream.linear.scatter [tilespmem:s29], [sflag:$0x8], $0x80, $0x38;
	[tilespmem:$0x16C00] =	vst v63  }
0x497: {  	s28 =	sadd.s32 $0x20, s18;
	s29 =	simm.s32 $0x16490  }
0x498: {  	[hbm4b:s28+s3] =	stream.linear.scatter [tilespmem:s29], [sflag:$0x8], $0x80, $0x38;
	[tilespmem:$0x16C00] =	vst v63  }
0x499: {  	s28 =	sadd.s32 $0x30, s18;
	s29 =	simm.s32 $0x16518  }
0x49a: {  	[hbm4b:s28+s3] =	stream.linear.scatter [tilespmem:s29], [sflag:$0x8], $0x80, $0x38;
	[tilespmem:$0x16C00] =	vst v63  }
0x49b: {  	s28 =	sadd.s32 $0x40, s18;
	s29 =	simm.s32 $0x165A0  }
0x49c: {  	[hbm4b:s28+s3] =	stream.linear.scatter [tilespmem:s29], [sflag:$0x8], $0x80, $0x38;
	[tilespmem:$0x16C00] =	vst v63  }
0x49d: {  	s28 =	sadd.s32 $0x50, s18;
	s29 =	simm.s32 $0x16628  }
0x49e: {  	[hbm4b:s28+s3] =	stream.linear.scatter [tilespmem:s29], [sflag:$0x8], $0x80, $0x38;
	[tilespmem:$0x16C00] =	vst v63  }
0x49f: {  	s20 =	sadd.s32 $0x60, s18;
	s28 =	simm.s32 $0x166B0  }
0x4a0: {  	[hbm4b:s20+s3] =	stream.linear.scatter [tilespmem:s28], [sflag:$0x8], $0x80, $0x38;
	[tilespmem:$0x16C00] =	vst v63  }
0x4a1: {  	s18 =	sadd.s32 $0x70, s18;
	s29 =	simm.s32 $0x16738  }
0x4a2: {  	[hbm4b:s18+s3] =	stream.linear.scatter [tilespmem:s29], [sflag:$0x8], $0x80, $0x38;
	[tilespmem:$0x16C00] =	vst v63  }
0x4a3: {  	s14 =	sadd.s32 s14, s13;
	s20 =	simm.s32 $0x167C0  }
0x4a4: {  	[hbm4b:s14+s3] =	stream.linear.scatter [tilespmem:s20], [sflag:$0x8], $0x80, $0x38;
	[tilespmem:$0x16C00] =	vst v63  }
0x4a5: {  	s28 =	sadd.s32 $0x10, s14;
	s29 =	simm.s32 $0x16848  }
0x4a6: {  	[hbm4b:s28+s3] =	stream.linear.scatter [tilespmem:s29], [sflag:$0x8], $0x80, $0x38;
	[tilespmem:$0x16C00] =	vst v63  }
0x4a7: {  	s19 =	sadd.s32 $0x20, s14;
	s20 =	simm.s32 $0x168D0  }
0x4a8: {  	[hbm4b:s19+s3] =	stream.linear.scatter [tilespmem:s20], [sflag:$0x8], $0x80, $0x38;
	[tilespmem:$0x16C00] =	vst v63  }
0x4a9: {  	s28 =	sadd.s32 $0x30, s14;
	s29 =	simm.s32 $0x16958  }
0x4aa: {  	[hbm4b:s28+s3] =	stream.linear.scatter [tilespmem:s29], [sflag:$0x8], $0x80, $0x38;
	[tilespmem:$0x16C00] =	vst v63  }
0x4ab: {  	s19 =	sadd.s32 $0x40, s14;
	s20 =	simm.s32 $0x169E0  }
0x4ac: {  	[hbm4b:s19+s3] =	stream.linear.scatter [tilespmem:s20], [sflag:$0x8], $0x80, $0x38;
	[tilespmem:$0x16C00] =	vst v63  }
0x4ad: {  	s28 =	sadd.s32 $0x50, s14;
	s29 =	simm.s32 $0x16A68  }
0x4ae: {  	[hbm4b:s28+s3] =	stream.linear.scatter [tilespmem:s29], [sflag:$0x8], $0x80, $0x38;
	[tilespmem:$0x16C00] =	vst v63  }
.Ltmp6:
0x4af: {  	_ = 	snop;
	(pc) =	sbr.rel @p1 .LBB2_12-.Ltmp6, $4  }
0x4b0: {  	s20 =	sadd.s32 $0x60, s14;
	s28 =	simm.s32 $0x16AF0  }
0x4b1: {  	[hbm4b:s20+s3] =	stream.linear.scatter [tilespmem:s28], [sflag:$0x8], $0x80, $0x38;
	[tilespmem:$0x16C00] =	vst v63  }
0x4b2: {  	s14 =	sadd.s32 $0x70, s14;
	s29 =	simm.s32 $0x16B78  }
0x4b3: {  	[hbm4b:s14+s3] =	stream.linear.scatter [tilespmem:s29], [sflag:$0x8], $0x80, $0x38;
	[tilespmem:$0x16C00] =	vst v63  }
.Ltmp7:
0x4b4: {  	(pc) =	sbr.rel .LBB2_2-.Ltmp7, $4  }
0x4b5: {  	s14 =	sshll.u32 s17, $0x9  }
0x4b6: {  	s14 =	sand.u32 $0x3FFFFE00, s14  }
0x4b7: {  	s18 =	simm.s32 $0xC400;
	s17 =	sadd.s32 $0x1, s17;
	s14 =	sadd.s32 $0x380, s14  }
0x4b8: {  	[tilespmem:s18], [sflag:$0x4] =	stream.indirect.gather [hbm4b:s4+s30], $0x40, s14, s30, $0xb8;
	[tilespmem:$0x16C00] =	vst v63  }
.LBB2_13:
0x4b9: {  	_ =	sfence.sel $0x180000  }
0x4ba: {  	[bflag:$0x0] =	sbarrier.arrive $0xFFFF  }
0x4bb: {  	_ =	strace $0x90000047  }
0x4bc: {  	s0 =	stileid.u32;
	[bflag:$0x2] =	sbarrier.arrive $0xFFFF  }
0x4bd: {  	p0 =	sne.s32 s0, $0x0;
	s0 =	rddreg [dreg:$0x2]  }
0x4be: {  	s0 =	sadd.s32 @!p0 $0x100000, s0  }
0x4bf: {  	[sflag:s0] =	ssyncadd.tile.s32 @!p0 $0x1;
	_ =	shalt  }
.Lfunc_end2:
_tile_overlayer_lowered:
.L_overlay_start_2:
0x4c0: {  	(tag) =	ssettag $0x2  }
0x4c1: {  	s0 =	rddreg [dreg:$0x0];
	s2 =	stileid.u32  }
0x4c2: {  	s1 =	rddreg [dreg:$0x1];
	p0 =	sne.s32 s2, $0x0  }
0x4c3: {  	s3 =	rddreg [dreg:$0x2];
	[bflag:$0x3] =	sbarrier.arrive $0xFFFF;
	s2 =	simm.s32 @!p0 $0x1C09  }
0x4c4: {  	[timem:s3], [sflag:s2] =	dma.local @!p0 [hbm:s0], s1  }
0x4c5: {  	s0 =	simm.s32 @!p0 $0x9  }
0x4c6: {  	_ =	swait.ge @!p0 [sflag:s0], s1  }
0x4c7: {  	s1 =	ssub.s32 @!p0 $0x0, s1;
	[sflag:s0] =	ssyncset.done @!p0 $0x0  }
0x4c8: {  	[sflag:s0] =	ssyncadd.s32 @!p0 s1  }
0x4c9: {  	[bflag:$0x3] =	sbarrier.arrive $0xFFFF  }
0x4ca: {  	_ =	shalt  }

</sc_bundles>
